<compile_context>
chip_gen: v7x
topology: tpu7x:2x2x1
jax: 0.10.2.dev20260603
libtpu: 0.0.44.dev20260713+nightly
codegen_flags: <defaults>
</compile_context>

<pallas_src>
import functools

import jax
import jax.numpy as jnp
from jax import lax
from jax.experimental import pallas as pl
from jax.experimental.pallas import tpu as pltpu
from jax.experimental.pallas import tpu_sc as plsc

B = 1024
L = 50
D = 128
HID = 128
LH = L // 2
RH = LH * B

NC = 2
NS = 16
NW = NC * NS
CH = 80
NCH = RH // (NW * CH)
NBUF = 4
PD = 2
SMALL = B // NW


def _seq_ring(wid, cseq_hbm, item_hbm, seq_out, idx_v, bufs, gsems, wsems):
    rbase = wid * NCH * CH
    pltpu.sync_copy(cseq_hbm.at[wid], idx_v)

    def start_gather(u, b):
        pltpu.async_copy(item_hbm.at[idx_v.at[u]], bufs.at[b], gsems.at[b])

    def wait_gather(u, b):
        pltpu.make_async_copy(item_hbm.at[idx_v.at[u]], bufs.at[b],
                              gsems.at[b]).wait()

    def start_wb(u, b):
        pltpu.async_copy(bufs.at[b], seq_out.at[pl.ds(rbase + u * CH, CH)],
                         wsems.at[b])

    def wait_wb(u, b):
        pltpu.make_async_copy(bufs.at[b], seq_out.at[pl.ds(rbase + u * CH, CH)],
                              wsems.at[b]).wait()

    for u in range(PD):
        start_gather(u, u % NBUF)
    for u in range(NCH):
        p = u + PD
        if p < NCH:
            pb = p % NBUF
            if p >= NBUF:
                wait_wb(p - NBUF, pb)
            start_gather(p, pb)
        b = u % NBUF
        wait_gather(u, b)
        start_wb(u, b)
    for u in range(NCH - NBUF, NCH):
        wait_wb(u, u % NBUF)


def _sc_a_body(cseq_hbm, sidx_hbm, item_hbm, user_hbm,
               seq_out, user_out,
               idx_v, si0_v, bufs, srows_v, usem_g, usem_w, gsems, wsems):
    wid = lax.axis_index("s") * NC + lax.axis_index("c")
    ubase = wid * SMALL

    pltpu.sync_copy(sidx_hbm.at[pl.ds(ubase, SMALL)], si0_v)
    pltpu.async_copy(user_hbm.at[si0_v], srows_v.at[0], usem_g)

    _seq_ring(wid, cseq_hbm.at[0], item_hbm, seq_out, idx_v, bufs,
              gsems, wsems)

    pltpu.make_async_copy(user_hbm.at[si0_v], srows_v.at[0], usem_g).wait()
    pltpu.async_copy(srows_v.at[0], user_out.at[pl.ds(ubase, SMALL)], usem_w)
    pltpu.make_async_copy(srows_v.at[0], user_out.at[pl.ds(ubase, SMALL)],
                          usem_w).wait()


def _sc_b_body(cseq_hbm, sidx_hbm, item_hbm, seq_out, pos_out, neg_out,
               idx_v, si0_v, si1_v, bufs, srows_v, gsems, wsems):
    wid = lax.axis_index("s") * NC + lax.axis_index("c")
    ubase = wid * SMALL
    _seq_ring(wid, cseq_hbm.at[1], item_hbm, seq_out, idx_v, bufs,
              gsems, wsems)

    outs = (pos_out, neg_out)
    sibufs = (si0_v, si1_v)
    for t in range(2):
        pltpu.sync_copy(sidx_hbm.at[pl.ds((t + 1) * B + ubase, SMALL)],
                        sibufs[t])
        pltpu.async_copy(item_hbm.at[sibufs[t]], srows_v.at[t], gsems.at[t])
    for t in range(2):
        pltpu.make_async_copy(item_hbm.at[sibufs[t]], srows_v.at[t],
                              gsems.at[t]).wait()
        pltpu.async_copy(srows_v.at[t], outs[t].at[pl.ds(ubase, SMALL)],
                         wsems.at[t])
    for t in range(2):
        pltpu.make_async_copy(srows_v.at[t], outs[t].at[pl.ds(ubase, SMALL)],
                              wsems.at[t]).wait()


@functools.lru_cache(maxsize=1)
def _make_sc_kernels():
    mesh = plsc.VectorSubcoreMesh(core_axis_name="c", subcore_axis_name="s",
                                  num_cores=NC, num_subcores=NS)
    sc_a = pl.kernel(
        _sc_a_body,
        out_type=(
            jax.ShapeDtypeStruct((RH, D), jnp.float32),
            jax.ShapeDtypeStruct((B, D), jnp.float32),
        ),
        mesh=mesh,
        scratch_types=[
            pltpu.VMEM((NCH, CH), jnp.int32),
            pltpu.VMEM((SMALL,), jnp.int32),
            pltpu.VMEM((NBUF, CH, D), jnp.float32),
            pltpu.VMEM((1, SMALL, D), jnp.float32),
            pltpu.SemaphoreType.DMA,
            pltpu.SemaphoreType.DMA,
            pltpu.SemaphoreType.DMA((NBUF,)),
            pltpu.SemaphoreType.DMA((NBUF,)),
        ],
    )
    sc_b = pl.kernel(
        _sc_b_body,
        out_type=(
            jax.ShapeDtypeStruct((RH, D), jnp.float32),
            jax.ShapeDtypeStruct((B, D), jnp.float32),
            jax.ShapeDtypeStruct((B, D), jnp.float32),
        ),
        mesh=mesh,
        scratch_types=[
            pltpu.VMEM((NCH, CH), jnp.int32),
            pltpu.VMEM((SMALL,), jnp.int32),
            pltpu.VMEM((SMALL,), jnp.int32),
            pltpu.VMEM((NBUF, CH, D), jnp.float32),
            pltpu.VMEM((2, SMALL, D), jnp.float32),
            pltpu.SemaphoreType.DMA((NBUF,)),
            pltpu.SemaphoreType.DMA((NBUF,)),
        ],
    )
    return sc_a, sc_b


BB = 128
GRID = B // BB
_LO = lax.Precision.DEFAULT


def _dense_math(seq_ref, usr_ref, aW1_ref, aW2_ref, cW1_ref, cw2_ref,
                pol_ref, val_ref, wgt_ref, vprev_ref):
    x3 = seq_ref[...] * usr_ref[...][None, :, :]
    x = x3.reshape(LH * BB, D)
    ah = jnp.maximum(
        jnp.dot(x, aW1_ref[...], preferred_element_type=jnp.float32,
                precision=_LO), 0.0)
    z = jnp.dot(ah, aW2_ref[...], preferred_element_type=jnp.float32,
                precision=_LO)
    z = z - jnp.max(z, axis=-1, keepdims=True)
    ez = jnp.exp(z)
    p = ez / jnp.sum(ez, axis=-1, keepdims=True)
    ep = jnp.exp(p)
    ap = ep / jnp.sum(ep, axis=-1, keepdims=True)
    w = x * ap
    ch = jnp.maximum(
        jnp.dot(x, cW1_ref[...], preferred_element_type=jnp.float32,
                precision=_LO), 0.0)
    ch3 = ch.reshape(LH, BB, HID)
    pol_ref[...] = p.reshape(LH, BB, D)
    wgt_ref[...] = w.reshape(LH, BB, D)
    vv = jnp.sum(ch3 * cw2_ref[...].reshape(1, 1, HID), axis=-1)
    i = pl.program_id(0)

    @pl.when(i % 2 == 0)
    def _():
        vprev_ref[...] = vv

    @pl.when(i % 2 == 1)
    def _():
        off = pl.multiple_of((i - 1) * BB, 2 * BB)
        val_ref[:, pl.ds(off, 2 * BB)] = jnp.concatenate(
            [vprev_ref[...], vv], axis=1)


def _dense_a_body(seq_ref, usr_ref, aW1_ref, aW2_ref, cW1_ref, cw2_ref,
                  pol_ref, val_ref, wgt_ref, vprev_ref):
    _dense_math(seq_ref, usr_ref, aW1_ref, aW2_ref, cW1_ref, cw2_ref,
                pol_ref, val_ref, wgt_ref, vprev_ref)


def _dense_b_body(seq_ref, usr_ref, aW1_ref, aW2_ref, cW1_ref, cw2_ref,
                  pol_in, wgt_in,
                  pol_ref, val_ref, wgt_ref, vprev_ref):
    del pol_in, wgt_in
    _dense_math(seq_ref, usr_ref, aW1_ref, aW2_ref, cW1_ref, cw2_ref,
                pol_ref, val_ref, wgt_ref, vprev_ref)


_W_SPECS = [
    pl.BlockSpec((D, HID), lambda i: (0, 0)),
    pl.BlockSpec((HID, D), lambda i: (0, 0)),
    pl.BlockSpec((D, HID), lambda i: (0, 0)),
    pl.BlockSpec((1, HID), lambda i: (0, 0)),
]

_OUT_SHAPE = [
    jax.ShapeDtypeStruct((L, B, D), jnp.float32),
    jax.ShapeDtypeStruct((LH, B), jnp.float32),
    jax.ShapeDtypeStruct((L, B, D), jnp.float32),
]


def _half_out_specs(h):
    return [
        pl.BlockSpec((LH, BB, D), lambda i: (h, i, 0)),
        pl.BlockSpec((LH, B), lambda i: (0, 0)),
        pl.BlockSpec((LH, BB, D), lambda i: (h, i, 0)),
    ]


_dense_a = pl.pallas_call(
    _dense_a_body,
    grid=(GRID,),
    in_specs=[
        pl.BlockSpec((LH, BB, D), lambda i: (0, i, 0)),
        pl.BlockSpec((BB, D), lambda i: (i, 0)),
        *_W_SPECS,
    ],
    out_specs=_half_out_specs(0),
    out_shape=_OUT_SHAPE,
    scratch_shapes=[pltpu.VMEM((LH, BB), jnp.float32)],
    compiler_params=pltpu.CompilerParams(
        dimension_semantics=("arbitrary",),
    ),
)

_dense_b = pl.pallas_call(
    _dense_b_body,
    grid=(GRID,),
    in_specs=[
        pl.BlockSpec((LH, BB, D), lambda i: (0, i, 0)),
        pl.BlockSpec((BB, D), lambda i: (i, 0)),
        *_W_SPECS,
        pl.BlockSpec(memory_space=pltpu.MemorySpace.HBM),
        pl.BlockSpec(memory_space=pltpu.MemorySpace.HBM),
    ],
    out_specs=_half_out_specs(1),
    out_shape=_OUT_SHAPE,
    input_output_aliases={6: 0, 7: 2},
    scratch_shapes=[pltpu.VMEM((LH, BB), jnp.float32)],
    compiler_params=pltpu.CompilerParams(
        dimension_semantics=("arbitrary",),
    ),
)


def kernel(click_seq, user, pos_item, neg_item, item_table, user_table,
           aW1, ab1, aW2, ab2, cW1, cb1, cW2, cb2):
    cseq_t = click_seq.astype(jnp.int32).T
    cseq_h = cseq_t.reshape(2, NW, NCH, CH)
    sidx = jnp.concatenate(
        [user.astype(jnp.int32), pos_item.astype(jnp.int32),
         neg_item.astype(jnp.int32)], axis=0).reshape(3 * B)
    sc_a, sc_b = _make_sc_kernels()
    seq_a, user_rows = sc_a(cseq_h, sidx, item_table, user_table)
    seq_b, pos_info, neg_rows = sc_b(cseq_h, sidx, item_table)
    cw2r = cW2.reshape(1, HID)
    pol0, val0, wgt0 = _dense_a(
        seq_a.reshape(LH, B, D), user_rows, aW1, aW2, cW1, cw2r)
    pol_t, val1, wgt_t = _dense_b(
        seq_b.reshape(LH, B, D), user_rows, aW1, aW2, cW1, cw2r,
        pol0, wgt0)
    pol = pol_t.transpose(1, 0, 2)
    wgt = wgt_t.transpose(1, 0, 2)
    val = jnp.concatenate([val0, val1], axis=0).transpose(1, 0).reshape(
        B, L, 1)
    return (pol, val, wgt, pos_info, neg_rows.reshape(B, 1, D))

# --- scband reference (transcript-rebuilt; emitter-appended) ---
"""Pipeline reference for scband-ppomodel-17128329576449 (READ-ONLY COPY).

The authoritative reference and input builder live on the scoring server;
editing this copy changes nothing except your own understanding.
"""

import jax, jax.numpy as jnp
import numpy as np

B = 1024
L = 50
D = 128
ITEM = 100000
USER = 100000
HID = 128

def setup_inputs(seed: int = 0) -> dict:
    key = jax.random.key(seed)
    ks = jax.random.split(key, 12)
    return {
        "click_seq": jax.random.randint(ks[0], (B, L), 0, ITEM),
        "user": jax.random.randint(ks[1], (B, 1), 0, USER),
        "pos_item": jax.random.randint(ks[2], (B, 1), 0, ITEM),
        "neg_item": jax.random.randint(ks[3], (B, 1), 0, ITEM),
        "item_table": jax.random.normal(ks[4], (ITEM, D), dtype=jnp.float32) * 0.05,
        "user_table": jax.random.normal(ks[5], (USER, D), dtype=jnp.float32) * 0.05,
        "aW1": jax.random.normal(ks[6], (D, HID), dtype=jnp.float32) * 0.05,
        "ab1": jnp.zeros((HID,), dtype=jnp.float32),
        "aW2": jax.random.normal(ks[7], (HID, D), dtype=jnp.float32) * 0.05,
        "ab2": jnp.zeros((D,), dtype=jnp.float32),
        "cW1": jax.random.normal(ks[8], (D, HID), dtype=jnp.float32) * 0.05,
        "cb1": jnp.zeros((HID,), dtype=jnp.float32),
        "cW2": jax.random.normal(ks[9], (HID, 1), dtype=jnp.float32) * 0.05,
        "cb2": jnp.zeros((1,), dtype=jnp.float32),
    }

def reference(click_seq, user, pos_item, neg_item, item_table, user_table,
              aW1, ab1, aW2, ab2, cW1, cb1, cW2, cb2):
    # Embedding lookups
    seq_embed = jnp.take(item_table, click_seq, axis=0)       # [B, L, D]
    user_embed = jnp.take(user_table, user, axis=0)           # [B, 1, D]
    seq_user_embed = seq_embed * user_embed                   # broadcast multiply -> [B, L, D]
    # Critic: Dense(128, relu) -> Dense(1)
    ch = jax.nn.relu(seq_user_embed @ cW1 + cb1)
    values = ch @ cW2 + cb2                                   # [B, L, 1]
    # Actor: Dense(128, relu) -> Dense(embed_dim, softmax)
    ah = jax.nn.relu(seq_user_embed @ aW1 + ab1)
    policies = jax.nn.softmax(ah @ aW2 + ab2, axis=-1)        # [B, L, D]
    # Original code applies softmax again on the (already softmaxed) policies
    action_probs = jax.nn.softmax(policies, axis=-1)
    weighted_embed = seq_user_embed * action_probs            # [B, L, D]
    pos_info = jnp.take(item_table, pos_item.reshape(-1), axis=0)  # [B, D]
    neg_info = jnp.take(item_table, neg_item, axis=0)              # [B, 1, D]
    return (policies, values, weighted_embed, pos_info, neg_info)

if __name__ == "__main__":
    import jax
    _d = setup_inputs()
    print(jax.jit(kernel)(*tuple(_d.values())))

</pallas_src>

<mosaic_0001>
#map = affine_map<(d0, d1) -> (0, 0, 0, 0)>
#map1 = affine_map<(d0, d1) -> (0)>
#map2 = affine_map<(d0, d1) -> (0, 0)>
module attributes {stable_mosaic.version = 14 : i64} {
  func.func @_sc_a_body(%arg0: i32, %arg1: i32, %arg2: memref<2x32x10x80xi32, #tpu.memory_space<hbm>>, %arg3: memref<3072xi32, #tpu.memory_space<hbm>>, %arg4: memref<100000x128xf32, #tpu.memory_space<hbm>>, %arg5: memref<100000x128xf32, #tpu.memory_space<hbm>>, %arg6: memref<25600x128xf32, #tpu.memory_space<hbm>>, %arg7: memref<1024x128xf32, #tpu.memory_space<hbm>>, %arg8: memref<10x80xi32, #tpu.memory_space<vmem>>, %arg9: memref<32xi32, #tpu.memory_space<vmem>>, %arg10: memref<4x80x128xf32, #tpu.memory_space<vmem>>, %arg11: memref<1x32x128xf32, #tpu.memory_space<vmem>>, %arg12: memref<!tpu.dma_semaphore, #tpu.memory_space<semaphore_mem>>, %arg13: memref<!tpu.dma_semaphore, #tpu.memory_space<semaphore_mem>>, %arg14: memref<4x!tpu.dma_semaphore, #tpu.memory_space<semaphore_mem>>, %arg15: memref<4x!tpu.dma_semaphore, #tpu.memory_space<semaphore_mem>>) attributes {dimension_semantics = [#tpu.dimension_semantics<core_parallel>, #tpu.dimension_semantics<subcore_parallel>], iteration_bounds = array<i64: 2, 16>, scalar_prefetch = 0 : i64, scratch_operands = 8 : i64, tpu.core_type = #tpu.core_type<sc_vector_subcore>, window_params = [{transform_indices = #map}, {transform_indices = #map1}, {transform_indices = #map2}, {transform_indices = #map2}, {transform_indices = #map2}, {transform_indices = #map2}]} {
    %mul3A = arith.constant 2 : i32
    %mul3A_0 = arith.muli %arg1, %mul3A : i32
    %add3A = arith.addi %mul3A_0, %arg0 : i32
    %mul3A_1 = arith.constant 32 : i32
    %mul3A_2 = arith.muli %add3A, %mul3A_1 : i32
    "tpu.region"() ({
      %run_scoped3A_707 = tpu.sem_alloc : memref<!tpu.dma_semaphore, #tpu.memory_space<semaphore_mem>>
      %dma_start3A_708 = tpu.memref_slice %arg3[%mul3A_2] : memref<3072xi32, #tpu.memory_space<hbm>> -> memref<32xi32, #tpu.memory_space<hbm>>
      %dma_start3A_709 = tpu.memref_slice %arg3[%mul3A_2] : memref<3072xi32, #tpu.memory_space<hbm>> -> memref<32xi32, #tpu.memory_space<hbm>>
      tpu.enqueue_dma source(%dma_start3A_709 : memref<32xi32, #tpu.memory_space<hbm>>) target(%arg9 : memref<32xi32, #tpu.memory_space<vmem>>) target_semaphore(%run_scoped3A_707 : memref<!tpu.dma_semaphore, #tpu.memory_space<semaphore_mem>>)
      %dma_wait3A_710 = tpu.memref_slice %arg3[%mul3A_2] : memref<3072xi32, #tpu.memory_space<hbm>> -> memref<32xi32, #tpu.memory_space<hbm>>
      %dma_wait3A_711 = tpu.memref_slice %arg3[%mul3A_2] : memref<3072xi32, #tpu.memory_space<hbm>> -> memref<32xi32, #tpu.memory_space<hbm>>
      tpu.wait_dma2 semaphore(%run_scoped3A_707 : memref<!tpu.dma_semaphore, #tpu.memory_space<semaphore_mem>>) src(%dma_wait3A_711 : memref<32xi32, #tpu.memory_space<hbm>>) dst(%arg9 : memref<32xi32, #tpu.memory_space<vmem>>)
      tpu.yield
    }) : () -> ()
    %dma_start3A = arith.constant 0 : i32
    %dma_start3A_3 = arith.constant 0 : i32
    %dma_start3A_4 = arith.constant 0 : i32
    %dma_start3A_5 = tpu.memref_slice %arg11[%dma_start3A, %dma_start3A_3, %dma_start3A_4] : memref<1x32x128xf32, #tpu.memory_space<vmem>> -> memref<1x32x128xf32, #tpu.memory_space<vmem>>
    %dma_start3A_6 = tpu.memref_squeeze %dma_start3A_5 : memref<1x32x128xf32, #tpu.memory_space<vmem>> -> memref<32x128xf32, #tpu.memory_space<vmem>>
    %dma_start3A_7 = arith.constant 0 : i32
    %dma_start3A_8 = arith.constant 0 : i32
    %dma_start3A_9 = tpu.memref_slice %arg5[%dma_start3A_7, %dma_start3A_8] : memref<100000x128xf32, #tpu.memory_space<hbm>> -> memref<100000x128xf32, #tpu.memory_space<hbm>>
    tpu.enqueue_indirect_dma source(%dma_start3A_9 : memref<100000x128xf32, #tpu.memory_space<hbm>>) target(%dma_start3A_6 : memref<32x128xf32, #tpu.memory_space<vmem>>) offsets(%arg9 : memref<32xi32, #tpu.memory_space<vmem>>) semaphore(%arg12 : memref<!tpu.dma_semaphore, #tpu.memory_space<semaphore_mem>>)
    %mul3A_10 = arith.constant 10 : i32
    %mul3A_11 = arith.muli %add3A, %mul3A_10 : i32
    %mul3A_12 = arith.constant 80 : i32
    %mul3A_13 = arith.muli %mul3A_11, %mul3A_12 : i32
    %run_scoped3A = arith.constant 0 : i32
    "tpu.region"() ({
      %run_scoped3A_707 = tpu.sem_alloc : memref<!tpu.dma_semaphore, #tpu.memory_space<semaphore_mem>>
      %dma_start3A_708 = arith.constant 0 : i32
      %dma_start3A_709 = arith.constant 0 : i32
      %dma_start3A_710 = arith.constant 0 : i32
      %dma_start3A_711 = tpu.memref_slice %arg2[%run_scoped3A, %dma_start3A_708, %dma_start3A_709, %dma_start3A_710] : memref<2x32x10x80xi32, #tpu.memory_space<hbm>> -> memref<1x32x10x80xi32, #tpu.memory_space<hbm>>
      %dma_start3A_712 = tpu.memref_squeeze %dma_start3A_711 : memref<1x32x10x80xi32, #tpu.memory_space<hbm>> -> memref<32x10x80xi32, #tpu.memory_space<hbm>>
      %dma_start3A_713 = arith.constant 0 : i32
      %dma_start3A_714 = arith.constant 0 : i32
      %dma_start3A_715 = tpu.memref_slice %dma_start3A_712[%add3A, %dma_start3A_713, %dma_start3A_714] : memref<32x10x80xi32, #tpu.memory_space<hbm>> -> memref<1x10x80xi32, #tpu.memory_space<hbm>>
      %dma_start3A_716 = tpu.memref_squeeze %dma_start3A_715 : memref<1x10x80xi32, #tpu.memory_space<hbm>> -> memref<10x80xi32, #tpu.memory_space<hbm>>
      %dma_start3A_717 = arith.constant 0 : i32
      %dma_start3A_718 = arith.constant 0 : i32
      %dma_start3A_719 = arith.constant 0 : i32
      %dma_start3A_720 = tpu.memref_slice %arg2[%run_scoped3A, %dma_start3A_717, %dma_start3A_718, %dma_start3A_719] : memref<2x32x10x80xi32, #tpu.memory_space<hbm>> -> memref<1x32x10x80xi32, #tpu.memory_space<hbm>>
      %dma_start3A_721 = tpu.memref_squeeze %dma_start3A_720 : memref<1x32x10x80xi32, #tpu.memory_space<hbm>> -> memref<32x10x80xi32, #tpu.memory_space<hbm>>
      %dma_start3A_722 = arith.constant 0 : i32
      %dma_start3A_723 = arith.constant 0 : i32
      %dma_start3A_724 = tpu.memref_slice %dma_start3A_721[%add3A, %dma_start3A_722, %dma_start3A_723] : memref<32x10x80xi32, #tpu.memory_space<hbm>> -> memref<1x10x80xi32, #tpu.memory_space<hbm>>
      %dma_start3A_725 = tpu.memref_squeeze %dma_start3A_724 : memref<1x10x80xi32, #tpu.memory_space<hbm>> -> memref<10x80xi32, #tpu.memory_space<hbm>>
      tpu.enqueue_dma source(%dma_start3A_725 : memref<10x80xi32, #tpu.memory_space<hbm>>) target(%arg8 : memref<10x80xi32, #tpu.memory_space<vmem>>) target_semaphore(%run_scoped3A_707 : memref<!tpu.dma_semaphore, #tpu.memory_space<semaphore_mem>>)
      %dma_wait3A_726 = arith.constant 0 : i32
      %dma_wait3A_727 = arith.constant 0 : i32
      %dma_wait3A_728 = arith.constant 0 : i32
      %dma_wait3A_729 = tpu.memref_slice %arg2[%run_scoped3A, %dma_wait3A_726, %dma_wait3A_727, %dma_wait3A_728] : memref<2x32x10x80xi32, #tpu.memory_space<hbm>> -> memref<1x32x10x80xi32, #tpu.memory_space<hbm>>
      %dma_wait3A_730 = tpu.memref_squeeze %dma_wait3A_729 : memref<1x32x10x80xi32, #tpu.memory_space<hbm>> -> memref<32x10x80xi32, #tpu.memory_space<hbm>>
      %dma_wait3A_731 = arith.constant 0 : i32
      %dma_wait3A_732 = arith.constant 0 : i32
      %dma_wait3A_733 = tpu.memref_slice %dma_wait3A_730[%add3A, %dma_wait3A_731, %dma_wait3A_732] : memref<32x10x80xi32, #tpu.memory_space<hbm>> -> memref<1x10x80xi32, #tpu.memory_space<hbm>>
      %dma_wait3A_734 = tpu.memref_squeeze %dma_wait3A_733 : memref<1x10x80xi32, #tpu.memory_space<hbm>> -> memref<10x80xi32, #tpu.memory_space<hbm>>
      %dma_wait3A_735 = arith.constant 0 : i32
      %dma_wait3A_736 = arith.constant 0 : i32
      %dma_wait3A_737 = arith.constant 0 : i32
      %dma_wait3A_738 = tpu.memref_slice %arg2[%run_scoped3A, %dma_wait3A_735, %dma_wait3A_736, %dma_wait3A_737] : memref<2x32x10x80xi32, #tpu.memory_space<hbm>> -> memref<1x32x10x80xi32, #tpu.memory_space<hbm>>
      %dma_wait3A_739 = tpu.memref_squeeze %dma_wait3A_738 : memref<1x32x10x80xi32, #tpu.memory_space<hbm>> -> memref<32x10x80xi32, #tpu.memory_space<hbm>>
      %dma_wait3A_740 = arith.constant 0 : i32
      %dma_wait3A_741 = arith.constant 0 : i32
      %dma_wait3A_742 = tpu.memref_slice %dma_wait3A_739[%add3A, %dma_wait3A_740, %dma_wait3A_741] : memref<32x10x80xi32, #tpu.memory_space<hbm>> -> memref<1x10x80xi32, #tpu.memory_space<hbm>>
      %dma_wait3A_743 = tpu.memref_squeeze %dma_wait3A_742 : memref<1x10x80xi32, #tpu.memory_space<hbm>> -> memref<10x80xi32, #tpu.memory_space<hbm>>
      tpu.wait_dma2 semaphore(%run_scoped3A_707 : memref<!tpu.dma_semaphore, #tpu.memory_space<semaphore_mem>>) src(%dma_wait3A_743 : memref<10x80xi32, #tpu.memory_space<hbm>>) dst(%arg8 : memref<10x80xi32, #tpu.memory_space<vmem>>)
      tpu.yield
    }) : () -> ()
    %dma_start3A_14 = arith.constant 0 : i32
    %dma_start3A_15 = arith.constant 0 : i32
    %dma_start3A_16 = arith.constant 0 : i32
    %dma_start3A_17 = arith.constant 0 : i32
    %dma_start3A_18 = arith.constant 0 : i32
    %dma_start3A_19 = tpu.memref_slice %arg10[%dma_start3A_15, %dma_start3A_17, %dma_start3A_18] : memref<4x80x128xf32, #tpu.memory_space<vmem>> -> memref<1x80x128xf32, #tpu.memory_space<vmem>>
    %dma_start3A_20 = tpu.memref_squeeze %dma_start3A_19 : memref<1x80x128xf32, #tpu.memory_space<vmem>> -> memref<80x128xf32, #tpu.memory_space<vmem>>
    %dma_start3A_21 = arith.constant 0 : i32
    %dma_start3A_22 = tpu.memref_slice %arg8[%dma_start3A_14, %dma_start3A_21] : memref<10x80xi32, #tpu.memory_space<vmem>> -> memref<1x80xi32, #tpu.memory_space<vmem>>
    %dma_start3A_23 = tpu.memref_squeeze %dma_start3A_22 : memref<1x80xi32, #tpu.memory_space<vmem>> -> memref<80xi32, #tpu.memory_space<vmem>>
    %dma_start3A_24 = arith.constant 0 : i32
    %dma_start3A_25 = arith.constant 0 : i32
    %dma_start3A_26 = tpu.memref_slice %arg4[%dma_start3A_24, %dma_start3A_25] : memref<100000x128xf32, #tpu.memory_space<hbm>> -> memref<100000x128xf32, #tpu.memory_space<hbm>>
    %dma_start3A_27 = tpu.memref_slice %arg14[%dma_start3A_16] : memref<4x!tpu.dma_semaphore, #tpu.memory_space<semaphore_mem>> -> memref<1x!tpu.dma_semaphore, #tpu.memory_space<semaphore_mem>>
    %dma_start3A_28 = tpu.memref_squeeze %dma_start3A_27 : memref<1x!tpu.dma_semaphore, #tpu.memory_space<semaphore_mem>> -> memref<!tpu.dma_semaphore, #tpu.memory_space<semaphore_mem>>
    tpu.enqueue_indirect_dma source(%dma_start3A_26 : memref<100000x128xf32, #tpu.memory_space<hbm>>) target(%dma_start3A_20 : memref<80x128xf32, #tpu.memory_space<vmem>>) offsets(%dma_start3A_23 : memref<80xi32, #tpu.memory_space<vmem>>) semaphore(%dma_start3A_28 : memref<!tpu.dma_semaphore, #tpu.memory_space<semaphore_mem>>)
    %dma_start3A_29 = arith.constant 1 : i32
    %dma_start3A_30 = arith.constant 1 : i32
    %dma_start3A_31 = arith.constant 1 : i32
    %dma_start3A_32 = arith.constant 0 : i32
    %dma_start3A_33 = arith.constant 0 : i32
    %dma_start3A_34 = tpu.memref_slice %arg10[%dma_start3A_30, %dma_start3A_32, %dma_start3A_33] : memref<4x80x128xf32, #tpu.memory_space<vmem>> -> memref<1x80x128xf32, #tpu.memory_space<vmem>>
    %dma_start3A_35 = tpu.memref_squeeze %dma_start3A_34 : memref<1x80x128xf32, #tpu.memory_space<vmem>> -> memref<80x128xf32, #tpu.memory_space<vmem>>
    %dma_start3A_36 = arith.constant 0 : i32
    %dma_start3A_37 = tpu.memref_slice %arg8[%dma_start3A_29, %dma_start3A_36] : memref<10x80xi32, #tpu.memory_space<vmem>> -> memref<1x80xi32, #tpu.memory_space<vmem>>
    %dma_start3A_38 = tpu.memref_squeeze %dma_start3A_37 : memref<1x80xi32, #tpu.memory_space<vmem>> -> memref<80xi32, #tpu.memory_space<vmem>>
    %dma_start3A_39 = arith.constant 0 : i32
    %dma_start3A_40 = arith.constant 0 : i32
    %dma_start3A_41 = tpu.memref_slice %arg4[%dma_start3A_39, %dma_start3A_40] : memref<100000x128xf32, #tpu.memory_space<hbm>> -> memref<100000x128xf32, #tpu.memory_space<hbm>>
    %dma_start3A_42 = tpu.memref_slice %arg14[%dma_start3A_31] : memref<4x!tpu.dma_semaphore, #tpu.memory_space<semaphore_mem>> -> memref<1x!tpu.dma_semaphore, #tpu.memory_space<semaphore_mem>>
    %dma_start3A_43 = tpu.memref_squeeze %dma_start3A_42 : memref<1x!tpu.dma_semaphore, #tpu.memory_space<semaphore_mem>> -> memref<!tpu.dma_semaphore, #tpu.memory_space<semaphore_mem>>
    tpu.enqueue_indirect_dma source(%dma_start3A_41 : memref<100000x128xf32, #tpu.memory_space<hbm>>) target(%dma_start3A_35 : memref<80x128xf32, #tpu.memory_space<vmem>>) offsets(%dma_start3A_38 : memref<80xi32, #tpu.memory_space<vmem>>) semaphore(%dma_start3A_43 : memref<!tpu.dma_semaphore, #tpu.memory_space<semaphore_mem>>)
    %dma_start3A_44 = arith.constant 2 : i32
    %dma_start3A_45 = arith.constant 2 : i32
    %dma_start3A_46 = arith.constant 2 : i32
    %dma_start3A_47 = arith.constant 0 : i32
    %dma_start3A_48 = arith.constant 0 : i32
    %dma_start3A_49 = tpu.memref_slice %arg10[%dma_start3A_45, %dma_start3A_47, %dma_start3A_48] : memref<4x80x128xf32, #tpu.memory_space<vmem>> -> memref<1x80x128xf32, #tpu.memory_space<vmem>>
    %dma_start3A_50 = tpu.memref_squeeze %dma_start3A_49 : memref<1x80x128xf32, #tpu.memory_space<vmem>> -> memref<80x128xf32, #tpu.memory_space<vmem>>
    %dma_start3A_51 = arith.constant 0 : i32
    %dma_start3A_52 = tpu.memref_slice %arg8[%dma_start3A_44, %dma_start3A_51] : memref<10x80xi32, #tpu.memory_space<vmem>> -> memref<1x80xi32, #tpu.memory_space<vmem>>
    %dma_start3A_53 = tpu.memref_squeeze %dma_start3A_52 : memref<1x80xi32, #tpu.memory_space<vmem>> -> memref<80xi32, #tpu.memory_space<vmem>>
    %dma_start3A_54 = arith.constant 0 : i32
    %dma_start3A_55 = arith.constant 0 : i32
    %dma_start3A_56 = tpu.memref_slice %arg4[%dma_start3A_54, %dma_start3A_55] : memref<100000x128xf32, #tpu.memory_space<hbm>> -> memref<100000x128xf32, #tpu.memory_space<hbm>>
    %dma_start3A_57 = tpu.memref_slice %arg14[%dma_start3A_46] : memref<4x!tpu.dma_semaphore, #tpu.memory_space<semaphore_mem>> -> memref<1x!tpu.dma_semaphore, #tpu.memory_space<semaphore_mem>>
    %dma_start3A_58 = tpu.memref_squeeze %dma_start3A_57 : memref<1x!tpu.dma_semaphore, #tpu.memory_space<semaphore_mem>> -> memref<!tpu.dma_semaphore, #tpu.memory_space<semaphore_mem>>
    tpu.enqueue_indirect_dma source(%dma_start3A_56 : memref<100000x128xf32, #tpu.memory_space<hbm>>) target(%dma_start3A_50 : memref<80x128xf32, #tpu.memory_space<vmem>>) offsets(%dma_start3A_53 : memref<80xi32, #tpu.memory_space<vmem>>) semaphore(%dma_start3A_58 : memref<!tpu.dma_semaphore, #tpu.memory_space<semaphore_mem>>)
    %dma_wait3A = arith.constant 0 : i32
    %dma_wait3A_59 = arith.constant 0 : i32
    %dma_wait3A_60 = arith.constant 0 : i32
    %dma_wait3A_61 = arith.constant 0 : i32
    %dma_wait3A_62 = arith.constant 0 : i32
    %dma_wait3A_63 = tpu.memref_slice %arg10[%dma_wait3A_59, %dma_wait3A_61, %dma_wait3A_62] : memref<4x80x128xf32, #tpu.memory_space<vmem>> -> memref<1x80x128xf32, #tpu.memory_space<vmem>>
    %dma_wait3A_64 = tpu.memref_squeeze %dma_wait3A_63 : memref<1x80x128xf32, #tpu.memory_space<vmem>> -> memref<80x128xf32, #tpu.memory_space<vmem>>
    %dma_wait3A_65 = arith.constant 0 : i32
    %dma_wait3A_66 = tpu.memref_slice %arg8[%dma_wait3A, %dma_wait3A_65] : memref<10x80xi32, #tpu.memory_space<vmem>> -> memref<1x80xi32, #tpu.memory_space<vmem>>
    %dma_wait3A_67 = tpu.memref_squeeze %dma_wait3A_66 : memref<1x80xi32, #tpu.memory_space<vmem>> -> memref<80xi32, #tpu.memory_space<vmem>>
    %dma_wait3A_68 = arith.constant 0 : i32
    %dma_wait3A_69 = arith.constant 0 : i32
    %dma_wait3A_70 = tpu.memref_slice %arg4[%dma_wait3A_68, %dma_wait3A_69] : memref<100000x128xf32, #tpu.memory_space<hbm>> -> memref<100000x128xf32, #tpu.memory_space<hbm>>
    %dma_wait3A_71 = tpu.memref_slice %arg14[%dma_wait3A_60] : memref<4x!tpu.dma_semaphore, #tpu.memory_space<semaphore_mem>> -> memref<1x!tpu.dma_semaphore, #tpu.memory_space<semaphore_mem>>
    %dma_wait3A_72 = tpu.memref_squeeze %dma_wait3A_71 : memref<1x!tpu.dma_semaphore, #tpu.memory_space<semaphore_mem>> -> memref<!tpu.dma_semaphore, #tpu.memory_space<semaphore_mem>>
    tpu.wait_indirect_dma semaphore(%dma_wait3A_72 : memref<!tpu.dma_semaphore, #tpu.memory_space<semaphore_mem>>) src(%dma_wait3A_70 : memref<100000x128xf32, #tpu.memory_space<hbm>>) dst(%dma_wait3A_64 : memref<80x128xf32, #tpu.memory_space<vmem>>)
    %add3A_73 = arith.constant 0 : i32
    %add3A_74 = arith.addi %mul3A_13, %add3A_73 : i32
    %dma_start3A_75 = arith.constant 0 : i32
    %dma_start3A_76 = arith.constant 0 : i32
    %dma_start3A_77 = arith.constant 0 : i32
    %dma_start3A_78 = arith.constant 0 : i32
    %dma_start3A_79 = tpu.memref_slice %arg10[%dma_start3A_75, %dma_start3A_77, %dma_start3A_78] : memref<4x80x128xf32, #tpu.memory_space<vmem>> -> memref<1x80x128xf32, #tpu.memory_space<vmem>>
    %dma_start3A_80 = tpu.memref_squeeze %dma_start3A_79 : memref<1x80x128xf32, #tpu.memory_space<vmem>> -> memref<80x128xf32, #tpu.memory_space<vmem>>
    %dma_start3A_81 = arith.constant 0 : i32
    %dma_start3A_82 = tpu.memref_slice %arg6[%add3A_74, %dma_start3A_81] : memref<25600x128xf32, #tpu.memory_space<hbm>> -> memref<80x128xf32, #tpu.memory_space<hbm>>
    %dma_start3A_83 = tpu.memref_slice %arg15[%dma_start3A_76] : memref<4x!tpu.dma_semaphore, #tpu.memory_space<semaphore_mem>> -> memref<1x!tpu.dma_semaphore, #tpu.memory_space<semaphore_mem>>
    %dma_start3A_84 = tpu.memref_squeeze %dma_start3A_83 : memref<1x!tpu.dma_semaphore, #tpu.memory_space<semaphore_mem>> -> memref<!tpu.dma_semaphore, #tpu.memory_space<semaphore_mem>>
    %dma_start3A_85 = arith.constant 0 : i32
    %dma_start3A_86 = tpu.memref_slice %arg6[%add3A_74, %dma_start3A_85] : memref<25600x128xf32, #tpu.memory_space<hbm>> -> memref<80x128xf32, #tpu.memory_space<hbm>>
    %dma_start3A_87 = arith.constant 0 : i32
    %dma_start3A_88 = arith.constant 0 : i32
    %dma_start3A_89 = tpu.memref_slice %arg10[%dma_start3A_75, %dma_start3A_87, %dma_start3A_88] : memref<4x80x128xf32, #tpu.memory_space<vmem>> -> memref<1x80x128xf32, #tpu.memory_space<vmem>>
    %dma_start3A_90 = tpu.memref_squeeze %dma_start3A_89 : memref<1x80x128xf32, #tpu.memory_space<vmem>> -> memref<80x128xf32, #tpu.memory_space<vmem>>
    tpu.enqueue_dma source(%dma_start3A_90 : memref<80x128xf32, #tpu.memory_space<vmem>>) target(%dma_start3A_86 : memref<80x128xf32, #tpu.memory_space<hbm>>) target_semaphore(%dma_start3A_84 : memref<!tpu.dma_semaphore, #tpu.memory_space<semaphore_mem>>)
    %dma_start3A_91 = arith.constant 3 : i32
    %dma_start3A_92 = arith.constant 3 : i32
    %dma_start3A_93 = arith.constant 3 : i32
    %dma_start3A_94 = arith.constant 0 : i32
    %dma_start3A_95 = arith.constant 0 : i32
    %dma_start3A_96 = tpu.memref_slice %arg10[%dma_start3A_92, %dma_start3A_94, %dma_start3A_95] : memref<4x80x128xf32, #tpu.memory_space<vmem>> -> memref<1x80x128xf32, #tpu.memory_space<vmem>>
    %dma_start3A_97 = tpu.memref_squeeze %dma_start3A_96 : memref<1x80x128xf32, #tpu.memory_space<vmem>> -> memref<80x128xf32, #tpu.memory_space<vmem>>
    %dma_start3A_98 = arith.constant 0 : i32
    %dma_start3A_99 = tpu.memref_slice %arg8[%dma_start3A_91, %dma_start3A_98] : memref<10x80xi32, #tpu.memory_space<vmem>> -> memref<1x80xi32, #tpu.memory_space<vmem>>
    %dma_start3A_100 = tpu.memref_squeeze %dma_start3A_99 : memref<1x80xi32, #tpu.memory_space<vmem>> -> memref<80xi32, #tpu.memory_space<vmem>>
    %dma_start3A_101 = arith.constant 0 : i32
    %dma_start3A_102 = arith.constant 0 : i32
    %dma_start3A_103 = tpu.memref_slice %arg4[%dma_start3A_101, %dma_start3A_102] : memref<100000x128xf32, #tpu.memory_space<hbm>> -> memref<100000x128xf32, #tpu.memory_space<hbm>>
    %dma_start3A_104 = tpu.memref_slice %arg14[%dma_start3A_93] : memref<4x!tpu.dma_semaphore, #tpu.memory_space<semaphore_mem>> -> memref<1x!tpu.dma_semaphore, #tpu.memory_space<semaphore_mem>>
    %dma_start3A_105 = tpu.memref_squeeze %dma_start3A_104 : memref<1x!tpu.dma_semaphore, #tpu.memory_space<semaphore_mem>> -> memref<!tpu.dma_semaphore, #tpu.memory_space<semaphore_mem>>
    tpu.enqueue_indirect_dma source(%dma_start3A_103 : memref<100000x128xf32, #tpu.memory_space<hbm>>) target(%dma_start3A_97 : memref<80x128xf32, #tpu.memory_space<vmem>>) offsets(%dma_start3A_100 : memref<80xi32, #tpu.memory_space<vmem>>) semaphore(%dma_start3A_105 : memref<!tpu.dma_semaphore, #tpu.memory_space<semaphore_mem>>)
    %dma_wait3A_106 = arith.constant 1 : i32
    %dma_wait3A_107 = arith.constant 1 : i32
    %dma_wait3A_108 = arith.constant 1 : i32
    %dma_wait3A_109 = arith.constant 0 : i32
    %dma_wait3A_110 = arith.constant 0 : i32
    %dma_wait3A_111 = tpu.memref_slice %arg10[%dma_wait3A_107, %dma_wait3A_109, %dma_wait3A_110] : memref<4x80x128xf32, #tpu.memory_space<vmem>> -> memref<1x80x128xf32, #tpu.memory_space<vmem>>
    %dma_wait3A_112 = tpu.memref_squeeze %dma_wait3A_111 : memref<1x80x128xf32, #tpu.memory_space<vmem>> -> memref<80x128xf32, #tpu.memory_space<vmem>>
    %dma_wait3A_113 = arith.constant 0 : i32
    %dma_wait3A_114 = tpu.memref_slice %arg8[%dma_wait3A_106, %dma_wait3A_113] : memref<10x80xi32, #tpu.memory_space<vmem>> -> memref<1x80xi32, #tpu.memory_space<vmem>>
    %dma_wait3A_115 = tpu.memref_squeeze %dma_wait3A_114 : memref<1x80xi32, #tpu.memory_space<vmem>> -> memref<80xi32, #tpu.memory_space<vmem>>
    %dma_wait3A_116 = arith.constant 0 : i32
    %dma_wait3A_117 = arith.constant 0 : i32
    %dma_wait3A_118 = tpu.memref_slice %arg4[%dma_wait3A_116, %dma_wait3A_117] : memref<100000x128xf32, #tpu.memory_space<hbm>> -> memref<100000x128xf32, #tpu.memory_space<hbm>>
    %dma_wait3A_119 = tpu.memref_slice %arg14[%dma_wait3A_108] : memref<4x!tpu.dma_semaphore, #tpu.memory_space<semaphore_mem>> -> memref<1x!tpu.dma_semaphore, #tpu.memory_space<semaphore_mem>>
    %dma_wait3A_120 = tpu.memref_squeeze %dma_wait3A_119 : memref<1x!tpu.dma_semaphore, #tpu.memory_space<semaphore_mem>> -> memref<!tpu.dma_semaphore, #tpu.memory_space<semaphore_mem>>
    tpu.wait_indirect_dma semaphore(%dma_wait3A_120 : memref<!tpu.dma_semaphore, #tpu.memory_space<semaphore_mem>>) src(%dma_wait3A_118 : memref<100000x128xf32, #tpu.memory_space<hbm>>) dst(%dma_wait3A_112 : memref<80x128xf32, #tpu.memory_space<vmem>>)
    %add3A_121 = arith.constant 80 : i32
    %add3A_122 = arith.addi %mul3A_13, %add3A_121 : i32
    %dma_start3A_123 = arith.constant 1 : i32
    %dma_start3A_124 = arith.constant 1 : i32
    %dma_start3A_125 = arith.constant 0 : i32
    %dma_start3A_126 = arith.constant 0 : i32
    %dma_start3A_127 = tpu.memref_slice %arg10[%dma_start3A_123, %dma_start3A_125, %dma_start3A_126] : memref<4x80x128xf32, #tpu.memory_space<vmem>> -> memref<1x80x128xf32, #tpu.memory_space<vmem>>
    %dma_start3A_128 = tpu.memref_squeeze %dma_start3A_127 : memref<1x80x128xf32, #tpu.memory_space<vmem>> -> memref<80x128xf32, #tpu.memory_space<vmem>>
    %dma_start3A_129 = arith.constant 0 : i32
    %dma_start3A_130 = tpu.memref_slice %arg6[%add3A_122, %dma_start3A_129] : memref<25600x128xf32, #tpu.memory_space<hbm>> -> memref<80x128xf32, #tpu.memory_space<hbm>>
    %dma_start3A_131 = tpu.memref_slice %arg15[%dma_start3A_124] : memref<4x!tpu.dma_semaphore, #tpu.memory_space<semaphore_mem>> -> memref<1x!tpu.dma_semaphore, #tpu.memory_space<semaphore_mem>>
    %dma_start3A_132 = tpu.memref_squeeze %dma_start3A_131 : memref<1x!tpu.dma_semaphore, #tpu.memory_space<semaphore_mem>> -> memref<!tpu.dma_semaphore, #tpu.memory_space<semaphore_mem>>
    %dma_start3A_133 = arith.constant 0 : i32
    %dma_start3A_134 = tpu.memref_slice %arg6[%add3A_122, %dma_start3A_133] : memref<25600x128xf32, #tpu.memory_space<hbm>> -> memref<80x128xf32, #tpu.memory_space<hbm>>
    %dma_start3A_135 = arith.constant 0 : i32
    %dma_start3A_136 = arith.constant 0 : i32
    %dma_start3A_137 = tpu.memref_slice %arg10[%dma_start3A_123, %dma_start3A_135, %dma_start3A_136] : memref<4x80x128xf32, #tpu.memory_space<vmem>> -> memref<1x80x128xf32, #tpu.memory_space<vmem>>
    %dma_start3A_138 = tpu.memref_squeeze %dma_start3A_137 : memref<1x80x128xf32, #tpu.memory_space<vmem>> -> memref<80x128xf32, #tpu.memory_space<vmem>>
    tpu.enqueue_dma source(%dma_start3A_138 : memref<80x128xf32, #tpu.memory_space<vmem>>) target(%dma_start3A_134 : memref<80x128xf32, #tpu.memory_space<hbm>>) target_semaphore(%dma_start3A_132 : memref<!tpu.dma_semaphore, #tpu.memory_space<semaphore_mem>>)
    %add3A_139 = arith.constant 0 : i32
    %add3A_140 = arith.addi %mul3A_13, %add3A_139 : i32
    %dma_wait3A_141 = arith.constant 0 : i32
    %dma_wait3A_142 = arith.constant 0 : i32
    %dma_wait3A_143 = arith.constant 0 : i32
    %dma_wait3A_144 = arith.constant 0 : i32
    %dma_wait3A_145 = tpu.memref_slice %arg10[%dma_wait3A_141, %dma_wait3A_143, %dma_wait3A_144] : memref<4x80x128xf32, #tpu.memory_space<vmem>> -> memref<1x80x128xf32, #tpu.memory_space<vmem>>
    %dma_wait3A_146 = tpu.memref_squeeze %dma_wait3A_145 : memref<1x80x128xf32, #tpu.memory_space<vmem>> -> memref<80x128xf32, #tpu.memory_space<vmem>>
    %dma_wait3A_147 = arith.constant 0 : i32
    %dma_wait3A_148 = tpu.memref_slice %arg6[%add3A_140, %dma_wait3A_147] : memref<25600x128xf32, #tpu.memory_space<hbm>> -> memref<80x128xf32, #tpu.memory_space<hbm>>
    %dma_wait3A_149 = tpu.memref_slice %arg15[%dma_wait3A_142] : memref<4x!tpu.dma_semaphore, #tpu.memory_space<semaphore_mem>> -> memref<1x!tpu.dma_semaphore, #tpu.memory_space<semaphore_mem>>
    %dma_wait3A_150 = tpu.memref_squeeze %dma_wait3A_149 : memref<1x!tpu.dma_semaphore, #tpu.memory_space<semaphore_mem>> -> memref<!tpu.dma_semaphore, #tpu.memory_space<semaphore_mem>>
    %dma_wait3A_151 = arith.constant 0 : i32
    %dma_wait3A_152 = tpu.memref_slice %arg6[%add3A_140, %dma_wait3A_151] : memref<25600x128xf32, #tpu.memory_space<hbm>> -> memref<80x128xf32, #tpu.memory_space<hbm>>
    %dma_wait3A_153 = arith.constant 0 : i32
    %dma_wait3A_154 = arith.constant 0 : i32
    %dma_wait3A_155 = tpu.memref_slice %arg10[%dma_wait3A_141, %dma_wait3A_153, %dma_wait3A_154] : memref<4x80x128xf32, #tpu.memory_space<vmem>> -> memref<1x80x128xf32, #tpu.memory_space<vmem>>
    %dma_wait3A_156 = tpu.memref_squeeze %dma_wait3A_155 : memref<1x80x128xf32, #tpu.memory_space<vmem>> -> memref<80x128xf32, #tpu.memory_space<vmem>>
    tpu.wait_dma2 semaphore(%dma_wait3A_150 : memref<!tpu.dma_semaphore, #tpu.memory_space<semaphore_mem>>) src(%dma_wait3A_156 : memref<80x128xf32, #tpu.memory_space<vmem>>) dst(%dma_wait3A_152 : memref<80x128xf32, #tpu.memory_space<hbm>>)
    %dma_start3A_157 = arith.constant 4 : i32
    %dma_start3A_158 = arith.constant 0 : i32
    %dma_start3A_159 = arith.constant 0 : i32
    %dma_start3A_160 = arith.constant 0 : i32
    %dma_start3A_161 = arith.constant 0 : i32
    %dma_start3A_162 = tpu.memref_slice %arg10[%dma_start3A_158, %dma_start3A_160, %dma_start3A_161] : memref<4x80x128xf32, #tpu.memory_space<vmem>> -> memref<1x80x128xf32, #tpu.memory_space<vmem>>
    %dma_start3A_163 = tpu.memref_squeeze %dma_start3A_162 : memref<1x80x128xf32, #tpu.memory_space<vmem>> -> memref<80x128xf32, #tpu.memory_space<vmem>>
    %dma_start3A_164 = arith.constant 0 : i32
    %dma_start3A_165 = tpu.memref_slice %arg8[%dma_start3A_157, %dma_start3A_164] : memref<10x80xi32, #tpu.memory_space<vmem>> -> memref<1x80xi32, #tpu.memory_space<vmem>>
    %dma_start3A_166 = tpu.memref_squeeze %dma_start3A_165 : memref<1x80xi32, #tpu.memory_space<vmem>> -> memref<80xi32, #tpu.memory_space<vmem>>
    %dma_start3A_167 = arith.constant 0 : i32
    %dma_start3A_168 = arith.constant 0 : i32
    %dma_start3A_169 = tpu.memref_slice %arg4[%dma_start3A_167, %dma_start3A_168] : memref<100000x128xf32, #tpu.memory_space<hbm>> -> memref<100000x128xf32, #tpu.memory_space<hbm>>
    %dma_start3A_170 = tpu.memref_slice %arg14[%dma_start3A_159] : memref<4x!tpu.dma_semaphore, #tpu.memory_space<semaphore_mem>> -> memref<1x!tpu.dma_semaphore, #tpu.memory_space<semaphore_mem>>
    %dma_start3A_171 = tpu.memref_squeeze %dma_start3A_170 : memref<1x!tpu.dma_semaphore, #tpu.memory_space<semaphore_mem>> -> memref<!tpu.dma_semaphore, #tpu.memory_space<semaphore_mem>>
    tpu.enqueue_indirect_dma source(%dma_start3A_169 : memref<100000x128xf32, #tpu.memory_space<hbm>>) target(%dma_start3A_163 : memref<80x128xf32, #tpu.memory_space<vmem>>) offsets(%dma_start3A_166 : memref<80xi32, #tpu.memory_space<vmem>>) semaphore(%dma_start3A_171 : memref<!tpu.dma_semaphore, #tpu.memory_space<semaphore_mem>>)
    %dma_wait3A_172 = arith.constant 2 : i32
    %dma_wait3A_173 = arith.constant 2 : i32
    %dma_wait3A_174 = arith.constant 2 : i32
    %dma_wait3A_175 = arith.constant 0 : i32
    %dma_wait3A_176 = arith.constant 0 : i32
    %dma_wait3A_177 = tpu.memref_slice %arg10[%dma_wait3A_173, %dma_wait3A_175, %dma_wait3A_176] : memref<4x80x128xf32, #tpu.memory_space<vmem>> -> memref<1x80x128xf32, #tpu.memory_space<vmem>>
    %dma_wait3A_178 = tpu.memref_squeeze %dma_wait3A_177 : memref<1x80x128xf32, #tpu.memory_space<vmem>> -> memref<80x128xf32, #tpu.memory_space<vmem>>
    %dma_wait3A_179 = arith.constant 0 : i32
    %dma_wait3A_180 = tpu.memref_slice %arg8[%dma_wait3A_172, %dma_wait3A_179] : memref<10x80xi32, #tpu.memory_space<vmem>> -> memref<1x80xi32, #tpu.memory_space<vmem>>
    %dma_wait3A_181 = tpu.memref_squeeze %dma_wait3A_180 : memref<1x80xi32, #tpu.memory_space<vmem>> -> memref<80xi32, #tpu.memory_space<vmem>>
    %dma_wait3A_182 = arith.constant 0 : i32
    %dma_wait3A_183 = arith.constant 0 : i32
    %dma_wait3A_184 = tpu.memref_slice %arg4[%dma_wait3A_182, %dma_wait3A_183] : memref<100000x128xf32, #tpu.memory_space<hbm>> -> memref<100000x128xf32, #tpu.memory_space<hbm>>
    %dma_wait3A_185 = tpu.memref_slice %arg14[%dma_wait3A_174] : memref<4x!tpu.dma_semaphore, #tpu.memory_space<semaphore_mem>> -> memref<1x!tpu.dma_semaphore, #tpu.memory_space<semaphore_mem>>
    %dma_wait3A_186 = tpu.memref_squeeze %dma_wait3A_185 : memref<1x!tpu.dma_semaphore, #tpu.memory_space<semaphore_mem>> -> memref<!tpu.dma_semaphore, #tpu.memory_space<semaphore_mem>>
    tpu.wait_indirect_dma semaphore(%dma_wait3A_186 : memref<!tpu.dma_semaphore, #tpu.memory_space<semaphore_mem>>) src(%dma_wait3A_184 : memref<100000x128xf32, #tpu.memory_space<hbm>>) dst(%dma_wait3A_178 : memref<80x128xf32, #tpu.memory_space<vmem>>)
    %add3A_187 = arith.constant 160 : i32
    %add3A_188 = arith.addi %mul3A_13, %add3A_187 : i32
    %dma_start3A_189 = arith.constant 2 : i32
    %dma_start3A_190 = arith.constant 2 : i32
    %dma_start3A_191 = arith.constant 0 : i32
    %dma_start3A_192 = arith.constant 0 : i32
    %dma_start3A_193 = tpu.memref_slice %arg10[%dma_start3A_189, %dma_start3A_191, %dma_start3A_192] : memref<4x80x128xf32, #tpu.memory_space<vmem>> -> memref<1x80x128xf32, #tpu.memory_space<vmem>>
    %dma_start3A_194 = tpu.memref_squeeze %dma_start3A_193 : memref<1x80x128xf32, #tpu.memory_space<vmem>> -> memref<80x128xf32, #tpu.memory_space<vmem>>
    %dma_start3A_195 = arith.constant 0 : i32
    %dma_start3A_196 = tpu.memref_slice %arg6[%add3A_188, %dma_start3A_195] : memref<25600x128xf32, #tpu.memory_space<hbm>> -> memref<80x128xf32, #tpu.memory_space<hbm>>
    %dma_start3A_197 = tpu.memref_slice %arg15[%dma_start3A_190] : memref<4x!tpu.dma_semaphore, #tpu.memory_space<semaphore_mem>> -> memref<1x!tpu.dma_semaphore, #tpu.memory_space<semaphore_mem>>
    %dma_start3A_198 = tpu.memref_squeeze %dma_start3A_197 : memref<1x!tpu.dma_semaphore, #tpu.memory_space<semaphore_mem>> -> memref<!tpu.dma_semaphore, #tpu.memory_space<semaphore_mem>>
    %dma_start3A_199 = arith.constant 0 : i32
    %dma_start3A_200 = tpu.memref_slice %arg6[%add3A_188, %dma_start3A_199] : memref<25600x128xf32, #tpu.memory_space<hbm>> -> memref<80x128xf32, #tpu.memory_space<hbm>>
    %dma_start3A_201 = arith.constant 0 : i32
    %dma_start3A_202 = arith.constant 0 : i32
    %dma_start3A_203 = tpu.memref_slice %arg10[%dma_start3A_189, %dma_start3A_201, %dma_start3A_202] : memref<4x80x128xf32, #tpu.memory_space<vmem>> -> memref<1x80x128xf32, #tpu.memory_space<vmem>>
    %dma_start3A_204 = tpu.memref_squeeze %dma_start3A_203 : memref<1x80x128xf32, #tpu.memory_space<vmem>> -> memref<80x128xf32, #tpu.memory_space<vmem>>
    tpu.enqueue_dma source(%dma_start3A_204 : memref<80x128xf32, #tpu.memory_space<vmem>>) target(%dma_start3A_200 : memref<80x128xf32, #tpu.memory_space<hbm>>) target_semaphore(%dma_start3A_198 : memref<!tpu.dma_semaphore, #tpu.memory_space<semaphore_mem>>)
    %add3A_205 = arith.constant 80 : i32
    %add3A_206 = arith.addi %mul3A_13, %add3A_205 : i32
    %dma_wait3A_207 = arith.constant 1 : i32
    %dma_wait3A_208 = arith.constant 1 : i32
    %dma_wait3A_209 = arith.constant 0 : i32
    %dma_wait3A_210 = arith.constant 0 : i32
    %dma_wait3A_211 = tpu.memref_slice %arg10[%dma_wait3A_207, %dma_wait3A_209, %dma_wait3A_210] : memref<4x80x128xf32, #tpu.memory_space<vmem>> -> memref<1x80x128xf32, #tpu.memory_space<vmem>>
    %dma_wait3A_212 = tpu.memref_squeeze %dma_wait3A_211 : memref<1x80x128xf32, #tpu.memory_space<vmem>> -> memref<80x128xf32, #tpu.memory_space<vmem>>
    %dma_wait3A_213 = arith.constant 0 : i32
    %dma_wait3A_214 = tpu.memref_slice %arg6[%add3A_206, %dma_wait3A_213] : memref<25600x128xf32, #tpu.memory_space<hbm>> -> memref<80x128xf32, #tpu.memory_space<hbm>>
    %dma_wait3A_215 = tpu.memref_slice %arg15[%dma_wait3A_208] : memref<4x!tpu.dma_semaphore, #tpu.memory_space<semaphore_mem>> -> memref<1x!tpu.dma_semaphore, #tpu.memory_space<semaphore_mem>>
    %dma_wait3A_216 = tpu.memref_squeeze %dma_wait3A_215 : memref<1x!tpu.dma_semaphore, #tpu.memory_space<semaphore_mem>> -> memref<!tpu.dma_semaphore, #tpu.memory_space<semaphore_mem>>
    %dma_wait3A_217 = arith.constant 0 : i32
    %dma_wait3A_218 = tpu.memref_slice %arg6[%add3A_206, %dma_wait3A_217] : memref<25600x128xf32, #tpu.memory_space<hbm>> -> memref<80x128xf32, #tpu.memory_space<hbm>>
    %dma_wait3A_219 = arith.constant 0 : i32
    %dma_wait3A_220 = arith.constant 0 : i32
    %dma_wait3A_221 = tpu.memref_slice %arg10[%dma_wait3A_207, %dma_wait3A_219, %dma_wait3A_220] : memref<4x80x128xf32, #tpu.memory_space<vmem>> -> memref<1x80x128xf32, #tpu.memory_space<vmem>>
    %dma_wait3A_222 = tpu.memref_squeeze %dma_wait3A_221 : memref<1x80x128xf32, #tpu.memory_space<vmem>> -> memref<80x128xf32, #tpu.memory_space<vmem>>
    tpu.wait_dma2 semaphore(%dma_wait3A_216 : memref<!tpu.dma_semaphore, #tpu.memory_space<semaphore_mem>>) src(%dma_wait3A_222 : memref<80x128xf32, #tpu.memory_space<vmem>>) dst(%dma_wait3A_218 : memref<80x128xf32, #tpu.memory_space<hbm>>)
    %dma_start3A_223 = arith.constant 5 : i32
    %dma_start3A_224 = arith.constant 1 : i32
    %dma_start3A_225 = arith.constant 1 : i32
    %dma_start3A_226 = arith.constant 0 : i32
    %dma_start3A_227 = arith.constant 0 : i32
    %dma_start3A_228 = tpu.memref_slice %arg10[%dma_start3A_224, %dma_start3A_226, %dma_start3A_227] : memref<4x80x128xf32, #tpu.memory_space<vmem>> -> memref<1x80x128xf32, #tpu.memory_space<vmem>>
    %dma_start3A_229 = tpu.memref_squeeze %dma_start3A_228 : memref<1x80x128xf32, #tpu.memory_space<vmem>> -> memref<80x128xf32, #tpu.memory_space<vmem>>
    %dma_start3A_230 = arith.constant 0 : i32
    %dma_start3A_231 = tpu.memref_slice %arg8[%dma_start3A_223, %dma_start3A_230] : memref<10x80xi32, #tpu.memory_space<vmem>> -> memref<1x80xi32, #tpu.memory_space<vmem>>
    %dma_start3A_232 = tpu.memref_squeeze %dma_start3A_231 : memref<1x80xi32, #tpu.memory_space<vmem>> -> memref<80xi32, #tpu.memory_space<vmem>>
    %dma_start3A_233 = arith.constant 0 : i32
    %dma_start3A_234 = arith.constant 0 : i32
    %dma_start3A_235 = tpu.memref_slice %arg4[%dma_start3A_233, %dma_start3A_234] : memref<100000x128xf32, #tpu.memory_space<hbm>> -> memref<100000x128xf32, #tpu.memory_space<hbm>>
    %dma_start3A_236 = tpu.memref_slice %arg14[%dma_start3A_225] : memref<4x!tpu.dma_semaphore, #tpu.memory_space<semaphore_mem>> -> memref<1x!tpu.dma_semaphore, #tpu.memory_space<semaphore_mem>>
    %dma_start3A_237 = tpu.memref_squeeze %dma_start3A_236 : memref<1x!tpu.dma_semaphore, #tpu.memory_space<semaphore_mem>> -> memref<!tpu.dma_semaphore, #tpu.memory_space<semaphore_mem>>
    tpu.enqueue_indirect_dma source(%dma_start3A_235 : memref<100000x128xf32, #tpu.memory_space<hbm>>) target(%dma_start3A_229 : memref<80x128xf32, #tpu.memory_space<vmem>>) offsets(%dma_start3A_232 : memref<80xi32, #tpu.memory_space<vmem>>) semaphore(%dma_start3A_237 : memref<!tpu.dma_semaphore, #tpu.memory_space<semaphore_mem>>)
    %dma_wait3A_238 = arith.constant 3 : i32
    %dma_wait3A_239 = arith.constant 3 : i32
    %dma_wait3A_240 = arith.constant 3 : i32
    %dma_wait3A_241 = arith.constant 0 : i32
    %dma_wait3A_242 = arith.constant 0 : i32
    %dma_wait3A_243 = tpu.memref_slice %arg10[%dma_wait3A_239, %dma_wait3A_241, %dma_wait3A_242] : memref<4x80x128xf32, #tpu.memory_space<vmem>> -> memref<1x80x128xf32, #tpu.memory_space<vmem>>
    %dma_wait3A_244 = tpu.memref_squeeze %dma_wait3A_243 : memref<1x80x128xf32, #tpu.memory_space<vmem>> -> memref<80x128xf32, #tpu.memory_space<vmem>>
    %dma_wait3A_245 = arith.constant 0 : i32
    %dma_wait3A_246 = tpu.memref_slice %arg8[%dma_wait3A_238, %dma_wait3A_245] : memref<10x80xi32, #tpu.memory_space<vmem>> -> memref<1x80xi32, #tpu.memory_space<vmem>>
    %dma_wait3A_247 = tpu.memref_squeeze %dma_wait3A_246 : memref<1x80xi32, #tpu.memory_space<vmem>> -> memref<80xi32, #tpu.memory_space<vmem>>
    %dma_wait3A_248 = arith.constant 0 : i32
    %dma_wait3A_249 = arith.constant 0 : i32
    %dma_wait3A_250 = tpu.memref_slice %arg4[%dma_wait3A_248, %dma_wait3A_249] : memref<100000x128xf32, #tpu.memory_space<hbm>> -> memref<100000x128xf32, #tpu.memory_space<hbm>>
    %dma_wait3A_251 = tpu.memref_slice %arg14[%dma_wait3A_240] : memref<4x!tpu.dma_semaphore, #tpu.memory_space<semaphore_mem>> -> memref<1x!tpu.dma_semaphore, #tpu.memory_space<semaphore_mem>>
    %dma_wait3A_252 = tpu.memref_squeeze %dma_wait3A_251 : memref<1x!tpu.dma_semaphore, #tpu.memory_space<semaphore_mem>> -> memref<!tpu.dma_semaphore, #tpu.memory_space<semaphore_mem>>
    tpu.wait_indirect_dma semaphore(%dma_wait3A_252 : memref<!tpu.dma_semaphore, #tpu.memory_space<semaphore_mem>>) src(%dma_wait3A_250 : memref<100000x128xf32, #tpu.memory_space<hbm>>) dst(%dma_wait3A_244 : memref<80x128xf32, #tpu.memory_space<vmem>>)
    %add3A_253 = arith.constant 240 : i32
    %add3A_254 = arith.addi %mul3A_13, %add3A_253 : i32
    %dma_start3A_255 = arith.constant 3 : i32
    %dma_start3A_256 = arith.constant 3 : i32
    %dma_start3A_257 = arith.constant 0 : i32
    %dma_start3A_258 = arith.constant 0 : i32
    %dma_start3A_259 = tpu.memref_slice %arg10[%dma_start3A_255, %dma_start3A_257, %dma_start3A_258] : memref<4x80x128xf32, #tpu.memory_space<vmem>> -> memref<1x80x128xf32, #tpu.memory_space<vmem>>
    %dma_start3A_260 = tpu.memref_squeeze %dma_start3A_259 : memref<1x80x128xf32, #tpu.memory_space<vmem>> -> memref<80x128xf32, #tpu.memory_space<vmem>>
    %dma_start3A_261 = arith.constant 0 : i32
    %dma_start3A_262 = tpu.memref_slice %arg6[%add3A_254, %dma_start3A_261] : memref<25600x128xf32, #tpu.memory_space<hbm>> -> memref<80x128xf32, #tpu.memory_space<hbm>>
    %dma_start3A_263 = tpu.memref_slice %arg15[%dma_start3A_256] : memref<4x!tpu.dma_semaphore, #tpu.memory_space<semaphore_mem>> -> memref<1x!tpu.dma_semaphore, #tpu.memory_space<semaphore_mem>>
    %dma_start3A_264 = tpu.memref_squeeze %dma_start3A_263 : memref<1x!tpu.dma_semaphore, #tpu.memory_space<semaphore_mem>> -> memref<!tpu.dma_semaphore, #tpu.memory_space<semaphore_mem>>
    %dma_start3A_265 = arith.constant 0 : i32
    %dma_start3A_266 = tpu.memref_slice %arg6[%add3A_254, %dma_start3A_265] : memref<25600x128xf32, #tpu.memory_space<hbm>> -> memref<80x128xf32, #tpu.memory_space<hbm>>
    %dma_start3A_267 = arith.constant 0 : i32
    %dma_start3A_268 = arith.constant 0 : i32
    %dma_start3A_269 = tpu.memref_slice %arg10[%dma_start3A_255, %dma_start3A_267, %dma_start3A_268] : memref<4x80x128xf32, #tpu.memory_space<vmem>> -> memref<1x80x128xf32, #tpu.memory_space<vmem>>
    %dma_start3A_270 = tpu.memref_squeeze %dma_start3A_269 : memref<1x80x128xf32, #tpu.memory_space<vmem>> -> memref<80x128xf32, #tpu.memory_space<vmem>>
    tpu.enqueue_dma source(%dma_start3A_270 : memref<80x128xf32, #tpu.memory_space<vmem>>) target(%dma_start3A_266 : memref<80x128xf32, #tpu.memory_space<hbm>>) target_semaphore(%dma_start3A_264 : memref<!tpu.dma_semaphore, #tpu.memory_space<semaphore_mem>>)
    %add3A_271 = arith.constant 160 : i32
    %add3A_272 = arith.addi %mul3A_13, %add3A_271 : i32
    %dma_wait3A_273 = arith.constant 2 : i32
    %dma_wait3A_274 = arith.constant 2 : i32
    %dma_wait3A_275 = arith.constant 0 : i32
    %dma_wait3A_276 = arith.constant 0 : i32
    %dma_wait3A_277 = tpu.memref_slice %arg10[%dma_wait3A_273, %dma_wait3A_275, %dma_wait3A_276] : memref<4x80x128xf32, #tpu.memory_space<vmem>> -> memref<1x80x128xf32, #tpu.memory_space<vmem>>
    %dma_wait3A_278 = tpu.memref_squeeze %dma_wait3A_277 : memref<1x80x128xf32, #tpu.memory_space<vmem>> -> memref<80x128xf32, #tpu.memory_space<vmem>>
    %dma_wait3A_279 = arith.constant 0 : i32
    %dma_wait3A_280 = tpu.memref_slice %arg6[%add3A_272, %dma_wait3A_279] : memref<25600x128xf32, #tpu.memory_space<hbm>> -> memref<80x128xf32, #tpu.memory_space<hbm>>
    %dma_wait3A_281 = tpu.memref_slice %arg15[%dma_wait3A_274] : memref<4x!tpu.dma_semaphore, #tpu.memory_space<semaphore_mem>> -> memref<1x!tpu.dma_semaphore, #tpu.memory_space<semaphore_mem>>
    %dma_wait3A_282 = tpu.memref_squeeze %dma_wait3A_281 : memref<1x!tpu.dma_semaphore, #tpu.memory_space<semaphore_mem>> -> memref<!tpu.dma_semaphore, #tpu.memory_space<semaphore_mem>>
    %dma_wait3A_283 = arith.constant 0 : i32
    %dma_wait3A_284 = tpu.memref_slice %arg6[%add3A_272, %dma_wait3A_283] : memref<25600x128xf32, #tpu.memory_space<hbm>> -> memref<80x128xf32, #tpu.memory_space<hbm>>
    %dma_wait3A_285 = arith.constant 0 : i32
    %dma_wait3A_286 = arith.constant 0 : i32
    %dma_wait3A_287 = tpu.memref_slice %arg10[%dma_wait3A_273, %dma_wait3A_285, %dma_wait3A_286] : memref<4x80x128xf32, #tpu.memory_space<vmem>> -> memref<1x80x128xf32, #tpu.memory_space<vmem>>
    %dma_wait3A_288 = tpu.memref_squeeze %dma_wait3A_287 : memref<1x80x128xf32, #tpu.memory_space<vmem>> -> memref<80x128xf32, #tpu.memory_space<vmem>>
    tpu.wait_dma2 semaphore(%dma_wait3A_282 : memref<!tpu.dma_semaphore, #tpu.memory_space<semaphore_mem>>) src(%dma_wait3A_288 : memref<80x128xf32, #tpu.memory_space<vmem>>) dst(%dma_wait3A_284 : memref<80x128xf32, #tpu.memory_space<hbm>>)
    %dma_start3A_289 = arith.constant 6 : i32
    %dma_start3A_290 = arith.constant 2 : i32
    %dma_start3A_291 = arith.constant 2 : i32
    %dma_start3A_292 = arith.constant 0 : i32
    %dma_start3A_293 = arith.constant 0 : i32
    %dma_start3A_294 = tpu.memref_slice %arg10[%dma_start3A_290, %dma_start3A_292, %dma_start3A_293] : memref<4x80x128xf32, #tpu.memory_space<vmem>> -> memref<1x80x128xf32, #tpu.memory_space<vmem>>
    %dma_start3A_295 = tpu.memref_squeeze %dma_start3A_294 : memref<1x80x128xf32, #tpu.memory_space<vmem>> -> memref<80x128xf32, #tpu.memory_space<vmem>>
    %dma_start3A_296 = arith.constant 0 : i32
    %dma_start3A_297 = tpu.memref_slice %arg8[%dma_start3A_289, %dma_start3A_296] : memref<10x80xi32, #tpu.memory_space<vmem>> -> memref<1x80xi32, #tpu.memory_space<vmem>>
    %dma_start3A_298 = tpu.memref_squeeze %dma_start3A_297 : memref<1x80xi32, #tpu.memory_space<vmem>> -> memref<80xi32, #tpu.memory_space<vmem>>
    %dma_start3A_299 = arith.constant 0 : i32
    %dma_start3A_300 = arith.constant 0 : i32
    %dma_start3A_301 = tpu.memref_slice %arg4[%dma_start3A_299, %dma_start3A_300] : memref<100000x128xf32, #tpu.memory_space<hbm>> -> memref<100000x128xf32, #tpu.memory_space<hbm>>
    %dma_start3A_302 = tpu.memref_slice %arg14[%dma_start3A_291] : memref<4x!tpu.dma_semaphore, #tpu.memory_space<semaphore_mem>> -> memref<1x!tpu.dma_semaphore, #tpu.memory_space<semaphore_mem>>
    %dma_start3A_303 = tpu.memref_squeeze %dma_start3A_302 : memref<1x!tpu.dma_semaphore, #tpu.memory_space<semaphore_mem>> -> memref<!tpu.dma_semaphore, #tpu.memory_space<semaphore_mem>>
    tpu.enqueue_indirect_dma source(%dma_start3A_301 : memref<100000x128xf32, #tpu.memory_space<hbm>>) target(%dma_start3A_295 : memref<80x128xf32, #tpu.memory_space<vmem>>) offsets(%dma_start3A_298 : memref<80xi32, #tpu.memory_space<vmem>>) semaphore(%dma_start3A_303 : memref<!tpu.dma_semaphore, #tpu.memory_space<semaphore_mem>>)
    %dma_wait3A_304 = arith.constant 4 : i32
    %dma_wait3A_305 = arith.constant 0 : i32
    %dma_wait3A_306 = arith.constant 0 : i32
    %dma_wait3A_307 = arith.constant 0 : i32
    %dma_wait3A_308 = arith.constant 0 : i32
    %dma_wait3A_309 = tpu.memref_slice %arg10[%dma_wait3A_305, %dma_wait3A_307, %dma_wait3A_308] : memref<4x80x128xf32, #tpu.memory_space<vmem>> -> memref<1x80x128xf32, #tpu.memory_space<vmem>>
    %dma_wait3A_310 = tpu.memref_squeeze %dma_wait3A_309 : memref<1x80x128xf32, #tpu.memory_space<vmem>> -> memref<80x128xf32, #tpu.memory_space<vmem>>
    %dma_wait3A_311 = arith.constant 0 : i32
    %dma_wait3A_312 = tpu.memref_slice %arg8[%dma_wait3A_304, %dma_wait3A_311] : memref<10x80xi32, #tpu.memory_space<vmem>> -> memref<1x80xi32, #tpu.memory_space<vmem>>
    %dma_wait3A_313 = tpu.memref_squeeze %dma_wait3A_312 : memref<1x80xi32, #tpu.memory_space<vmem>> -> memref<80xi32, #tpu.memory_space<vmem>>
    %dma_wait3A_314 = arith.constant 0 : i32
    %dma_wait3A_315 = arith.constant 0 : i32
    %dma_wait3A_316 = tpu.memref_slice %arg4[%dma_wait3A_314, %dma_wait3A_315] : memref<100000x128xf32, #tpu.memory_space<hbm>> -> memref<100000x128xf32, #tpu.memory_space<hbm>>
    %dma_wait3A_317 = tpu.memref_slice %arg14[%dma_wait3A_306] : memref<4x!tpu.dma_semaphore, #tpu.memory_space<semaphore_mem>> -> memref<1x!tpu.dma_semaphore, #tpu.memory_space<semaphore_mem>>
    %dma_wait3A_318 = tpu.memref_squeeze %dma_wait3A_317 : memref<1x!tpu.dma_semaphore, #tpu.memory_space<semaphore_mem>> -> memref<!tpu.dma_semaphore, #tpu.memory_space<semaphore_mem>>
    tpu.wait_indirect_dma semaphore(%dma_wait3A_318 : memref<!tpu.dma_semaphore, #tpu.memory_space<semaphore_mem>>) src(%dma_wait3A_316 : memref<100000x128xf32, #tpu.memory_space<hbm>>) dst(%dma_wait3A_310 : memref<80x128xf32, #tpu.memory_space<vmem>>)
    %add3A_319 = arith.constant 320 : i32
    %add3A_320 = arith.addi %mul3A_13, %add3A_319 : i32
    %dma_start3A_321 = arith.constant 0 : i32
    %dma_start3A_322 = arith.constant 0 : i32
    %dma_start3A_323 = arith.constant 0 : i32
    %dma_start3A_324 = arith.constant 0 : i32
    %dma_start3A_325 = tpu.memref_slice %arg10[%dma_start3A_321, %dma_start3A_323, %dma_start3A_324] : memref<4x80x128xf32, #tpu.memory_space<vmem>> -> memref<1x80x128xf32, #tpu.memory_space<vmem>>
    %dma_start3A_326 = tpu.memref_squeeze %dma_start3A_325 : memref<1x80x128xf32, #tpu.memory_space<vmem>> -> memref<80x128xf32, #tpu.memory_space<vmem>>
    %dma_start3A_327 = arith.constant 0 : i32
    %dma_start3A_328 = tpu.memref_slice %arg6[%add3A_320, %dma_start3A_327] : memref<25600x128xf32, #tpu.memory_space<hbm>> -> memref<80x128xf32, #tpu.memory_space<hbm>>
    %dma_start3A_329 = tpu.memref_slice %arg15[%dma_start3A_322] : memref<4x!tpu.dma_semaphore, #tpu.memory_space<semaphore_mem>> -> memref<1x!tpu.dma_semaphore, #tpu.memory_space<semaphore_mem>>
    %dma_start3A_330 = tpu.memref_squeeze %dma_start3A_329 : memref<1x!tpu.dma_semaphore, #tpu.memory_space<semaphore_mem>> -> memref<!tpu.dma_semaphore, #tpu.memory_space<semaphore_mem>>
    %dma_start3A_331 = arith.constant 0 : i32
    %dma_start3A_332 = tpu.memref_slice %arg6[%add3A_320, %dma_start3A_331] : memref<25600x128xf32, #tpu.memory_space<hbm>> -> memref<80x128xf32, #tpu.memory_space<hbm>>
    %dma_start3A_333 = arith.constant 0 : i32
    %dma_start3A_334 = arith.constant 0 : i32
    %dma_start3A_335 = tpu.memref_slice %arg10[%dma_start3A_321, %dma_start3A_333, %dma_start3A_334] : memref<4x80x128xf32, #tpu.memory_space<vmem>> -> memref<1x80x128xf32, #tpu.memory_space<vmem>>
    %dma_start3A_336 = tpu.memref_squeeze %dma_start3A_335 : memref<1x80x128xf32, #tpu.memory_space<vmem>> -> memref<80x128xf32, #tpu.memory_space<vmem>>
    tpu.enqueue_dma source(%dma_start3A_336 : memref<80x128xf32, #tpu.memory_space<vmem>>) target(%dma_start3A_332 : memref<80x128xf32, #tpu.memory_space<hbm>>) target_semaphore(%dma_start3A_330 : memref<!tpu.dma_semaphore, #tpu.memory_space<semaphore_mem>>)
    %add3A_337 = arith.constant 240 : i32
    %add3A_338 = arith.addi %mul3A_13, %add3A_337 : i32
    %dma_wait3A_339 = arith.constant 3 : i32
    %dma_wait3A_340 = arith.constant 3 : i32
    %dma_wait3A_341 = arith.constant 0 : i32
    %dma_wait3A_342 = arith.constant 0 : i32
    %dma_wait3A_343 = tpu.memref_slice %arg10[%dma_wait3A_339, %dma_wait3A_341, %dma_wait3A_342] : memref<4x80x128xf32, #tpu.memory_space<vmem>> -> memref<1x80x128xf32, #tpu.memory_space<vmem>>
    %dma_wait3A_344 = tpu.memref_squeeze %dma_wait3A_343 : memref<1x80x128xf32, #tpu.memory_space<vmem>> -> memref<80x128xf32, #tpu.memory_space<vmem>>
    %dma_wait3A_345 = arith.constant 0 : i32
    %dma_wait3A_346 = tpu.memref_slice %arg6[%add3A_338, %dma_wait3A_345] : memref<25600x128xf32, #tpu.memory_space<hbm>> -> memref<80x128xf32, #tpu.memory_space<hbm>>
    %dma_wait3A_347 = tpu.memref_slice %arg15[%dma_wait3A_340] : memref<4x!tpu.dma_semaphore, #tpu.memory_space<semaphore_mem>> -> memref<1x!tpu.dma_semaphore, #tpu.memory_space<semaphore_mem>>
    %dma_wait3A_348 = tpu.memref_squeeze %dma_wait3A_347 : memref<1x!tpu.dma_semaphore, #tpu.memory_space<semaphore_mem>> -> memref<!tpu.dma_semaphore, #tpu.memory_space<semaphore_mem>>
    %dma_wait3A_349 = arith.constant 0 : i32
    %dma_wait3A_350 = tpu.memref_slice %arg6[%add3A_338, %dma_wait3A_349] : memref<25600x128xf32, #tpu.memory_space<hbm>> -> memref<80x128xf32, #tpu.memory_space<hbm>>
    %dma_wait3A_351 = arith.constant 0 : i32
    %dma_wait3A_352 = arith.constant 0 : i32
    %dma_wait3A_353 = tpu.memref_slice %arg10[%dma_wait3A_339, %dma_wait3A_351, %dma_wait3A_352] : memref<4x80x128xf32, #tpu.memory_space<vmem>> -> memref<1x80x128xf32, #tpu.memory_space<vmem>>
    %dma_wait3A_354 = tpu.memref_squeeze %dma_wait3A_353 : memref<1x80x128xf32, #tpu.memory_space<vmem>> -> memref<80x128xf32, #tpu.memory_space<vmem>>
    tpu.wait_dma2 semaphore(%dma_wait3A_348 : memref<!tpu.dma_semaphore, #tpu.memory_space<semaphore_mem>>) src(%dma_wait3A_354 : memref<80x128xf32, #tpu.memory_space<vmem>>) dst(%dma_wait3A_350 : memref<80x128xf32, #tpu.memory_space<hbm>>)
    %dma_start3A_355 = arith.constant 7 : i32
    %dma_start3A_356 = arith.constant 3 : i32
    %dma_start3A_357 = arith.constant 3 : i32
    %dma_start3A_358 = arith.constant 0 : i32
    %dma_start3A_359 = arith.constant 0 : i32
    %dma_start3A_360 = tpu.memref_slice %arg10[%dma_start3A_356, %dma_start3A_358, %dma_start3A_359] : memref<4x80x128xf32, #tpu.memory_space<vmem>> -> memref<1x80x128xf32, #tpu.memory_space<vmem>>
    %dma_start3A_361 = tpu.memref_squeeze %dma_start3A_360 : memref<1x80x128xf32, #tpu.memory_space<vmem>> -> memref<80x128xf32, #tpu.memory_space<vmem>>
    %dma_start3A_362 = arith.constant 0 : i32
    %dma_start3A_363 = tpu.memref_slice %arg8[%dma_start3A_355, %dma_start3A_362] : memref<10x80xi32, #tpu.memory_space<vmem>> -> memref<1x80xi32, #tpu.memory_space<vmem>>
    %dma_start3A_364 = tpu.memref_squeeze %dma_start3A_363 : memref<1x80xi32, #tpu.memory_space<vmem>> -> memref<80xi32, #tpu.memory_space<vmem>>
    %dma_start3A_365 = arith.constant 0 : i32
    %dma_start3A_366 = arith.constant 0 : i32
    %dma_start3A_367 = tpu.memref_slice %arg4[%dma_start3A_365, %dma_start3A_366] : memref<100000x128xf32, #tpu.memory_space<hbm>> -> memref<100000x128xf32, #tpu.memory_space<hbm>>
    %dma_start3A_368 = tpu.memref_slice %arg14[%dma_start3A_357] : memref<4x!tpu.dma_semaphore, #tpu.memory_space<semaphore_mem>> -> memref<1x!tpu.dma_semaphore, #tpu.memory_space<semaphore_mem>>
    %dma_start3A_369 = tpu.memref_squeeze %dma_start3A_368 : memref<1x!tpu.dma_semaphore, #tpu.memory_space<semaphore_mem>> -> memref<!tpu.dma_semaphore, #tpu.memory_space<semaphore_mem>>
    tpu.enqueue_indirect_dma source(%dma_start3A_367 : memref<100000x128xf32, #tpu.memory_space<hbm>>) target(%dma_start3A_361 : memref<80x128xf32, #tpu.memory_space<vmem>>) offsets(%dma_start3A_364 : memref<80xi32, #tpu.memory_space<vmem>>) semaphore(%dma_start3A_369 : memref<!tpu.dma_semaphore, #tpu.memory_space<semaphore_mem>>)
    %dma_wait3A_370 = arith.constant 5 : i32
    %dma_wait3A_371 = arith.constant 1 : i32
    %dma_wait3A_372 = arith.constant 1 : i32
    %dma_wait3A_373 = arith.constant 0 : i32
    %dma_wait3A_374 = arith.constant 0 : i32
    %dma_wait3A_375 = tpu.memref_slice %arg10[%dma_wait3A_371, %dma_wait3A_373, %dma_wait3A_374] : memref<4x80x128xf32, #tpu.memory_space<vmem>> -> memref<1x80x128xf32, #tpu.memory_space<vmem>>
    %dma_wait3A_376 = tpu.memref_squeeze %dma_wait3A_375 : memref<1x80x128xf32, #tpu.memory_space<vmem>> -> memref<80x128xf32, #tpu.memory_space<vmem>>
    %dma_wait3A_377 = arith.constant 0 : i32
    %dma_wait3A_378 = tpu.memref_slice %arg8[%dma_wait3A_370, %dma_wait3A_377] : memref<10x80xi32, #tpu.memory_space<vmem>> -> memref<1x80xi32, #tpu.memory_space<vmem>>
    %dma_wait3A_379 = tpu.memref_squeeze %dma_wait3A_378 : memref<1x80xi32, #tpu.memory_space<vmem>> -> memref<80xi32, #tpu.memory_space<vmem>>
    %dma_wait3A_380 = arith.constant 0 : i32
    %dma_wait3A_381 = arith.constant 0 : i32
    %dma_wait3A_382 = tpu.memref_slice %arg4[%dma_wait3A_380, %dma_wait3A_381] : memref<100000x128xf32, #tpu.memory_space<hbm>> -> memref<100000x128xf32, #tpu.memory_space<hbm>>
    %dma_wait3A_383 = tpu.memref_slice %arg14[%dma_wait3A_372] : memref<4x!tpu.dma_semaphore, #tpu.memory_space<semaphore_mem>> -> memref<1x!tpu.dma_semaphore, #tpu.memory_space<semaphore_mem>>
    %dma_wait3A_384 = tpu.memref_squeeze %dma_wait3A_383 : memref<1x!tpu.dma_semaphore, #tpu.memory_space<semaphore_mem>> -> memref<!tpu.dma_semaphore, #tpu.memory_space<semaphore_mem>>
    tpu.wait_indirect_dma semaphore(%dma_wait3A_384 : memref<!tpu.dma_semaphore, #tpu.memory_space<semaphore_mem>>) src(%dma_wait3A_382 : memref<100000x128xf32, #tpu.memory_space<hbm>>) dst(%dma_wait3A_376 : memref<80x128xf32, #tpu.memory_space<vmem>>)
    %add3A_385 = arith.constant 400 : i32
    %add3A_386 = arith.addi %mul3A_13, %add3A_385 : i32
    %dma_start3A_387 = arith.constant 1 : i32
    %dma_start3A_388 = arith.constant 1 : i32
    %dma_start3A_389 = arith.constant 0 : i32
    %dma_start3A_390 = arith.constant 0 : i32
    %dma_start3A_391 = tpu.memref_slice %arg10[%dma_start3A_387, %dma_start3A_389, %dma_start3A_390] : memref<4x80x128xf32, #tpu.memory_space<vmem>> -> memref<1x80x128xf32, #tpu.memory_space<vmem>>
    %dma_start3A_392 = tpu.memref_squeeze %dma_start3A_391 : memref<1x80x128xf32, #tpu.memory_space<vmem>> -> memref<80x128xf32, #tpu.memory_space<vmem>>
    %dma_start3A_393 = arith.constant 0 : i32
    %dma_start3A_394 = tpu.memref_slice %arg6[%add3A_386, %dma_start3A_393] : memref<25600x128xf32, #tpu.memory_space<hbm>> -> memref<80x128xf32, #tpu.memory_space<hbm>>
    %dma_start3A_395 = tpu.memref_slice %arg15[%dma_start3A_388] : memref<4x!tpu.dma_semaphore, #tpu.memory_space<semaphore_mem>> -> memref<1x!tpu.dma_semaphore, #tpu.memory_space<semaphore_mem>>
    %dma_start3A_396 = tpu.memref_squeeze %dma_start3A_395 : memref<1x!tpu.dma_semaphore, #tpu.memory_space<semaphore_mem>> -> memref<!tpu.dma_semaphore, #tpu.memory_space<semaphore_mem>>
    %dma_start3A_397 = arith.constant 0 : i32
    %dma_start3A_398 = tpu.memref_slice %arg6[%add3A_386, %dma_start3A_397] : memref<25600x128xf32, #tpu.memory_space<hbm>> -> memref<80x128xf32, #tpu.memory_space<hbm>>
    %dma_start3A_399 = arith.constant 0 : i32
    %dma_start3A_400 = arith.constant 0 : i32
    %dma_start3A_401 = tpu.memref_slice %arg10[%dma_start3A_387, %dma_start3A_399, %dma_start3A_400] : memref<4x80x128xf32, #tpu.memory_space<vmem>> -> memref<1x80x128xf32, #tpu.memory_space<vmem>>
    %dma_start3A_402 = tpu.memref_squeeze %dma_start3A_401 : memref<1x80x128xf32, #tpu.memory_space<vmem>> -> memref<80x128xf32, #tpu.memory_space<vmem>>
    tpu.enqueue_dma source(%dma_start3A_402 : memref<80x128xf32, #tpu.memory_space<vmem>>) target(%dma_start3A_398 : memref<80x128xf32, #tpu.memory_space<hbm>>) target_semaphore(%dma_start3A_396 : memref<!tpu.dma_semaphore, #tpu.memory_space<semaphore_mem>>)
    %add3A_403 = arith.constant 320 : i32
    %add3A_404 = arith.addi %mul3A_13, %add3A_403 : i32
    %dma_wait3A_405 = arith.constant 0 : i32
    %dma_wait3A_406 = arith.constant 0 : i32
    %dma_wait3A_407 = arith.constant 0 : i32
    %dma_wait3A_408 = arith.constant 0 : i32
    %dma_wait3A_409 = tpu.memref_slice %arg10[%dma_wait3A_405, %dma_wait3A_407, %dma_wait3A_408] : memref<4x80x128xf32, #tpu.memory_space<vmem>> -> memref<1x80x128xf32, #tpu.memory_space<vmem>>
    %dma_wait3A_410 = tpu.memref_squeeze %dma_wait3A_409 : memref<1x80x128xf32, #tpu.memory_space<vmem>> -> memref<80x128xf32, #tpu.memory_space<vmem>>
    %dma_wait3A_411 = arith.constant 0 : i32
    %dma_wait3A_412 = tpu.memref_slice %arg6[%add3A_404, %dma_wait3A_411] : memref<25600x128xf32, #tpu.memory_space<hbm>> -> memref<80x128xf32, #tpu.memory_space<hbm>>
    %dma_wait3A_413 = tpu.memref_slice %arg15[%dma_wait3A_406] : memref<4x!tpu.dma_semaphore, #tpu.memory_space<semaphore_mem>> -> memref<1x!tpu.dma_semaphore, #tpu.memory_space<semaphore_mem>>
    %dma_wait3A_414 = tpu.memref_squeeze %dma_wait3A_413 : memref<1x!tpu.dma_semaphore, #tpu.memory_space<semaphore_mem>> -> memref<!tpu.dma_semaphore, #tpu.memory_space<semaphore_mem>>
    %dma_wait3A_415 = arith.constant 0 : i32
    %dma_wait3A_416 = tpu.memref_slice %arg6[%add3A_404, %dma_wait3A_415] : memref<25600x128xf32, #tpu.memory_space<hbm>> -> memref<80x128xf32, #tpu.memory_space<hbm>>
    %dma_wait3A_417 = arith.constant 0 : i32
    %dma_wait3A_418 = arith.constant 0 : i32
    %dma_wait3A_419 = tpu.memref_slice %arg10[%dma_wait3A_405, %dma_wait3A_417, %dma_wait3A_418] : memref<4x80x128xf32, #tpu.memory_space<vmem>> -> memref<1x80x128xf32, #tpu.memory_space<vmem>>
    %dma_wait3A_420 = tpu.memref_squeeze %dma_wait3A_419 : memref<1x80x128xf32, #tpu.memory_space<vmem>> -> memref<80x128xf32, #tpu.memory_space<vmem>>
    tpu.wait_dma2 semaphore(%dma_wait3A_414 : memref<!tpu.dma_semaphore, #tpu.memory_space<semaphore_mem>>) src(%dma_wait3A_420 : memref<80x128xf32, #tpu.memory_space<vmem>>) dst(%dma_wait3A_416 : memref<80x128xf32, #tpu.memory_space<hbm>>)
    %dma_start3A_421 = arith.constant 8 : i32
    %dma_start3A_422 = arith.constant 0 : i32
    %dma_start3A_423 = arith.constant 0 : i32
    %dma_start3A_424 = arith.constant 0 : i32
    %dma_start3A_425 = arith.constant 0 : i32
    %dma_start3A_426 = tpu.memref_slice %arg10[%dma_start3A_422, %dma_start3A_424, %dma_start3A_425] : memref<4x80x128xf32, #tpu.memory_space<vmem>> -> memref<1x80x128xf32, #tpu.memory_space<vmem>>
    %dma_start3A_427 = tpu.memref_squeeze %dma_start3A_426 : memref<1x80x128xf32, #tpu.memory_space<vmem>> -> memref<80x128xf32, #tpu.memory_space<vmem>>
    %dma_start3A_428 = arith.constant 0 : i32
    %dma_start3A_429 = tpu.memref_slice %arg8[%dma_start3A_421, %dma_start3A_428] : memref<10x80xi32, #tpu.memory_space<vmem>> -> memref<1x80xi32, #tpu.memory_space<vmem>>
    %dma_start3A_430 = tpu.memref_squeeze %dma_start3A_429 : memref<1x80xi32, #tpu.memory_space<vmem>> -> memref<80xi32, #tpu.memory_space<vmem>>
    %dma_start3A_431 = arith.constant 0 : i32
    %dma_start3A_432 = arith.constant 0 : i32
    %dma_start3A_433 = tpu.memref_slice %arg4[%dma_start3A_431, %dma_start3A_432] : memref<100000x128xf32, #tpu.memory_space<hbm>> -> memref<100000x128xf32, #tpu.memory_space<hbm>>
    %dma_start3A_434 = tpu.memref_slice %arg14[%dma_start3A_423] : memref<4x!tpu.dma_semaphore, #tpu.memory_space<semaphore_mem>> -> memref<1x!tpu.dma_semaphore, #tpu.memory_space<semaphore_mem>>
    %dma_start3A_435 = tpu.memref_squeeze %dma_start3A_434 : memref<1x!tpu.dma_semaphore, #tpu.memory_space<semaphore_mem>> -> memref<!tpu.dma_semaphore, #tpu.memory_space<semaphore_mem>>
    tpu.enqueue_indirect_dma source(%dma_start3A_433 : memref<100000x128xf32, #tpu.memory_space<hbm>>) target(%dma_start3A_427 : memref<80x128xf32, #tpu.memory_space<vmem>>) offsets(%dma_start3A_430 : memref<80xi32, #tpu.memory_space<vmem>>) semaphore(%dma_start3A_435 : memref<!tpu.dma_semaphore, #tpu.memory_space<semaphore_mem>>)
    %dma_wait3A_436 = arith.constant 6 : i32
    %dma_wait3A_437 = arith.constant 2 : i32
    %dma_wait3A_438 = arith.constant 2 : i32
    %dma_wait3A_439 = arith.constant 0 : i32
    %dma_wait3A_440 = arith.constant 0 : i32
    %dma_wait3A_441 = tpu.memref_slice %arg10[%dma_wait3A_437, %dma_wait3A_439, %dma_wait3A_440] : memref<4x80x128xf32, #tpu.memory_space<vmem>> -> memref<1x80x128xf32, #tpu.memory_space<vmem>>
    %dma_wait3A_442 = tpu.memref_squeeze %dma_wait3A_441 : memref<1x80x128xf32, #tpu.memory_space<vmem>> -> memref<80x128xf32, #tpu.memory_space<vmem>>
    %dma_wait3A_443 = arith.constant 0 : i32
    %dma_wait3A_444 = tpu.memref_slice %arg8[%dma_wait3A_436, %dma_wait3A_443] : memref<10x80xi32, #tpu.memory_space<vmem>> -> memref<1x80xi32, #tpu.memory_space<vmem>>
    %dma_wait3A_445 = tpu.memref_squeeze %dma_wait3A_444 : memref<1x80xi32, #tpu.memory_space<vmem>> -> memref<80xi32, #tpu.memory_space<vmem>>
    %dma_wait3A_446 = arith.constant 0 : i32
    %dma_wait3A_447 = arith.constant 0 : i32
    %dma_wait3A_448 = tpu.memref_slice %arg4[%dma_wait3A_446, %dma_wait3A_447] : memref<100000x128xf32, #tpu.memory_space<hbm>> -> memref<100000x128xf32, #tpu.memory_space<hbm>>
    %dma_wait3A_449 = tpu.memref_slice %arg14[%dma_wait3A_438] : memref<4x!tpu.dma_semaphore, #tpu.memory_space<semaphore_mem>> -> memref<1x!tpu.dma_semaphore, #tpu.memory_space<semaphore_mem>>
    %dma_wait3A_450 = tpu.memref_squeeze %dma_wait3A_449 : memref<1x!tpu.dma_semaphore, #tpu.memory_space<semaphore_mem>> -> memref<!tpu.dma_semaphore, #tpu.memory_space<semaphore_mem>>
    tpu.wait_indirect_dma semaphore(%dma_wait3A_450 : memref<!tpu.dma_semaphore, #tpu.memory_space<semaphore_mem>>) src(%dma_wait3A_448 : memref<100000x128xf32, #tpu.memory_space<hbm>>) dst(%dma_wait3A_442 : memref<80x128xf32, #tpu.memory_space<vmem>>)
    %add3A_451 = arith.constant 480 : i32
    %add3A_452 = arith.addi %mul3A_13, %add3A_451 : i32
    %dma_start3A_453 = arith.constant 2 : i32
    %dma_start3A_454 = arith.constant 2 : i32
    %dma_start3A_455 = arith.constant 0 : i32
    %dma_start3A_456 = arith.constant 0 : i32
    %dma_start3A_457 = tpu.memref_slice %arg10[%dma_start3A_453, %dma_start3A_455, %dma_start3A_456] : memref<4x80x128xf32, #tpu.memory_space<vmem>> -> memref<1x80x128xf32, #tpu.memory_space<vmem>>
    %dma_start3A_458 = tpu.memref_squeeze %dma_start3A_457 : memref<1x80x128xf32, #tpu.memory_space<vmem>> -> memref<80x128xf32, #tpu.memory_space<vmem>>
    %dma_start3A_459 = arith.constant 0 : i32
    %dma_start3A_460 = tpu.memref_slice %arg6[%add3A_452, %dma_start3A_459] : memref<25600x128xf32, #tpu.memory_space<hbm>> -> memref<80x128xf32, #tpu.memory_space<hbm>>
    %dma_start3A_461 = tpu.memref_slice %arg15[%dma_start3A_454] : memref<4x!tpu.dma_semaphore, #tpu.memory_space<semaphore_mem>> -> memref<1x!tpu.dma_semaphore, #tpu.memory_space<semaphore_mem>>
    %dma_start3A_462 = tpu.memref_squeeze %dma_start3A_461 : memref<1x!tpu.dma_semaphore, #tpu.memory_space<semaphore_mem>> -> memref<!tpu.dma_semaphore, #tpu.memory_space<semaphore_mem>>
    %dma_start3A_463 = arith.constant 0 : i32
    %dma_start3A_464 = tpu.memref_slice %arg6[%add3A_452, %dma_start3A_463] : memref<25600x128xf32, #tpu.memory_space<hbm>> -> memref<80x128xf32, #tpu.memory_space<hbm>>
    %dma_start3A_465 = arith.constant 0 : i32
    %dma_start3A_466 = arith.constant 0 : i32
    %dma_start3A_467 = tpu.memref_slice %arg10[%dma_start3A_453, %dma_start3A_465, %dma_start3A_466] : memref<4x80x128xf32, #tpu.memory_space<vmem>> -> memref<1x80x128xf32, #tpu.memory_space<vmem>>
    %dma_start3A_468 = tpu.memref_squeeze %dma_start3A_467 : memref<1x80x128xf32, #tpu.memory_space<vmem>> -> memref<80x128xf32, #tpu.memory_space<vmem>>
    tpu.enqueue_dma source(%dma_start3A_468 : memref<80x128xf32, #tpu.memory_space<vmem>>) target(%dma_start3A_464 : memref<80x128xf32, #tpu.memory_space<hbm>>) target_semaphore(%dma_start3A_462 : memref<!tpu.dma_semaphore, #tpu.memory_space<semaphore_mem>>)
    %add3A_469 = arith.constant 400 : i32
    %add3A_470 = arith.addi %mul3A_13, %add3A_469 : i32
    %dma_wait3A_471 = arith.constant 1 : i32
    %dma_wait3A_472 = arith.constant 1 : i32
    %dma_wait3A_473 = arith.constant 0 : i32
    %dma_wait3A_474 = arith.constant 0 : i32
    %dma_wait3A_475 = tpu.memref_slice %arg10[%dma_wait3A_471, %dma_wait3A_473, %dma_wait3A_474] : memref<4x80x128xf32, #tpu.memory_space<vmem>> -> memref<1x80x128xf32, #tpu.memory_space<vmem>>
    %dma_wait3A_476 = tpu.memref_squeeze %dma_wait3A_475 : memref<1x80x128xf32, #tpu.memory_space<vmem>> -> memref<80x128xf32, #tpu.memory_space<vmem>>
    %dma_wait3A_477 = arith.constant 0 : i32
    %dma_wait3A_478 = tpu.memref_slice %arg6[%add3A_470, %dma_wait3A_477] : memref<25600x128xf32, #tpu.memory_space<hbm>> -> memref<80x128xf32, #tpu.memory_space<hbm>>
    %dma_wait3A_479 = tpu.memref_slice %arg15[%dma_wait3A_472] : memref<4x!tpu.dma_semaphore, #tpu.memory_space<semaphore_mem>> -> memref<1x!tpu.dma_semaphore, #tpu.memory_space<semaphore_mem>>
    %dma_wait3A_480 = tpu.memref_squeeze %dma_wait3A_479 : memref<1x!tpu.dma_semaphore, #tpu.memory_space<semaphore_mem>> -> memref<!tpu.dma_semaphore, #tpu.memory_space<semaphore_mem>>
    %dma_wait3A_481 = arith.constant 0 : i32
    %dma_wait3A_482 = tpu.memref_slice %arg6[%add3A_470, %dma_wait3A_481] : memref<25600x128xf32, #tpu.memory_space<hbm>> -> memref<80x128xf32, #tpu.memory_space<hbm>>
    %dma_wait3A_483 = arith.constant 0 : i32
    %dma_wait3A_484 = arith.constant 0 : i32
    %dma_wait3A_485 = tpu.memref_slice %arg10[%dma_wait3A_471, %dma_wait3A_483, %dma_wait3A_484] : memref<4x80x128xf32, #tpu.memory_space<vmem>> -> memref<1x80x128xf32, #tpu.memory_space<vmem>>
    %dma_wait3A_486 = tpu.memref_squeeze %dma_wait3A_485 : memref<1x80x128xf32, #tpu.memory_space<vmem>> -> memref<80x128xf32, #tpu.memory_space<vmem>>
    tpu.wait_dma2 semaphore(%dma_wait3A_480 : memref<!tpu.dma_semaphore, #tpu.memory_space<semaphore_mem>>) src(%dma_wait3A_486 : memref<80x128xf32, #tpu.memory_space<vmem>>) dst(%dma_wait3A_482 : memref<80x128xf32, #tpu.memory_space<hbm>>)
    %dma_start3A_487 = arith.constant 9 : i32
    %dma_start3A_488 = arith.constant 1 : i32
    %dma_start3A_489 = arith.constant 1 : i32
    %dma_start3A_490 = arith.constant 0 : i32
    %dma_start3A_491 = arith.constant 0 : i32
    %dma_start3A_492 = tpu.memref_slice %arg10[%dma_start3A_488, %dma_start3A_490, %dma_start3A_491] : memref<4x80x128xf32, #tpu.memory_space<vmem>> -> memref<1x80x128xf32, #tpu.memory_space<vmem>>
    %dma_start3A_493 = tpu.memref_squeeze %dma_start3A_492 : memref<1x80x128xf32, #tpu.memory_space<vmem>> -> memref<80x128xf32, #tpu.memory_space<vmem>>
    %dma_start3A_494 = arith.constant 0 : i32
    %dma_start3A_495 = tpu.memref_slice %arg8[%dma_start3A_487, %dma_start3A_494] : memref<10x80xi32, #tpu.memory_space<vmem>> -> memref<1x80xi32, #tpu.memory_space<vmem>>
    %dma_start3A_496 = tpu.memref_squeeze %dma_start3A_495 : memref<1x80xi32, #tpu.memory_space<vmem>> -> memref<80xi32, #tpu.memory_space<vmem>>
    %dma_start3A_497 = arith.constant 0 : i32
    %dma_start3A_498 = arith.constant 0 : i32
    %dma_start3A_499 = tpu.memref_slice %arg4[%dma_start3A_497, %dma_start3A_498] : memref<100000x128xf32, #tpu.memory_space<hbm>> -> memref<100000x128xf32, #tpu.memory_space<hbm>>
    %dma_start3A_500 = tpu.memref_slice %arg14[%dma_start3A_489] : memref<4x!tpu.dma_semaphore, #tpu.memory_space<semaphore_mem>> -> memref<1x!tpu.dma_semaphore, #tpu.memory_space<semaphore_mem>>
    %dma_start3A_501 = tpu.memref_squeeze %dma_start3A_500 : memref<1x!tpu.dma_semaphore, #tpu.memory_space<semaphore_mem>> -> memref<!tpu.dma_semaphore, #tpu.memory_space<semaphore_mem>>
    tpu.enqueue_indirect_dma source(%dma_start3A_499 : memref<100000x128xf32, #tpu.memory_space<hbm>>) target(%dma_start3A_493 : memref<80x128xf32, #tpu.memory_space<vmem>>) offsets(%dma_start3A_496 : memref<80xi32, #tpu.memory_space<vmem>>) semaphore(%dma_start3A_501 : memref<!tpu.dma_semaphore, #tpu.memory_space<semaphore_mem>>)
    %dma_wait3A_502 = arith.constant 7 : i32
    %dma_wait3A_503 = arith.constant 3 : i32
    %dma_wait3A_504 = arith.constant 3 : i32
    %dma_wait3A_505 = arith.constant 0 : i32
    %dma_wait3A_506 = arith.constant 0 : i32
    %dma_wait3A_507 = tpu.memref_slice %arg10[%dma_wait3A_503, %dma_wait3A_505, %dma_wait3A_506] : memref<4x80x128xf32, #tpu.memory_space<vmem>> -> memref<1x80x128xf32, #tpu.memory_space<vmem>>
    %dma_wait3A_508 = tpu.memref_squeeze %dma_wait3A_507 : memref<1x80x128xf32, #tpu.memory_space<vmem>> -> memref<80x128xf32, #tpu.memory_space<vmem>>
    %dma_wait3A_509 = arith.constant 0 : i32
    %dma_wait3A_510 = tpu.memref_slice %arg8[%dma_wait3A_502, %dma_wait3A_509] : memref<10x80xi32, #tpu.memory_space<vmem>> -> memref<1x80xi32, #tpu.memory_space<vmem>>
    %dma_wait3A_511 = tpu.memref_squeeze %dma_wait3A_510 : memref<1x80xi32, #tpu.memory_space<vmem>> -> memref<80xi32, #tpu.memory_space<vmem>>
    %dma_wait3A_512 = arith.constant 0 : i32
    %dma_wait3A_513 = arith.constant 0 : i32
    %dma_wait3A_514 = tpu.memref_slice %arg4[%dma_wait3A_512, %dma_wait3A_513] : memref<100000x128xf32, #tpu.memory_space<hbm>> -> memref<100000x128xf32, #tpu.memory_space<hbm>>
    %dma_wait3A_515 = tpu.memref_slice %arg14[%dma_wait3A_504] : memref<4x!tpu.dma_semaphore, #tpu.memory_space<semaphore_mem>> -> memref<1x!tpu.dma_semaphore, #tpu.memory_space<semaphore_mem>>
    %dma_wait3A_516 = tpu.memref_squeeze %dma_wait3A_515 : memref<1x!tpu.dma_semaphore, #tpu.memory_space<semaphore_mem>> -> memref<!tpu.dma_semaphore, #tpu.memory_space<semaphore_mem>>
    tpu.wait_indirect_dma semaphore(%dma_wait3A_516 : memref<!tpu.dma_semaphore, #tpu.memory_space<semaphore_mem>>) src(%dma_wait3A_514 : memref<100000x128xf32, #tpu.memory_space<hbm>>) dst(%dma_wait3A_508 : memref<80x128xf32, #tpu.memory_space<vmem>>)
    %add3A_517 = arith.constant 560 : i32
    %add3A_518 = arith.addi %mul3A_13, %add3A_517 : i32
    %dma_start3A_519 = arith.constant 3 : i32
    %dma_start3A_520 = arith.constant 3 : i32
    %dma_start3A_521 = arith.constant 0 : i32
    %dma_start3A_522 = arith.constant 0 : i32
    %dma_start3A_523 = tpu.memref_slice %arg10[%dma_start3A_519, %dma_start3A_521, %dma_start3A_522] : memref<4x80x128xf32, #tpu.memory_space<vmem>> -> memref<1x80x128xf32, #tpu.memory_space<vmem>>
    %dma_start3A_524 = tpu.memref_squeeze %dma_start3A_523 : memref<1x80x128xf32, #tpu.memory_space<vmem>> -> memref<80x128xf32, #tpu.memory_space<vmem>>
    %dma_start3A_525 = arith.constant 0 : i32
    %dma_start3A_526 = tpu.memref_slice %arg6[%add3A_518, %dma_start3A_525] : memref<25600x128xf32, #tpu.memory_space<hbm>> -> memref<80x128xf32, #tpu.memory_space<hbm>>
    %dma_start3A_527 = tpu.memref_slice %arg15[%dma_start3A_520] : memref<4x!tpu.dma_semaphore, #tpu.memory_space<semaphore_mem>> -> memref<1x!tpu.dma_semaphore, #tpu.memory_space<semaphore_mem>>
    %dma_start3A_528 = tpu.memref_squeeze %dma_start3A_527 : memref<1x!tpu.dma_semaphore, #tpu.memory_space<semaphore_mem>> -> memref<!tpu.dma_semaphore, #tpu.memory_space<semaphore_mem>>
    %dma_start3A_529 = arith.constant 0 : i32
    %dma_start3A_530 = tpu.memref_slice %arg6[%add3A_518, %dma_start3A_529] : memref<25600x128xf32, #tpu.memory_space<hbm>> -> memref<80x128xf32, #tpu.memory_space<hbm>>
    %dma_start3A_531 = arith.constant 0 : i32
    %dma_start3A_532 = arith.constant 0 : i32
    %dma_start3A_533 = tpu.memref_slice %arg10[%dma_start3A_519, %dma_start3A_531, %dma_start3A_532] : memref<4x80x128xf32, #tpu.memory_space<vmem>> -> memref<1x80x128xf32, #tpu.memory_space<vmem>>
    %dma_start3A_534 = tpu.memref_squeeze %dma_start3A_533 : memref<1x80x128xf32, #tpu.memory_space<vmem>> -> memref<80x128xf32, #tpu.memory_space<vmem>>
    tpu.enqueue_dma source(%dma_start3A_534 : memref<80x128xf32, #tpu.memory_space<vmem>>) target(%dma_start3A_530 : memref<80x128xf32, #tpu.memory_space<hbm>>) target_semaphore(%dma_start3A_528 : memref<!tpu.dma_semaphore, #tpu.memory_space<semaphore_mem>>)
    %dma_wait3A_535 = arith.constant 8 : i32
    %dma_wait3A_536 = arith.constant 0 : i32
    %dma_wait3A_537 = arith.constant 0 : i32
    %dma_wait3A_538 = arith.constant 0 : i32
    %dma_wait3A_539 = arith.constant 0 : i32
    %dma_wait3A_540 = tpu.memref_slice %arg10[%dma_wait3A_536, %dma_wait3A_538, %dma_wait3A_539] : memref<4x80x128xf32, #tpu.memory_space<vmem>> -> memref<1x80x128xf32, #tpu.memory_space<vmem>>
    %dma_wait3A_541 = tpu.memref_squeeze %dma_wait3A_540 : memref<1x80x128xf32, #tpu.memory_space<vmem>> -> memref<80x128xf32, #tpu.memory_space<vmem>>
    %dma_wait3A_542 = arith.constant 0 : i32
    %dma_wait3A_543 = tpu.memref_slice %arg8[%dma_wait3A_535, %dma_wait3A_542] : memref<10x80xi32, #tpu.memory_space<vmem>> -> memref<1x80xi32, #tpu.memory_space<vmem>>
    %dma_wait3A_544 = tpu.memref_squeeze %dma_wait3A_543 : memref<1x80xi32, #tpu.memory_space<vmem>> -> memref<80xi32, #tpu.memory_space<vmem>>
    %dma_wait3A_545 = arith.constant 0 : i32
    %dma_wait3A_546 = arith.constant 0 : i32
    %dma_wait3A_547 = tpu.memref_slice %arg4[%dma_wait3A_545, %dma_wait3A_546] : memref<100000x128xf32, #tpu.memory_space<hbm>> -> memref<100000x128xf32, #tpu.memory_space<hbm>>
    %dma_wait3A_548 = tpu.memref_slice %arg14[%dma_wait3A_537] : memref<4x!tpu.dma_semaphore, #tpu.memory_space<semaphore_mem>> -> memref<1x!tpu.dma_semaphore, #tpu.memory_space<semaphore_mem>>
    %dma_wait3A_549 = tpu.memref_squeeze %dma_wait3A_548 : memref<1x!tpu.dma_semaphore, #tpu.memory_space<semaphore_mem>> -> memref<!tpu.dma_semaphore, #tpu.memory_space<semaphore_mem>>
    tpu.wait_indirect_dma semaphore(%dma_wait3A_549 : memref<!tpu.dma_semaphore, #tpu.memory_space<semaphore_mem>>) src(%dma_wait3A_547 : memref<100000x128xf32, #tpu.memory_space<hbm>>) dst(%dma_wait3A_541 : memref<80x128xf32, #tpu.memory_space<vmem>>)
    %add3A_550 = arith.constant 640 : i32
    %add3A_551 = arith.addi %mul3A_13, %add3A_550 : i32
    %dma_start3A_552 = arith.constant 0 : i32
    %dma_start3A_553 = arith.constant 0 : i32
    %dma_start3A_554 = arith.constant 0 : i32
    %dma_start3A_555 = arith.constant 0 : i32
    %dma_start3A_556 = tpu.memref_slice %arg10[%dma_start3A_552, %dma_start3A_554, %dma_start3A_555] : memref<4x80x128xf32, #tpu.memory_space<vmem>> -> memref<1x80x128xf32, #tpu.memory_space<vmem>>
    %dma_start3A_557 = tpu.memref_squeeze %dma_start3A_556 : memref<1x80x128xf32, #tpu.memory_space<vmem>> -> memref<80x128xf32, #tpu.memory_space<vmem>>
    %dma_start3A_558 = arith.constant 0 : i32
    %dma_start3A_559 = tpu.memref_slice %arg6[%add3A_551, %dma_start3A_558] : memref<25600x128xf32, #tpu.memory_space<hbm>> -> memref<80x128xf32, #tpu.memory_space<hbm>>
    %dma_start3A_560 = tpu.memref_slice %arg15[%dma_start3A_553] : memref<4x!tpu.dma_semaphore, #tpu.memory_space<semaphore_mem>> -> memref<1x!tpu.dma_semaphore, #tpu.memory_space<semaphore_mem>>
    %dma_start3A_561 = tpu.memref_squeeze %dma_start3A_560 : memref<1x!tpu.dma_semaphore, #tpu.memory_space<semaphore_mem>> -> memref<!tpu.dma_semaphore, #tpu.memory_space<semaphore_mem>>
    %dma_start3A_562 = arith.constant 0 : i32
    %dma_start3A_563 = tpu.memref_slice %arg6[%add3A_551, %dma_start3A_562] : memref<25600x128xf32, #tpu.memory_space<hbm>> -> memref<80x128xf32, #tpu.memory_space<hbm>>
    %dma_start3A_564 = arith.constant 0 : i32
    %dma_start3A_565 = arith.constant 0 : i32
    %dma_start3A_566 = tpu.memref_slice %arg10[%dma_start3A_552, %dma_start3A_564, %dma_start3A_565] : memref<4x80x128xf32, #tpu.memory_space<vmem>> -> memref<1x80x128xf32, #tpu.memory_space<vmem>>
    %dma_start3A_567 = tpu.memref_squeeze %dma_start3A_566 : memref<1x80x128xf32, #tpu.memory_space<vmem>> -> memref<80x128xf32, #tpu.memory_space<vmem>>
    tpu.enqueue_dma source(%dma_start3A_567 : memref<80x128xf32, #tpu.memory_space<vmem>>) target(%dma_start3A_563 : memref<80x128xf32, #tpu.memory_space<hbm>>) target_semaphore(%dma_start3A_561 : memref<!tpu.dma_semaphore, #tpu.memory_space<semaphore_mem>>)
    %dma_wait3A_568 = arith.constant 9 : i32
    %dma_wait3A_569 = arith.constant 1 : i32
    %dma_wait3A_570 = arith.constant 1 : i32
    %dma_wait3A_571 = arith.constant 0 : i32
    %dma_wait3A_572 = arith.constant 0 : i32
    %dma_wait3A_573 = tpu.memref_slice %arg10[%dma_wait3A_569, %dma_wait3A_571, %dma_wait3A_572] : memref<4x80x128xf32, #tpu.memory_space<vmem>> -> memref<1x80x128xf32, #tpu.memory_space<vmem>>
    %dma_wait3A_574 = tpu.memref_squeeze %dma_wait3A_573 : memref<1x80x128xf32, #tpu.memory_space<vmem>> -> memref<80x128xf32, #tpu.memory_space<vmem>>
    %dma_wait3A_575 = arith.constant 0 : i32
    %dma_wait3A_576 = tpu.memref_slice %arg8[%dma_wait3A_568, %dma_wait3A_575] : memref<10x80xi32, #tpu.memory_space<vmem>> -> memref<1x80xi32, #tpu.memory_space<vmem>>
    %dma_wait3A_577 = tpu.memref_squeeze %dma_wait3A_576 : memref<1x80xi32, #tpu.memory_space<vmem>> -> memref<80xi32, #tpu.memory_space<vmem>>
    %dma_wait3A_578 = arith.constant 0 : i32
    %dma_wait3A_579 = arith.constant 0 : i32
    %dma_wait3A_580 = tpu.memref_slice %arg4[%dma_wait3A_578, %dma_wait3A_579] : memref<100000x128xf32, #tpu.memory_space<hbm>> -> memref<100000x128xf32, #tpu.memory_space<hbm>>
    %dma_wait3A_581 = tpu.memref_slice %arg14[%dma_wait3A_570] : memref<4x!tpu.dma_semaphore, #tpu.memory_space<semaphore_mem>> -> memref<1x!tpu.dma_semaphore, #tpu.memory_space<semaphore_mem>>
    %dma_wait3A_582 = tpu.memref_squeeze %dma_wait3A_581 : memref<1x!tpu.dma_semaphore, #tpu.memory_space<semaphore_mem>> -> memref<!tpu.dma_semaphore, #tpu.memory_space<semaphore_mem>>
    tpu.wait_indirect_dma semaphore(%dma_wait3A_582 : memref<!tpu.dma_semaphore, #tpu.memory_space<semaphore_mem>>) src(%dma_wait3A_580 : memref<100000x128xf32, #tpu.memory_space<hbm>>) dst(%dma_wait3A_574 : memref<80x128xf32, #tpu.memory_space<vmem>>)
    %add3A_583 = arith.constant 720 : i32
    %add3A_584 = arith.addi %mul3A_13, %add3A_583 : i32
    %dma_start3A_585 = arith.constant 1 : i32
    %dma_start3A_586 = arith.constant 1 : i32
    %dma_start3A_587 = arith.constant 0 : i32
    %dma_start3A_588 = arith.constant 0 : i32
    %dma_start3A_589 = tpu.memref_slice %arg10[%dma_start3A_585, %dma_start3A_587, %dma_start3A_588] : memref<4x80x128xf32, #tpu.memory_space<vmem>> -> memref<1x80x128xf32, #tpu.memory_space<vmem>>
    %dma_start3A_590 = tpu.memref_squeeze %dma_start3A_589 : memref<1x80x128xf32, #tpu.memory_space<vmem>> -> memref<80x128xf32, #tpu.memory_space<vmem>>
    %dma_start3A_591 = arith.constant 0 : i32
    %dma_start3A_592 = tpu.memref_slice %arg6[%add3A_584, %dma_start3A_591] : memref<25600x128xf32, #tpu.memory_space<hbm>> -> memref<80x128xf32, #tpu.memory_space<hbm>>
    %dma_start3A_593 = tpu.memref_slice %arg15[%dma_start3A_586] : memref<4x!tpu.dma_semaphore, #tpu.memory_space<semaphore_mem>> -> memref<1x!tpu.dma_semaphore, #tpu.memory_space<semaphore_mem>>
    %dma_start3A_594 = tpu.memref_squeeze %dma_start3A_593 : memref<1x!tpu.dma_semaphore, #tpu.memory_space<semaphore_mem>> -> memref<!tpu.dma_semaphore, #tpu.memory_space<semaphore_mem>>
    %dma_start3A_595 = arith.constant 0 : i32
    %dma_start3A_596 = tpu.memref_slice %arg6[%add3A_584, %dma_start3A_595] : memref<25600x128xf32, #tpu.memory_space<hbm>> -> memref<80x128xf32, #tpu.memory_space<hbm>>
    %dma_start3A_597 = arith.constant 0 : i32
    %dma_start3A_598 = arith.constant 0 : i32
    %dma_start3A_599 = tpu.memref_slice %arg10[%dma_start3A_585, %dma_start3A_597, %dma_start3A_598] : memref<4x80x128xf32, #tpu.memory_space<vmem>> -> memref<1x80x128xf32, #tpu.memory_space<vmem>>
    %dma_start3A_600 = tpu.memref_squeeze %dma_start3A_599 : memref<1x80x128xf32, #tpu.memory_space<vmem>> -> memref<80x128xf32, #tpu.memory_space<vmem>>
    tpu.enqueue_dma source(%dma_start3A_600 : memref<80x128xf32, #tpu.memory_space<vmem>>) target(%dma_start3A_596 : memref<80x128xf32, #tpu.memory_space<hbm>>) target_semaphore(%dma_start3A_594 : memref<!tpu.dma_semaphore, #tpu.memory_space<semaphore_mem>>)
    %add3A_601 = arith.constant 480 : i32
    %add3A_602 = arith.addi %mul3A_13, %add3A_601 : i32
    %dma_wait3A_603 = arith.constant 2 : i32
    %dma_wait3A_604 = arith.constant 2 : i32
    %dma_wait3A_605 = arith.constant 0 : i32
    %dma_wait3A_606 = arith.constant 0 : i32
    %dma_wait3A_607 = tpu.memref_slice %arg10[%dma_wait3A_603, %dma_wait3A_605, %dma_wait3A_606] : memref<4x80x128xf32, #tpu.memory_space<vmem>> -> memref<1x80x128xf32, #tpu.memory_space<vmem>>
    %dma_wait3A_608 = tpu.memref_squeeze %dma_wait3A_607 : memref<1x80x128xf32, #tpu.memory_space<vmem>> -> memref<80x128xf32, #tpu.memory_space<vmem>>
    %dma_wait3A_609 = arith.constant 0 : i32
    %dma_wait3A_610 = tpu.memref_slice %arg6[%add3A_602, %dma_wait3A_609] : memref<25600x128xf32, #tpu.memory_space<hbm>> -> memref<80x128xf32, #tpu.memory_space<hbm>>
    %dma_wait3A_611 = tpu.memref_slice %arg15[%dma_wait3A_604] : memref<4x!tpu.dma_semaphore, #tpu.memory_space<semaphore_mem>> -> memref<1x!tpu.dma_semaphore, #tpu.memory_space<semaphore_mem>>
    %dma_wait3A_612 = tpu.memref_squeeze %dma_wait3A_611 : memref<1x!tpu.dma_semaphore, #tpu.memory_space<semaphore_mem>> -> memref<!tpu.dma_semaphore, #tpu.memory_space<semaphore_mem>>
    %dma_wait3A_613 = arith.constant 0 : i32
    %dma_wait3A_614 = tpu.memref_slice %arg6[%add3A_602, %dma_wait3A_613] : memref<25600x128xf32, #tpu.memory_space<hbm>> -> memref<80x128xf32, #tpu.memory_space<hbm>>
    %dma_wait3A_615 = arith.constant 0 : i32
    %dma_wait3A_616 = arith.constant 0 : i32
    %dma_wait3A_617 = tpu.memref_slice %arg10[%dma_wait3A_603, %dma_wait3A_615, %dma_wait3A_616] : memref<4x80x128xf32, #tpu.memory_space<vmem>> -> memref<1x80x128xf32, #tpu.memory_space<vmem>>
    %dma_wait3A_618 = tpu.memref_squeeze %dma_wait3A_617 : memref<1x80x128xf32, #tpu.memory_space<vmem>> -> memref<80x128xf32, #tpu.memory_space<vmem>>
    tpu.wait_dma2 semaphore(%dma_wait3A_612 : memref<!tpu.dma_semaphore, #tpu.memory_space<semaphore_mem>>) src(%dma_wait3A_618 : memref<80x128xf32, #tpu.memory_space<vmem>>) dst(%dma_wait3A_614 : memref<80x128xf32, #tpu.memory_space<hbm>>)
    %add3A_619 = arith.constant 560 : i32
    %add3A_620 = arith.addi %mul3A_13, %add3A_619 : i32
    %dma_wait3A_621 = arith.constant 3 : i32
    %dma_wait3A_622 = arith.constant 3 : i32
    %dma_wait3A_623 = arith.constant 0 : i32
    %dma_wait3A_624 = arith.constant 0 : i32
    %dma_wait3A_625 = tpu.memref_slice %arg10[%dma_wait3A_621, %dma_wait3A_623, %dma_wait3A_624] : memref<4x80x128xf32, #tpu.memory_space<vmem>> -> memref<1x80x128xf32, #tpu.memory_space<vmem>>
    %dma_wait3A_626 = tpu.memref_squeeze %dma_wait3A_625 : memref<1x80x128xf32, #tpu.memory_space<vmem>> -> memref<80x128xf32, #tpu.memory_space<vmem>>
    %dma_wait3A_627 = arith.constant 0 : i32
    %dma_wait3A_628 = tpu.memref_slice %arg6[%add3A_620, %dma_wait3A_627] : memref<25600x128xf32, #tpu.memory_space<hbm>> -> memref<80x128xf32, #tpu.memory_space<hbm>>
    %dma_wait3A_629 = tpu.memref_slice %arg15[%dma_wait3A_622] : memref<4x!tpu.dma_semaphore, #tpu.memory_space<semaphore_mem>> -> memref<1x!tpu.dma_semaphore, #tpu.memory_space<semaphore_mem>>
    %dma_wait3A_630 = tpu.memref_squeeze %dma_wait3A_629 : memref<1x!tpu.dma_semaphore, #tpu.memory_space<semaphore_mem>> -> memref<!tpu.dma_semaphore, #tpu.memory_space<semaphore_mem>>
    %dma_wait3A_631 = arith.constant 0 : i32
    %dma_wait3A_632 = tpu.memref_slice %arg6[%add3A_620, %dma_wait3A_631] : memref<25600x128xf32, #tpu.memory_space<hbm>> -> memref<80x128xf32, #tpu.memory_space<hbm>>
    %dma_wait3A_633 = arith.constant 0 : i32
    %dma_wait3A_634 = arith.constant 0 : i32
    %dma_wait3A_635 = tpu.memref_slice %arg10[%dma_wait3A_621, %dma_wait3A_633, %dma_wait3A_634] : memref<4x80x128xf32, #tpu.memory_space<vmem>> -> memref<1x80x128xf32, #tpu.memory_space<vmem>>
    %dma_wait3A_636 = tpu.memref_squeeze %dma_wait3A_635 : memref<1x80x128xf32, #tpu.memory_space<vmem>> -> memref<80x128xf32, #tpu.memory_space<vmem>>
    tpu.wait_dma2 semaphore(%dma_wait3A_630 : memref<!tpu.dma_semaphore, #tpu.memory_space<semaphore_mem>>) src(%dma_wait3A_636 : memref<80x128xf32, #tpu.memory_space<vmem>>) dst(%dma_wait3A_632 : memref<80x128xf32, #tpu.memory_space<hbm>>)
    %add3A_637 = arith.constant 640 : i32
    %add3A_638 = arith.addi %mul3A_13, %add3A_637 : i32
    %dma_wait3A_639 = arith.constant 0 : i32
    %dma_wait3A_640 = arith.constant 0 : i32
    %dma_wait3A_641 = arith.constant 0 : i32
    %dma_wait3A_642 = arith.constant 0 : i32
    %dma_wait3A_643 = tpu.memref_slice %arg10[%dma_wait3A_639, %dma_wait3A_641, %dma_wait3A_642] : memref<4x80x128xf32, #tpu.memory_space<vmem>> -> memref<1x80x128xf32, #tpu.memory_space<vmem>>
    %dma_wait3A_644 = tpu.memref_squeeze %dma_wait3A_643 : memref<1x80x128xf32, #tpu.memory_space<vmem>> -> memref<80x128xf32, #tpu.memory_space<vmem>>
    %dma_wait3A_645 = arith.constant 0 : i32
    %dma_wait3A_646 = tpu.memref_slice %arg6[%add3A_638, %dma_wait3A_645] : memref<25600x128xf32, #tpu.memory_space<hbm>> -> memref<80x128xf32, #tpu.memory_space<hbm>>
    %dma_wait3A_647 = tpu.memref_slice %arg15[%dma_wait3A_640] : memref<4x!tpu.dma_semaphore, #tpu.memory_space<semaphore_mem>> -> memref<1x!tpu.dma_semaphore, #tpu.memory_space<semaphore_mem>>
    %dma_wait3A_648 = tpu.memref_squeeze %dma_wait3A_647 : memref<1x!tpu.dma_semaphore, #tpu.memory_space<semaphore_mem>> -> memref<!tpu.dma_semaphore, #tpu.memory_space<semaphore_mem>>
    %dma_wait3A_649 = arith.constant 0 : i32
    %dma_wait3A_650 = tpu.memref_slice %arg6[%add3A_638, %dma_wait3A_649] : memref<25600x128xf32, #tpu.memory_space<hbm>> -> memref<80x128xf32, #tpu.memory_space<hbm>>
    %dma_wait3A_651 = arith.constant 0 : i32
    %dma_wait3A_652 = arith.constant 0 : i32
    %dma_wait3A_653 = tpu.memref_slice %arg10[%dma_wait3A_639, %dma_wait3A_651, %dma_wait3A_652] : memref<4x80x128xf32, #tpu.memory_space<vmem>> -> memref<1x80x128xf32, #tpu.memory_space<vmem>>
    %dma_wait3A_654 = tpu.memref_squeeze %dma_wait3A_653 : memref<1x80x128xf32, #tpu.memory_space<vmem>> -> memref<80x128xf32, #tpu.memory_space<vmem>>
    tpu.wait_dma2 semaphore(%dma_wait3A_648 : memref<!tpu.dma_semaphore, #tpu.memory_space<semaphore_mem>>) src(%dma_wait3A_654 : memref<80x128xf32, #tpu.memory_space<vmem>>) dst(%dma_wait3A_650 : memref<80x128xf32, #tpu.memory_space<hbm>>)
    %add3A_655 = arith.constant 720 : i32
    %add3A_656 = arith.addi %mul3A_13, %add3A_655 : i32
    %dma_wait3A_657 = arith.constant 1 : i32
    %dma_wait3A_658 = arith.constant 1 : i32
    %dma_wait3A_659 = arith.constant 0 : i32
    %dma_wait3A_660 = arith.constant 0 : i32
    %dma_wait3A_661 = tpu.memref_slice %arg10[%dma_wait3A_657, %dma_wait3A_659, %dma_wait3A_660] : memref<4x80x128xf32, #tpu.memory_space<vmem>> -> memref<1x80x128xf32, #tpu.memory_space<vmem>>
    %dma_wait3A_662 = tpu.memref_squeeze %dma_wait3A_661 : memref<1x80x128xf32, #tpu.memory_space<vmem>> -> memref<80x128xf32, #tpu.memory_space<vmem>>
    %dma_wait3A_663 = arith.constant 0 : i32
    %dma_wait3A_664 = tpu.memref_slice %arg6[%add3A_656, %dma_wait3A_663] : memref<25600x128xf32, #tpu.memory_space<hbm>> -> memref<80x128xf32, #tpu.memory_space<hbm>>
    %dma_wait3A_665 = tpu.memref_slice %arg15[%dma_wait3A_658] : memref<4x!tpu.dma_semaphore, #tpu.memory_space<semaphore_mem>> -> memref<1x!tpu.dma_semaphore, #tpu.memory_space<semaphore_mem>>
    %dma_wait3A_666 = tpu.memref_squeeze %dma_wait3A_665 : memref<1x!tpu.dma_semaphore, #tpu.memory_space<semaphore_mem>> -> memref<!tpu.dma_semaphore, #tpu.memory_space<semaphore_mem>>
    %dma_wait3A_667 = arith.constant 0 : i32
    %dma_wait3A_668 = tpu.memref_slice %arg6[%add3A_656, %dma_wait3A_667] : memref<25600x128xf32, #tpu.memory_space<hbm>> -> memref<80x128xf32, #tpu.memory_space<hbm>>
    %dma_wait3A_669 = arith.constant 0 : i32
    %dma_wait3A_670 = arith.constant 0 : i32
    %dma_wait3A_671 = tpu.memref_slice %arg10[%dma_wait3A_657, %dma_wait3A_669, %dma_wait3A_670] : memref<4x80x128xf32, #tpu.memory_space<vmem>> -> memref<1x80x128xf32, #tpu.memory_space<vmem>>
    %dma_wait3A_672 = tpu.memref_squeeze %dma_wait3A_671 : memref<1x80x128xf32, #tpu.memory_space<vmem>> -> memref<80x128xf32, #tpu.memory_space<vmem>>
    tpu.wait_dma2 semaphore(%dma_wait3A_666 : memref<!tpu.dma_semaphore, #tpu.memory_space<semaphore_mem>>) src(%dma_wait3A_672 : memref<80x128xf32, #tpu.memory_space<vmem>>) dst(%dma_wait3A_668 : memref<80x128xf32, #tpu.memory_space<hbm>>)
    %dma_wait3A_673 = arith.constant 0 : i32
    %dma_wait3A_674 = arith.constant 0 : i32
    %dma_wait3A_675 = arith.constant 0 : i32
    %dma_wait3A_676 = tpu.memref_slice %arg11[%dma_wait3A_673, %dma_wait3A_674, %dma_wait3A_675] : memref<1x32x128xf32, #tpu.memory_space<vmem>> -> memref<1x32x128xf32, #tpu.memory_space<vmem>>
    %dma_wait3A_677 = tpu.memref_squeeze %dma_wait3A_676 : memref<1x32x128xf32, #tpu.memory_space<vmem>> -> memref<32x128xf32, #tpu.memory_space<vmem>>
    %dma_wait3A_678 = arith.constant 0 : i32
    %dma_wait3A_679 = arith.constant 0 : i32
    %dma_wait3A_680 = tpu.memref_slice %arg5[%dma_wait3A_678, %dma_wait3A_679] : memref<100000x128xf32, #tpu.memory_space<hbm>> -> memref<100000x128xf32, #tpu.memory_space<hbm>>
    tpu.wait_indirect_dma semaphore(%arg12 : memref<!tpu.dma_semaphore, #tpu.memory_space<semaphore_mem>>) src(%dma_wait3A_680 : memref<100000x128xf32, #tpu.memory_space<hbm>>) dst(%dma_wait3A_677 : memref<32x128xf32, #tpu.memory_space<vmem>>)
    %dma_start3A_681 = arith.constant 0 : i32
    %dma_start3A_682 = arith.constant 0 : i32
    %dma_start3A_683 = arith.constant 0 : i32
    %dma_start3A_684 = tpu.memref_slice %arg11[%dma_start3A_681, %dma_start3A_682, %dma_start3A_683] : memref<1x32x128xf32, #tpu.memory_space<vmem>> -> memref<1x32x128xf32, #tpu.memory_space<vmem>>
    %dma_start3A_685 = tpu.memref_squeeze %dma_start3A_684 : memref<1x32x128xf32, #tpu.memory_space<vmem>> -> memref<32x128xf32, #tpu.memory_space<vmem>>
    %dma_start3A_686 = arith.constant 0 : i32
    %dma_start3A_687 = tpu.memref_slice %arg7[%mul3A_2, %dma_start3A_686] : memref<1024x128xf32, #tpu.memory_space<hbm>> -> memref<32x128xf32, #tpu.memory_space<hbm>>
    %dma_start3A_688 = arith.constant 0 : i32
    %dma_start3A_689 = tpu.memref_slice %arg7[%mul3A_2, %dma_start3A_688] : memref<1024x128xf32, #tpu.memory_space<hbm>> -> memref<32x128xf32, #tpu.memory_space<hbm>>
    %dma_start3A_690 = arith.constant 0 : i32
    %dma_start3A_691 = arith.constant 0 : i32
    %dma_start3A_692 = tpu.memref_slice %arg11[%dma_start3A_681, %dma_start3A_690, %dma_start3A_691] : memref<1x32x128xf32, #tpu.memory_space<vmem>> -> memref<1x32x128xf32, #tpu.memory_space<vmem>>
    %dma_start3A_693 = tpu.memref_squeeze %dma_start3A_692 : memref<1x32x128xf32, #tpu.memory_space<vmem>> -> memref<32x128xf32, #tpu.memory_space<vmem>>
    tpu.enqueue_dma source(%dma_start3A_693 : memref<32x128xf32, #tpu.memory_space<vmem>>) target(%dma_start3A_689 : memref<32x128xf32, #tpu.memory_space<hbm>>) target_semaphore(%arg13 : memref<!tpu.dma_semaphore, #tpu.memory_space<semaphore_mem>>)
    %dma_wait3A_694 = arith.constant 0 : i32
    %dma_wait3A_695 = arith.constant 0 : i32
    %dma_wait3A_696 = arith.constant 0 : i32
    %dma_wait3A_697 = tpu.memref_slice %arg11[%dma_wait3A_694, %dma_wait3A_695, %dma_wait3A_696] : memref<1x32x128xf32, #tpu.memory_space<vmem>> -> memref<1x32x128xf32, #tpu.memory_space<vmem>>
    %dma_wait3A_698 = tpu.memref_squeeze %dma_wait3A_697 : memref<1x32x128xf32, #tpu.memory_space<vmem>> -> memref<32x128xf32, #tpu.memory_space<vmem>>
    %dma_wait3A_699 = arith.constant 0 : i32
    %dma_wait3A_700 = tpu.memref_slice %arg7[%mul3A_2, %dma_wait3A_699] : memref<1024x128xf32, #tpu.memory_space<hbm>> -> memref<32x128xf32, #tpu.memory_space<hbm>>
    %dma_wait3A_701 = arith.constant 0 : i32
    %dma_wait3A_702 = tpu.memref_slice %arg7[%mul3A_2, %dma_wait3A_701] : memref<1024x128xf32, #tpu.memory_space<hbm>> -> memref<32x128xf32, #tpu.memory_space<hbm>>
    %dma_wait3A_703 = arith.constant 0 : i32
    %dma_wait3A_704 = arith.constant 0 : i32
    %dma_wait3A_705 = tpu.memref_slice %arg11[%dma_wait3A_694, %dma_wait3A_703, %dma_wait3A_704] : memref<1x32x128xf32, #tpu.memory_space<vmem>> -> memref<1x32x128xf32, #tpu.memory_space<vmem>>
    %dma_wait3A_706 = tpu.memref_squeeze %dma_wait3A_705 : memref<1x32x128xf32, #tpu.memory_space<vmem>> -> memref<32x128xf32, #tpu.memory_space<vmem>>
    tpu.wait_dma2 semaphore(%arg13 : memref<!tpu.dma_semaphore, #tpu.memory_space<semaphore_mem>>) src(%dma_wait3A_706 : memref<32x128xf32, #tpu.memory_space<vmem>>) dst(%dma_wait3A_702 : memref<32x128xf32, #tpu.memory_space<hbm>>)
    return
  }
}

#map = affine_map<(d0, d1) -> (0, 0, 0, 0)>
#map1 = affine_map<(d0, d1) -> (0)>
#map2 = affine_map<(d0, d1) -> (0, 0)>
module attributes {stable_mosaic.version = 14 : i64} {
  func.func @_sc_b_body(%arg0: i32, %arg1: i32, %arg2: memref<2x32x10x80xi32, #tpu.memory_space<hbm>>, %arg3: memref<3072xi32, #tpu.memory_space<hbm>>, %arg4: memref<100000x128xf32, #tpu.memory_space<hbm>>, %arg5: memref<25600x128xf32, #tpu.memory_space<hbm>>, %arg6: memref<1024x128xf32, #tpu.memory_space<hbm>>, %arg7: memref<1024x128xf32, #tpu.memory_space<hbm>>, %arg8: memref<10x80xi32, #tpu.memory_space<vmem>>, %arg9: memref<32xi32, #tpu.memory_space<vmem>>, %arg10: memref<32xi32, #tpu.memory_space<vmem>>, %arg11: memref<4x80x128xf32, #tpu.memory_space<vmem>>, %arg12: memref<2x32x128xf32, #tpu.memory_space<vmem>>, %arg13: memref<4x!tpu.dma_semaphore, #tpu.memory_space<semaphore_mem>>, %arg14: memref<4x!tpu.dma_semaphore, #tpu.memory_space<semaphore_mem>>) attributes {dimension_semantics = [#tpu.dimension_semantics<core_parallel>, #tpu.dimension_semantics<subcore_parallel>], iteration_bounds = array<i64: 2, 16>, scalar_prefetch = 0 : i64, scratch_operands = 7 : i64, tpu.core_type = #tpu.core_type<sc_vector_subcore>, window_params = [{transform_indices = #map}, {transform_indices = #map1}, {transform_indices = #map2}, {transform_indices = #map2}, {transform_indices = #map2}, {transform_indices = #map2}]} {
    %mul3A = arith.constant 2 : i32
    %mul3A_0 = arith.muli %arg1, %mul3A : i32
    %add3A = arith.addi %mul3A_0, %arg0 : i32
    %mul3A_1 = arith.constant 32 : i32
    %mul3A_2 = arith.muli %add3A, %mul3A_1 : i32
    %mul3A_3 = arith.constant 10 : i32
    %mul3A_4 = arith.muli %add3A, %mul3A_3 : i32
    %mul3A_5 = arith.constant 80 : i32
    %mul3A_6 = arith.muli %mul3A_4, %mul3A_5 : i32
    %run_scoped3A = arith.constant 1 : i32
    "tpu.region"() ({
      %run_scoped3A_777 = tpu.sem_alloc : memref<!tpu.dma_semaphore, #tpu.memory_space<semaphore_mem>>
      %dma_start3A_778 = arith.constant 0 : i32
      %dma_start3A_779 = arith.constant 0 : i32
      %dma_start3A_780 = arith.constant 0 : i32
      %dma_start3A_781 = tpu.memref_slice %arg2[%run_scoped3A, %dma_start3A_778, %dma_start3A_779, %dma_start3A_780] : memref<2x32x10x80xi32, #tpu.memory_space<hbm>> -> memref<1x32x10x80xi32, #tpu.memory_space<hbm>>
      %dma_start3A_782 = tpu.memref_squeeze %dma_start3A_781 : memref<1x32x10x80xi32, #tpu.memory_space<hbm>> -> memref<32x10x80xi32, #tpu.memory_space<hbm>>
      %dma_start3A_783 = arith.constant 0 : i32
      %dma_start3A_784 = arith.constant 0 : i32
      %dma_start3A_785 = tpu.memref_slice %dma_start3A_782[%add3A, %dma_start3A_783, %dma_start3A_784] : memref<32x10x80xi32, #tpu.memory_space<hbm>> -> memref<1x10x80xi32, #tpu.memory_space<hbm>>
      %dma_start3A_786 = tpu.memref_squeeze %dma_start3A_785 : memref<1x10x80xi32, #tpu.memory_space<hbm>> -> memref<10x80xi32, #tpu.memory_space<hbm>>
      %dma_start3A_787 = arith.constant 0 : i32
      %dma_start3A_788 = arith.constant 0 : i32
      %dma_start3A_789 = arith.constant 0 : i32
      %dma_start3A_790 = tpu.memref_slice %arg2[%run_scoped3A, %dma_start3A_787, %dma_start3A_788, %dma_start3A_789] : memref<2x32x10x80xi32, #tpu.memory_space<hbm>> -> memref<1x32x10x80xi32, #tpu.memory_space<hbm>>
      %dma_start3A_791 = tpu.memref_squeeze %dma_start3A_790 : memref<1x32x10x80xi32, #tpu.memory_space<hbm>> -> memref<32x10x80xi32, #tpu.memory_space<hbm>>
      %dma_start3A_792 = arith.constant 0 : i32
      %dma_start3A_793 = arith.constant 0 : i32
      %dma_start3A_794 = tpu.memref_slice %dma_start3A_791[%add3A, %dma_start3A_792, %dma_start3A_793] : memref<32x10x80xi32, #tpu.memory_space<hbm>> -> memref<1x10x80xi32, #tpu.memory_space<hbm>>
      %dma_start3A_795 = tpu.memref_squeeze %dma_start3A_794 : memref<1x10x80xi32, #tpu.memory_space<hbm>> -> memref<10x80xi32, #tpu.memory_space<hbm>>
      tpu.enqueue_dma source(%dma_start3A_795 : memref<10x80xi32, #tpu.memory_space<hbm>>) target(%arg8 : memref<10x80xi32, #tpu.memory_space<vmem>>) target_semaphore(%run_scoped3A_777 : memref<!tpu.dma_semaphore, #tpu.memory_space<semaphore_mem>>)
      %dma_wait3A_796 = arith.constant 0 : i32
      %dma_wait3A_797 = arith.constant 0 : i32
      %dma_wait3A_798 = arith.constant 0 : i32
      %dma_wait3A_799 = tpu.memref_slice %arg2[%run_scoped3A, %dma_wait3A_796, %dma_wait3A_797, %dma_wait3A_798] : memref<2x32x10x80xi32, #tpu.memory_space<hbm>> -> memref<1x32x10x80xi32, #tpu.memory_space<hbm>>
      %dma_wait3A_800 = tpu.memref_squeeze %dma_wait3A_799 : memref<1x32x10x80xi32, #tpu.memory_space<hbm>> -> memref<32x10x80xi32, #tpu.memory_space<hbm>>
      %dma_wait3A_801 = arith.constant 0 : i32
      %dma_wait3A_802 = arith.constant 0 : i32
      %dma_wait3A_803 = tpu.memref_slice %dma_wait3A_800[%add3A, %dma_wait3A_801, %dma_wait3A_802] : memref<32x10x80xi32, #tpu.memory_space<hbm>> -> memref<1x10x80xi32, #tpu.memory_space<hbm>>
      %dma_wait3A_804 = tpu.memref_squeeze %dma_wait3A_803 : memref<1x10x80xi32, #tpu.memory_space<hbm>> -> memref<10x80xi32, #tpu.memory_space<hbm>>
      %dma_wait3A_805 = arith.constant 0 : i32
      %dma_wait3A_806 = arith.constant 0 : i32
      %dma_wait3A_807 = arith.constant 0 : i32
      %dma_wait3A_808 = tpu.memref_slice %arg2[%run_scoped3A, %dma_wait3A_805, %dma_wait3A_806, %dma_wait3A_807] : memref<2x32x10x80xi32, #tpu.memory_space<hbm>> -> memref<1x32x10x80xi32, #tpu.memory_space<hbm>>
      %dma_wait3A_809 = tpu.memref_squeeze %dma_wait3A_808 : memref<1x32x10x80xi32, #tpu.memory_space<hbm>> -> memref<32x10x80xi32, #tpu.memory_space<hbm>>
      %dma_wait3A_810 = arith.constant 0 : i32
      %dma_wait3A_811 = arith.constant 0 : i32
      %dma_wait3A_812 = tpu.memref_slice %dma_wait3A_809[%add3A, %dma_wait3A_810, %dma_wait3A_811] : memref<32x10x80xi32, #tpu.memory_space<hbm>> -> memref<1x10x80xi32, #tpu.memory_space<hbm>>
      %dma_wait3A_813 = tpu.memref_squeeze %dma_wait3A_812 : memref<1x10x80xi32, #tpu.memory_space<hbm>> -> memref<10x80xi32, #tpu.memory_space<hbm>>
      tpu.wait_dma2 semaphore(%run_scoped3A_777 : memref<!tpu.dma_semaphore, #tpu.memory_space<semaphore_mem>>) src(%dma_wait3A_813 : memref<10x80xi32, #tpu.memory_space<hbm>>) dst(%arg8 : memref<10x80xi32, #tpu.memory_space<vmem>>)
      tpu.yield
    }) : () -> ()
    %dma_start3A = arith.constant 0 : i32
    %dma_start3A_7 = arith.constant 0 : i32
    %dma_start3A_8 = arith.constant 0 : i32
    %dma_start3A_9 = arith.constant 0 : i32
    %dma_start3A_10 = arith.constant 0 : i32
    %dma_start3A_11 = tpu.memref_slice %arg11[%dma_start3A_7, %dma_start3A_9, %dma_start3A_10] : memref<4x80x128xf32, #tpu.memory_space<vmem>> -> memref<1x80x128xf32, #tpu.memory_space<vmem>>
    %dma_start3A_12 = tpu.memref_squeeze %dma_start3A_11 : memref<1x80x128xf32, #tpu.memory_space<vmem>> -> memref<80x128xf32, #tpu.memory_space<vmem>>
    %dma_start3A_13 = arith.constant 0 : i32
    %dma_start3A_14 = tpu.memref_slice %arg8[%dma_start3A, %dma_start3A_13] : memref<10x80xi32, #tpu.memory_space<vmem>> -> memref<1x80xi32, #tpu.memory_space<vmem>>
    %dma_start3A_15 = tpu.memref_squeeze %dma_start3A_14 : memref<1x80xi32, #tpu.memory_space<vmem>> -> memref<80xi32, #tpu.memory_space<vmem>>
    %dma_start3A_16 = arith.constant 0 : i32
    %dma_start3A_17 = arith.constant 0 : i32
    %dma_start3A_18 = tpu.memref_slice %arg4[%dma_start3A_16, %dma_start3A_17] : memref<100000x128xf32, #tpu.memory_space<hbm>> -> memref<100000x128xf32, #tpu.memory_space<hbm>>
    %dma_start3A_19 = tpu.memref_slice %arg13[%dma_start3A_8] : memref<4x!tpu.dma_semaphore, #tpu.memory_space<semaphore_mem>> -> memref<1x!tpu.dma_semaphore, #tpu.memory_space<semaphore_mem>>
    %dma_start3A_20 = tpu.memref_squeeze %dma_start3A_19 : memref<1x!tpu.dma_semaphore, #tpu.memory_space<semaphore_mem>> -> memref<!tpu.dma_semaphore, #tpu.memory_space<semaphore_mem>>
    tpu.enqueue_indirect_dma source(%dma_start3A_18 : memref<100000x128xf32, #tpu.memory_space<hbm>>) target(%dma_start3A_12 : memref<80x128xf32, #tpu.memory_space<vmem>>) offsets(%dma_start3A_15 : memref<80xi32, #tpu.memory_space<vmem>>) semaphore(%dma_start3A_20 : memref<!tpu.dma_semaphore, #tpu.memory_space<semaphore_mem>>)
    %dma_start3A_21 = arith.constant 1 : i32
    %dma_start3A_22 = arith.constant 1 : i32
    %dma_start3A_23 = arith.constant 1 : i32
    %dma_start3A_24 = arith.constant 0 : i32
    %dma_start3A_25 = arith.constant 0 : i32
    %dma_start3A_26 = tpu.memref_slice %arg11[%dma_start3A_22, %dma_start3A_24, %dma_start3A_25] : memref<4x80x128xf32, #tpu.memory_space<vmem>> -> memref<1x80x128xf32, #tpu.memory_space<vmem>>
    %dma_start3A_27 = tpu.memref_squeeze %dma_start3A_26 : memref<1x80x128xf32, #tpu.memory_space<vmem>> -> memref<80x128xf32, #tpu.memory_space<vmem>>
    %dma_start3A_28 = arith.constant 0 : i32
    %dma_start3A_29 = tpu.memref_slice %arg8[%dma_start3A_21, %dma_start3A_28] : memref<10x80xi32, #tpu.memory_space<vmem>> -> memref<1x80xi32, #tpu.memory_space<vmem>>
    %dma_start3A_30 = tpu.memref_squeeze %dma_start3A_29 : memref<1x80xi32, #tpu.memory_space<vmem>> -> memref<80xi32, #tpu.memory_space<vmem>>
    %dma_start3A_31 = arith.constant 0 : i32
    %dma_start3A_32 = arith.constant 0 : i32
    %dma_start3A_33 = tpu.memref_slice %arg4[%dma_start3A_31, %dma_start3A_32] : memref<100000x128xf32, #tpu.memory_space<hbm>> -> memref<100000x128xf32, #tpu.memory_space<hbm>>
    %dma_start3A_34 = tpu.memref_slice %arg13[%dma_start3A_23] : memref<4x!tpu.dma_semaphore, #tpu.memory_space<semaphore_mem>> -> memref<1x!tpu.dma_semaphore, #tpu.memory_space<semaphore_mem>>
    %dma_start3A_35 = tpu.memref_squeeze %dma_start3A_34 : memref<1x!tpu.dma_semaphore, #tpu.memory_space<semaphore_mem>> -> memref<!tpu.dma_semaphore, #tpu.memory_space<semaphore_mem>>
    tpu.enqueue_indirect_dma source(%dma_start3A_33 : memref<100000x128xf32, #tpu.memory_space<hbm>>) target(%dma_start3A_27 : memref<80x128xf32, #tpu.memory_space<vmem>>) offsets(%dma_start3A_30 : memref<80xi32, #tpu.memory_space<vmem>>) semaphore(%dma_start3A_35 : memref<!tpu.dma_semaphore, #tpu.memory_space<semaphore_mem>>)
    %dma_start3A_36 = arith.constant 2 : i32
    %dma_start3A_37 = arith.constant 2 : i32
    %dma_start3A_38 = arith.constant 2 : i32
    %dma_start3A_39 = arith.constant 0 : i32
    %dma_start3A_40 = arith.constant 0 : i32
    %dma_start3A_41 = tpu.memref_slice %arg11[%dma_start3A_37, %dma_start3A_39, %dma_start3A_40] : memref<4x80x128xf32, #tpu.memory_space<vmem>> -> memref<1x80x128xf32, #tpu.memory_space<vmem>>
    %dma_start3A_42 = tpu.memref_squeeze %dma_start3A_41 : memref<1x80x128xf32, #tpu.memory_space<vmem>> -> memref<80x128xf32, #tpu.memory_space<vmem>>
    %dma_start3A_43 = arith.constant 0 : i32
    %dma_start3A_44 = tpu.memref_slice %arg8[%dma_start3A_36, %dma_start3A_43] : memref<10x80xi32, #tpu.memory_space<vmem>> -> memref<1x80xi32, #tpu.memory_space<vmem>>
    %dma_start3A_45 = tpu.memref_squeeze %dma_start3A_44 : memref<1x80xi32, #tpu.memory_space<vmem>> -> memref<80xi32, #tpu.memory_space<vmem>>
    %dma_start3A_46 = arith.constant 0 : i32
    %dma_start3A_47 = arith.constant 0 : i32
    %dma_start3A_48 = tpu.memref_slice %arg4[%dma_start3A_46, %dma_start3A_47] : memref<100000x128xf32, #tpu.memory_space<hbm>> -> memref<100000x128xf32, #tpu.memory_space<hbm>>
    %dma_start3A_49 = tpu.memref_slice %arg13[%dma_start3A_38] : memref<4x!tpu.dma_semaphore, #tpu.memory_space<semaphore_mem>> -> memref<1x!tpu.dma_semaphore, #tpu.memory_space<semaphore_mem>>
    %dma_start3A_50 = tpu.memref_squeeze %dma_start3A_49 : memref<1x!tpu.dma_semaphore, #tpu.memory_space<semaphore_mem>> -> memref<!tpu.dma_semaphore, #tpu.memory_space<semaphore_mem>>
    tpu.enqueue_indirect_dma source(%dma_start3A_48 : memref<100000x128xf32, #tpu.memory_space<hbm>>) target(%dma_start3A_42 : memref<80x128xf32, #tpu.memory_space<vmem>>) offsets(%dma_start3A_45 : memref<80xi32, #tpu.memory_space<vmem>>) semaphore(%dma_start3A_50 : memref<!tpu.dma_semaphore, #tpu.memory_space<semaphore_mem>>)
    %dma_wait3A = arith.constant 0 : i32
    %dma_wait3A_51 = arith.constant 0 : i32
    %dma_wait3A_52 = arith.constant 0 : i32
    %dma_wait3A_53 = arith.constant 0 : i32
    %dma_wait3A_54 = arith.constant 0 : i32
    %dma_wait3A_55 = tpu.memref_slice %arg11[%dma_wait3A_51, %dma_wait3A_53, %dma_wait3A_54] : memref<4x80x128xf32, #tpu.memory_space<vmem>> -> memref<1x80x128xf32, #tpu.memory_space<vmem>>
    %dma_wait3A_56 = tpu.memref_squeeze %dma_wait3A_55 : memref<1x80x128xf32, #tpu.memory_space<vmem>> -> memref<80x128xf32, #tpu.memory_space<vmem>>
    %dma_wait3A_57 = arith.constant 0 : i32
    %dma_wait3A_58 = tpu.memref_slice %arg8[%dma_wait3A, %dma_wait3A_57] : memref<10x80xi32, #tpu.memory_space<vmem>> -> memref<1x80xi32, #tpu.memory_space<vmem>>
    %dma_wait3A_59 = tpu.memref_squeeze %dma_wait3A_58 : memref<1x80xi32, #tpu.memory_space<vmem>> -> memref<80xi32, #tpu.memory_space<vmem>>
    %dma_wait3A_60 = arith.constant 0 : i32
    %dma_wait3A_61 = arith.constant 0 : i32
    %dma_wait3A_62 = tpu.memref_slice %arg4[%dma_wait3A_60, %dma_wait3A_61] : memref<100000x128xf32, #tpu.memory_space<hbm>> -> memref<100000x128xf32, #tpu.memory_space<hbm>>
    %dma_wait3A_63 = tpu.memref_slice %arg13[%dma_wait3A_52] : memref<4x!tpu.dma_semaphore, #tpu.memory_space<semaphore_mem>> -> memref<1x!tpu.dma_semaphore, #tpu.memory_space<semaphore_mem>>
    %dma_wait3A_64 = tpu.memref_squeeze %dma_wait3A_63 : memref<1x!tpu.dma_semaphore, #tpu.memory_space<semaphore_mem>> -> memref<!tpu.dma_semaphore, #tpu.memory_space<semaphore_mem>>
    tpu.wait_indirect_dma semaphore(%dma_wait3A_64 : memref<!tpu.dma_semaphore, #tpu.memory_space<semaphore_mem>>) src(%dma_wait3A_62 : memref<100000x128xf32, #tpu.memory_space<hbm>>) dst(%dma_wait3A_56 : memref<80x128xf32, #tpu.memory_space<vmem>>)
    %add3A_65 = arith.constant 0 : i32
    %add3A_66 = arith.addi %mul3A_6, %add3A_65 : i32
    %dma_start3A_67 = arith.constant 0 : i32
    %dma_start3A_68 = arith.constant 0 : i32
    %dma_start3A_69 = arith.constant 0 : i32
    %dma_start3A_70 = arith.constant 0 : i32
    %dma_start3A_71 = tpu.memref_slice %arg11[%dma_start3A_67, %dma_start3A_69, %dma_start3A_70] : memref<4x80x128xf32, #tpu.memory_space<vmem>> -> memref<1x80x128xf32, #tpu.memory_space<vmem>>
    %dma_start3A_72 = tpu.memref_squeeze %dma_start3A_71 : memref<1x80x128xf32, #tpu.memory_space<vmem>> -> memref<80x128xf32, #tpu.memory_space<vmem>>
    %dma_start3A_73 = arith.constant 0 : i32
    %dma_start3A_74 = tpu.memref_slice %arg5[%add3A_66, %dma_start3A_73] : memref<25600x128xf32, #tpu.memory_space<hbm>> -> memref<80x128xf32, #tpu.memory_space<hbm>>
    %dma_start3A_75 = tpu.memref_slice %arg14[%dma_start3A_68] : memref<4x!tpu.dma_semaphore, #tpu.memory_space<semaphore_mem>> -> memref<1x!tpu.dma_semaphore, #tpu.memory_space<semaphore_mem>>
    %dma_start3A_76 = tpu.memref_squeeze %dma_start3A_75 : memref<1x!tpu.dma_semaphore, #tpu.memory_space<semaphore_mem>> -> memref<!tpu.dma_semaphore, #tpu.memory_space<semaphore_mem>>
    %dma_start3A_77 = arith.constant 0 : i32
    %dma_start3A_78 = tpu.memref_slice %arg5[%add3A_66, %dma_start3A_77] : memref<25600x128xf32, #tpu.memory_space<hbm>> -> memref<80x128xf32, #tpu.memory_space<hbm>>
    %dma_start3A_79 = arith.constant 0 : i32
    %dma_start3A_80 = arith.constant 0 : i32
    %dma_start3A_81 = tpu.memref_slice %arg11[%dma_start3A_67, %dma_start3A_79, %dma_start3A_80] : memref<4x80x128xf32, #tpu.memory_space<vmem>> -> memref<1x80x128xf32, #tpu.memory_space<vmem>>
    %dma_start3A_82 = tpu.memref_squeeze %dma_start3A_81 : memref<1x80x128xf32, #tpu.memory_space<vmem>> -> memref<80x128xf32, #tpu.memory_space<vmem>>
    tpu.enqueue_dma source(%dma_start3A_82 : memref<80x128xf32, #tpu.memory_space<vmem>>) target(%dma_start3A_78 : memref<80x128xf32, #tpu.memory_space<hbm>>) target_semaphore(%dma_start3A_76 : memref<!tpu.dma_semaphore, #tpu.memory_space<semaphore_mem>>)
    %dma_start3A_83 = arith.constant 3 : i32
    %dma_start3A_84 = arith.constant 3 : i32
    %dma_start3A_85 = arith.constant 3 : i32
    %dma_start3A_86 = arith.constant 0 : i32
    %dma_start3A_87 = arith.constant 0 : i32
    %dma_start3A_88 = tpu.memref_slice %arg11[%dma_start3A_84, %dma_start3A_86, %dma_start3A_87] : memref<4x80x128xf32, #tpu.memory_space<vmem>> -> memref<1x80x128xf32, #tpu.memory_space<vmem>>
    %dma_start3A_89 = tpu.memref_squeeze %dma_start3A_88 : memref<1x80x128xf32, #tpu.memory_space<vmem>> -> memref<80x128xf32, #tpu.memory_space<vmem>>
    %dma_start3A_90 = arith.constant 0 : i32
    %dma_start3A_91 = tpu.memref_slice %arg8[%dma_start3A_83, %dma_start3A_90] : memref<10x80xi32, #tpu.memory_space<vmem>> -> memref<1x80xi32, #tpu.memory_space<vmem>>
    %dma_start3A_92 = tpu.memref_squeeze %dma_start3A_91 : memref<1x80xi32, #tpu.memory_space<vmem>> -> memref<80xi32, #tpu.memory_space<vmem>>
    %dma_start3A_93 = arith.constant 0 : i32
    %dma_start3A_94 = arith.constant 0 : i32
    %dma_start3A_95 = tpu.memref_slice %arg4[%dma_start3A_93, %dma_start3A_94] : memref<100000x128xf32, #tpu.memory_space<hbm>> -> memref<100000x128xf32, #tpu.memory_space<hbm>>
    %dma_start3A_96 = tpu.memref_slice %arg13[%dma_start3A_85] : memref<4x!tpu.dma_semaphore, #tpu.memory_space<semaphore_mem>> -> memref<1x!tpu.dma_semaphore, #tpu.memory_space<semaphore_mem>>
    %dma_start3A_97 = tpu.memref_squeeze %dma_start3A_96 : memref<1x!tpu.dma_semaphore, #tpu.memory_space<semaphore_mem>> -> memref<!tpu.dma_semaphore, #tpu.memory_space<semaphore_mem>>
    tpu.enqueue_indirect_dma source(%dma_start3A_95 : memref<100000x128xf32, #tpu.memory_space<hbm>>) target(%dma_start3A_89 : memref<80x128xf32, #tpu.memory_space<vmem>>) offsets(%dma_start3A_92 : memref<80xi32, #tpu.memory_space<vmem>>) semaphore(%dma_start3A_97 : memref<!tpu.dma_semaphore, #tpu.memory_space<semaphore_mem>>)
    %dma_wait3A_98 = arith.constant 1 : i32
    %dma_wait3A_99 = arith.constant 1 : i32
    %dma_wait3A_100 = arith.constant 1 : i32
    %dma_wait3A_101 = arith.constant 0 : i32
    %dma_wait3A_102 = arith.constant 0 : i32
    %dma_wait3A_103 = tpu.memref_slice %arg11[%dma_wait3A_99, %dma_wait3A_101, %dma_wait3A_102] : memref<4x80x128xf32, #tpu.memory_space<vmem>> -> memref<1x80x128xf32, #tpu.memory_space<vmem>>
    %dma_wait3A_104 = tpu.memref_squeeze %dma_wait3A_103 : memref<1x80x128xf32, #tpu.memory_space<vmem>> -> memref<80x128xf32, #tpu.memory_space<vmem>>
    %dma_wait3A_105 = arith.constant 0 : i32
    %dma_wait3A_106 = tpu.memref_slice %arg8[%dma_wait3A_98, %dma_wait3A_105] : memref<10x80xi32, #tpu.memory_space<vmem>> -> memref<1x80xi32, #tpu.memory_space<vmem>>
    %dma_wait3A_107 = tpu.memref_squeeze %dma_wait3A_106 : memref<1x80xi32, #tpu.memory_space<vmem>> -> memref<80xi32, #tpu.memory_space<vmem>>
    %dma_wait3A_108 = arith.constant 0 : i32
    %dma_wait3A_109 = arith.constant 0 : i32
    %dma_wait3A_110 = tpu.memref_slice %arg4[%dma_wait3A_108, %dma_wait3A_109] : memref<100000x128xf32, #tpu.memory_space<hbm>> -> memref<100000x128xf32, #tpu.memory_space<hbm>>
    %dma_wait3A_111 = tpu.memref_slice %arg13[%dma_wait3A_100] : memref<4x!tpu.dma_semaphore, #tpu.memory_space<semaphore_mem>> -> memref<1x!tpu.dma_semaphore, #tpu.memory_space<semaphore_mem>>
    %dma_wait3A_112 = tpu.memref_squeeze %dma_wait3A_111 : memref<1x!tpu.dma_semaphore, #tpu.memory_space<semaphore_mem>> -> memref<!tpu.dma_semaphore, #tpu.memory_space<semaphore_mem>>
    tpu.wait_indirect_dma semaphore(%dma_wait3A_112 : memref<!tpu.dma_semaphore, #tpu.memory_space<semaphore_mem>>) src(%dma_wait3A_110 : memref<100000x128xf32, #tpu.memory_space<hbm>>) dst(%dma_wait3A_104 : memref<80x128xf32, #tpu.memory_space<vmem>>)
    %add3A_113 = arith.constant 80 : i32
    %add3A_114 = arith.addi %mul3A_6, %add3A_113 : i32
    %dma_start3A_115 = arith.constant 1 : i32
    %dma_start3A_116 = arith.constant 1 : i32
    %dma_start3A_117 = arith.constant 0 : i32
    %dma_start3A_118 = arith.constant 0 : i32
    %dma_start3A_119 = tpu.memref_slice %arg11[%dma_start3A_115, %dma_start3A_117, %dma_start3A_118] : memref<4x80x128xf32, #tpu.memory_space<vmem>> -> memref<1x80x128xf32, #tpu.memory_space<vmem>>
    %dma_start3A_120 = tpu.memref_squeeze %dma_start3A_119 : memref<1x80x128xf32, #tpu.memory_space<vmem>> -> memref<80x128xf32, #tpu.memory_space<vmem>>
    %dma_start3A_121 = arith.constant 0 : i32
    %dma_start3A_122 = tpu.memref_slice %arg5[%add3A_114, %dma_start3A_121] : memref<25600x128xf32, #tpu.memory_space<hbm>> -> memref<80x128xf32, #tpu.memory_space<hbm>>
    %dma_start3A_123 = tpu.memref_slice %arg14[%dma_start3A_116] : memref<4x!tpu.dma_semaphore, #tpu.memory_space<semaphore_mem>> -> memref<1x!tpu.dma_semaphore, #tpu.memory_space<semaphore_mem>>
    %dma_start3A_124 = tpu.memref_squeeze %dma_start3A_123 : memref<1x!tpu.dma_semaphore, #tpu.memory_space<semaphore_mem>> -> memref<!tpu.dma_semaphore, #tpu.memory_space<semaphore_mem>>
    %dma_start3A_125 = arith.constant 0 : i32
    %dma_start3A_126 = tpu.memref_slice %arg5[%add3A_114, %dma_start3A_125] : memref<25600x128xf32, #tpu.memory_space<hbm>> -> memref<80x128xf32, #tpu.memory_space<hbm>>
    %dma_start3A_127 = arith.constant 0 : i32
    %dma_start3A_128 = arith.constant 0 : i32
    %dma_start3A_129 = tpu.memref_slice %arg11[%dma_start3A_115, %dma_start3A_127, %dma_start3A_128] : memref<4x80x128xf32, #tpu.memory_space<vmem>> -> memref<1x80x128xf32, #tpu.memory_space<vmem>>
    %dma_start3A_130 = tpu.memref_squeeze %dma_start3A_129 : memref<1x80x128xf32, #tpu.memory_space<vmem>> -> memref<80x128xf32, #tpu.memory_space<vmem>>
    tpu.enqueue_dma source(%dma_start3A_130 : memref<80x128xf32, #tpu.memory_space<vmem>>) target(%dma_start3A_126 : memref<80x128xf32, #tpu.memory_space<hbm>>) target_semaphore(%dma_start3A_124 : memref<!tpu.dma_semaphore, #tpu.memory_space<semaphore_mem>>)
    %add3A_131 = arith.constant 0 : i32
    %add3A_132 = arith.addi %mul3A_6, %add3A_131 : i32
    %dma_wait3A_133 = arith.constant 0 : i32
    %dma_wait3A_134 = arith.constant 0 : i32
    %dma_wait3A_135 = arith.constant 0 : i32
    %dma_wait3A_136 = arith.constant 0 : i32
    %dma_wait3A_137 = tpu.memref_slice %arg11[%dma_wait3A_133, %dma_wait3A_135, %dma_wait3A_136] : memref<4x80x128xf32, #tpu.memory_space<vmem>> -> memref<1x80x128xf32, #tpu.memory_space<vmem>>
    %dma_wait3A_138 = tpu.memref_squeeze %dma_wait3A_137 : memref<1x80x128xf32, #tpu.memory_space<vmem>> -> memref<80x128xf32, #tpu.memory_space<vmem>>
    %dma_wait3A_139 = arith.constant 0 : i32
    %dma_wait3A_140 = tpu.memref_slice %arg5[%add3A_132, %dma_wait3A_139] : memref<25600x128xf32, #tpu.memory_space<hbm>> -> memref<80x128xf32, #tpu.memory_space<hbm>>
    %dma_wait3A_141 = tpu.memref_slice %arg14[%dma_wait3A_134] : memref<4x!tpu.dma_semaphore, #tpu.memory_space<semaphore_mem>> -> memref<1x!tpu.dma_semaphore, #tpu.memory_space<semaphore_mem>>
    %dma_wait3A_142 = tpu.memref_squeeze %dma_wait3A_141 : memref<1x!tpu.dma_semaphore, #tpu.memory_space<semaphore_mem>> -> memref<!tpu.dma_semaphore, #tpu.memory_space<semaphore_mem>>
    %dma_wait3A_143 = arith.constant 0 : i32
    %dma_wait3A_144 = tpu.memref_slice %arg5[%add3A_132, %dma_wait3A_143] : memref<25600x128xf32, #tpu.memory_space<hbm>> -> memref<80x128xf32, #tpu.memory_space<hbm>>
    %dma_wait3A_145 = arith.constant 0 : i32
    %dma_wait3A_146 = arith.constant 0 : i32
    %dma_wait3A_147 = tpu.memref_slice %arg11[%dma_wait3A_133, %dma_wait3A_145, %dma_wait3A_146] : memref<4x80x128xf32, #tpu.memory_space<vmem>> -> memref<1x80x128xf32, #tpu.memory_space<vmem>>
    %dma_wait3A_148 = tpu.memref_squeeze %dma_wait3A_147 : memref<1x80x128xf32, #tpu.memory_space<vmem>> -> memref<80x128xf32, #tpu.memory_space<vmem>>
    tpu.wait_dma2 semaphore(%dma_wait3A_142 : memref<!tpu.dma_semaphore, #tpu.memory_space<semaphore_mem>>) src(%dma_wait3A_148 : memref<80x128xf32, #tpu.memory_space<vmem>>) dst(%dma_wait3A_144 : memref<80x128xf32, #tpu.memory_space<hbm>>)
    %dma_start3A_149 = arith.constant 4 : i32
    %dma_start3A_150 = arith.constant 0 : i32
    %dma_start3A_151 = arith.constant 0 : i32
    %dma_start3A_152 = arith.constant 0 : i32
    %dma_start3A_153 = arith.constant 0 : i32
    %dma_start3A_154 = tpu.memref_slice %arg11[%dma_start3A_150, %dma_start3A_152, %dma_start3A_153] : memref<4x80x128xf32, #tpu.memory_space<vmem>> -> memref<1x80x128xf32, #tpu.memory_space<vmem>>
    %dma_start3A_155 = tpu.memref_squeeze %dma_start3A_154 : memref<1x80x128xf32, #tpu.memory_space<vmem>> -> memref<80x128xf32, #tpu.memory_space<vmem>>
    %dma_start3A_156 = arith.constant 0 : i32
    %dma_start3A_157 = tpu.memref_slice %arg8[%dma_start3A_149, %dma_start3A_156] : memref<10x80xi32, #tpu.memory_space<vmem>> -> memref<1x80xi32, #tpu.memory_space<vmem>>
    %dma_start3A_158 = tpu.memref_squeeze %dma_start3A_157 : memref<1x80xi32, #tpu.memory_space<vmem>> -> memref<80xi32, #tpu.memory_space<vmem>>
    %dma_start3A_159 = arith.constant 0 : i32
    %dma_start3A_160 = arith.constant 0 : i32
    %dma_start3A_161 = tpu.memref_slice %arg4[%dma_start3A_159, %dma_start3A_160] : memref<100000x128xf32, #tpu.memory_space<hbm>> -> memref<100000x128xf32, #tpu.memory_space<hbm>>
    %dma_start3A_162 = tpu.memref_slice %arg13[%dma_start3A_151] : memref<4x!tpu.dma_semaphore, #tpu.memory_space<semaphore_mem>> -> memref<1x!tpu.dma_semaphore, #tpu.memory_space<semaphore_mem>>
    %dma_start3A_163 = tpu.memref_squeeze %dma_start3A_162 : memref<1x!tpu.dma_semaphore, #tpu.memory_space<semaphore_mem>> -> memref<!tpu.dma_semaphore, #tpu.memory_space<semaphore_mem>>
    tpu.enqueue_indirect_dma source(%dma_start3A_161 : memref<100000x128xf32, #tpu.memory_space<hbm>>) target(%dma_start3A_155 : memref<80x128xf32, #tpu.memory_space<vmem>>) offsets(%dma_start3A_158 : memref<80xi32, #tpu.memory_space<vmem>>) semaphore(%dma_start3A_163 : memref<!tpu.dma_semaphore, #tpu.memory_space<semaphore_mem>>)
    %dma_wait3A_164 = arith.constant 2 : i32
    %dma_wait3A_165 = arith.constant 2 : i32
    %dma_wait3A_166 = arith.constant 2 : i32
    %dma_wait3A_167 = arith.constant 0 : i32
    %dma_wait3A_168 = arith.constant 0 : i32
    %dma_wait3A_169 = tpu.memref_slice %arg11[%dma_wait3A_165, %dma_wait3A_167, %dma_wait3A_168] : memref<4x80x128xf32, #tpu.memory_space<vmem>> -> memref<1x80x128xf32, #tpu.memory_space<vmem>>
    %dma_wait3A_170 = tpu.memref_squeeze %dma_wait3A_169 : memref<1x80x128xf32, #tpu.memory_space<vmem>> -> memref<80x128xf32, #tpu.memory_space<vmem>>
    %dma_wait3A_171 = arith.constant 0 : i32
    %dma_wait3A_172 = tpu.memref_slice %arg8[%dma_wait3A_164, %dma_wait3A_171] : memref<10x80xi32, #tpu.memory_space<vmem>> -> memref<1x80xi32, #tpu.memory_space<vmem>>
    %dma_wait3A_173 = tpu.memref_squeeze %dma_wait3A_172 : memref<1x80xi32, #tpu.memory_space<vmem>> -> memref<80xi32, #tpu.memory_space<vmem>>
    %dma_wait3A_174 = arith.constant 0 : i32
    %dma_wait3A_175 = arith.constant 0 : i32
    %dma_wait3A_176 = tpu.memref_slice %arg4[%dma_wait3A_174, %dma_wait3A_175] : memref<100000x128xf32, #tpu.memory_space<hbm>> -> memref<100000x128xf32, #tpu.memory_space<hbm>>
    %dma_wait3A_177 = tpu.memref_slice %arg13[%dma_wait3A_166] : memref<4x!tpu.dma_semaphore, #tpu.memory_space<semaphore_mem>> -> memref<1x!tpu.dma_semaphore, #tpu.memory_space<semaphore_mem>>
    %dma_wait3A_178 = tpu.memref_squeeze %dma_wait3A_177 : memref<1x!tpu.dma_semaphore, #tpu.memory_space<semaphore_mem>> -> memref<!tpu.dma_semaphore, #tpu.memory_space<semaphore_mem>>
    tpu.wait_indirect_dma semaphore(%dma_wait3A_178 : memref<!tpu.dma_semaphore, #tpu.memory_space<semaphore_mem>>) src(%dma_wait3A_176 : memref<100000x128xf32, #tpu.memory_space<hbm>>) dst(%dma_wait3A_170 : memref<80x128xf32, #tpu.memory_space<vmem>>)
    %add3A_179 = arith.constant 160 : i32
    %add3A_180 = arith.addi %mul3A_6, %add3A_179 : i32
    %dma_start3A_181 = arith.constant 2 : i32
    %dma_start3A_182 = arith.constant 2 : i32
    %dma_start3A_183 = arith.constant 0 : i32
    %dma_start3A_184 = arith.constant 0 : i32
    %dma_start3A_185 = tpu.memref_slice %arg11[%dma_start3A_181, %dma_start3A_183, %dma_start3A_184] : memref<4x80x128xf32, #tpu.memory_space<vmem>> -> memref<1x80x128xf32, #tpu.memory_space<vmem>>
    %dma_start3A_186 = tpu.memref_squeeze %dma_start3A_185 : memref<1x80x128xf32, #tpu.memory_space<vmem>> -> memref<80x128xf32, #tpu.memory_space<vmem>>
    %dma_start3A_187 = arith.constant 0 : i32
    %dma_start3A_188 = tpu.memref_slice %arg5[%add3A_180, %dma_start3A_187] : memref<25600x128xf32, #tpu.memory_space<hbm>> -> memref<80x128xf32, #tpu.memory_space<hbm>>
    %dma_start3A_189 = tpu.memref_slice %arg14[%dma_start3A_182] : memref<4x!tpu.dma_semaphore, #tpu.memory_space<semaphore_mem>> -> memref<1x!tpu.dma_semaphore, #tpu.memory_space<semaphore_mem>>
    %dma_start3A_190 = tpu.memref_squeeze %dma_start3A_189 : memref<1x!tpu.dma_semaphore, #tpu.memory_space<semaphore_mem>> -> memref<!tpu.dma_semaphore, #tpu.memory_space<semaphore_mem>>
    %dma_start3A_191 = arith.constant 0 : i32
    %dma_start3A_192 = tpu.memref_slice %arg5[%add3A_180, %dma_start3A_191] : memref<25600x128xf32, #tpu.memory_space<hbm>> -> memref<80x128xf32, #tpu.memory_space<hbm>>
    %dma_start3A_193 = arith.constant 0 : i32
    %dma_start3A_194 = arith.constant 0 : i32
    %dma_start3A_195 = tpu.memref_slice %arg11[%dma_start3A_181, %dma_start3A_193, %dma_start3A_194] : memref<4x80x128xf32, #tpu.memory_space<vmem>> -> memref<1x80x128xf32, #tpu.memory_space<vmem>>
    %dma_start3A_196 = tpu.memref_squeeze %dma_start3A_195 : memref<1x80x128xf32, #tpu.memory_space<vmem>> -> memref<80x128xf32, #tpu.memory_space<vmem>>
    tpu.enqueue_dma source(%dma_start3A_196 : memref<80x128xf32, #tpu.memory_space<vmem>>) target(%dma_start3A_192 : memref<80x128xf32, #tpu.memory_space<hbm>>) target_semaphore(%dma_start3A_190 : memref<!tpu.dma_semaphore, #tpu.memory_space<semaphore_mem>>)
    %add3A_197 = arith.constant 80 : i32
    %add3A_198 = arith.addi %mul3A_6, %add3A_197 : i32
    %dma_wait3A_199 = arith.constant 1 : i32
    %dma_wait3A_200 = arith.constant 1 : i32
    %dma_wait3A_201 = arith.constant 0 : i32
    %dma_wait3A_202 = arith.constant 0 : i32
    %dma_wait3A_203 = tpu.memref_slice %arg11[%dma_wait3A_199, %dma_wait3A_201, %dma_wait3A_202] : memref<4x80x128xf32, #tpu.memory_space<vmem>> -> memref<1x80x128xf32, #tpu.memory_space<vmem>>
    %dma_wait3A_204 = tpu.memref_squeeze %dma_wait3A_203 : memref<1x80x128xf32, #tpu.memory_space<vmem>> -> memref<80x128xf32, #tpu.memory_space<vmem>>
    %dma_wait3A_205 = arith.constant 0 : i32
    %dma_wait3A_206 = tpu.memref_slice %arg5[%add3A_198, %dma_wait3A_205] : memref<25600x128xf32, #tpu.memory_space<hbm>> -> memref<80x128xf32, #tpu.memory_space<hbm>>
    %dma_wait3A_207 = tpu.memref_slice %arg14[%dma_wait3A_200] : memref<4x!tpu.dma_semaphore, #tpu.memory_space<semaphore_mem>> -> memref<1x!tpu.dma_semaphore, #tpu.memory_space<semaphore_mem>>
    %dma_wait3A_208 = tpu.memref_squeeze %dma_wait3A_207 : memref<1x!tpu.dma_semaphore, #tpu.memory_space<semaphore_mem>> -> memref<!tpu.dma_semaphore, #tpu.memory_space<semaphore_mem>>
    %dma_wait3A_209 = arith.constant 0 : i32
    %dma_wait3A_210 = tpu.memref_slice %arg5[%add3A_198, %dma_wait3A_209] : memref<25600x128xf32, #tpu.memory_space<hbm>> -> memref<80x128xf32, #tpu.memory_space<hbm>>
    %dma_wait3A_211 = arith.constant 0 : i32
    %dma_wait3A_212 = arith.constant 0 : i32
    %dma_wait3A_213 = tpu.memref_slice %arg11[%dma_wait3A_199, %dma_wait3A_211, %dma_wait3A_212] : memref<4x80x128xf32, #tpu.memory_space<vmem>> -> memref<1x80x128xf32, #tpu.memory_space<vmem>>
    %dma_wait3A_214 = tpu.memref_squeeze %dma_wait3A_213 : memref<1x80x128xf32, #tpu.memory_space<vmem>> -> memref<80x128xf32, #tpu.memory_space<vmem>>
    tpu.wait_dma2 semaphore(%dma_wait3A_208 : memref<!tpu.dma_semaphore, #tpu.memory_space<semaphore_mem>>) src(%dma_wait3A_214 : memref<80x128xf32, #tpu.memory_space<vmem>>) dst(%dma_wait3A_210 : memref<80x128xf32, #tpu.memory_space<hbm>>)
    %dma_start3A_215 = arith.constant 5 : i32
    %dma_start3A_216 = arith.constant 1 : i32
    %dma_start3A_217 = arith.constant 1 : i32
    %dma_start3A_218 = arith.constant 0 : i32
    %dma_start3A_219 = arith.constant 0 : i32
    %dma_start3A_220 = tpu.memref_slice %arg11[%dma_start3A_216, %dma_start3A_218, %dma_start3A_219] : memref<4x80x128xf32, #tpu.memory_space<vmem>> -> memref<1x80x128xf32, #tpu.memory_space<vmem>>
    %dma_start3A_221 = tpu.memref_squeeze %dma_start3A_220 : memref<1x80x128xf32, #tpu.memory_space<vmem>> -> memref<80x128xf32, #tpu.memory_space<vmem>>
    %dma_start3A_222 = arith.constant 0 : i32
    %dma_start3A_223 = tpu.memref_slice %arg8[%dma_start3A_215, %dma_start3A_222] : memref<10x80xi32, #tpu.memory_space<vmem>> -> memref<1x80xi32, #tpu.memory_space<vmem>>
    %dma_start3A_224 = tpu.memref_squeeze %dma_start3A_223 : memref<1x80xi32, #tpu.memory_space<vmem>> -> memref<80xi32, #tpu.memory_space<vmem>>
    %dma_start3A_225 = arith.constant 0 : i32
    %dma_start3A_226 = arith.constant 0 : i32
    %dma_start3A_227 = tpu.memref_slice %arg4[%dma_start3A_225, %dma_start3A_226] : memref<100000x128xf32, #tpu.memory_space<hbm>> -> memref<100000x128xf32, #tpu.memory_space<hbm>>
    %dma_start3A_228 = tpu.memref_slice %arg13[%dma_start3A_217] : memref<4x!tpu.dma_semaphore, #tpu.memory_space<semaphore_mem>> -> memref<1x!tpu.dma_semaphore, #tpu.memory_space<semaphore_mem>>
    %dma_start3A_229 = tpu.memref_squeeze %dma_start3A_228 : memref<1x!tpu.dma_semaphore, #tpu.memory_space<semaphore_mem>> -> memref<!tpu.dma_semaphore, #tpu.memory_space<semaphore_mem>>
    tpu.enqueue_indirect_dma source(%dma_start3A_227 : memref<100000x128xf32, #tpu.memory_space<hbm>>) target(%dma_start3A_221 : memref<80x128xf32, #tpu.memory_space<vmem>>) offsets(%dma_start3A_224 : memref<80xi32, #tpu.memory_space<vmem>>) semaphore(%dma_start3A_229 : memref<!tpu.dma_semaphore, #tpu.memory_space<semaphore_mem>>)
    %dma_wait3A_230 = arith.constant 3 : i32
    %dma_wait3A_231 = arith.constant 3 : i32
    %dma_wait3A_232 = arith.constant 3 : i32
    %dma_wait3A_233 = arith.constant 0 : i32
    %dma_wait3A_234 = arith.constant 0 : i32
    %dma_wait3A_235 = tpu.memref_slice %arg11[%dma_wait3A_231, %dma_wait3A_233, %dma_wait3A_234] : memref<4x80x128xf32, #tpu.memory_space<vmem>> -> memref<1x80x128xf32, #tpu.memory_space<vmem>>
    %dma_wait3A_236 = tpu.memref_squeeze %dma_wait3A_235 : memref<1x80x128xf32, #tpu.memory_space<vmem>> -> memref<80x128xf32, #tpu.memory_space<vmem>>
    %dma_wait3A_237 = arith.constant 0 : i32
    %dma_wait3A_238 = tpu.memref_slice %arg8[%dma_wait3A_230, %dma_wait3A_237] : memref<10x80xi32, #tpu.memory_space<vmem>> -> memref<1x80xi32, #tpu.memory_space<vmem>>
    %dma_wait3A_239 = tpu.memref_squeeze %dma_wait3A_238 : memref<1x80xi32, #tpu.memory_space<vmem>> -> memref<80xi32, #tpu.memory_space<vmem>>
    %dma_wait3A_240 = arith.constant 0 : i32
    %dma_wait3A_241 = arith.constant 0 : i32
    %dma_wait3A_242 = tpu.memref_slice %arg4[%dma_wait3A_240, %dma_wait3A_241] : memref<100000x128xf32, #tpu.memory_space<hbm>> -> memref<100000x128xf32, #tpu.memory_space<hbm>>
    %dma_wait3A_243 = tpu.memref_slice %arg13[%dma_wait3A_232] : memref<4x!tpu.dma_semaphore, #tpu.memory_space<semaphore_mem>> -> memref<1x!tpu.dma_semaphore, #tpu.memory_space<semaphore_mem>>
    %dma_wait3A_244 = tpu.memref_squeeze %dma_wait3A_243 : memref<1x!tpu.dma_semaphore, #tpu.memory_space<semaphore_mem>> -> memref<!tpu.dma_semaphore, #tpu.memory_space<semaphore_mem>>
    tpu.wait_indirect_dma semaphore(%dma_wait3A_244 : memref<!tpu.dma_semaphore, #tpu.memory_space<semaphore_mem>>) src(%dma_wait3A_242 : memref<100000x128xf32, #tpu.memory_space<hbm>>) dst(%dma_wait3A_236 : memref<80x128xf32, #tpu.memory_space<vmem>>)
    %add3A_245 = arith.constant 240 : i32
    %add3A_246 = arith.addi %mul3A_6, %add3A_245 : i32
    %dma_start3A_247 = arith.constant 3 : i32
    %dma_start3A_248 = arith.constant 3 : i32
    %dma_start3A_249 = arith.constant 0 : i32
    %dma_start3A_250 = arith.constant 0 : i32
    %dma_start3A_251 = tpu.memref_slice %arg11[%dma_start3A_247, %dma_start3A_249, %dma_start3A_250] : memref<4x80x128xf32, #tpu.memory_space<vmem>> -> memref<1x80x128xf32, #tpu.memory_space<vmem>>
    %dma_start3A_252 = tpu.memref_squeeze %dma_start3A_251 : memref<1x80x128xf32, #tpu.memory_space<vmem>> -> memref<80x128xf32, #tpu.memory_space<vmem>>
    %dma_start3A_253 = arith.constant 0 : i32
    %dma_start3A_254 = tpu.memref_slice %arg5[%add3A_246, %dma_start3A_253] : memref<25600x128xf32, #tpu.memory_space<hbm>> -> memref<80x128xf32, #tpu.memory_space<hbm>>
    %dma_start3A_255 = tpu.memref_slice %arg14[%dma_start3A_248] : memref<4x!tpu.dma_semaphore, #tpu.memory_space<semaphore_mem>> -> memref<1x!tpu.dma_semaphore, #tpu.memory_space<semaphore_mem>>
    %dma_start3A_256 = tpu.memref_squeeze %dma_start3A_255 : memref<1x!tpu.dma_semaphore, #tpu.memory_space<semaphore_mem>> -> memref<!tpu.dma_semaphore, #tpu.memory_space<semaphore_mem>>
    %dma_start3A_257 = arith.constant 0 : i32
    %dma_start3A_258 = tpu.memref_slice %arg5[%add3A_246, %dma_start3A_257] : memref<25600x128xf32, #tpu.memory_space<hbm>> -> memref<80x128xf32, #tpu.memory_space<hbm>>
    %dma_start3A_259 = arith.constant 0 : i32
    %dma_start3A_260 = arith.constant 0 : i32
    %dma_start3A_261 = tpu.memref_slice %arg11[%dma_start3A_247, %dma_start3A_259, %dma_start3A_260] : memref<4x80x128xf32, #tpu.memory_space<vmem>> -> memref<1x80x128xf32, #tpu.memory_space<vmem>>
    %dma_start3A_262 = tpu.memref_squeeze %dma_start3A_261 : memref<1x80x128xf32, #tpu.memory_space<vmem>> -> memref<80x128xf32, #tpu.memory_space<vmem>>
    tpu.enqueue_dma source(%dma_start3A_262 : memref<80x128xf32, #tpu.memory_space<vmem>>) target(%dma_start3A_258 : memref<80x128xf32, #tpu.memory_space<hbm>>) target_semaphore(%dma_start3A_256 : memref<!tpu.dma_semaphore, #tpu.memory_space<semaphore_mem>>)
    %add3A_263 = arith.constant 160 : i32
    %add3A_264 = arith.addi %mul3A_6, %add3A_263 : i32
    %dma_wait3A_265 = arith.constant 2 : i32
    %dma_wait3A_266 = arith.constant 2 : i32
    %dma_wait3A_267 = arith.constant 0 : i32
    %dma_wait3A_268 = arith.constant 0 : i32
    %dma_wait3A_269 = tpu.memref_slice %arg11[%dma_wait3A_265, %dma_wait3A_267, %dma_wait3A_268] : memref<4x80x128xf32, #tpu.memory_space<vmem>> -> memref<1x80x128xf32, #tpu.memory_space<vmem>>
    %dma_wait3A_270 = tpu.memref_squeeze %dma_wait3A_269 : memref<1x80x128xf32, #tpu.memory_space<vmem>> -> memref<80x128xf32, #tpu.memory_space<vmem>>
    %dma_wait3A_271 = arith.constant 0 : i32
    %dma_wait3A_272 = tpu.memref_slice %arg5[%add3A_264, %dma_wait3A_271] : memref<25600x128xf32, #tpu.memory_space<hbm>> -> memref<80x128xf32, #tpu.memory_space<hbm>>
    %dma_wait3A_273 = tpu.memref_slice %arg14[%dma_wait3A_266] : memref<4x!tpu.dma_semaphore, #tpu.memory_space<semaphore_mem>> -> memref<1x!tpu.dma_semaphore, #tpu.memory_space<semaphore_mem>>
    %dma_wait3A_274 = tpu.memref_squeeze %dma_wait3A_273 : memref<1x!tpu.dma_semaphore, #tpu.memory_space<semaphore_mem>> -> memref<!tpu.dma_semaphore, #tpu.memory_space<semaphore_mem>>
    %dma_wait3A_275 = arith.constant 0 : i32
    %dma_wait3A_276 = tpu.memref_slice %arg5[%add3A_264, %dma_wait3A_275] : memref<25600x128xf32, #tpu.memory_space<hbm>> -> memref<80x128xf32, #tpu.memory_space<hbm>>
    %dma_wait3A_277 = arith.constant 0 : i32
    %dma_wait3A_278 = arith.constant 0 : i32
    %dma_wait3A_279 = tpu.memref_slice %arg11[%dma_wait3A_265, %dma_wait3A_277, %dma_wait3A_278] : memref<4x80x128xf32, #tpu.memory_space<vmem>> -> memref<1x80x128xf32, #tpu.memory_space<vmem>>
    %dma_wait3A_280 = tpu.memref_squeeze %dma_wait3A_279 : memref<1x80x128xf32, #tpu.memory_space<vmem>> -> memref<80x128xf32, #tpu.memory_space<vmem>>
    tpu.wait_dma2 semaphore(%dma_wait3A_274 : memref<!tpu.dma_semaphore, #tpu.memory_space<semaphore_mem>>) src(%dma_wait3A_280 : memref<80x128xf32, #tpu.memory_space<vmem>>) dst(%dma_wait3A_276 : memref<80x128xf32, #tpu.memory_space<hbm>>)
    %dma_start3A_281 = arith.constant 6 : i32
    %dma_start3A_282 = arith.constant 2 : i32
    %dma_start3A_283 = arith.constant 2 : i32
    %dma_start3A_284 = arith.constant 0 : i32
    %dma_start3A_285 = arith.constant 0 : i32
    %dma_start3A_286 = tpu.memref_slice %arg11[%dma_start3A_282, %dma_start3A_284, %dma_start3A_285] : memref<4x80x128xf32, #tpu.memory_space<vmem>> -> memref<1x80x128xf32, #tpu.memory_space<vmem>>
    %dma_start3A_287 = tpu.memref_squeeze %dma_start3A_286 : memref<1x80x128xf32, #tpu.memory_space<vmem>> -> memref<80x128xf32, #tpu.memory_space<vmem>>
    %dma_start3A_288 = arith.constant 0 : i32
    %dma_start3A_289 = tpu.memref_slice %arg8[%dma_start3A_281, %dma_start3A_288] : memref<10x80xi32, #tpu.memory_space<vmem>> -> memref<1x80xi32, #tpu.memory_space<vmem>>
    %dma_start3A_290 = tpu.memref_squeeze %dma_start3A_289 : memref<1x80xi32, #tpu.memory_space<vmem>> -> memref<80xi32, #tpu.memory_space<vmem>>
    %dma_start3A_291 = arith.constant 0 : i32
    %dma_start3A_292 = arith.constant 0 : i32
    %dma_start3A_293 = tpu.memref_slice %arg4[%dma_start3A_291, %dma_start3A_292] : memref<100000x128xf32, #tpu.memory_space<hbm>> -> memref<100000x128xf32, #tpu.memory_space<hbm>>
    %dma_start3A_294 = tpu.memref_slice %arg13[%dma_start3A_283] : memref<4x!tpu.dma_semaphore, #tpu.memory_space<semaphore_mem>> -> memref<1x!tpu.dma_semaphore, #tpu.memory_space<semaphore_mem>>
    %dma_start3A_295 = tpu.memref_squeeze %dma_start3A_294 : memref<1x!tpu.dma_semaphore, #tpu.memory_space<semaphore_mem>> -> memref<!tpu.dma_semaphore, #tpu.memory_space<semaphore_mem>>
    tpu.enqueue_indirect_dma source(%dma_start3A_293 : memref<100000x128xf32, #tpu.memory_space<hbm>>) target(%dma_start3A_287 : memref<80x128xf32, #tpu.memory_space<vmem>>) offsets(%dma_start3A_290 : memref<80xi32, #tpu.memory_space<vmem>>) semaphore(%dma_start3A_295 : memref<!tpu.dma_semaphore, #tpu.memory_space<semaphore_mem>>)
    %dma_wait3A_296 = arith.constant 4 : i32
    %dma_wait3A_297 = arith.constant 0 : i32
    %dma_wait3A_298 = arith.constant 0 : i32
    %dma_wait3A_299 = arith.constant 0 : i32
    %dma_wait3A_300 = arith.constant 0 : i32
    %dma_wait3A_301 = tpu.memref_slice %arg11[%dma_wait3A_297, %dma_wait3A_299, %dma_wait3A_300] : memref<4x80x128xf32, #tpu.memory_space<vmem>> -> memref<1x80x128xf32, #tpu.memory_space<vmem>>
    %dma_wait3A_302 = tpu.memref_squeeze %dma_wait3A_301 : memref<1x80x128xf32, #tpu.memory_space<vmem>> -> memref<80x128xf32, #tpu.memory_space<vmem>>
    %dma_wait3A_303 = arith.constant 0 : i32
    %dma_wait3A_304 = tpu.memref_slice %arg8[%dma_wait3A_296, %dma_wait3A_303] : memref<10x80xi32, #tpu.memory_space<vmem>> -> memref<1x80xi32, #tpu.memory_space<vmem>>
    %dma_wait3A_305 = tpu.memref_squeeze %dma_wait3A_304 : memref<1x80xi32, #tpu.memory_space<vmem>> -> memref<80xi32, #tpu.memory_space<vmem>>
    %dma_wait3A_306 = arith.constant 0 : i32
    %dma_wait3A_307 = arith.constant 0 : i32
    %dma_wait3A_308 = tpu.memref_slice %arg4[%dma_wait3A_306, %dma_wait3A_307] : memref<100000x128xf32, #tpu.memory_space<hbm>> -> memref<100000x128xf32, #tpu.memory_space<hbm>>
    %dma_wait3A_309 = tpu.memref_slice %arg13[%dma_wait3A_298] : memref<4x!tpu.dma_semaphore, #tpu.memory_space<semaphore_mem>> -> memref<1x!tpu.dma_semaphore, #tpu.memory_space<semaphore_mem>>
    %dma_wait3A_310 = tpu.memref_squeeze %dma_wait3A_309 : memref<1x!tpu.dma_semaphore, #tpu.memory_space<semaphore_mem>> -> memref<!tpu.dma_semaphore, #tpu.memory_space<semaphore_mem>>
    tpu.wait_indirect_dma semaphore(%dma_wait3A_310 : memref<!tpu.dma_semaphore, #tpu.memory_space<semaphore_mem>>) src(%dma_wait3A_308 : memref<100000x128xf32, #tpu.memory_space<hbm>>) dst(%dma_wait3A_302 : memref<80x128xf32, #tpu.memory_space<vmem>>)
    %add3A_311 = arith.constant 320 : i32
    %add3A_312 = arith.addi %mul3A_6, %add3A_311 : i32
    %dma_start3A_313 = arith.constant 0 : i32
    %dma_start3A_314 = arith.constant 0 : i32
    %dma_start3A_315 = arith.constant 0 : i32
    %dma_start3A_316 = arith.constant 0 : i32
    %dma_start3A_317 = tpu.memref_slice %arg11[%dma_start3A_313, %dma_start3A_315, %dma_start3A_316] : memref<4x80x128xf32, #tpu.memory_space<vmem>> -> memref<1x80x128xf32, #tpu.memory_space<vmem>>
    %dma_start3A_318 = tpu.memref_squeeze %dma_start3A_317 : memref<1x80x128xf32, #tpu.memory_space<vmem>> -> memref<80x128xf32, #tpu.memory_space<vmem>>
    %dma_start3A_319 = arith.constant 0 : i32
    %dma_start3A_320 = tpu.memref_slice %arg5[%add3A_312, %dma_start3A_319] : memref<25600x128xf32, #tpu.memory_space<hbm>> -> memref<80x128xf32, #tpu.memory_space<hbm>>
    %dma_start3A_321 = tpu.memref_slice %arg14[%dma_start3A_314] : memref<4x!tpu.dma_semaphore, #tpu.memory_space<semaphore_mem>> -> memref<1x!tpu.dma_semaphore, #tpu.memory_space<semaphore_mem>>
    %dma_start3A_322 = tpu.memref_squeeze %dma_start3A_321 : memref<1x!tpu.dma_semaphore, #tpu.memory_space<semaphore_mem>> -> memref<!tpu.dma_semaphore, #tpu.memory_space<semaphore_mem>>
    %dma_start3A_323 = arith.constant 0 : i32
    %dma_start3A_324 = tpu.memref_slice %arg5[%add3A_312, %dma_start3A_323] : memref<25600x128xf32, #tpu.memory_space<hbm>> -> memref<80x128xf32, #tpu.memory_space<hbm>>
    %dma_start3A_325 = arith.constant 0 : i32
    %dma_start3A_326 = arith.constant 0 : i32
    %dma_start3A_327 = tpu.memref_slice %arg11[%dma_start3A_313, %dma_start3A_325, %dma_start3A_326] : memref<4x80x128xf32, #tpu.memory_space<vmem>> -> memref<1x80x128xf32, #tpu.memory_space<vmem>>
    %dma_start3A_328 = tpu.memref_squeeze %dma_start3A_327 : memref<1x80x128xf32, #tpu.memory_space<vmem>> -> memref<80x128xf32, #tpu.memory_space<vmem>>
    tpu.enqueue_dma source(%dma_start3A_328 : memref<80x128xf32, #tpu.memory_space<vmem>>) target(%dma_start3A_324 : memref<80x128xf32, #tpu.memory_space<hbm>>) target_semaphore(%dma_start3A_322 : memref<!tpu.dma_semaphore, #tpu.memory_space<semaphore_mem>>)
    %add3A_329 = arith.constant 240 : i32
    %add3A_330 = arith.addi %mul3A_6, %add3A_329 : i32
    %dma_wait3A_331 = arith.constant 3 : i32
    %dma_wait3A_332 = arith.constant 3 : i32
    %dma_wait3A_333 = arith.constant 0 : i32
    %dma_wait3A_334 = arith.constant 0 : i32
    %dma_wait3A_335 = tpu.memref_slice %arg11[%dma_wait3A_331, %dma_wait3A_333, %dma_wait3A_334] : memref<4x80x128xf32, #tpu.memory_space<vmem>> -> memref<1x80x128xf32, #tpu.memory_space<vmem>>
    %dma_wait3A_336 = tpu.memref_squeeze %dma_wait3A_335 : memref<1x80x128xf32, #tpu.memory_space<vmem>> -> memref<80x128xf32, #tpu.memory_space<vmem>>
    %dma_wait3A_337 = arith.constant 0 : i32
    %dma_wait3A_338 = tpu.memref_slice %arg5[%add3A_330, %dma_wait3A_337] : memref<25600x128xf32, #tpu.memory_space<hbm>> -> memref<80x128xf32, #tpu.memory_space<hbm>>
    %dma_wait3A_339 = tpu.memref_slice %arg14[%dma_wait3A_332] : memref<4x!tpu.dma_semaphore, #tpu.memory_space<semaphore_mem>> -> memref<1x!tpu.dma_semaphore, #tpu.memory_space<semaphore_mem>>
    %dma_wait3A_340 = tpu.memref_squeeze %dma_wait3A_339 : memref<1x!tpu.dma_semaphore, #tpu.memory_space<semaphore_mem>> -> memref<!tpu.dma_semaphore, #tpu.memory_space<semaphore_mem>>
    %dma_wait3A_341 = arith.constant 0 : i32
    %dma_wait3A_342 = tpu.memref_slice %arg5[%add3A_330, %dma_wait3A_341] : memref<25600x128xf32, #tpu.memory_space<hbm>> -> memref<80x128xf32, #tpu.memory_space<hbm>>
    %dma_wait3A_343 = arith.constant 0 : i32
    %dma_wait3A_344 = arith.constant 0 : i32
    %dma_wait3A_345 = tpu.memref_slice %arg11[%dma_wait3A_331, %dma_wait3A_343, %dma_wait3A_344] : memref<4x80x128xf32, #tpu.memory_space<vmem>> -> memref<1x80x128xf32, #tpu.memory_space<vmem>>
    %dma_wait3A_346 = tpu.memref_squeeze %dma_wait3A_345 : memref<1x80x128xf32, #tpu.memory_space<vmem>> -> memref<80x128xf32, #tpu.memory_space<vmem>>
    tpu.wait_dma2 semaphore(%dma_wait3A_340 : memref<!tpu.dma_semaphore, #tpu.memory_space<semaphore_mem>>) src(%dma_wait3A_346 : memref<80x128xf32, #tpu.memory_space<vmem>>) dst(%dma_wait3A_342 : memref<80x128xf32, #tpu.memory_space<hbm>>)
    %dma_start3A_347 = arith.constant 7 : i32
    %dma_start3A_348 = arith.constant 3 : i32
    %dma_start3A_349 = arith.constant 3 : i32
    %dma_start3A_350 = arith.constant 0 : i32
    %dma_start3A_351 = arith.constant 0 : i32
    %dma_start3A_352 = tpu.memref_slice %arg11[%dma_start3A_348, %dma_start3A_350, %dma_start3A_351] : memref<4x80x128xf32, #tpu.memory_space<vmem>> -> memref<1x80x128xf32, #tpu.memory_space<vmem>>
    %dma_start3A_353 = tpu.memref_squeeze %dma_start3A_352 : memref<1x80x128xf32, #tpu.memory_space<vmem>> -> memref<80x128xf32, #tpu.memory_space<vmem>>
    %dma_start3A_354 = arith.constant 0 : i32
    %dma_start3A_355 = tpu.memref_slice %arg8[%dma_start3A_347, %dma_start3A_354] : memref<10x80xi32, #tpu.memory_space<vmem>> -> memref<1x80xi32, #tpu.memory_space<vmem>>
    %dma_start3A_356 = tpu.memref_squeeze %dma_start3A_355 : memref<1x80xi32, #tpu.memory_space<vmem>> -> memref<80xi32, #tpu.memory_space<vmem>>
    %dma_start3A_357 = arith.constant 0 : i32
    %dma_start3A_358 = arith.constant 0 : i32
    %dma_start3A_359 = tpu.memref_slice %arg4[%dma_start3A_357, %dma_start3A_358] : memref<100000x128xf32, #tpu.memory_space<hbm>> -> memref<100000x128xf32, #tpu.memory_space<hbm>>
    %dma_start3A_360 = tpu.memref_slice %arg13[%dma_start3A_349] : memref<4x!tpu.dma_semaphore, #tpu.memory_space<semaphore_mem>> -> memref<1x!tpu.dma_semaphore, #tpu.memory_space<semaphore_mem>>
    %dma_start3A_361 = tpu.memref_squeeze %dma_start3A_360 : memref<1x!tpu.dma_semaphore, #tpu.memory_space<semaphore_mem>> -> memref<!tpu.dma_semaphore, #tpu.memory_space<semaphore_mem>>
    tpu.enqueue_indirect_dma source(%dma_start3A_359 : memref<100000x128xf32, #tpu.memory_space<hbm>>) target(%dma_start3A_353 : memref<80x128xf32, #tpu.memory_space<vmem>>) offsets(%dma_start3A_356 : memref<80xi32, #tpu.memory_space<vmem>>) semaphore(%dma_start3A_361 : memref<!tpu.dma_semaphore, #tpu.memory_space<semaphore_mem>>)
    %dma_wait3A_362 = arith.constant 5 : i32
    %dma_wait3A_363 = arith.constant 1 : i32
    %dma_wait3A_364 = arith.constant 1 : i32
    %dma_wait3A_365 = arith.constant 0 : i32
    %dma_wait3A_366 = arith.constant 0 : i32
    %dma_wait3A_367 = tpu.memref_slice %arg11[%dma_wait3A_363, %dma_wait3A_365, %dma_wait3A_366] : memref<4x80x128xf32, #tpu.memory_space<vmem>> -> memref<1x80x128xf32, #tpu.memory_space<vmem>>
    %dma_wait3A_368 = tpu.memref_squeeze %dma_wait3A_367 : memref<1x80x128xf32, #tpu.memory_space<vmem>> -> memref<80x128xf32, #tpu.memory_space<vmem>>
    %dma_wait3A_369 = arith.constant 0 : i32
    %dma_wait3A_370 = tpu.memref_slice %arg8[%dma_wait3A_362, %dma_wait3A_369] : memref<10x80xi32, #tpu.memory_space<vmem>> -> memref<1x80xi32, #tpu.memory_space<vmem>>
    %dma_wait3A_371 = tpu.memref_squeeze %dma_wait3A_370 : memref<1x80xi32, #tpu.memory_space<vmem>> -> memref<80xi32, #tpu.memory_space<vmem>>
    %dma_wait3A_372 = arith.constant 0 : i32
    %dma_wait3A_373 = arith.constant 0 : i32
    %dma_wait3A_374 = tpu.memref_slice %arg4[%dma_wait3A_372, %dma_wait3A_373] : memref<100000x128xf32, #tpu.memory_space<hbm>> -> memref<100000x128xf32, #tpu.memory_space<hbm>>
    %dma_wait3A_375 = tpu.memref_slice %arg13[%dma_wait3A_364] : memref<4x!tpu.dma_semaphore, #tpu.memory_space<semaphore_mem>> -> memref<1x!tpu.dma_semaphore, #tpu.memory_space<semaphore_mem>>
    %dma_wait3A_376 = tpu.memref_squeeze %dma_wait3A_375 : memref<1x!tpu.dma_semaphore, #tpu.memory_space<semaphore_mem>> -> memref<!tpu.dma_semaphore, #tpu.memory_space<semaphore_mem>>
    tpu.wait_indirect_dma semaphore(%dma_wait3A_376 : memref<!tpu.dma_semaphore, #tpu.memory_space<semaphore_mem>>) src(%dma_wait3A_374 : memref<100000x128xf32, #tpu.memory_space<hbm>>) dst(%dma_wait3A_368 : memref<80x128xf32, #tpu.memory_space<vmem>>)
    %add3A_377 = arith.constant 400 : i32
    %add3A_378 = arith.addi %mul3A_6, %add3A_377 : i32
    %dma_start3A_379 = arith.constant 1 : i32
    %dma_start3A_380 = arith.constant 1 : i32
    %dma_start3A_381 = arith.constant 0 : i32
    %dma_start3A_382 = arith.constant 0 : i32
    %dma_start3A_383 = tpu.memref_slice %arg11[%dma_start3A_379, %dma_start3A_381, %dma_start3A_382] : memref<4x80x128xf32, #tpu.memory_space<vmem>> -> memref<1x80x128xf32, #tpu.memory_space<vmem>>
    %dma_start3A_384 = tpu.memref_squeeze %dma_start3A_383 : memref<1x80x128xf32, #tpu.memory_space<vmem>> -> memref<80x128xf32, #tpu.memory_space<vmem>>
    %dma_start3A_385 = arith.constant 0 : i32
    %dma_start3A_386 = tpu.memref_slice %arg5[%add3A_378, %dma_start3A_385] : memref<25600x128xf32, #tpu.memory_space<hbm>> -> memref<80x128xf32, #tpu.memory_space<hbm>>
    %dma_start3A_387 = tpu.memref_slice %arg14[%dma_start3A_380] : memref<4x!tpu.dma_semaphore, #tpu.memory_space<semaphore_mem>> -> memref<1x!tpu.dma_semaphore, #tpu.memory_space<semaphore_mem>>
    %dma_start3A_388 = tpu.memref_squeeze %dma_start3A_387 : memref<1x!tpu.dma_semaphore, #tpu.memory_space<semaphore_mem>> -> memref<!tpu.dma_semaphore, #tpu.memory_space<semaphore_mem>>
    %dma_start3A_389 = arith.constant 0 : i32
    %dma_start3A_390 = tpu.memref_slice %arg5[%add3A_378, %dma_start3A_389] : memref<25600x128xf32, #tpu.memory_space<hbm>> -> memref<80x128xf32, #tpu.memory_space<hbm>>
    %dma_start3A_391 = arith.constant 0 : i32
    %dma_start3A_392 = arith.constant 0 : i32
    %dma_start3A_393 = tpu.memref_slice %arg11[%dma_start3A_379, %dma_start3A_391, %dma_start3A_392] : memref<4x80x128xf32, #tpu.memory_space<vmem>> -> memref<1x80x128xf32, #tpu.memory_space<vmem>>
    %dma_start3A_394 = tpu.memref_squeeze %dma_start3A_393 : memref<1x80x128xf32, #tpu.memory_space<vmem>> -> memref<80x128xf32, #tpu.memory_space<vmem>>
    tpu.enqueue_dma source(%dma_start3A_394 : memref<80x128xf32, #tpu.memory_space<vmem>>) target(%dma_start3A_390 : memref<80x128xf32, #tpu.memory_space<hbm>>) target_semaphore(%dma_start3A_388 : memref<!tpu.dma_semaphore, #tpu.memory_space<semaphore_mem>>)
    %add3A_395 = arith.constant 320 : i32
    %add3A_396 = arith.addi %mul3A_6, %add3A_395 : i32
    %dma_wait3A_397 = arith.constant 0 : i32
    %dma_wait3A_398 = arith.constant 0 : i32
    %dma_wait3A_399 = arith.constant 0 : i32
    %dma_wait3A_400 = arith.constant 0 : i32
    %dma_wait3A_401 = tpu.memref_slice %arg11[%dma_wait3A_397, %dma_wait3A_399, %dma_wait3A_400] : memref<4x80x128xf32, #tpu.memory_space<vmem>> -> memref<1x80x128xf32, #tpu.memory_space<vmem>>
    %dma_wait3A_402 = tpu.memref_squeeze %dma_wait3A_401 : memref<1x80x128xf32, #tpu.memory_space<vmem>> -> memref<80x128xf32, #tpu.memory_space<vmem>>
    %dma_wait3A_403 = arith.constant 0 : i32
    %dma_wait3A_404 = tpu.memref_slice %arg5[%add3A_396, %dma_wait3A_403] : memref<25600x128xf32, #tpu.memory_space<hbm>> -> memref<80x128xf32, #tpu.memory_space<hbm>>
    %dma_wait3A_405 = tpu.memref_slice %arg14[%dma_wait3A_398] : memref<4x!tpu.dma_semaphore, #tpu.memory_space<semaphore_mem>> -> memref<1x!tpu.dma_semaphore, #tpu.memory_space<semaphore_mem>>
    %dma_wait3A_406 = tpu.memref_squeeze %dma_wait3A_405 : memref<1x!tpu.dma_semaphore, #tpu.memory_space<semaphore_mem>> -> memref<!tpu.dma_semaphore, #tpu.memory_space<semaphore_mem>>
    %dma_wait3A_407 = arith.constant 0 : i32
    %dma_wait3A_408 = tpu.memref_slice %arg5[%add3A_396, %dma_wait3A_407] : memref<25600x128xf32, #tpu.memory_space<hbm>> -> memref<80x128xf32, #tpu.memory_space<hbm>>
    %dma_wait3A_409 = arith.constant 0 : i32
    %dma_wait3A_410 = arith.constant 0 : i32
    %dma_wait3A_411 = tpu.memref_slice %arg11[%dma_wait3A_397, %dma_wait3A_409, %dma_wait3A_410] : memref<4x80x128xf32, #tpu.memory_space<vmem>> -> memref<1x80x128xf32, #tpu.memory_space<vmem>>
    %dma_wait3A_412 = tpu.memref_squeeze %dma_wait3A_411 : memref<1x80x128xf32, #tpu.memory_space<vmem>> -> memref<80x128xf32, #tpu.memory_space<vmem>>
    tpu.wait_dma2 semaphore(%dma_wait3A_406 : memref<!tpu.dma_semaphore, #tpu.memory_space<semaphore_mem>>) src(%dma_wait3A_412 : memref<80x128xf32, #tpu.memory_space<vmem>>) dst(%dma_wait3A_408 : memref<80x128xf32, #tpu.memory_space<hbm>>)
    %dma_start3A_413 = arith.constant 8 : i32
    %dma_start3A_414 = arith.constant 0 : i32
    %dma_start3A_415 = arith.constant 0 : i32
    %dma_start3A_416 = arith.constant 0 : i32
    %dma_start3A_417 = arith.constant 0 : i32
    %dma_start3A_418 = tpu.memref_slice %arg11[%dma_start3A_414, %dma_start3A_416, %dma_start3A_417] : memref<4x80x128xf32, #tpu.memory_space<vmem>> -> memref<1x80x128xf32, #tpu.memory_space<vmem>>
    %dma_start3A_419 = tpu.memref_squeeze %dma_start3A_418 : memref<1x80x128xf32, #tpu.memory_space<vmem>> -> memref<80x128xf32, #tpu.memory_space<vmem>>
    %dma_start3A_420 = arith.constant 0 : i32
    %dma_start3A_421 = tpu.memref_slice %arg8[%dma_start3A_413, %dma_start3A_420] : memref<10x80xi32, #tpu.memory_space<vmem>> -> memref<1x80xi32, #tpu.memory_space<vmem>>
    %dma_start3A_422 = tpu.memref_squeeze %dma_start3A_421 : memref<1x80xi32, #tpu.memory_space<vmem>> -> memref<80xi32, #tpu.memory_space<vmem>>
    %dma_start3A_423 = arith.constant 0 : i32
    %dma_start3A_424 = arith.constant 0 : i32
    %dma_start3A_425 = tpu.memref_slice %arg4[%dma_start3A_423, %dma_start3A_424] : memref<100000x128xf32, #tpu.memory_space<hbm>> -> memref<100000x128xf32, #tpu.memory_space<hbm>>
    %dma_start3A_426 = tpu.memref_slice %arg13[%dma_start3A_415] : memref<4x!tpu.dma_semaphore, #tpu.memory_space<semaphore_mem>> -> memref<1x!tpu.dma_semaphore, #tpu.memory_space<semaphore_mem>>
    %dma_start3A_427 = tpu.memref_squeeze %dma_start3A_426 : memref<1x!tpu.dma_semaphore, #tpu.memory_space<semaphore_mem>> -> memref<!tpu.dma_semaphore, #tpu.memory_space<semaphore_mem>>
    tpu.enqueue_indirect_dma source(%dma_start3A_425 : memref<100000x128xf32, #tpu.memory_space<hbm>>) target(%dma_start3A_419 : memref<80x128xf32, #tpu.memory_space<vmem>>) offsets(%dma_start3A_422 : memref<80xi32, #tpu.memory_space<vmem>>) semaphore(%dma_start3A_427 : memref<!tpu.dma_semaphore, #tpu.memory_space<semaphore_mem>>)
    %dma_wait3A_428 = arith.constant 6 : i32
    %dma_wait3A_429 = arith.constant 2 : i32
    %dma_wait3A_430 = arith.constant 2 : i32
    %dma_wait3A_431 = arith.constant 0 : i32
    %dma_wait3A_432 = arith.constant 0 : i32
    %dma_wait3A_433 = tpu.memref_slice %arg11[%dma_wait3A_429, %dma_wait3A_431, %dma_wait3A_432] : memref<4x80x128xf32, #tpu.memory_space<vmem>> -> memref<1x80x128xf32, #tpu.memory_space<vmem>>
    %dma_wait3A_434 = tpu.memref_squeeze %dma_wait3A_433 : memref<1x80x128xf32, #tpu.memory_space<vmem>> -> memref<80x128xf32, #tpu.memory_space<vmem>>
    %dma_wait3A_435 = arith.constant 0 : i32
    %dma_wait3A_436 = tpu.memref_slice %arg8[%dma_wait3A_428, %dma_wait3A_435] : memref<10x80xi32, #tpu.memory_space<vmem>> -> memref<1x80xi32, #tpu.memory_space<vmem>>
    %dma_wait3A_437 = tpu.memref_squeeze %dma_wait3A_436 : memref<1x80xi32, #tpu.memory_space<vmem>> -> memref<80xi32, #tpu.memory_space<vmem>>
    %dma_wait3A_438 = arith.constant 0 : i32
    %dma_wait3A_439 = arith.constant 0 : i32
    %dma_wait3A_440 = tpu.memref_slice %arg4[%dma_wait3A_438, %dma_wait3A_439] : memref<100000x128xf32, #tpu.memory_space<hbm>> -> memref<100000x128xf32, #tpu.memory_space<hbm>>
    %dma_wait3A_441 = tpu.memref_slice %arg13[%dma_wait3A_430] : memref<4x!tpu.dma_semaphore, #tpu.memory_space<semaphore_mem>> -> memref<1x!tpu.dma_semaphore, #tpu.memory_space<semaphore_mem>>
    %dma_wait3A_442 = tpu.memref_squeeze %dma_wait3A_441 : memref<1x!tpu.dma_semaphore, #tpu.memory_space<semaphore_mem>> -> memref<!tpu.dma_semaphore, #tpu.memory_space<semaphore_mem>>
    tpu.wait_indirect_dma semaphore(%dma_wait3A_442 : memref<!tpu.dma_semaphore, #tpu.memory_space<semaphore_mem>>) src(%dma_wait3A_440 : memref<100000x128xf32, #tpu.memory_space<hbm>>) dst(%dma_wait3A_434 : memref<80x128xf32, #tpu.memory_space<vmem>>)
    %add3A_443 = arith.constant 480 : i32
    %add3A_444 = arith.addi %mul3A_6, %add3A_443 : i32
    %dma_start3A_445 = arith.constant 2 : i32
    %dma_start3A_446 = arith.constant 2 : i32
    %dma_start3A_447 = arith.constant 0 : i32
    %dma_start3A_448 = arith.constant 0 : i32
    %dma_start3A_449 = tpu.memref_slice %arg11[%dma_start3A_445, %dma_start3A_447, %dma_start3A_448] : memref<4x80x128xf32, #tpu.memory_space<vmem>> -> memref<1x80x128xf32, #tpu.memory_space<vmem>>
    %dma_start3A_450 = tpu.memref_squeeze %dma_start3A_449 : memref<1x80x128xf32, #tpu.memory_space<vmem>> -> memref<80x128xf32, #tpu.memory_space<vmem>>
    %dma_start3A_451 = arith.constant 0 : i32
    %dma_start3A_452 = tpu.memref_slice %arg5[%add3A_444, %dma_start3A_451] : memref<25600x128xf32, #tpu.memory_space<hbm>> -> memref<80x128xf32, #tpu.memory_space<hbm>>
    %dma_start3A_453 = tpu.memref_slice %arg14[%dma_start3A_446] : memref<4x!tpu.dma_semaphore, #tpu.memory_space<semaphore_mem>> -> memref<1x!tpu.dma_semaphore, #tpu.memory_space<semaphore_mem>>
    %dma_start3A_454 = tpu.memref_squeeze %dma_start3A_453 : memref<1x!tpu.dma_semaphore, #tpu.memory_space<semaphore_mem>> -> memref<!tpu.dma_semaphore, #tpu.memory_space<semaphore_mem>>
    %dma_start3A_455 = arith.constant 0 : i32
    %dma_start3A_456 = tpu.memref_slice %arg5[%add3A_444, %dma_start3A_455] : memref<25600x128xf32, #tpu.memory_space<hbm>> -> memref<80x128xf32, #tpu.memory_space<hbm>>
    %dma_start3A_457 = arith.constant 0 : i32
    %dma_start3A_458 = arith.constant 0 : i32
    %dma_start3A_459 = tpu.memref_slice %arg11[%dma_start3A_445, %dma_start3A_457, %dma_start3A_458] : memref<4x80x128xf32, #tpu.memory_space<vmem>> -> memref<1x80x128xf32, #tpu.memory_space<vmem>>
    %dma_start3A_460 = tpu.memref_squeeze %dma_start3A_459 : memref<1x80x128xf32, #tpu.memory_space<vmem>> -> memref<80x128xf32, #tpu.memory_space<vmem>>
    tpu.enqueue_dma source(%dma_start3A_460 : memref<80x128xf32, #tpu.memory_space<vmem>>) target(%dma_start3A_456 : memref<80x128xf32, #tpu.memory_space<hbm>>) target_semaphore(%dma_start3A_454 : memref<!tpu.dma_semaphore, #tpu.memory_space<semaphore_mem>>)
    %add3A_461 = arith.constant 400 : i32
    %add3A_462 = arith.addi %mul3A_6, %add3A_461 : i32
    %dma_wait3A_463 = arith.constant 1 : i32
    %dma_wait3A_464 = arith.constant 1 : i32
    %dma_wait3A_465 = arith.constant 0 : i32
    %dma_wait3A_466 = arith.constant 0 : i32
    %dma_wait3A_467 = tpu.memref_slice %arg11[%dma_wait3A_463, %dma_wait3A_465, %dma_wait3A_466] : memref<4x80x128xf32, #tpu.memory_space<vmem>> -> memref<1x80x128xf32, #tpu.memory_space<vmem>>
    %dma_wait3A_468 = tpu.memref_squeeze %dma_wait3A_467 : memref<1x80x128xf32, #tpu.memory_space<vmem>> -> memref<80x128xf32, #tpu.memory_space<vmem>>
    %dma_wait3A_469 = arith.constant 0 : i32
    %dma_wait3A_470 = tpu.memref_slice %arg5[%add3A_462, %dma_wait3A_469] : memref<25600x128xf32, #tpu.memory_space<hbm>> -> memref<80x128xf32, #tpu.memory_space<hbm>>
    %dma_wait3A_471 = tpu.memref_slice %arg14[%dma_wait3A_464] : memref<4x!tpu.dma_semaphore, #tpu.memory_space<semaphore_mem>> -> memref<1x!tpu.dma_semaphore, #tpu.memory_space<semaphore_mem>>
    %dma_wait3A_472 = tpu.memref_squeeze %dma_wait3A_471 : memref<1x!tpu.dma_semaphore, #tpu.memory_space<semaphore_mem>> -> memref<!tpu.dma_semaphore, #tpu.memory_space<semaphore_mem>>
    %dma_wait3A_473 = arith.constant 0 : i32
    %dma_wait3A_474 = tpu.memref_slice %arg5[%add3A_462, %dma_wait3A_473] : memref<25600x128xf32, #tpu.memory_space<hbm>> -> memref<80x128xf32, #tpu.memory_space<hbm>>
    %dma_wait3A_475 = arith.constant 0 : i32
    %dma_wait3A_476 = arith.constant 0 : i32
    %dma_wait3A_477 = tpu.memref_slice %arg11[%dma_wait3A_463, %dma_wait3A_475, %dma_wait3A_476] : memref<4x80x128xf32, #tpu.memory_space<vmem>> -> memref<1x80x128xf32, #tpu.memory_space<vmem>>
    %dma_wait3A_478 = tpu.memref_squeeze %dma_wait3A_477 : memref<1x80x128xf32, #tpu.memory_space<vmem>> -> memref<80x128xf32, #tpu.memory_space<vmem>>
    tpu.wait_dma2 semaphore(%dma_wait3A_472 : memref<!tpu.dma_semaphore, #tpu.memory_space<semaphore_mem>>) src(%dma_wait3A_478 : memref<80x128xf32, #tpu.memory_space<vmem>>) dst(%dma_wait3A_474 : memref<80x128xf32, #tpu.memory_space<hbm>>)
    %dma_start3A_479 = arith.constant 9 : i32
    %dma_start3A_480 = arith.constant 1 : i32
    %dma_start3A_481 = arith.constant 1 : i32
    %dma_start3A_482 = arith.constant 0 : i32
    %dma_start3A_483 = arith.constant 0 : i32
    %dma_start3A_484 = tpu.memref_slice %arg11[%dma_start3A_480, %dma_start3A_482, %dma_start3A_483] : memref<4x80x128xf32, #tpu.memory_space<vmem>> -> memref<1x80x128xf32, #tpu.memory_space<vmem>>
    %dma_start3A_485 = tpu.memref_squeeze %dma_start3A_484 : memref<1x80x128xf32, #tpu.memory_space<vmem>> -> memref<80x128xf32, #tpu.memory_space<vmem>>
    %dma_start3A_486 = arith.constant 0 : i32
    %dma_start3A_487 = tpu.memref_slice %arg8[%dma_start3A_479, %dma_start3A_486] : memref<10x80xi32, #tpu.memory_space<vmem>> -> memref<1x80xi32, #tpu.memory_space<vmem>>
    %dma_start3A_488 = tpu.memref_squeeze %dma_start3A_487 : memref<1x80xi32, #tpu.memory_space<vmem>> -> memref<80xi32, #tpu.memory_space<vmem>>
    %dma_start3A_489 = arith.constant 0 : i32
    %dma_start3A_490 = arith.constant 0 : i32
    %dma_start3A_491 = tpu.memref_slice %arg4[%dma_start3A_489, %dma_start3A_490] : memref<100000x128xf32, #tpu.memory_space<hbm>> -> memref<100000x128xf32, #tpu.memory_space<hbm>>
    %dma_start3A_492 = tpu.memref_slice %arg13[%dma_start3A_481] : memref<4x!tpu.dma_semaphore, #tpu.memory_space<semaphore_mem>> -> memref<1x!tpu.dma_semaphore, #tpu.memory_space<semaphore_mem>>
    %dma_start3A_493 = tpu.memref_squeeze %dma_start3A_492 : memref<1x!tpu.dma_semaphore, #tpu.memory_space<semaphore_mem>> -> memref<!tpu.dma_semaphore, #tpu.memory_space<semaphore_mem>>
    tpu.enqueue_indirect_dma source(%dma_start3A_491 : memref<100000x128xf32, #tpu.memory_space<hbm>>) target(%dma_start3A_485 : memref<80x128xf32, #tpu.memory_space<vmem>>) offsets(%dma_start3A_488 : memref<80xi32, #tpu.memory_space<vmem>>) semaphore(%dma_start3A_493 : memref<!tpu.dma_semaphore, #tpu.memory_space<semaphore_mem>>)
    %dma_wait3A_494 = arith.constant 7 : i32
    %dma_wait3A_495 = arith.constant 3 : i32
    %dma_wait3A_496 = arith.constant 3 : i32
    %dma_wait3A_497 = arith.constant 0 : i32
    %dma_wait3A_498 = arith.constant 0 : i32
    %dma_wait3A_499 = tpu.memref_slice %arg11[%dma_wait3A_495, %dma_wait3A_497, %dma_wait3A_498] : memref<4x80x128xf32, #tpu.memory_space<vmem>> -> memref<1x80x128xf32, #tpu.memory_space<vmem>>
    %dma_wait3A_500 = tpu.memref_squeeze %dma_wait3A_499 : memref<1x80x128xf32, #tpu.memory_space<vmem>> -> memref<80x128xf32, #tpu.memory_space<vmem>>
    %dma_wait3A_501 = arith.constant 0 : i32
    %dma_wait3A_502 = tpu.memref_slice %arg8[%dma_wait3A_494, %dma_wait3A_501] : memref<10x80xi32, #tpu.memory_space<vmem>> -> memref<1x80xi32, #tpu.memory_space<vmem>>
    %dma_wait3A_503 = tpu.memref_squeeze %dma_wait3A_502 : memref<1x80xi32, #tpu.memory_space<vmem>> -> memref<80xi32, #tpu.memory_space<vmem>>
    %dma_wait3A_504 = arith.constant 0 : i32
    %dma_wait3A_505 = arith.constant 0 : i32
    %dma_wait3A_506 = tpu.memref_slice %arg4[%dma_wait3A_504, %dma_wait3A_505] : memref<100000x128xf32, #tpu.memory_space<hbm>> -> memref<100000x128xf32, #tpu.memory_space<hbm>>
    %dma_wait3A_507 = tpu.memref_slice %arg13[%dma_wait3A_496] : memref<4x!tpu.dma_semaphore, #tpu.memory_space<semaphore_mem>> -> memref<1x!tpu.dma_semaphore, #tpu.memory_space<semaphore_mem>>
    %dma_wait3A_508 = tpu.memref_squeeze %dma_wait3A_507 : memref<1x!tpu.dma_semaphore, #tpu.memory_space<semaphore_mem>> -> memref<!tpu.dma_semaphore, #tpu.memory_space<semaphore_mem>>
    tpu.wait_indirect_dma semaphore(%dma_wait3A_508 : memref<!tpu.dma_semaphore, #tpu.memory_space<semaphore_mem>>) src(%dma_wait3A_506 : memref<100000x128xf32, #tpu.memory_space<hbm>>) dst(%dma_wait3A_500 : memref<80x128xf32, #tpu.memory_space<vmem>>)
    %add3A_509 = arith.constant 560 : i32
    %add3A_510 = arith.addi %mul3A_6, %add3A_509 : i32
    %dma_start3A_511 = arith.constant 3 : i32
    %dma_start3A_512 = arith.constant 3 : i32
    %dma_start3A_513 = arith.constant 0 : i32
    %dma_start3A_514 = arith.constant 0 : i32
    %dma_start3A_515 = tpu.memref_slice %arg11[%dma_start3A_511, %dma_start3A_513, %dma_start3A_514] : memref<4x80x128xf32, #tpu.memory_space<vmem>> -> memref<1x80x128xf32, #tpu.memory_space<vmem>>
    %dma_start3A_516 = tpu.memref_squeeze %dma_start3A_515 : memref<1x80x128xf32, #tpu.memory_space<vmem>> -> memref<80x128xf32, #tpu.memory_space<vmem>>
    %dma_start3A_517 = arith.constant 0 : i32
    %dma_start3A_518 = tpu.memref_slice %arg5[%add3A_510, %dma_start3A_517] : memref<25600x128xf32, #tpu.memory_space<hbm>> -> memref<80x128xf32, #tpu.memory_space<hbm>>
    %dma_start3A_519 = tpu.memref_slice %arg14[%dma_start3A_512] : memref<4x!tpu.dma_semaphore, #tpu.memory_space<semaphore_mem>> -> memref<1x!tpu.dma_semaphore, #tpu.memory_space<semaphore_mem>>
    %dma_start3A_520 = tpu.memref_squeeze %dma_start3A_519 : memref<1x!tpu.dma_semaphore, #tpu.memory_space<semaphore_mem>> -> memref<!tpu.dma_semaphore, #tpu.memory_space<semaphore_mem>>
    %dma_start3A_521 = arith.constant 0 : i32
    %dma_start3A_522 = tpu.memref_slice %arg5[%add3A_510, %dma_start3A_521] : memref<25600x128xf32, #tpu.memory_space<hbm>> -> memref<80x128xf32, #tpu.memory_space<hbm>>
    %dma_start3A_523 = arith.constant 0 : i32
    %dma_start3A_524 = arith.constant 0 : i32
    %dma_start3A_525 = tpu.memref_slice %arg11[%dma_start3A_511, %dma_start3A_523, %dma_start3A_524] : memref<4x80x128xf32, #tpu.memory_space<vmem>> -> memref<1x80x128xf32, #tpu.memory_space<vmem>>
    %dma_start3A_526 = tpu.memref_squeeze %dma_start3A_525 : memref<1x80x128xf32, #tpu.memory_space<vmem>> -> memref<80x128xf32, #tpu.memory_space<vmem>>
    tpu.enqueue_dma source(%dma_start3A_526 : memref<80x128xf32, #tpu.memory_space<vmem>>) target(%dma_start3A_522 : memref<80x128xf32, #tpu.memory_space<hbm>>) target_semaphore(%dma_start3A_520 : memref<!tpu.dma_semaphore, #tpu.memory_space<semaphore_mem>>)
    %dma_wait3A_527 = arith.constant 8 : i32
    %dma_wait3A_528 = arith.constant 0 : i32
    %dma_wait3A_529 = arith.constant 0 : i32
    %dma_wait3A_530 = arith.constant 0 : i32
    %dma_wait3A_531 = arith.constant 0 : i32
    %dma_wait3A_532 = tpu.memref_slice %arg11[%dma_wait3A_528, %dma_wait3A_530, %dma_wait3A_531] : memref<4x80x128xf32, #tpu.memory_space<vmem>> -> memref<1x80x128xf32, #tpu.memory_space<vmem>>
    %dma_wait3A_533 = tpu.memref_squeeze %dma_wait3A_532 : memref<1x80x128xf32, #tpu.memory_space<vmem>> -> memref<80x128xf32, #tpu.memory_space<vmem>>
    %dma_wait3A_534 = arith.constant 0 : i32
    %dma_wait3A_535 = tpu.memref_slice %arg8[%dma_wait3A_527, %dma_wait3A_534] : memref<10x80xi32, #tpu.memory_space<vmem>> -> memref<1x80xi32, #tpu.memory_space<vmem>>
    %dma_wait3A_536 = tpu.memref_squeeze %dma_wait3A_535 : memref<1x80xi32, #tpu.memory_space<vmem>> -> memref<80xi32, #tpu.memory_space<vmem>>
    %dma_wait3A_537 = arith.constant 0 : i32
    %dma_wait3A_538 = arith.constant 0 : i32
    %dma_wait3A_539 = tpu.memref_slice %arg4[%dma_wait3A_537, %dma_wait3A_538] : memref<100000x128xf32, #tpu.memory_space<hbm>> -> memref<100000x128xf32, #tpu.memory_space<hbm>>
    %dma_wait3A_540 = tpu.memref_slice %arg13[%dma_wait3A_529] : memref<4x!tpu.dma_semaphore, #tpu.memory_space<semaphore_mem>> -> memref<1x!tpu.dma_semaphore, #tpu.memory_space<semaphore_mem>>
    %dma_wait3A_541 = tpu.memref_squeeze %dma_wait3A_540 : memref<1x!tpu.dma_semaphore, #tpu.memory_space<semaphore_mem>> -> memref<!tpu.dma_semaphore, #tpu.memory_space<semaphore_mem>>
    tpu.wait_indirect_dma semaphore(%dma_wait3A_541 : memref<!tpu.dma_semaphore, #tpu.memory_space<semaphore_mem>>) src(%dma_wait3A_539 : memref<100000x128xf32, #tpu.memory_space<hbm>>) dst(%dma_wait3A_533 : memref<80x128xf32, #tpu.memory_space<vmem>>)
    %add3A_542 = arith.constant 640 : i32
    %add3A_543 = arith.addi %mul3A_6, %add3A_542 : i32
    %dma_start3A_544 = arith.constant 0 : i32
    %dma_start3A_545 = arith.constant 0 : i32
    %dma_start3A_546 = arith.constant 0 : i32
    %dma_start3A_547 = arith.constant 0 : i32
    %dma_start3A_548 = tpu.memref_slice %arg11[%dma_start3A_544, %dma_start3A_546, %dma_start3A_547] : memref<4x80x128xf32, #tpu.memory_space<vmem>> -> memref<1x80x128xf32, #tpu.memory_space<vmem>>
    %dma_start3A_549 = tpu.memref_squeeze %dma_start3A_548 : memref<1x80x128xf32, #tpu.memory_space<vmem>> -> memref<80x128xf32, #tpu.memory_space<vmem>>
    %dma_start3A_550 = arith.constant 0 : i32
    %dma_start3A_551 = tpu.memref_slice %arg5[%add3A_543, %dma_start3A_550] : memref<25600x128xf32, #tpu.memory_space<hbm>> -> memref<80x128xf32, #tpu.memory_space<hbm>>
    %dma_start3A_552 = tpu.memref_slice %arg14[%dma_start3A_545] : memref<4x!tpu.dma_semaphore, #tpu.memory_space<semaphore_mem>> -> memref<1x!tpu.dma_semaphore, #tpu.memory_space<semaphore_mem>>
    %dma_start3A_553 = tpu.memref_squeeze %dma_start3A_552 : memref<1x!tpu.dma_semaphore, #tpu.memory_space<semaphore_mem>> -> memref<!tpu.dma_semaphore, #tpu.memory_space<semaphore_mem>>
    %dma_start3A_554 = arith.constant 0 : i32
    %dma_start3A_555 = tpu.memref_slice %arg5[%add3A_543, %dma_start3A_554] : memref<25600x128xf32, #tpu.memory_space<hbm>> -> memref<80x128xf32, #tpu.memory_space<hbm>>
    %dma_start3A_556 = arith.constant 0 : i32
    %dma_start3A_557 = arith.constant 0 : i32
    %dma_start3A_558 = tpu.memref_slice %arg11[%dma_start3A_544, %dma_start3A_556, %dma_start3A_557] : memref<4x80x128xf32, #tpu.memory_space<vmem>> -> memref<1x80x128xf32, #tpu.memory_space<vmem>>
    %dma_start3A_559 = tpu.memref_squeeze %dma_start3A_558 : memref<1x80x128xf32, #tpu.memory_space<vmem>> -> memref<80x128xf32, #tpu.memory_space<vmem>>
    tpu.enqueue_dma source(%dma_start3A_559 : memref<80x128xf32, #tpu.memory_space<vmem>>) target(%dma_start3A_555 : memref<80x128xf32, #tpu.memory_space<hbm>>) target_semaphore(%dma_start3A_553 : memref<!tpu.dma_semaphore, #tpu.memory_space<semaphore_mem>>)
    %dma_wait3A_560 = arith.constant 9 : i32
    %dma_wait3A_561 = arith.constant 1 : i32
    %dma_wait3A_562 = arith.constant 1 : i32
    %dma_wait3A_563 = arith.constant 0 : i32
    %dma_wait3A_564 = arith.constant 0 : i32
    %dma_wait3A_565 = tpu.memref_slice %arg11[%dma_wait3A_561, %dma_wait3A_563, %dma_wait3A_564] : memref<4x80x128xf32, #tpu.memory_space<vmem>> -> memref<1x80x128xf32, #tpu.memory_space<vmem>>
    %dma_wait3A_566 = tpu.memref_squeeze %dma_wait3A_565 : memref<1x80x128xf32, #tpu.memory_space<vmem>> -> memref<80x128xf32, #tpu.memory_space<vmem>>
    %dma_wait3A_567 = arith.constant 0 : i32
    %dma_wait3A_568 = tpu.memref_slice %arg8[%dma_wait3A_560, %dma_wait3A_567] : memref<10x80xi32, #tpu.memory_space<vmem>> -> memref<1x80xi32, #tpu.memory_space<vmem>>
    %dma_wait3A_569 = tpu.memref_squeeze %dma_wait3A_568 : memref<1x80xi32, #tpu.memory_space<vmem>> -> memref<80xi32, #tpu.memory_space<vmem>>
    %dma_wait3A_570 = arith.constant 0 : i32
    %dma_wait3A_571 = arith.constant 0 : i32
    %dma_wait3A_572 = tpu.memref_slice %arg4[%dma_wait3A_570, %dma_wait3A_571] : memref<100000x128xf32, #tpu.memory_space<hbm>> -> memref<100000x128xf32, #tpu.memory_space<hbm>>
    %dma_wait3A_573 = tpu.memref_slice %arg13[%dma_wait3A_562] : memref<4x!tpu.dma_semaphore, #tpu.memory_space<semaphore_mem>> -> memref<1x!tpu.dma_semaphore, #tpu.memory_space<semaphore_mem>>
    %dma_wait3A_574 = tpu.memref_squeeze %dma_wait3A_573 : memref<1x!tpu.dma_semaphore, #tpu.memory_space<semaphore_mem>> -> memref<!tpu.dma_semaphore, #tpu.memory_space<semaphore_mem>>
    tpu.wait_indirect_dma semaphore(%dma_wait3A_574 : memref<!tpu.dma_semaphore, #tpu.memory_space<semaphore_mem>>) src(%dma_wait3A_572 : memref<100000x128xf32, #tpu.memory_space<hbm>>) dst(%dma_wait3A_566 : memref<80x128xf32, #tpu.memory_space<vmem>>)
    %add3A_575 = arith.constant 720 : i32
    %add3A_576 = arith.addi %mul3A_6, %add3A_575 : i32
    %dma_start3A_577 = arith.constant 1 : i32
    %dma_start3A_578 = arith.constant 1 : i32
    %dma_start3A_579 = arith.constant 0 : i32
    %dma_start3A_580 = arith.constant 0 : i32
    %dma_start3A_581 = tpu.memref_slice %arg11[%dma_start3A_577, %dma_start3A_579, %dma_start3A_580] : memref<4x80x128xf32, #tpu.memory_space<vmem>> -> memref<1x80x128xf32, #tpu.memory_space<vmem>>
    %dma_start3A_582 = tpu.memref_squeeze %dma_start3A_581 : memref<1x80x128xf32, #tpu.memory_space<vmem>> -> memref<80x128xf32, #tpu.memory_space<vmem>>
    %dma_start3A_583 = arith.constant 0 : i32
    %dma_start3A_584 = tpu.memref_slice %arg5[%add3A_576, %dma_start3A_583] : memref<25600x128xf32, #tpu.memory_space<hbm>> -> memref<80x128xf32, #tpu.memory_space<hbm>>
    %dma_start3A_585 = tpu.memref_slice %arg14[%dma_start3A_578] : memref<4x!tpu.dma_semaphore, #tpu.memory_space<semaphore_mem>> -> memref<1x!tpu.dma_semaphore, #tpu.memory_space<semaphore_mem>>
    %dma_start3A_586 = tpu.memref_squeeze %dma_start3A_585 : memref<1x!tpu.dma_semaphore, #tpu.memory_space<semaphore_mem>> -> memref<!tpu.dma_semaphore, #tpu.memory_space<semaphore_mem>>
    %dma_start3A_587 = arith.constant 0 : i32
    %dma_start3A_588 = tpu.memref_slice %arg5[%add3A_576, %dma_start3A_587] : memref<25600x128xf32, #tpu.memory_space<hbm>> -> memref<80x128xf32, #tpu.memory_space<hbm>>
    %dma_start3A_589 = arith.constant 0 : i32
    %dma_start3A_590 = arith.constant 0 : i32
    %dma_start3A_591 = tpu.memref_slice %arg11[%dma_start3A_577, %dma_start3A_589, %dma_start3A_590] : memref<4x80x128xf32, #tpu.memory_space<vmem>> -> memref<1x80x128xf32, #tpu.memory_space<vmem>>
    %dma_start3A_592 = tpu.memref_squeeze %dma_start3A_591 : memref<1x80x128xf32, #tpu.memory_space<vmem>> -> memref<80x128xf32, #tpu.memory_space<vmem>>
    tpu.enqueue_dma source(%dma_start3A_592 : memref<80x128xf32, #tpu.memory_space<vmem>>) target(%dma_start3A_588 : memref<80x128xf32, #tpu.memory_space<hbm>>) target_semaphore(%dma_start3A_586 : memref<!tpu.dma_semaphore, #tpu.memory_space<semaphore_mem>>)
    %add3A_593 = arith.constant 480 : i32
    %add3A_594 = arith.addi %mul3A_6, %add3A_593 : i32
    %dma_wait3A_595 = arith.constant 2 : i32
    %dma_wait3A_596 = arith.constant 2 : i32
    %dma_wait3A_597 = arith.constant 0 : i32
    %dma_wait3A_598 = arith.constant 0 : i32
    %dma_wait3A_599 = tpu.memref_slice %arg11[%dma_wait3A_595, %dma_wait3A_597, %dma_wait3A_598] : memref<4x80x128xf32, #tpu.memory_space<vmem>> -> memref<1x80x128xf32, #tpu.memory_space<vmem>>
    %dma_wait3A_600 = tpu.memref_squeeze %dma_wait3A_599 : memref<1x80x128xf32, #tpu.memory_space<vmem>> -> memref<80x128xf32, #tpu.memory_space<vmem>>
    %dma_wait3A_601 = arith.constant 0 : i32
    %dma_wait3A_602 = tpu.memref_slice %arg5[%add3A_594, %dma_wait3A_601] : memref<25600x128xf32, #tpu.memory_space<hbm>> -> memref<80x128xf32, #tpu.memory_space<hbm>>
    %dma_wait3A_603 = tpu.memref_slice %arg14[%dma_wait3A_596] : memref<4x!tpu.dma_semaphore, #tpu.memory_space<semaphore_mem>> -> memref<1x!tpu.dma_semaphore, #tpu.memory_space<semaphore_mem>>
    %dma_wait3A_604 = tpu.memref_squeeze %dma_wait3A_603 : memref<1x!tpu.dma_semaphore, #tpu.memory_space<semaphore_mem>> -> memref<!tpu.dma_semaphore, #tpu.memory_space<semaphore_mem>>
    %dma_wait3A_605 = arith.constant 0 : i32
    %dma_wait3A_606 = tpu.memref_slice %arg5[%add3A_594, %dma_wait3A_605] : memref<25600x128xf32, #tpu.memory_space<hbm>> -> memref<80x128xf32, #tpu.memory_space<hbm>>
    %dma_wait3A_607 = arith.constant 0 : i32
    %dma_wait3A_608 = arith.constant 0 : i32
    %dma_wait3A_609 = tpu.memref_slice %arg11[%dma_wait3A_595, %dma_wait3A_607, %dma_wait3A_608] : memref<4x80x128xf32, #tpu.memory_space<vmem>> -> memref<1x80x128xf32, #tpu.memory_space<vmem>>
    %dma_wait3A_610 = tpu.memref_squeeze %dma_wait3A_609 : memref<1x80x128xf32, #tpu.memory_space<vmem>> -> memref<80x128xf32, #tpu.memory_space<vmem>>
    tpu.wait_dma2 semaphore(%dma_wait3A_604 : memref<!tpu.dma_semaphore, #tpu.memory_space<semaphore_mem>>) src(%dma_wait3A_610 : memref<80x128xf32, #tpu.memory_space<vmem>>) dst(%dma_wait3A_606 : memref<80x128xf32, #tpu.memory_space<hbm>>)
    %add3A_611 = arith.constant 560 : i32
    %add3A_612 = arith.addi %mul3A_6, %add3A_611 : i32
    %dma_wait3A_613 = arith.constant 3 : i32
    %dma_wait3A_614 = arith.constant 3 : i32
    %dma_wait3A_615 = arith.constant 0 : i32
    %dma_wait3A_616 = arith.constant 0 : i32
    %dma_wait3A_617 = tpu.memref_slice %arg11[%dma_wait3A_613, %dma_wait3A_615, %dma_wait3A_616] : memref<4x80x128xf32, #tpu.memory_space<vmem>> -> memref<1x80x128xf32, #tpu.memory_space<vmem>>
    %dma_wait3A_618 = tpu.memref_squeeze %dma_wait3A_617 : memref<1x80x128xf32, #tpu.memory_space<vmem>> -> memref<80x128xf32, #tpu.memory_space<vmem>>
    %dma_wait3A_619 = arith.constant 0 : i32
    %dma_wait3A_620 = tpu.memref_slice %arg5[%add3A_612, %dma_wait3A_619] : memref<25600x128xf32, #tpu.memory_space<hbm>> -> memref<80x128xf32, #tpu.memory_space<hbm>>
    %dma_wait3A_621 = tpu.memref_slice %arg14[%dma_wait3A_614] : memref<4x!tpu.dma_semaphore, #tpu.memory_space<semaphore_mem>> -> memref<1x!tpu.dma_semaphore, #tpu.memory_space<semaphore_mem>>
    %dma_wait3A_622 = tpu.memref_squeeze %dma_wait3A_621 : memref<1x!tpu.dma_semaphore, #tpu.memory_space<semaphore_mem>> -> memref<!tpu.dma_semaphore, #tpu.memory_space<semaphore_mem>>
    %dma_wait3A_623 = arith.constant 0 : i32
    %dma_wait3A_624 = tpu.memref_slice %arg5[%add3A_612, %dma_wait3A_623] : memref<25600x128xf32, #tpu.memory_space<hbm>> -> memref<80x128xf32, #tpu.memory_space<hbm>>
    %dma_wait3A_625 = arith.constant 0 : i32
    %dma_wait3A_626 = arith.constant 0 : i32
    %dma_wait3A_627 = tpu.memref_slice %arg11[%dma_wait3A_613, %dma_wait3A_625, %dma_wait3A_626] : memref<4x80x128xf32, #tpu.memory_space<vmem>> -> memref<1x80x128xf32, #tpu.memory_space<vmem>>
    %dma_wait3A_628 = tpu.memref_squeeze %dma_wait3A_627 : memref<1x80x128xf32, #tpu.memory_space<vmem>> -> memref<80x128xf32, #tpu.memory_space<vmem>>
    tpu.wait_dma2 semaphore(%dma_wait3A_622 : memref<!tpu.dma_semaphore, #tpu.memory_space<semaphore_mem>>) src(%dma_wait3A_628 : memref<80x128xf32, #tpu.memory_space<vmem>>) dst(%dma_wait3A_624 : memref<80x128xf32, #tpu.memory_space<hbm>>)
    %add3A_629 = arith.constant 640 : i32
    %add3A_630 = arith.addi %mul3A_6, %add3A_629 : i32
    %dma_wait3A_631 = arith.constant 0 : i32
    %dma_wait3A_632 = arith.constant 0 : i32
    %dma_wait3A_633 = arith.constant 0 : i32
    %dma_wait3A_634 = arith.constant 0 : i32
    %dma_wait3A_635 = tpu.memref_slice %arg11[%dma_wait3A_631, %dma_wait3A_633, %dma_wait3A_634] : memref<4x80x128xf32, #tpu.memory_space<vmem>> -> memref<1x80x128xf32, #tpu.memory_space<vmem>>
    %dma_wait3A_636 = tpu.memref_squeeze %dma_wait3A_635 : memref<1x80x128xf32, #tpu.memory_space<vmem>> -> memref<80x128xf32, #tpu.memory_space<vmem>>
    %dma_wait3A_637 = arith.constant 0 : i32
    %dma_wait3A_638 = tpu.memref_slice %arg5[%add3A_630, %dma_wait3A_637] : memref<25600x128xf32, #tpu.memory_space<hbm>> -> memref<80x128xf32, #tpu.memory_space<hbm>>
    %dma_wait3A_639 = tpu.memref_slice %arg14[%dma_wait3A_632] : memref<4x!tpu.dma_semaphore, #tpu.memory_space<semaphore_mem>> -> memref<1x!tpu.dma_semaphore, #tpu.memory_space<semaphore_mem>>
    %dma_wait3A_640 = tpu.memref_squeeze %dma_wait3A_639 : memref<1x!tpu.dma_semaphore, #tpu.memory_space<semaphore_mem>> -> memref<!tpu.dma_semaphore, #tpu.memory_space<semaphore_mem>>
    %dma_wait3A_641 = arith.constant 0 : i32
    %dma_wait3A_642 = tpu.memref_slice %arg5[%add3A_630, %dma_wait3A_641] : memref<25600x128xf32, #tpu.memory_space<hbm>> -> memref<80x128xf32, #tpu.memory_space<hbm>>
    %dma_wait3A_643 = arith.constant 0 : i32
    %dma_wait3A_644 = arith.constant 0 : i32
    %dma_wait3A_645 = tpu.memref_slice %arg11[%dma_wait3A_631, %dma_wait3A_643, %dma_wait3A_644] : memref<4x80x128xf32, #tpu.memory_space<vmem>> -> memref<1x80x128xf32, #tpu.memory_space<vmem>>
    %dma_wait3A_646 = tpu.memref_squeeze %dma_wait3A_645 : memref<1x80x128xf32, #tpu.memory_space<vmem>> -> memref<80x128xf32, #tpu.memory_space<vmem>>
    tpu.wait_dma2 semaphore(%dma_wait3A_640 : memref<!tpu.dma_semaphore, #tpu.memory_space<semaphore_mem>>) src(%dma_wait3A_646 : memref<80x128xf32, #tpu.memory_space<vmem>>) dst(%dma_wait3A_642 : memref<80x128xf32, #tpu.memory_space<hbm>>)
    %add3A_647 = arith.constant 720 : i32
    %add3A_648 = arith.addi %mul3A_6, %add3A_647 : i32
    %dma_wait3A_649 = arith.constant 1 : i32
    %dma_wait3A_650 = arith.constant 1 : i32
    %dma_wait3A_651 = arith.constant 0 : i32
    %dma_wait3A_652 = arith.constant 0 : i32
    %dma_wait3A_653 = tpu.memref_slice %arg11[%dma_wait3A_649, %dma_wait3A_651, %dma_wait3A_652] : memref<4x80x128xf32, #tpu.memory_space<vmem>> -> memref<1x80x128xf32, #tpu.memory_space<vmem>>
    %dma_wait3A_654 = tpu.memref_squeeze %dma_wait3A_653 : memref<1x80x128xf32, #tpu.memory_space<vmem>> -> memref<80x128xf32, #tpu.memory_space<vmem>>
    %dma_wait3A_655 = arith.constant 0 : i32
    %dma_wait3A_656 = tpu.memref_slice %arg5[%add3A_648, %dma_wait3A_655] : memref<25600x128xf32, #tpu.memory_space<hbm>> -> memref<80x128xf32, #tpu.memory_space<hbm>>
    %dma_wait3A_657 = tpu.memref_slice %arg14[%dma_wait3A_650] : memref<4x!tpu.dma_semaphore, #tpu.memory_space<semaphore_mem>> -> memref<1x!tpu.dma_semaphore, #tpu.memory_space<semaphore_mem>>
    %dma_wait3A_658 = tpu.memref_squeeze %dma_wait3A_657 : memref<1x!tpu.dma_semaphore, #tpu.memory_space<semaphore_mem>> -> memref<!tpu.dma_semaphore, #tpu.memory_space<semaphore_mem>>
    %dma_wait3A_659 = arith.constant 0 : i32
    %dma_wait3A_660 = tpu.memref_slice %arg5[%add3A_648, %dma_wait3A_659] : memref<25600x128xf32, #tpu.memory_space<hbm>> -> memref<80x128xf32, #tpu.memory_space<hbm>>
    %dma_wait3A_661 = arith.constant 0 : i32
    %dma_wait3A_662 = arith.constant 0 : i32
    %dma_wait3A_663 = tpu.memref_slice %arg11[%dma_wait3A_649, %dma_wait3A_661, %dma_wait3A_662] : memref<4x80x128xf32, #tpu.memory_space<vmem>> -> memref<1x80x128xf32, #tpu.memory_space<vmem>>
    %dma_wait3A_664 = tpu.memref_squeeze %dma_wait3A_663 : memref<1x80x128xf32, #tpu.memory_space<vmem>> -> memref<80x128xf32, #tpu.memory_space<vmem>>
    tpu.wait_dma2 semaphore(%dma_wait3A_658 : memref<!tpu.dma_semaphore, #tpu.memory_space<semaphore_mem>>) src(%dma_wait3A_664 : memref<80x128xf32, #tpu.memory_space<vmem>>) dst(%dma_wait3A_660 : memref<80x128xf32, #tpu.memory_space<hbm>>)
    %add3A_665 = arith.constant 1024 : i32
    %add3A_666 = arith.addi %add3A_665, %mul3A_2 : i32
    "tpu.region"() ({
      %run_scoped3A_777 = tpu.sem_alloc : memref<!tpu.dma_semaphore, #tpu.memory_space<semaphore_mem>>
      %dma_start3A_778 = tpu.memref_slice %arg3[%add3A_666] : memref<3072xi32, #tpu.memory_space<hbm>> -> memref<32xi32, #tpu.memory_space<hbm>>
      %dma_start3A_779 = tpu.memref_slice %arg3[%add3A_666] : memref<3072xi32, #tpu.memory_space<hbm>> -> memref<32xi32, #tpu.memory_space<hbm>>
      tpu.enqueue_dma source(%dma_start3A_779 : memref<32xi32, #tpu.memory_space<hbm>>) target(%arg9 : memref<32xi32, #tpu.memory_space<vmem>>) target_semaphore(%run_scoped3A_777 : memref<!tpu.dma_semaphore, #tpu.memory_space<semaphore_mem>>)
      %dma_wait3A_780 = tpu.memref_slice %arg3[%add3A_666] : memref<3072xi32, #tpu.memory_space<hbm>> -> memref<32xi32, #tpu.memory_space<hbm>>
      %dma_wait3A_781 = tpu.memref_slice %arg3[%add3A_666] : memref<3072xi32, #tpu.memory_space<hbm>> -> memref<32xi32, #tpu.memory_space<hbm>>
      tpu.wait_dma2 semaphore(%run_scoped3A_777 : memref<!tpu.dma_semaphore, #tpu.memory_space<semaphore_mem>>) src(%dma_wait3A_781 : memref<32xi32, #tpu.memory_space<hbm>>) dst(%arg9 : memref<32xi32, #tpu.memory_space<vmem>>)
      tpu.yield
    }) : () -> ()
    %dma_start3A_667 = arith.constant 0 : i32
    %dma_start3A_668 = arith.constant 0 : i32
    %dma_start3A_669 = arith.constant 0 : i32
    %dma_start3A_670 = arith.constant 0 : i32
    %dma_start3A_671 = tpu.memref_slice %arg12[%dma_start3A_667, %dma_start3A_669, %dma_start3A_670] : memref<2x32x128xf32, #tpu.memory_space<vmem>> -> memref<1x32x128xf32, #tpu.memory_space<vmem>>
    %dma_start3A_672 = tpu.memref_squeeze %dma_start3A_671 : memref<1x32x128xf32, #tpu.memory_space<vmem>> -> memref<32x128xf32, #tpu.memory_space<vmem>>
    %dma_start3A_673 = arith.constant 0 : i32
    %dma_start3A_674 = arith.constant 0 : i32
    %dma_start3A_675 = tpu.memref_slice %arg4[%dma_start3A_673, %dma_start3A_674] : memref<100000x128xf32, #tpu.memory_space<hbm>> -> memref<100000x128xf32, #tpu.memory_space<hbm>>
    %dma_start3A_676 = tpu.memref_slice %arg13[%dma_start3A_668] : memref<4x!tpu.dma_semaphore, #tpu.memory_space<semaphore_mem>> -> memref<1x!tpu.dma_semaphore, #tpu.memory_space<semaphore_mem>>
    %dma_start3A_677 = tpu.memref_squeeze %dma_start3A_676 : memref<1x!tpu.dma_semaphore, #tpu.memory_space<semaphore_mem>> -> memref<!tpu.dma_semaphore, #tpu.memory_space<semaphore_mem>>
    tpu.enqueue_indirect_dma source(%dma_start3A_675 : memref<100000x128xf32, #tpu.memory_space<hbm>>) target(%dma_start3A_672 : memref<32x128xf32, #tpu.memory_space<vmem>>) offsets(%arg9 : memref<32xi32, #tpu.memory_space<vmem>>) semaphore(%dma_start3A_677 : memref<!tpu.dma_semaphore, #tpu.memory_space<semaphore_mem>>)
    %add3A_678 = arith.constant 2048 : i32
    %add3A_679 = arith.addi %add3A_678, %mul3A_2 : i32
    "tpu.region"() ({
      %run_scoped3A_777 = tpu.sem_alloc : memref<!tpu.dma_semaphore, #tpu.memory_space<semaphore_mem>>
      %dma_start3A_778 = tpu.memref_slice %arg3[%add3A_679] : memref<3072xi32, #tpu.memory_space<hbm>> -> memref<32xi32, #tpu.memory_space<hbm>>
      %dma_start3A_779 = tpu.memref_slice %arg3[%add3A_679] : memref<3072xi32, #tpu.memory_space<hbm>> -> memref<32xi32, #tpu.memory_space<hbm>>
      tpu.enqueue_dma source(%dma_start3A_779 : memref<32xi32, #tpu.memory_space<hbm>>) target(%arg10 : memref<32xi32, #tpu.memory_space<vmem>>) target_semaphore(%run_scoped3A_777 : memref<!tpu.dma_semaphore, #tpu.memory_space<semaphore_mem>>)
      %dma_wait3A_780 = tpu.memref_slice %arg3[%add3A_679] : memref<3072xi32, #tpu.memory_space<hbm>> -> memref<32xi32, #tpu.memory_space<hbm>>
      %dma_wait3A_781 = tpu.memref_slice %arg3[%add3A_679] : memref<3072xi32, #tpu.memory_space<hbm>> -> memref<32xi32, #tpu.memory_space<hbm>>
      tpu.wait_dma2 semaphore(%run_scoped3A_777 : memref<!tpu.dma_semaphore, #tpu.memory_space<semaphore_mem>>) src(%dma_wait3A_781 : memref<32xi32, #tpu.memory_space<hbm>>) dst(%arg10 : memref<32xi32, #tpu.memory_space<vmem>>)
      tpu.yield
    }) : () -> ()
    %dma_start3A_680 = arith.constant 1 : i32
    %dma_start3A_681 = arith.constant 1 : i32
    %dma_start3A_682 = arith.constant 0 : i32
    %dma_start3A_683 = arith.constant 0 : i32
    %dma_start3A_684 = tpu.memref_slice %arg12[%dma_start3A_680, %dma_start3A_682, %dma_start3A_683] : memref<2x32x128xf32, #tpu.memory_space<vmem>> -> memref<1x32x128xf32, #tpu.memory_space<vmem>>
    %dma_start3A_685 = tpu.memref_squeeze %dma_start3A_684 : memref<1x32x128xf32, #tpu.memory_space<vmem>> -> memref<32x128xf32, #tpu.memory_space<vmem>>
    %dma_start3A_686 = arith.constant 0 : i32
    %dma_start3A_687 = arith.constant 0 : i32
    %dma_start3A_688 = tpu.memref_slice %arg4[%dma_start3A_686, %dma_start3A_687] : memref<100000x128xf32, #tpu.memory_space<hbm>> -> memref<100000x128xf32, #tpu.memory_space<hbm>>
    %dma_start3A_689 = tpu.memref_slice %arg13[%dma_start3A_681] : memref<4x!tpu.dma_semaphore, #tpu.memory_space<semaphore_mem>> -> memref<1x!tpu.dma_semaphore, #tpu.memory_space<semaphore_mem>>
    %dma_start3A_690 = tpu.memref_squeeze %dma_start3A_689 : memref<1x!tpu.dma_semaphore, #tpu.memory_space<semaphore_mem>> -> memref<!tpu.dma_semaphore, #tpu.memory_space<semaphore_mem>>
    tpu.enqueue_indirect_dma source(%dma_start3A_688 : memref<100000x128xf32, #tpu.memory_space<hbm>>) target(%dma_start3A_685 : memref<32x128xf32, #tpu.memory_space<vmem>>) offsets(%arg10 : memref<32xi32, #tpu.memory_space<vmem>>) semaphore(%dma_start3A_690 : memref<!tpu.dma_semaphore, #tpu.memory_space<semaphore_mem>>)
    %dma_wait3A_691 = arith.constant 0 : i32
    %dma_wait3A_692 = arith.constant 0 : i32
    %dma_wait3A_693 = arith.constant 0 : i32
    %dma_wait3A_694 = arith.constant 0 : i32
    %dma_wait3A_695 = tpu.memref_slice %arg12[%dma_wait3A_691, %dma_wait3A_693, %dma_wait3A_694] : memref<2x32x128xf32, #tpu.memory_space<vmem>> -> memref<1x32x128xf32, #tpu.memory_space<vmem>>
    %dma_wait3A_696 = tpu.memref_squeeze %dma_wait3A_695 : memref<1x32x128xf32, #tpu.memory_space<vmem>> -> memref<32x128xf32, #tpu.memory_space<vmem>>
    %dma_wait3A_697 = arith.constant 0 : i32
    %dma_wait3A_698 = arith.constant 0 : i32
    %dma_wait3A_699 = tpu.memref_slice %arg4[%dma_wait3A_697, %dma_wait3A_698] : memref<100000x128xf32, #tpu.memory_space<hbm>> -> memref<100000x128xf32, #tpu.memory_space<hbm>>
    %dma_wait3A_700 = tpu.memref_slice %arg13[%dma_wait3A_692] : memref<4x!tpu.dma_semaphore, #tpu.memory_space<semaphore_mem>> -> memref<1x!tpu.dma_semaphore, #tpu.memory_space<semaphore_mem>>
    %dma_wait3A_701 = tpu.memref_squeeze %dma_wait3A_700 : memref<1x!tpu.dma_semaphore, #tpu.memory_space<semaphore_mem>> -> memref<!tpu.dma_semaphore, #tpu.memory_space<semaphore_mem>>
    tpu.wait_indirect_dma semaphore(%dma_wait3A_701 : memref<!tpu.dma_semaphore, #tpu.memory_space<semaphore_mem>>) src(%dma_wait3A_699 : memref<100000x128xf32, #tpu.memory_space<hbm>>) dst(%dma_wait3A_696 : memref<32x128xf32, #tpu.memory_space<vmem>>)
    %dma_start3A_702 = arith.constant 0 : i32
    %dma_start3A_703 = arith.constant 0 : i32
    %dma_start3A_704 = arith.constant 0 : i32
    %dma_start3A_705 = arith.constant 0 : i32
    %dma_start3A_706 = tpu.memref_slice %arg12[%dma_start3A_702, %dma_start3A_704, %dma_start3A_705] : memref<2x32x128xf32, #tpu.memory_space<vmem>> -> memref<1x32x128xf32, #tpu.memory_space<vmem>>
    %dma_start3A_707 = tpu.memref_squeeze %dma_start3A_706 : memref<1x32x128xf32, #tpu.memory_space<vmem>> -> memref<32x128xf32, #tpu.memory_space<vmem>>
    %dma_start3A_708 = arith.constant 0 : i32
    %dma_start3A_709 = tpu.memref_slice %arg6[%mul3A_2, %dma_start3A_708] : memref<1024x128xf32, #tpu.memory_space<hbm>> -> memref<32x128xf32, #tpu.memory_space<hbm>>
    %dma_start3A_710 = tpu.memref_slice %arg14[%dma_start3A_703] : memref<4x!tpu.dma_semaphore, #tpu.memory_space<semaphore_mem>> -> memref<1x!tpu.dma_semaphore, #tpu.memory_space<semaphore_mem>>
    %dma_start3A_711 = tpu.memref_squeeze %dma_start3A_710 : memref<1x!tpu.dma_semaphore, #tpu.memory_space<semaphore_mem>> -> memref<!tpu.dma_semaphore, #tpu.memory_space<semaphore_mem>>
    %dma_start3A_712 = arith.constant 0 : i32
    %dma_start3A_713 = tpu.memref_slice %arg6[%mul3A_2, %dma_start3A_712] : memref<1024x128xf32, #tpu.memory_space<hbm>> -> memref<32x128xf32, #tpu.memory_space<hbm>>
    %dma_start3A_714 = arith.constant 0 : i32
    %dma_start3A_715 = arith.constant 0 : i32
    %dma_start3A_716 = tpu.memref_slice %arg12[%dma_start3A_702, %dma_start3A_714, %dma_start3A_715] : memref<2x32x128xf32, #tpu.memory_space<vmem>> -> memref<1x32x128xf32, #tpu.memory_space<vmem>>
    %dma_start3A_717 = tpu.memref_squeeze %dma_start3A_716 : memref<1x32x128xf32, #tpu.memory_space<vmem>> -> memref<32x128xf32, #tpu.memory_space<vmem>>
    tpu.enqueue_dma source(%dma_start3A_717 : memref<32x128xf32, #tpu.memory_space<vmem>>) target(%dma_start3A_713 : memref<32x128xf32, #tpu.memory_space<hbm>>) target_semaphore(%dma_start3A_711 : memref<!tpu.dma_semaphore, #tpu.memory_space<semaphore_mem>>)
    %dma_wait3A_718 = arith.constant 1 : i32
    %dma_wait3A_719 = arith.constant 1 : i32
    %dma_wait3A_720 = arith.constant 0 : i32
    %dma_wait3A_721 = arith.constant 0 : i32
    %dma_wait3A_722 = tpu.memref_slice %arg12[%dma_wait3A_718, %dma_wait3A_720, %dma_wait3A_721] : memref<2x32x128xf32, #tpu.memory_space<vmem>> -> memref<1x32x128xf32, #tpu.memory_space<vmem>>
    %dma_wait3A_723 = tpu.memref_squeeze %dma_wait3A_722 : memref<1x32x128xf32, #tpu.memory_space<vmem>> -> memref<32x128xf32, #tpu.memory_space<vmem>>
    %dma_wait3A_724 = arith.constant 0 : i32
    %dma_wait3A_725 = arith.constant 0 : i32
    %dma_wait3A_726 = tpu.memref_slice %arg4[%dma_wait3A_724, %dma_wait3A_725] : memref<100000x128xf32, #tpu.memory_space<hbm>> -> memref<100000x128xf32, #tpu.memory_space<hbm>>
    %dma_wait3A_727 = tpu.memref_slice %arg13[%dma_wait3A_719] : memref<4x!tpu.dma_semaphore, #tpu.memory_space<semaphore_mem>> -> memref<1x!tpu.dma_semaphore, #tpu.memory_space<semaphore_mem>>
    %dma_wait3A_728 = tpu.memref_squeeze %dma_wait3A_727 : memref<1x!tpu.dma_semaphore, #tpu.memory_space<semaphore_mem>> -> memref<!tpu.dma_semaphore, #tpu.memory_space<semaphore_mem>>
    tpu.wait_indirect_dma semaphore(%dma_wait3A_728 : memref<!tpu.dma_semaphore, #tpu.memory_space<semaphore_mem>>) src(%dma_wait3A_726 : memref<100000x128xf32, #tpu.memory_space<hbm>>) dst(%dma_wait3A_723 : memref<32x128xf32, #tpu.memory_space<vmem>>)
    %dma_start3A_729 = arith.constant 1 : i32
    %dma_start3A_730 = arith.constant 1 : i32
    %dma_start3A_731 = arith.constant 0 : i32
    %dma_start3A_732 = arith.constant 0 : i32
    %dma_start3A_733 = tpu.memref_slice %arg12[%dma_start3A_729, %dma_start3A_731, %dma_start3A_732] : memref<2x32x128xf32, #tpu.memory_space<vmem>> -> memref<1x32x128xf32, #tpu.memory_space<vmem>>
    %dma_start3A_734 = tpu.memref_squeeze %dma_start3A_733 : memref<1x32x128xf32, #tpu.memory_space<vmem>> -> memref<32x128xf32, #tpu.memory_space<vmem>>
    %dma_start3A_735 = arith.constant 0 : i32
    %dma_start3A_736 = tpu.memref_slice %arg7[%mul3A_2, %dma_start3A_735] : memref<1024x128xf32, #tpu.memory_space<hbm>> -> memref<32x128xf32, #tpu.memory_space<hbm>>
    %dma_start3A_737 = tpu.memref_slice %arg14[%dma_start3A_730] : memref<4x!tpu.dma_semaphore, #tpu.memory_space<semaphore_mem>> -> memref<1x!tpu.dma_semaphore, #tpu.memory_space<semaphore_mem>>
    %dma_start3A_738 = tpu.memref_squeeze %dma_start3A_737 : memref<1x!tpu.dma_semaphore, #tpu.memory_space<semaphore_mem>> -> memref<!tpu.dma_semaphore, #tpu.memory_space<semaphore_mem>>
    %dma_start3A_739 = arith.constant 0 : i32
    %dma_start3A_740 = tpu.memref_slice %arg7[%mul3A_2, %dma_start3A_739] : memref<1024x128xf32, #tpu.memory_space<hbm>> -> memref<32x128xf32, #tpu.memory_space<hbm>>
    %dma_start3A_741 = arith.constant 0 : i32
    %dma_start3A_742 = arith.constant 0 : i32
    %dma_start3A_743 = tpu.memref_slice %arg12[%dma_start3A_729, %dma_start3A_741, %dma_start3A_742] : memref<2x32x128xf32, #tpu.memory_space<vmem>> -> memref<1x32x128xf32, #tpu.memory_space<vmem>>
    %dma_start3A_744 = tpu.memref_squeeze %dma_start3A_743 : memref<1x32x128xf32, #tpu.memory_space<vmem>> -> memref<32x128xf32, #tpu.memory_space<vmem>>
    tpu.enqueue_dma source(%dma_start3A_744 : memref<32x128xf32, #tpu.memory_space<vmem>>) target(%dma_start3A_740 : memref<32x128xf32, #tpu.memory_space<hbm>>) target_semaphore(%dma_start3A_738 : memref<!tpu.dma_semaphore, #tpu.memory_space<semaphore_mem>>)
    %dma_wait3A_745 = arith.constant 0 : i32
    %dma_wait3A_746 = arith.constant 0 : i32
    %dma_wait3A_747 = arith.constant 0 : i32
    %dma_wait3A_748 = arith.constant 0 : i32
    %dma_wait3A_749 = tpu.memref_slice %arg12[%dma_wait3A_745, %dma_wait3A_747, %dma_wait3A_748] : memref<2x32x128xf32, #tpu.memory_space<vmem>> -> memref<1x32x128xf32, #tpu.memory_space<vmem>>
    %dma_wait3A_750 = tpu.memref_squeeze %dma_wait3A_749 : memref<1x32x128xf32, #tpu.memory_space<vmem>> -> memref<32x128xf32, #tpu.memory_space<vmem>>
    %dma_wait3A_751 = arith.constant 0 : i32
    %dma_wait3A_752 = tpu.memref_slice %arg6[%mul3A_2, %dma_wait3A_751] : memref<1024x128xf32, #tpu.memory_space<hbm>> -> memref<32x128xf32, #tpu.memory_space<hbm>>
    %dma_wait3A_753 = tpu.memref_slice %arg14[%dma_wait3A_746] : memref<4x!tpu.dma_semaphore, #tpu.memory_space<semaphore_mem>> -> memref<1x!tpu.dma_semaphore, #tpu.memory_space<semaphore_mem>>
    %dma_wait3A_754 = tpu.memref_squeeze %dma_wait3A_753 : memref<1x!tpu.dma_semaphore, #tpu.memory_space<semaphore_mem>> -> memref<!tpu.dma_semaphore, #tpu.memory_space<semaphore_mem>>
    %dma_wait3A_755 = arith.constant 0 : i32
    %dma_wait3A_756 = tpu.memref_slice %arg6[%mul3A_2, %dma_wait3A_755] : memref<1024x128xf32, #tpu.memory_space<hbm>> -> memref<32x128xf32, #tpu.memory_space<hbm>>
    %dma_wait3A_757 = arith.constant 0 : i32
    %dma_wait3A_758 = arith.constant 0 : i32
    %dma_wait3A_759 = tpu.memref_slice %arg12[%dma_wait3A_745, %dma_wait3A_757, %dma_wait3A_758] : memref<2x32x128xf32, #tpu.memory_space<vmem>> -> memref<1x32x128xf32, #tpu.memory_space<vmem>>
    %dma_wait3A_760 = tpu.memref_squeeze %dma_wait3A_759 : memref<1x32x128xf32, #tpu.memory_space<vmem>> -> memref<32x128xf32, #tpu.memory_space<vmem>>
    tpu.wait_dma2 semaphore(%dma_wait3A_754 : memref<!tpu.dma_semaphore, #tpu.memory_space<semaphore_mem>>) src(%dma_wait3A_760 : memref<32x128xf32, #tpu.memory_space<vmem>>) dst(%dma_wait3A_756 : memref<32x128xf32, #tpu.memory_space<hbm>>)
    %dma_wait3A_761 = arith.constant 1 : i32
    %dma_wait3A_762 = arith.constant 1 : i32
    %dma_wait3A_763 = arith.constant 0 : i32
    %dma_wait3A_764 = arith.constant 0 : i32
    %dma_wait3A_765 = tpu.memref_slice %arg12[%dma_wait3A_761, %dma_wait3A_763, %dma_wait3A_764] : memref<2x32x128xf32, #tpu.memory_space<vmem>> -> memref<1x32x128xf32, #tpu.memory_space<vmem>>
    %dma_wait3A_766 = tpu.memref_squeeze %dma_wait3A_765 : memref<1x32x128xf32, #tpu.memory_space<vmem>> -> memref<32x128xf32, #tpu.memory_space<vmem>>
    %dma_wait3A_767 = arith.constant 0 : i32
    %dma_wait3A_768 = tpu.memref_slice %arg7[%mul3A_2, %dma_wait3A_767] : memref<1024x128xf32, #tpu.memory_space<hbm>> -> memref<32x128xf32, #tpu.memory_space<hbm>>
    %dma_wait3A_769 = tpu.memref_slice %arg14[%dma_wait3A_762] : memref<4x!tpu.dma_semaphore, #tpu.memory_space<semaphore_mem>> -> memref<1x!tpu.dma_semaphore, #tpu.memory_space<semaphore_mem>>
    %dma_wait3A_770 = tpu.memref_squeeze %dma_wait3A_769 : memref<1x!tpu.dma_semaphore, #tpu.memory_space<semaphore_mem>> -> memref<!tpu.dma_semaphore, #tpu.memory_space<semaphore_mem>>
    %dma_wait3A_771 = arith.constant 0 : i32
    %dma_wait3A_772 = tpu.memref_slice %arg7[%mul3A_2, %dma_wait3A_771] : memref<1024x128xf32, #tpu.memory_space<hbm>> -> memref<32x128xf32, #tpu.memory_space<hbm>>
    %dma_wait3A_773 = arith.constant 0 : i32
    %dma_wait3A_774 = arith.constant 0 : i32
    %dma_wait3A_775 = tpu.memref_slice %arg12[%dma_wait3A_761, %dma_wait3A_773, %dma_wait3A_774] : memref<2x32x128xf32, #tpu.memory_space<vmem>> -> memref<1x32x128xf32, #tpu.memory_space<vmem>>
    %dma_wait3A_776 = tpu.memref_squeeze %dma_wait3A_775 : memref<1x32x128xf32, #tpu.memory_space<vmem>> -> memref<32x128xf32, #tpu.memory_space<vmem>>
    tpu.wait_dma2 semaphore(%dma_wait3A_770 : memref<!tpu.dma_semaphore, #tpu.memory_space<semaphore_mem>>) src(%dma_wait3A_776 : memref<32x128xf32, #tpu.memory_space<vmem>>) dst(%dma_wait3A_772 : memref<32x128xf32, #tpu.memory_space<hbm>>)
    return
  }
}

module attributes {stable_mosaic.version = 14 : i64} {
  func.func @_dense_a_body(%arg0: i32, %arg1: memref<25x128x128xf32, #tpu.memory_space<vmem>>, %arg2: memref<128x128xf32, #tpu.memory_space<vmem>>, %arg3: memref<128x128xf32, #tpu.memory_space<vmem>>, %arg4: memref<128x128xf32, #tpu.memory_space<vmem>>, %arg5: memref<128x128xf32, #tpu.memory_space<vmem>>, %arg6: memref<1x128xf32, #tpu.memory_space<vmem>>, %arg7: memref<25x128x128xf32, #tpu.memory_space<vmem>>, %arg8: memref<25x1024xf32, #tpu.memory_space<vmem>>, %arg9: memref<25x128x128xf32, #tpu.memory_space<vmem>>, %arg10: memref<25x128xf32, #tpu.memory_space<vmem>>) attributes {dimension_semantics = [#tpu.dimension_semantics<arbitrary>], iteration_bounds = array<i64: 8>, scalar_prefetch = 0 : i64, scratch_operands = 1 : i64, tpu.core_type = #tpu.core_type<tc>, window_params = [{transform_indices = @transform_0, window_bounds = array<i64: 25, 128, 128>}, {transform_indices = @transform_1, window_bounds = array<i64: 128, 128>}, {pipeline_mode = #tpu.pipeline_mode<synchronous>, transform_indices = @transform_2, window_bounds = array<i64: 128, 128>}, {pipeline_mode = #tpu.pipeline_mode<synchronous>, transform_indices = @transform_3, window_bounds = array<i64: 128, 128>}, {pipeline_mode = #tpu.pipeline_mode<synchronous>, transform_indices = @transform_4, window_bounds = array<i64: 128, 128>}, {pipeline_mode = #tpu.pipeline_mode<synchronous>, transform_indices = @transform_5, window_bounds = array<i64: 1, 128>}, {transform_indices = @transform_6, window_bounds = array<i64: 25, 128, 128>}, {pipeline_mode = #tpu.pipeline_mode<synchronous>, transform_indices = @transform_7, window_bounds = array<i64: 25, 1024>}, {transform_indices = @transform_8, window_bounds = array<i64: 25, 128, 128>}]} {
    %get3A = arith.constant 0 : index
    %get3A_0 = arith.constant 0 : index
    %get3A_1 = arith.constant 0 : index
    %get3A_2 = vector.load %arg1[%get3A, %get3A_0, %get3A_1] : memref<25x128x128xf32, #tpu.memory_space<vmem>>, vector<25x128x128xf32>
    %get3A_3 = arith.constant 0 : index
    %get3A_4 = arith.constant 0 : index
    %get3A_5 = vector.load %arg2[%get3A_3, %get3A_4] : memref<128x128xf32, #tpu.memory_space<vmem>>, vector<128x128xf32>
    %broadcast_in_dim3A = vector.shape_cast %get3A_5 : vector<128x128xf32> to vector<1x128x128xf32>
    %mul3A = vector.broadcast %broadcast_in_dim3A : vector<1x128x128xf32> to vector<25x128x128xf32>
    %mul3A_6 = arith.mulf %get3A_2, %mul3A : vector<25x128x128xf32>
    %reshape3A = vector.shape_cast %mul3A_6 : vector<25x128x128xf32> to vector<3200x128xf32>
    %get3A_7 = arith.constant 0 : index
    %get3A_8 = arith.constant 0 : index
    %get3A_9 = vector.load %arg3[%get3A_7, %get3A_8] : memref<128x128xf32, #tpu.memory_space<vmem>>, vector<128x128xf32>
    %dot_general3A = arith.constant dense<0.000000e+00> : vector<3200x128xf32>
    %dot_general3A_10 = tpu.matmul %reshape3A, %get3A_9, %dot_general3A {dimension_numbers = #tpu.dot_dimension_numbers<[1], [0], [0], [1], [0, 0, 1, 1], [], []>, transpose_lhs_hint = false} : vector<3200x128xf32>, vector<128x128xf32>, vector<3200x128xf32> -> vector<3200x128xf32>
    %max3A = arith.constant 0.000000e+00 : f32
    %max3A_11 = vector.broadcast %max3A : f32 to vector<3200x128xf32>
    %max3A_12 = arith.maximumf %dot_general3A_10, %max3A_11 : vector<3200x128xf32>
    %get3A_13 = arith.constant 0 : index
    %get3A_14 = arith.constant 0 : index
    %get3A_15 = vector.load %arg4[%get3A_13, %get3A_14] : memref<128x128xf32, #tpu.memory_space<vmem>>, vector<128x128xf32>
    %dot_general3A_16 = arith.constant dense<0.000000e+00> : vector<3200x128xf32>
    %dot_general3A_17 = tpu.matmul %max3A_12, %get3A_15, %dot_general3A_16 {dimension_numbers = #tpu.dot_dimension_numbers<[1], [0], [0], [1], [0, 0, 1, 1], [], []>, transpose_lhs_hint = false} : vector<3200x128xf32>, vector<128x128xf32>, vector<3200x128xf32> -> vector<3200x128xf32>
    %reduce_max3A = arith.constant dense<0xFF800000> : vector<3200xf32>
    %reduce_max3A_18 = vector.multi_reduction <maximumf>, %dot_general3A_17, %reduce_max3A [1] : vector<3200x128xf32> to vector<3200xf32>
    %broadcast_in_dim3A_19 = vector.shape_cast %reduce_max3A_18 : vector<3200xf32> to vector<3200x1xf32>
    %sub3A = vector.broadcast %broadcast_in_dim3A_19 : vector<3200x1xf32> to vector<3200x128xf32>
    %sub3A_20 = arith.subf %dot_general3A_17, %sub3A : vector<3200x128xf32>
    %exp3A = math.exp %sub3A_20 : vector<3200x128xf32>
    %reduce_sum3A = arith.constant dense<0.000000e+00> : vector<3200xf32>
    %reduce_sum3A_21 = vector.multi_reduction <add>, %exp3A, %reduce_sum3A [1] : vector<3200x128xf32> to vector<3200xf32>
    %broadcast_in_dim3A_22 = vector.shape_cast %reduce_sum3A_21 : vector<3200xf32> to vector<3200x1xf32>
    %div3A = vector.broadcast %broadcast_in_dim3A_22 : vector<3200x1xf32> to vector<3200x128xf32>
    %div3A_23 = arith.divf %exp3A, %div3A : vector<3200x128xf32>
    %exp3A_24 = math.exp %div3A_23 : vector<3200x128xf32>
    %reduce_sum3A_25 = arith.constant dense<0.000000e+00> : vector<3200xf32>
    %reduce_sum3A_26 = vector.multi_reduction <add>, %exp3A_24, %reduce_sum3A_25 [1] : vector<3200x128xf32> to vector<3200xf32>
    %broadcast_in_dim3A_27 = vector.shape_cast %reduce_sum3A_26 : vector<3200xf32> to vector<3200x1xf32>
    %div3A_28 = vector.broadcast %broadcast_in_dim3A_27 : vector<3200x1xf32> to vector<3200x128xf32>
    %div3A_29 = arith.divf %exp3A_24, %div3A_28 : vector<3200x128xf32>
    %mul3A_30 = arith.mulf %reshape3A, %div3A_29 : vector<3200x128xf32>
    %get3A_31 = arith.constant 0 : index
    %get3A_32 = arith.constant 0 : index
    %get3A_33 = vector.load %arg5[%get3A_31, %get3A_32] : memref<128x128xf32, #tpu.memory_space<vmem>>, vector<128x128xf32>
    %dot_general3A_34 = arith.constant dense<0.000000e+00> : vector<3200x128xf32>
    %dot_general3A_35 = tpu.matmul %reshape3A, %get3A_33, %dot_general3A_34 {dimension_numbers = #tpu.dot_dimension_numbers<[1], [0], [0], [1], [0, 0, 1, 1], [], []>, transpose_lhs_hint = false} : vector<3200x128xf32>, vector<128x128xf32>, vector<3200x128xf32> -> vector<3200x128xf32>
    %max3A_36 = arith.constant 0.000000e+00 : f32
    %max3A_37 = vector.broadcast %max3A_36 : f32 to vector<3200x128xf32>
    %max3A_38 = arith.maximumf %dot_general3A_35, %max3A_37 : vector<3200x128xf32>
    %reshape3A_39 = vector.shape_cast %max3A_38 : vector<3200x128xf32> to vector<25x128x128xf32>
    %reshape3A_40 = vector.shape_cast %div3A_23 : vector<3200x128xf32> to vector<25x128x128xf32>
    %swap3A = arith.constant 0 : index
    %swap3A_41 = arith.constant 0 : index
    %swap3A_42 = arith.constant 0 : index
    %swap3A_43 = vector.load %arg7[%swap3A, %swap3A_41, %swap3A_42] : memref<25x128x128xf32, #tpu.memory_space<vmem>>, vector<25x128x128xf32>
    tpu.vector_store %arg7[%swap3A, %swap3A_41, %swap3A_42], %reshape3A_40 {strides = array<i32>} : memref<25x128x128xf32, #tpu.memory_space<vmem>>, vector<25x128x128xf32>,
    %reshape3A_44 = vector.shape_cast %mul3A_30 : vector<3200x128xf32> to vector<25x128x128xf32>
    %swap3A_45 = arith.constant 0 : index
    %swap3A_46 = arith.constant 0 : index
    %swap3A_47 = arith.constant 0 : index
    %swap3A_48 = vector.load %arg9[%swap3A_45, %swap3A_46, %swap3A_47] : memref<25x128x128xf32, #tpu.memory_space<vmem>>, vector<25x128x128xf32>
    tpu.vector_store %arg9[%swap3A_45, %swap3A_46, %swap3A_47], %reshape3A_44 {strides = array<i32>} : memref<25x128x128xf32, #tpu.memory_space<vmem>>, vector<25x128x128xf32>,
    %get3A_49 = arith.constant 0 : index
    %get3A_50 = arith.constant 0 : index
    %get3A_51 = vector.load %arg6[%get3A_49, %get3A_50] : memref<1x128xf32, #tpu.memory_space<vmem>>, vector<1x128xf32>
    %reshape3A_52 = vector.shape_cast %get3A_51 : vector<1x128xf32> to vector<1x1x128xf32>
    %mul3A_53 = vector.broadcast %reshape3A_52 : vector<1x1x128xf32> to vector<25x128x128xf32>
    %mul3A_54 = arith.mulf %reshape3A_39, %mul3A_53 : vector<25x128x128xf32>
    %reduce_sum3A_55 = arith.constant dense<0.000000e+00> : vector<25x128xf32>
    %reduce_sum3A_56 = vector.multi_reduction <add>, %mul3A_54, %reduce_sum3A_55 [2] : vector<25x128x128xf32> to vector<25x128xf32>
    %jit3A = arith.constant 2 : i32
    %eq3A = arith.constant 0 : i32
    %eq3A_57 = arith.cmpi eq, %jit3A, %eq3A : i32
    %jit3A_58 = arith.constant 1 : i32
    %select_n3A = arith.select %eq3A_57, %jit3A_58, %jit3A : i32
    %rem3A = arith.remsi %arg0, %select_n3A : i32
    %ne3A = arith.constant 0 : i32
    %ne3A_59 = arith.cmpi ne, %rem3A, %ne3A : i32
    %lt3A = arith.constant 0 : i32
    %lt3A_60 = arith.cmpi slt, %rem3A, %lt3A : i32
    %lt3A_61 = arith.constant 0 : i32
    %lt3A_62 = arith.cmpi slt, %select_n3A, %lt3A_61 : i32
    %ne3A_63 = arith.xori %lt3A_60, %lt3A_62 : i1
    %and3A = arith.andi %ne3A_63, %ne3A_59 : i1
    %add3A = arith.addi %rem3A, %select_n3A : i32
    %select_n3A_64 = arith.select %and3A, %add3A, %rem3A : i32
    %eq3A_65 = arith.constant 0 : i32
    %eq3A_66 = arith.cmpi eq, %select_n3A_64, %eq3A_65 : i32
    %convert_element_type3A = arith.extui %eq3A_66 : i1 to i32
    %cond3A = arith.constant 0 : i32
    %cond3A_67 = arith.cmpi ne, %convert_element_type3A, %cond3A : i32
    scf.if %cond3A_67 {
      %swap3A_89 = arith.constant 0 : index
      %swap3A_90 = arith.constant 0 : index
      %swap3A_91 = vector.load %arg10[%swap3A_89, %swap3A_90] : memref<25x128xf32, #tpu.memory_space<vmem>>, vector<25x128xf32>
      tpu.vector_store %arg10[%swap3A_89, %swap3A_90], %reduce_sum3A_56 {strides = array<i32>} : memref<25x128xf32, #tpu.memory_space<vmem>>, vector<25x128xf32>,
    } else {
    }
    %jit3A_68 = arith.constant 2 : i32
    %eq3A_69 = arith.constant 0 : i32
    %eq3A_70 = arith.cmpi eq, %jit3A_68, %eq3A_69 : i32
    %jit3A_71 = arith.constant 1 : i32
    %select_n3A_72 = arith.select %eq3A_70, %jit3A_71, %jit3A_68 : i32
    %rem3A_73 = arith.remsi %arg0, %select_n3A_72 : i32
    %ne3A_74 = arith.constant 0 : i32
    %ne3A_75 = arith.cmpi ne, %rem3A_73, %ne3A_74 : i32
    %lt3A_76 = arith.constant 0 : i32
    %lt3A_77 = arith.cmpi slt, %rem3A_73, %lt3A_76 : i32
    %lt3A_78 = arith.constant 0 : i32
    %lt3A_79 = arith.cmpi slt, %select_n3A_72, %lt3A_78 : i32
    %ne3A_80 = arith.xori %lt3A_77, %lt3A_79 : i1
    %and3A_81 = arith.andi %ne3A_80, %ne3A_75 : i1
    %add3A_82 = arith.addi %rem3A_73, %select_n3A_72 : i32
    %select_n3A_83 = arith.select %and3A_81, %add3A_82, %rem3A_73 : i32
    %eq3A_84 = arith.constant 1 : i32
    %eq3A_85 = arith.cmpi eq, %select_n3A_83, %eq3A_84 : i32
    %convert_element_type3A_86 = arith.extui %eq3A_85 : i1 to i32
    %cond3A_87 = arith.constant 0 : i32
    %cond3A_88 = arith.cmpi ne, %convert_element_type3A_86, %cond3A_87 : i32
    scf.if %cond3A_88 {
      %sub3A_89 = arith.constant 1 : i32
      %sub3A_90 = arith.subi %arg0, %sub3A_89 : i32
      %mul3A_91 = arith.constant 128 : i32
      %mul3A_92 = arith.muli %sub3A_90, %mul3A_91 : i32
      %multiple_of3A = tpu.assume_multiple %mul3A_92, 256 : i32
      %get3A_93 = arith.constant 0 : index
      %get3A_94 = arith.constant 0 : index
      %get3A_95 = vector.load %arg10[%get3A_93, %get3A_94] : memref<25x128xf32, #tpu.memory_space<vmem>>, vector<25x128xf32>
      %concatenate3A = tpu.concatenate %get3A_95, %reduce_sum3A_56 in 1 : vector<25x128xf32>, vector<25x128xf32> -> vector<25x256xf32>
      %swap3A_96 = arith.constant 0 : index
      %swap3A_97 = arith.index_cast %multiple_of3A : i32 to index
      %swap3A_98 = vector.load %arg8[%swap3A_96, %swap3A_97] : memref<25x1024xf32, #tpu.memory_space<vmem>>, vector<25x256xf32>
      tpu.vector_store %arg8[%swap3A_96, %swap3A_97], %concatenate3A {strides = array<i32>} : memref<25x1024xf32, #tpu.memory_space<vmem>>, vector<25x256xf32>,
    } else {
    }
    return
  }
  func.func @transform_0(%arg0: i32) -> (i32, i32, i32) {
    %c0_i32 = arith.constant 0 : i32
    %c0_i32_0 = arith.constant 0 : i32
    %c0_i32_1 = arith.constant 0 : i32
    return %c0_i32, %arg0, %c0_i32_0 : i32, i32, i32
  }
  func.func @transform_1(%arg0: i32) -> (i32, i32) {
    %c0_i32 = arith.constant 0 : i32
    %c0_i32_0 = arith.constant 0 : i32
    return %arg0, %c0_i32 : i32, i32
  }
  func.func @transform_2(%arg0: i32) -> (i32, i32) {
    %c0_i32 = arith.constant 0 : i32
    %c0_i32_0 = arith.constant 0 : i32
    %c0_i32_1 = arith.constant 0 : i32
    return %c0_i32, %c0_i32_0 : i32, i32
  }
  func.func @transform_3(%arg0: i32) -> (i32, i32) {
    %c0_i32 = arith.constant 0 : i32
    %c0_i32_0 = arith.constant 0 : i32
    %c0_i32_1 = arith.constant 0 : i32
    return %c0_i32, %c0_i32_0 : i32, i32
  }
  func.func @transform_4(%arg0: i32) -> (i32, i32) {
    %c0_i32 = arith.constant 0 : i32
    %c0_i32_0 = arith.constant 0 : i32
    %c0_i32_1 = arith.constant 0 : i32
    return %c0_i32, %c0_i32_0 : i32, i32
  }
  func.func @transform_5(%arg0: i32) -> (i32, i32) {
    %c0_i32 = arith.constant 0 : i32
    %c0_i32_0 = arith.constant 0 : i32
    %c0_i32_1 = arith.constant 0 : i32
    return %c0_i32, %c0_i32_0 : i32, i32
  }
  func.func @transform_6(%arg0: i32) -> (i32, i32, i32) {
    %c0_i32 = arith.constant 0 : i32
    %c0_i32_0 = arith.constant 0 : i32
    %c0_i32_1 = arith.constant 0 : i32
    return %c0_i32, %arg0, %c0_i32_0 : i32, i32, i32
  }
  func.func @transform_7(%arg0: i32) -> (i32, i32) {
    %c0_i32 = arith.constant 0 : i32
    %c0_i32_0 = arith.constant 0 : i32
    %c0_i32_1 = arith.constant 0 : i32
    return %c0_i32, %c0_i32_0 : i32, i32
  }
  func.func @transform_8(%arg0: i32) -> (i32, i32, i32) {
    %c0_i32 = arith.constant 0 : i32
    %c0_i32_0 = arith.constant 0 : i32
    %c0_i32_1 = arith.constant 0 : i32
    return %c0_i32, %arg0, %c0_i32_0 : i32, i32, i32
  }
}

module attributes {stable_mosaic.version = 14 : i64} {
  func.func @_dense_b_body(%arg0: i32, %arg1: memref<25x128x128xf32, #tpu.memory_space<vmem>>, %arg2: memref<128x128xf32, #tpu.memory_space<vmem>>, %arg3: memref<128x128xf32, #tpu.memory_space<vmem>>, %arg4: memref<128x128xf32, #tpu.memory_space<vmem>>, %arg5: memref<128x128xf32, #tpu.memory_space<vmem>>, %arg6: memref<1x128xf32, #tpu.memory_space<vmem>>, %arg7: memref<50x1024x128xf32, #tpu.memory_space<hbm>>, %arg8: memref<50x1024x128xf32, #tpu.memory_space<hbm>>, %arg9: memref<25x128x128xf32, #tpu.memory_space<vmem>>, %arg10: memref<25x1024xf32, #tpu.memory_space<vmem>>, %arg11: memref<25x128x128xf32, #tpu.memory_space<vmem>>, %arg12: memref<25x128xf32, #tpu.memory_space<vmem>>) attributes {dimension_semantics = [#tpu.dimension_semantics<arbitrary>], iteration_bounds = array<i64: 8>, scalar_prefetch = 0 : i64, scratch_operands = 1 : i64, tpu.core_type = #tpu.core_type<tc>, window_params = [{transform_indices = @transform_0, window_bounds = array<i64: 25, 128, 128>}, {transform_indices = @transform_1, window_bounds = array<i64: 128, 128>}, {pipeline_mode = #tpu.pipeline_mode<synchronous>, transform_indices = @transform_2, window_bounds = array<i64: 128, 128>}, {pipeline_mode = #tpu.pipeline_mode<synchronous>, transform_indices = @transform_3, window_bounds = array<i64: 128, 128>}, {pipeline_mode = #tpu.pipeline_mode<synchronous>, transform_indices = @transform_4, window_bounds = array<i64: 128, 128>}, {pipeline_mode = #tpu.pipeline_mode<synchronous>, transform_indices = @transform_5, window_bounds = array<i64: 1, 128>}, {}, {}, {transform_indices = @transform_8, window_bounds = array<i64: 25, 128, 128>}, {pipeline_mode = #tpu.pipeline_mode<synchronous>, transform_indices = @transform_9, window_bounds = array<i64: 25, 1024>}, {transform_indices = @transform_10, window_bounds = array<i64: 25, 128, 128>}]} {
    %get3A = arith.constant 0 : index
    %get3A_0 = arith.constant 0 : index
    %get3A_1 = arith.constant 0 : index
    %get3A_2 = vector.load %arg1[%get3A, %get3A_0, %get3A_1] : memref<25x128x128xf32, #tpu.memory_space<vmem>>, vector<25x128x128xf32>
    %get3A_3 = arith.constant 0 : index
    %get3A_4 = arith.constant 0 : index
    %get3A_5 = vector.load %arg2[%get3A_3, %get3A_4] : memref<128x128xf32, #tpu.memory_space<vmem>>, vector<128x128xf32>
    %broadcast_in_dim3A = vector.shape_cast %get3A_5 : vector<128x128xf32> to vector<1x128x128xf32>
    %mul3A = vector.broadcast %broadcast_in_dim3A : vector<1x128x128xf32> to vector<25x128x128xf32>
    %mul3A_6 = arith.mulf %get3A_2, %mul3A : vector<25x128x128xf32>
    %reshape3A = vector.shape_cast %mul3A_6 : vector<25x128x128xf32> to vector<3200x128xf32>
    %get3A_7 = arith.constant 0 : index
    %get3A_8 = arith.constant 0 : index
    %get3A_9 = vector.load %arg3[%get3A_7, %get3A_8] : memref<128x128xf32, #tpu.memory_space<vmem>>, vector<128x128xf32>
    %dot_general3A = arith.constant dense<0.000000e+00> : vector<3200x128xf32>
    %dot_general3A_10 = tpu.matmul %reshape3A, %get3A_9, %dot_general3A {dimension_numbers = #tpu.dot_dimension_numbers<[1], [0], [0], [1], [0, 0, 1, 1], [], []>, transpose_lhs_hint = false} : vector<3200x128xf32>, vector<128x128xf32>, vector<3200x128xf32> -> vector<3200x128xf32>
    %max3A = arith.constant 0.000000e+00 : f32
    %max3A_11 = vector.broadcast %max3A : f32 to vector<3200x128xf32>
    %max3A_12 = arith.maximumf %dot_general3A_10, %max3A_11 : vector<3200x128xf32>
    %get3A_13 = arith.constant 0 : index
    %get3A_14 = arith.constant 0 : index
    %get3A_15 = vector.load %arg4[%get3A_13, %get3A_14] : memref<128x128xf32, #tpu.memory_space<vmem>>, vector<128x128xf32>
    %dot_general3A_16 = arith.constant dense<0.000000e+00> : vector<3200x128xf32>
    %dot_general3A_17 = tpu.matmul %max3A_12, %get3A_15, %dot_general3A_16 {dimension_numbers = #tpu.dot_dimension_numbers<[1], [0], [0], [1], [0, 0, 1, 1], [], []>, transpose_lhs_hint = false} : vector<3200x128xf32>, vector<128x128xf32>, vector<3200x128xf32> -> vector<3200x128xf32>
    %reduce_max3A = arith.constant dense<0xFF800000> : vector<3200xf32>
    %reduce_max3A_18 = vector.multi_reduction <maximumf>, %dot_general3A_17, %reduce_max3A [1] : vector<3200x128xf32> to vector<3200xf32>
    %broadcast_in_dim3A_19 = vector.shape_cast %reduce_max3A_18 : vector<3200xf32> to vector<3200x1xf32>
    %sub3A = vector.broadcast %broadcast_in_dim3A_19 : vector<3200x1xf32> to vector<3200x128xf32>
    %sub3A_20 = arith.subf %dot_general3A_17, %sub3A : vector<3200x128xf32>
    %exp3A = math.exp %sub3A_20 : vector<3200x128xf32>
    %reduce_sum3A = arith.constant dense<0.000000e+00> : vector<3200xf32>
    %reduce_sum3A_21 = vector.multi_reduction <add>, %exp3A, %reduce_sum3A [1] : vector<3200x128xf32> to vector<3200xf32>
    %broadcast_in_dim3A_22 = vector.shape_cast %reduce_sum3A_21 : vector<3200xf32> to vector<3200x1xf32>
    %div3A = vector.broadcast %broadcast_in_dim3A_22 : vector<3200x1xf32> to vector<3200x128xf32>
    %div3A_23 = arith.divf %exp3A, %div3A : vector<3200x128xf32>
    %exp3A_24 = math.exp %div3A_23 : vector<3200x128xf32>
    %reduce_sum3A_25 = arith.constant dense<0.000000e+00> : vector<3200xf32>
    %reduce_sum3A_26 = vector.multi_reduction <add>, %exp3A_24, %reduce_sum3A_25 [1] : vector<3200x128xf32> to vector<3200xf32>
    %broadcast_in_dim3A_27 = vector.shape_cast %reduce_sum3A_26 : vector<3200xf32> to vector<3200x1xf32>
    %div3A_28 = vector.broadcast %broadcast_in_dim3A_27 : vector<3200x1xf32> to vector<3200x128xf32>
    %div3A_29 = arith.divf %exp3A_24, %div3A_28 : vector<3200x128xf32>
    %mul3A_30 = arith.mulf %reshape3A, %div3A_29 : vector<3200x128xf32>
    %get3A_31 = arith.constant 0 : index
    %get3A_32 = arith.constant 0 : index
    %get3A_33 = vector.load %arg5[%get3A_31, %get3A_32] : memref<128x128xf32, #tpu.memory_space<vmem>>, vector<128x128xf32>
    %dot_general3A_34 = arith.constant dense<0.000000e+00> : vector<3200x128xf32>
    %dot_general3A_35 = tpu.matmul %reshape3A, %get3A_33, %dot_general3A_34 {dimension_numbers = #tpu.dot_dimension_numbers<[1], [0], [0], [1], [0, 0, 1, 1], [], []>, transpose_lhs_hint = false} : vector<3200x128xf32>, vector<128x128xf32>, vector<3200x128xf32> -> vector<3200x128xf32>
    %max3A_36 = arith.constant 0.000000e+00 : f32
    %max3A_37 = vector.broadcast %max3A_36 : f32 to vector<3200x128xf32>
    %max3A_38 = arith.maximumf %dot_general3A_35, %max3A_37 : vector<3200x128xf32>
    %reshape3A_39 = vector.shape_cast %max3A_38 : vector<3200x128xf32> to vector<25x128x128xf32>
    %reshape3A_40 = vector.shape_cast %div3A_23 : vector<3200x128xf32> to vector<25x128x128xf32>
    %swap3A = arith.constant 0 : index
    %swap3A_41 = arith.constant 0 : index
    %swap3A_42 = arith.constant 0 : index
    %swap3A_43 = vector.load %arg9[%swap3A, %swap3A_41, %swap3A_42] : memref<25x128x128xf32, #tpu.memory_space<vmem>>, vector<25x128x128xf32>
    tpu.vector_store %arg9[%swap3A, %swap3A_41, %swap3A_42], %reshape3A_40 {strides = array<i32>} : memref<25x128x128xf32, #tpu.memory_space<vmem>>, vector<25x128x128xf32>,
    %reshape3A_44 = vector.shape_cast %mul3A_30 : vector<3200x128xf32> to vector<25x128x128xf32>
    %swap3A_45 = arith.constant 0 : index
    %swap3A_46 = arith.constant 0 : index
    %swap3A_47 = arith.constant 0 : index
    %swap3A_48 = vector.load %arg11[%swap3A_45, %swap3A_46, %swap3A_47] : memref<25x128x128xf32, #tpu.memory_space<vmem>>, vector<25x128x128xf32>
    tpu.vector_store %arg11[%swap3A_45, %swap3A_46, %swap3A_47], %reshape3A_44 {strides = array<i32>} : memref<25x128x128xf32, #tpu.memory_space<vmem>>, vector<25x128x128xf32>,
    %get3A_49 = arith.constant 0 : index
    %get3A_50 = arith.constant 0 : index
    %get3A_51 = vector.load %arg6[%get3A_49, %get3A_50] : memref<1x128xf32, #tpu.memory_space<vmem>>, vector<1x128xf32>
    %reshape3A_52 = vector.shape_cast %get3A_51 : vector<1x128xf32> to vector<1x1x128xf32>
    %mul3A_53 = vector.broadcast %reshape3A_52 : vector<1x1x128xf32> to vector<25x128x128xf32>
    %mul3A_54 = arith.mulf %reshape3A_39, %mul3A_53 : vector<25x128x128xf32>
    %reduce_sum3A_55 = arith.constant dense<0.000000e+00> : vector<25x128xf32>
    %reduce_sum3A_56 = vector.multi_reduction <add>, %mul3A_54, %reduce_sum3A_55 [2] : vector<25x128x128xf32> to vector<25x128xf32>
    %jit3A = arith.constant 2 : i32
    %eq3A = arith.constant 0 : i32
    %eq3A_57 = arith.cmpi eq, %jit3A, %eq3A : i32
    %jit3A_58 = arith.constant 1 : i32
    %select_n3A = arith.select %eq3A_57, %jit3A_58, %jit3A : i32
    %rem3A = arith.remsi %arg0, %select_n3A : i32
    %ne3A = arith.constant 0 : i32
    %ne3A_59 = arith.cmpi ne, %rem3A, %ne3A : i32
    %lt3A = arith.constant 0 : i32
    %lt3A_60 = arith.cmpi slt, %rem3A, %lt3A : i32
    %lt3A_61 = arith.constant 0 : i32
    %lt3A_62 = arith.cmpi slt, %select_n3A, %lt3A_61 : i32
    %ne3A_63 = arith.xori %lt3A_60, %lt3A_62 : i1
    %and3A = arith.andi %ne3A_63, %ne3A_59 : i1
    %add3A = arith.addi %rem3A, %select_n3A : i32
    %select_n3A_64 = arith.select %and3A, %add3A, %rem3A : i32
    %eq3A_65 = arith.constant 0 : i32
    %eq3A_66 = arith.cmpi eq, %select_n3A_64, %eq3A_65 : i32
    %convert_element_type3A = arith.extui %eq3A_66 : i1 to i32
    %cond3A = arith.constant 0 : i32
    %cond3A_67 = arith.cmpi ne, %convert_element_type3A, %cond3A : i32
    scf.if %cond3A_67 {
      %swap3A_89 = arith.constant 0 : index
      %swap3A_90 = arith.constant 0 : index
      %swap3A_91 = vector.load %arg12[%swap3A_89, %swap3A_90] : memref<25x128xf32, #tpu.memory_space<vmem>>, vector<25x128xf32>
      tpu.vector_store %arg12[%swap3A_89, %swap3A_90], %reduce_sum3A_56 {strides = array<i32>} : memref<25x128xf32, #tpu.memory_space<vmem>>, vector<25x128xf32>,
    } else {
    }
    %jit3A_68 = arith.constant 2 : i32
    %eq3A_69 = arith.constant 0 : i32
    %eq3A_70 = arith.cmpi eq, %jit3A_68, %eq3A_69 : i32
    %jit3A_71 = arith.constant 1 : i32
    %select_n3A_72 = arith.select %eq3A_70, %jit3A_71, %jit3A_68 : i32
    %rem3A_73 = arith.remsi %arg0, %select_n3A_72 : i32
    %ne3A_74 = arith.constant 0 : i32
    %ne3A_75 = arith.cmpi ne, %rem3A_73, %ne3A_74 : i32
    %lt3A_76 = arith.constant 0 : i32
    %lt3A_77 = arith.cmpi slt, %rem3A_73, %lt3A_76 : i32
    %lt3A_78 = arith.constant 0 : i32
    %lt3A_79 = arith.cmpi slt, %select_n3A_72, %lt3A_78 : i32
    %ne3A_80 = arith.xori %lt3A_77, %lt3A_79 : i1
    %and3A_81 = arith.andi %ne3A_80, %ne3A_75 : i1
    %add3A_82 = arith.addi %rem3A_73, %select_n3A_72 : i32
    %select_n3A_83 = arith.select %and3A_81, %add3A_82, %rem3A_73 : i32
    %eq3A_84 = arith.constant 1 : i32
    %eq3A_85 = arith.cmpi eq, %select_n3A_83, %eq3A_84 : i32
    %convert_element_type3A_86 = arith.extui %eq3A_85 : i1 to i32
    %cond3A_87 = arith.constant 0 : i32
    %cond3A_88 = arith.cmpi ne, %convert_element_type3A_86, %cond3A_87 : i32
    scf.if %cond3A_88 {
      %sub3A_89 = arith.constant 1 : i32
      %sub3A_90 = arith.subi %arg0, %sub3A_89 : i32
      %mul3A_91 = arith.constant 128 : i32
      %mul3A_92 = arith.muli %sub3A_90, %mul3A_91 : i32
      %multiple_of3A = tpu.assume_multiple %mul3A_92, 256 : i32
      %get3A_93 = arith.constant 0 : index
      %get3A_94 = arith.constant 0 : index
      %get3A_95 = vector.load %arg12[%get3A_93, %get3A_94] : memref<25x128xf32, #tpu.memory_space<vmem>>, vector<25x128xf32>
      %concatenate3A = tpu.concatenate %get3A_95, %reduce_sum3A_56 in 1 : vector<25x128xf32>, vector<25x128xf32> -> vector<25x256xf32>
      %swap3A_96 = arith.constant 0 : index
      %swap3A_97 = arith.index_cast %multiple_of3A : i32 to index
      %swap3A_98 = vector.load %arg10[%swap3A_96, %swap3A_97] : memref<25x1024xf32, #tpu.memory_space<vmem>>, vector<25x256xf32>
      tpu.vector_store %arg10[%swap3A_96, %swap3A_97], %concatenate3A {strides = array<i32>} : memref<25x1024xf32, #tpu.memory_space<vmem>>, vector<25x256xf32>,
    } else {
    }
    return
  }
  func.func @transform_0(%arg0: i32) -> (i32, i32, i32) {
    %c0_i32 = arith.constant 0 : i32
    %c0_i32_0 = arith.constant 0 : i32
    %c0_i32_1 = arith.constant 0 : i32
    return %c0_i32, %arg0, %c0_i32_0 : i32, i32, i32
  }
  func.func @transform_1(%arg0: i32) -> (i32, i32) {
    %c0_i32 = arith.constant 0 : i32
    %c0_i32_0 = arith.constant 0 : i32
    return %arg0, %c0_i32 : i32, i32
  }
  func.func @transform_2(%arg0: i32) -> (i32, i32) {
    %c0_i32 = arith.constant 0 : i32
    %c0_i32_0 = arith.constant 0 : i32
    %c0_i32_1 = arith.constant 0 : i32
    return %c0_i32, %c0_i32_0 : i32, i32
  }
  func.func @transform_3(%arg0: i32) -> (i32, i32) {
    %c0_i32 = arith.constant 0 : i32
    %c0_i32_0 = arith.constant 0 : i32
    %c0_i32_1 = arith.constant 0 : i32
    return %c0_i32, %c0_i32_0 : i32, i32
  }
  func.func @transform_4(%arg0: i32) -> (i32, i32) {
    %c0_i32 = arith.constant 0 : i32
    %c0_i32_0 = arith.constant 0 : i32
    %c0_i32_1 = arith.constant 0 : i32
    return %c0_i32, %c0_i32_0 : i32, i32
  }
  func.func @transform_5(%arg0: i32) -> (i32, i32) {
    %c0_i32 = arith.constant 0 : i32
    %c0_i32_0 = arith.constant 0 : i32
    %c0_i32_1 = arith.constant 0 : i32
    return %c0_i32, %c0_i32_0 : i32, i32
  }
  func.func @transform_8(%arg0: i32) -> (i32, i32, i32) {
    %c1_i32 = arith.constant 1 : i32
    %c0_i32 = arith.constant 0 : i32
    %c0_i32_0 = arith.constant 0 : i32
    return %c1_i32, %arg0, %c0_i32 : i32, i32, i32
  }
  func.func @transform_9(%arg0: i32) -> (i32, i32) {
    %c0_i32 = arith.constant 0 : i32
    %c0_i32_0 = arith.constant 0 : i32
    %c0_i32_1 = arith.constant 0 : i32
    return %c0_i32, %c0_i32_0 : i32, i32
  }
  func.func @transform_10(%arg0: i32) -> (i32, i32, i32) {
    %c1_i32 = arith.constant 1 : i32
    %c0_i32 = arith.constant 0 : i32
    %c0_i32_0 = arith.constant 0 : i32
    return %c1_i32, %arg0, %c0_i32 : i32, i32, i32
  }
}

</mosaic_0001>

<sc_bundles>
// kernel: kernel.6.cloned.1.call-start
scs
__scs_entry_jumppad:
0x0: {  	(pc) =	sbr.rel $0x88, $3  }
0x1: {  	(tag) =	ssettag $0x0;
	lr =	simm.s32 $0x1  }
0x2: {  	[smem:$0x3F97] =	sst lr;
	_ =	strace $0xD0000000  }
0x3: {  	_ = 	snop  }
0x4: {  	_ = 	snop  }
0x5: {  	_ = 	snop  }
0x6: {  	_ = 	snop  }
0x7: {  	_ = 	snop  }
__scs_overlays_trampoline_lowered:
0x8: {  	[smem:$0x3FA6] =	sst s0  }
0x9: {  	[smem:$0x3FA7] =	sst s1  }
0xa: {  	[smem:$0x3FA8] =	sst s2  }
0xb: {  	[smem:$0x3FA9] =	sst s3  }
0xc: {  	[smem:$0x3FAA] =	sst s4  }
0xd: {  	[smem:$0x3FAB] =	sst s5  }
0xe: {  	[smem:$0x3FAC] =	sst s6  }
0xf: {  	[smem:$0x3FAD] =	sst s7  }
0x10: {  	[smem:$0x3FAE] =	sst s8  }
0x11: {  	[smem:$0x3FAF] =	sst s9;
	s0 =	simm.s32 @!p0 $0x0  }
0x12: {  	s1 =	sld [smem:$0x3F95];
	s0 =	simm.s32 @p0 $0x1  }
0x13: {  	[smem:$0x3FB0] =	sst s0;
	s0 =	simm.s32 @!p1 $0x0  }
0x14: {  	s2 =	sld [smem:$0x3F94];
	s0 =	simm.s32 @p1 $0x1  }
0x15: {  	[smem:$0x3FB1] =	sst s0;
	s0 =	simm.s32 @!p2 $0x0  }
0x16: {  	s3 =	sld [smem:$0x3FDB];
	s0 =	simm.s32 @p2 $0x1  }
0x17: {  	s4 =	simm.s32 $0x1BF5;
	[smem:$0x3FB3] =	sst s0  }
0x18: {  	s0 =	sld [smem:$0x3F96];
	_ =	swait.ge [sflag:s4], $0x0  }
0x19: {  	s7 =	sld [smem:$0x3F97]  }
0x1a: {  	s8 =	sadd.s32 $0xFFFFE003, lr  }
0x1b: {  	s9 =	sadd.s32 $0xFFFFFEF7, lr;
	s5 =	simm.s32 $0xFFFFFFFF;
	p2 =	slt.u32 s8, $0xFFFFF086  }
0x1c: {  	p1 =	slt.u32 s9, $0xF7A;
	s5 =	simm.s32 @!p2 $0x0  }
0x1d: {  	s5 =	simm.s32 @p1 $0x1;
	p0 =	seq.s32 s7, s2  }
0x1e: {  	s7 =	smul.u32 @!p0 $0xF7A, s2;
	p2 =	seq.s32 @!p0 s5, $0x0  }
0x1f: {  	s9 =	smul.u32 $0xF7A, s1;
	s8 =	simm.s32 @!p0 $0x1BF5;
	p2 =	por !p2, p0  }
0x20: {  	[sflag:s8] =	ssyncset.s32 @!p0 $0xFFFFF086;
	s6 =	sadd.s32 @!p0 s3, s7;
	s7 =	simm.s32 @!p0 $0x108  }
0x21: {  	s3 =	sadd.s32 s3, s9;
	s6 =	sadd.s32 @!p0 $0x88, s6;
	s7 =	simm.s32 @p2 $0x1082  }
0x22: {  	[simem:s7], [sflag:s8] =	dma.local @!p0 [hbm:s6], $0xF7A  }
0x23: {  	s9 =	sor.u32 $0xD0000000, s2;
	s6 =	simm.s32 $0x108;
	_ =	swait.ge @!p0 [sflag:s8], $0x0  }
0x24: {  	s3 =	sadd.s32 $0x88, s3;
	s6 =	simm.s32 @!p1 $0x1082;
	[sflag:s4] =	ssyncset.s32 $0xFFFFF086  }
0x25: {  	[simem:s6], [sflag:s4] =	dma.local [hbm:s3], $0xF7A  }
0x26: {  	[smem:$0x3F97] =	sst s1;
	(tag) =	ssettag s2;
	_ =	strace s9  }
0x27: {  	s1 =	sld [smem:$0x3FA7]  }
0x28: {  	s2 =	sld [smem:$0x3FA8]  }
0x29: {  	s4 =	sld [smem:$0x3FAA]  }
0x2a: {  	p0 =	seq.s32 s5, $0x0;
	s5 =	sld [smem:$0x3FAB]  }
0x2b: {  	s6 =	sld [smem:$0x3FAC]  }
0x2c: {  	s7 =	sld [smem:$0x3FAD]  }
0x2d: {  	s3 =	simm.s32 $0x108;
	s8 =	sld [smem:$0x3FAE]  }
0x2e: {  	s3 =	simm.s32 @!p0 $0x1082;
	s9 =	sld [smem:$0x3FAF]  }
0x2f: {  	lr =	sadd.s32 s0, s3;
	s0 =	sld [smem:$0x3FA6]  }
0x30: {  	s3 =	sld [smem:$0x3FA9]  }
0x31: {  	[smem:$0x3FB2] =	sst s10  }
0x32: {  	s10 =	sld [smem:$0x3FB0];
	_ =	sdelay $0x3  }
0x33: {  	p0 =	seq.s32 s10, $0x1;
	s10 =	sld [smem:$0x3FB2];
	_ =	sdelay $0x3  }
0x34: {  	[smem:$0x3FB2] =	sst s10  }
0x35: {  	s10 =	sld [smem:$0x3FB1];
	_ =	sdelay $0x3  }
0x36: {  	p1 =	seq.s32 s10, $0x1;
	s10 =	sld [smem:$0x3FB2];
	_ =	sdelay $0x3  }
0x37: {  	[smem:$0x3FB2] =	sst s10  }
0x38: {  	s10 =	sld [smem:$0x3FB3]  }
0x39: {  	_ = 	snop;
	(pc) =	sbr.ind lr, $3  }
0x3a: {  	_ = 	snop  }
0x3b: {  	_ = 	snop  }
0x3c: {  	p2 =	seq.s32 s10, $0x1;
	s10 =	sld [smem:$0x3FB2]  }
0x3d: {  	_ =	shalt  }
0x3e: {  	_ =	shalt  }
0x3f: {  	_ =	shalt  }
0x40: {  	_ =	shalt  }
0x41: {  	_ =	shalt  }
0x42: {  	_ =	shalt  }
0x43: {  	_ =	shalt  }
0x44: {  	_ =	shalt  }
0x45: {  	_ =	shalt  }
0x46: {  	_ =	shalt  }
0x47: {  	_ =	shalt  }
0x48: {  	_ =	shalt  }
0x49: {  	_ =	shalt  }
0x4a: {  	_ =	shalt  }
0x4b: {  	_ =	shalt  }
0x4c: {  	_ =	shalt  }
0x4d: {  	_ =	shalt  }
0x4e: {  	_ =	shalt  }
0x4f: {  	_ =	shalt  }
0x50: {  	_ =	shalt  }
0x51: {  	_ =	shalt  }
0x52: {  	_ =	shalt  }
0x53: {  	_ =	shalt  }
0x54: {  	_ =	shalt  }
0x55: {  	_ =	shalt  }
0x56: {  	_ =	shalt  }
0x57: {  	_ =	shalt  }
0x58: {  	_ =	shalt  }
0x59: {  	_ =	shalt  }
0x5a: {  	_ =	shalt  }
0x5b: {  	_ =	shalt  }
0x5c: {  	_ =	shalt  }
0x5d: {  	_ =	shalt  }
0x5e: {  	_ =	shalt  }
0x5f: {  	_ =	shalt  }
0x60: {  	_ =	shalt  }
0x61: {  	_ =	shalt  }
0x62: {  	_ =	shalt  }
0x63: {  	_ =	shalt  }
0x64: {  	_ =	shalt  }
0x65: {  	_ =	shalt  }
0x66: {  	_ =	shalt  }
0x67: {  	_ =	shalt  }
0x68: {  	_ =	shalt  }
0x69: {  	_ =	shalt  }
0x6a: {  	_ =	shalt  }
0x6b: {  	_ =	shalt  }
0x6c: {  	_ =	shalt  }
0x6d: {  	_ =	shalt  }
0x6e: {  	_ =	shalt  }
0x6f: {  	_ =	shalt  }
0x70: {  	_ =	shalt  }
0x71: {  	_ =	shalt  }
0x72: {  	_ =	shalt  }
0x73: {  	_ =	shalt  }
0x74: {  	_ =	shalt  }
0x75: {  	_ =	shalt  }
0x76: {  	_ =	shalt  }
0x77: {  	_ =	shalt  }
0x78: {  	_ =	shalt  }
0x79: {  	_ =	shalt  }
0x7a: {  	_ =	shalt  }
0x7b: {  	_ =	shalt  }
0x7c: {  	_ =	shalt  }
0x7d: {  	_ =	shalt  }
0x7e: {  	_ =	shalt  }
0x7f: {  	_ =	shalt  }
0x80: {  	_ =	shalt  }
0x81: {  	_ =	shalt  }
0x82: {  	_ =	shalt  }
0x83: {  	_ =	shalt  }
0x84: {  	_ =	shalt  }
0x85: {  	_ =	shalt  }
0x86: {  	_ =	shalt  }
0x87: {  	_ =	shalt  }
.Lfunc_end0:
.L_simem_size_0:
called_computation_lowered:
.L_overlay_start_0:
0x88: {  	s2 =	sld [smem:$0x3FD9]  }
0x89: {  	s3 =	sld [smem:$0x3FFE];
	_ =	sdelay $0x1  }
0x8a: {  	s1 =	srdreg.scid  }
0x8b: {  	s0 =	sand.u32 $0x1, s1  }
0x8c: {  	s14 =	sshll.u32 s0, $0xA;
	s2 =	sadd.s32 s3, s2  }
0x8d: {  	s2 =	sadd.s32 s2, s14  }
0x8e: {  	[smem:$0x3FBE] =	sst s2  }
0x8f: {  	_ = 	snop  }
0x90: {  	s2 =	sld [smem:$0x3FD0];
	_ =	sdelay $0x1  }
0x91: {  	s15 =	sld [smem:$0x3FC5]  }
0x92: {  	s5 =	simm.s32 $0xB;
	s6 =	simm.s32 $0x10;
	s4 =	sld [smem:$0x3FC4]  }
0x93: {  	[smem:s6], [sflag:s5] =	dma.local [hbm:s2], $0x1  }
0x94: {  	_ =	swait.eq [sflag:s5], $0x1  }
0x95: {  	[sflag:s5] =	ssyncset.done $0x0  }
0x96: {  	s16 =	sld [smem:$0x11];
	[sflag:s5] =	ssyncadd.s32 $0xFFFFFFFF  }
0x97: {  	s17 =	sld [smem:$0x12];
	(tm) =	ssettm $0x1  }
0x98: {  	s18 =	sld [smem:$0x3FFB];
	_ =	sdelay $0x3  }
0x99: {  	_ =	strace s18  }
0x9a: {  	s6 =	sld [smem:$0x3FFC];
	_ =	sdelay $0x3  }
0x9b: {  	_ =	strace s6  }
0x9c: {  	s6 =	sld [smem:$0x3FFD];
	_ =	sdelay $0x3  }
0x9d: {  	_ =	strace s6  }
0x9e: {  	_ =	strace $0x8FFFFFFF  }
0x9f: {  	s19 =	sld [smem:$0x3FDB];
	_ =	sdelay $0x1  }
0xa0: {  	s7 =	simm.s32 $_scs_section_size  }
0xa1: {  	s8 =	simm.s32 $_size__tile_overlayer_lowered;
	s9 =	simm.s32 $_tile_overlayer_lowered  }
0xa2: {  	s22 =	simm.s32 $0x1BFF;
	s21 =	sshll.u32 s9, $0x1;
	s6 =	sadd.s32 s7, s19  }
0xa3: {  	s10 =	simm.s32 $0x0;
	s20 =	sshll.u32 s8, $0x1;
	s8 =	sadd.s32 s21, s6  }
0xa4: {  	[timem:s10], [sflag:s22] =	dma.local [hbm:s8], s20  }
0xa5: {  	_ =	swait.ge [sflag:s22], s20  }
0xa6: {  	s7 =	ssub.s32 $0x0, s20;
	[sflag:s22] =	ssyncset.done $0x0  }
0xa7: {  	[sflag:s22] =	ssyncadd.s32 s7;
	_ =	sdelay $0x1  }
0xa8: {  	s23 =	simm.s32 $0x1B8B  }
0xa9: {  	_ =	swait.ge [sflag:s23], $0x1  }
0xaa: {  	[sflag:s23] =	ssyncset.done $0x0  }
0xab: {  	s25 =	simm.s32 $0x1B8E;
	s24 =	sld [smem:$0x3FFE];
	[sflag:s23] =	ssyncadd.s32 $0xFFFFFFFF  }
0xac: {  	s26 =	simm.s32 $execute0_lowered;
	[smem:$0x3FD2] =	sst s25  }
0xad: {  	s8 =	sshll.u32 s26, $0x1;
	_ =	strace $0x80000046;
	[dreg:$0x1] =	wrdreg $0xFFFFFFFF  }
0xae: {  	s28 =	simm.s32 $_size_execute0_lowered;
	s6 =	sadd.s32 s6, s8;
	[dreg:$0x0] =	wrdreg $0x0  }
0xaf: {  	s8 =	sshll.u32 s28, $0x1;
	[dreg:$0x2] =	wrdreg s6  }
0xb0: {  	[dreg:$0x3] =	wrdreg s8  }
0xb1: {  	[dreg:$0x4] =	wrdreg $0xC0  }
0xb2: {  	_ =	task [dreg:s10], $0x5FFFF  }
0xb3: {  	[dreg:$0x1] =	wrdreg $0xFFFFFFFF  }
0xb4: {  	[dreg:$0x0] =	wrdreg $0x60  }
0xb5: {  	[dreg:$0x2] =	wrdreg s24  }
0xb6: {  	[dreg:$0x3] =	wrdreg s16  }
0xb7: {  	[dreg:$0x4] =	wrdreg s15  }
0xb8: {  	[dreg:$0x5] =	wrdreg s4  }
0xb9: {  	[dreg:$0x6] =	wrdreg s17  }
0xba: {  	[dreg:$0x7] =	wrdreg $0x9  }
0xbb: {  	_ =	task.clear_ibuf [dreg:s10], $0x8FFFF;
	_ =	strace $0x90000046  }
0xbc: {  	s29 =	simm.s32 $0x9;
	_ =	strace $0x80000048  }
0xbd: {  	_ =	swait.ge [sflag:s29], $0x1  }
0xbe: {  	[sflag:s29] =	ssyncadd.s32 $0xFFFFFFFF  }
0xbf: {  	_ =	strace $0x90000048  }
0xc0: {  	_ =	sfence  }
0xc1: {  	s30 =	sld [smem:$0x0];
	_ =	sdelay $0x2  }
0xc2: {  	s31 =	sshll.u32 s1, $0xD;
	s1 =	sshrl.u32 s1, $0x2  }
0xc3: {  	s3 =	sand.u32 $0x4000, s31;
	s1 =	sadd.s32 s1, s30  }
0xc4: {  	s0 =	sor.u32 s3, s0;
	s1 =	sshll.u32 s1, $0x11  }
0xc5: {  	s0 =	sor.u32 s1, s0  }
0xc6: {  	s0 =	sadd.s32 $0x8F2B, s0  }
0xc7: {  	[sflag:s0] =	ssyncadd.remote.s32 $0x1  }
0xc8: {  	_ =	sfence.sel $0xFFFF  }
0xc9: {  	[dreg:$0x0] =	wrdreg $0xFFFFFFFF;
	(pc) =	sbr.abs _section_cstart, $3  }
0xca: {  	[dreg:$0x1] =	wrdreg $0xFFFFFFFF  }
0xcb: {  	_ =	task.clear_ibuf [dreg:s10], $0x2FFFF;
	_ =	strace $0x9FFFFFFF  }
0xcc: {  	(tm) =	ssettm $0x7FFFFFFF  }
0xcd: {  	_ =	shalt  }
tec
execute0_lowered:
.L_overlay_start_1:
0x0: {  	(tag) =	ssettag $0x1  }
0x1: {  	s0 =	rddreg [dreg:$0x0]  }
0x2: {  	s4 =	rddreg [dreg:$0x1]  }
0x3: {  	s3 =	rddreg [dreg:$0x2]  }
0x4: {  	s1 =	rddreg [dreg:$0x3]  }
0x5: {  	s5 =	rddreg [dreg:$0x4]  }
0x6: {  	s21 =	rddreg [dreg:$0x5];
	s2 =	simm.s32 $0x0  }
0x7: {  	s6 =	srdreg.scid;
	s24 =	stileid.u32;
	s29 =	simm.s32 $0x800  }
0x8: {  	s30 =	simm.s32 $0x80;
	s31 =	simm.s32 $0x100;
	s28 =	simm.s32 $0x180  }
0x9: {  	s23 =	simm.s32 $0x300;
	p0 =	por $0x0, $0x0;
	[dreg:$0x6] =	wrdreg s1  }
0xa: {  	[smem:$0x7FF] =	sst s2;
	s6 =	sand.u32 $0x1, s6;
	s7 =	sshll.u32 s24, $0x1  }
0xb: {  	s24 =	simm.s32 $0x280;
	_ =	strace $0x80000047;
	s7 =	sor.u32 s6, s7  }
0xc: {  	s6 =	ssub.s32 $0x2, s6;
	s8 =	sshll.u32 s7, $0x8;
	s10 =	smul.u32 $0x19000, s7  }
0xd: {  	s9 =	sshll.u32 s7, $0x2;
	s25 =	smul.u32 $0x3200, s7;
	s7 =	sshll.u32 s7, $0x9  }
0xe: {  	s19 =	sshrl.u32 s6, $0x1;
	s8 =	sadd.s32 s8, s0;
	s4 =	sadd.s32 s4, s9  }
0xf: {  	s0 =	sadd.s32 s7, s0;
	s20 =	ssub.s32 s6, s19;
	s7 =	simm.s32 $0x3080  }
0x10: {  	s19 =	simm.s32 $0x5;
	[dreg:$0x7] =	wrdreg s4;
	s26 =	sadd.s32 $0x2400, s8  }
0x11: {  	s6 =	simm.s32 $0x8;
	s9 =	sadd.s32 s5, s25;
	[dreg:$0x8] =	wrdreg s26  }
0x12: {  	s1 =	sshrl.u32 s10, $0x3;
	s0 =	sadd.s32 $0x6400, s0;
	[dreg:$0x9] =	wrdreg s9  }
0x13: {  	s25 =	simm.s32 $0x20;
	s5 =	sadd.s32 s5, s1;
	[dreg:$0x13] =	wrdreg s0  }
0x14: {  	s22 =	smax.u32 s20, $0x1;
	[dreg:$0x14] =	wrdreg s25;
	s10 =	sadd.s32 $0x500, s5  }
0x15: {  	s4 =	simm.s32 $0xA880;
	s11 =	sadd.s32 $0xA00, s5;
	[dreg:$0xa] =	wrdreg s10  }
0x16: {  	s8 =	simm.s32 $0x880;
	s12 =	sadd.s32 $0xF00, s5;
	[dreg:$0xb] =	wrdreg s11  }
0x17: {  	s26 =	simm.s32 $0xB;
	s13 =	sadd.s32 $0x1400, s5;
	[dreg:$0xc] =	wrdreg s12  }
0x18: {  	s25 =	simm.s32 $0x200;
	s14 =	sadd.s32 $0x1900, s5;
	[dreg:$0xd] =	wrdreg s13  }
0x19: {  	p1 =	sne.s32 s22, $0x1;
	s15 =	sadd.s32 $0x1E00, s5;
	[dreg:$0xe] =	wrdreg s14  }
0x1a: {  	s0 =	sadd.s32 $0xFFFFFFFF, s22;
	s16 =	sadd.s32 $0x2300, s5;
	[dreg:$0xf] =	wrdreg s15  }
0x1b: {  	s22 =	simm.s32 $0x380;
	s17 =	sadd.s32 $0x2800, s5;
	[dreg:$0x10] =	wrdreg s16  }
.Ltmp0:
0x1c: {  	s18 =	sadd.s32 $0x2D00, s5;
	[dreg:$0x11] =	wrdreg s17;
	(pc) =	sbr.rel @!p1 .LBB2_5-.Ltmp0, $4  }
0x1d: {  	s9 =	simm.s32 $0x2;
	s5 =	simm.s32 $0x7;
	[dreg:$0x12] =	wrdreg s18  }
0x1e: {  	s14 =	simm.s32 $0x50;
	s17 =	simm.s32 $0x5880;
	s12 =	simm.s32 $0x3  }
0x1f: {  	s16 =	simm.s32 $0x8080;
	s11 =	simm.s32 $0x4;
	s18 =	simm.s32 $0x6  }
0x20: {  	s13 =	simm.s32 $0x9;
	s15 =	simm.s32 $0xA;
	s10 =	simm.s32 $0x1  }
0x21: {  	s1 =	rddreg [dreg:$0x7]  }
0x22: {  	[tilespmem:s29], [sflag:$0xB] =	stream.linear.gather [hbm4b:s1+s2], $0x20, $0x38;
	[tilespmem:$0xB880] =	vst v63  }
0x23: {  	_ =	swait.ge [sflag:s26], $0x20  }
0x24: {  	s21 =	rddreg [dreg:$0x6]  }
0x25: {  	s1 =	rddreg [dreg:$0x14]  }
0x26: {  	[sflag:s26] =	ssyncset.done $0x0;
	[dreg:$0x15] =	wrdreg s21  }
0x27: {  	[sflag:s26] =	ssyncadd.s32 $0xFFFFFFE0;
	s20 =	rddreg [dreg:$0x15]  }
0x28: {  	[tilespmem:s4], [sflag:$0x1] =	stream.indirect.gather [hbm4b:s20+s1], $0x80, s29, s1, $0xb8;
	[tilespmem:$0xB880] =	vst v63  }
0x29: {  	s21 =	smov.u32 s0;
	s0 =	rddreg [dreg:$0x8]  }
0x2a: {  	[tilespmem:s2], [sflag:$0xB] =	stream.linear.gather [hbm4b:s0+s2], $0x500, $0x38;
	[tilespmem:$0xB880] =	vst v63  }
0x2b: {  	_ =	swait.ge [sflag:s26], $0x500  }
0x2c: {  	[sflag:s26] =	ssyncset.done $0x0  }
0x2d: {  	[sflag:s26] =	ssyncadd.s32 $0xFFFFFB00  }
0x2e: {  	[tilespmem:s8], [sflag:$0x3] =	stream.indirect.gather [hbm4b:s3+s14], $0x80, s2, s14, $0xb8;
	[tilespmem:$0xB880] =	vst v63  }
0x2f: {  	_ = 	snop  }
0x30: {  	[tilespmem:s7], [sflag:$0x4] =	stream.indirect.gather [hbm4b:s3+s14], $0x80, s30, s14, $0xb8;
	[tilespmem:$0xB880] =	vst v63  }
0x31: {  	_ = 	snop  }
0x32: {  	[tilespmem:s17], [sflag:$0x5] =	stream.indirect.gather [hbm4b:s3+s14], $0x80, s31, s14, $0xb8;
	[tilespmem:$0xB880] =	vst v63  }
0x33: {  	_ =	swait.ge [sflag:s12], $0x2800  }
0x34: {  	[sflag:s12] =	ssyncset.done $0x0  }
0x35: {  	s20 =	rddreg [dreg:$0x9];
	[sflag:s12] =	ssyncadd.s32 $0xFFFFD800  }
0x36: {  	[hbm4b:s20+s2] =	stream.linear.scatter [tilespmem:s8], [sflag:$0x7], $0x2800, $0x38;
	[tilespmem:$0xB880] =	vst v63  }
0x37: {  	_ = 	snop  }
0x38: {  	[tilespmem:s16], [sflag:$0x6] =	stream.indirect.gather [hbm4b:s3+s14], $0x80, s28, s14, $0xb8;
	[tilespmem:$0xB880] =	vst v63  }
0x39: {  	_ =	swait.ge [sflag:s11], $0x2800  }
0x3a: {  	[sflag:s11] =	ssyncset.done $0x0  }
0x3b: {  	s1 =	rddreg [dreg:$0xa];
	[sflag:s11] =	ssyncadd.s32 $0xFFFFD800  }
0x3c: {  	[hbm4b:s1+s2] =	stream.linear.scatter [tilespmem:s7], [sflag:$0x8], $0x2800, $0x38;
	[tilespmem:$0xB880] =	vst v63  }
0x3d: {  	_ =	swait.ge [sflag:s5], $0x2800  }
0x3e: {  	[sflag:s5] =	ssyncset.done $0x0  }
0x3f: {  	[sflag:s5] =	ssyncadd.s32 $0xFFFFD800  }
0x40: {  	[tilespmem:s8], [sflag:$0x3] =	stream.indirect.gather [hbm4b:s3+s14], $0x80, s25, s14, $0xb8;
	[tilespmem:$0xB880] =	vst v63  }
0x41: {  	_ =	swait.ge [sflag:s19], $0x2800  }
0x42: {  	[sflag:s19] =	ssyncset.done $0x0  }
0x43: {  	s20 =	rddreg [dreg:$0xb];
	[sflag:s19] =	ssyncadd.s32 $0xFFFFD800  }
0x44: {  	[hbm4b:s20+s2] =	stream.linear.scatter [tilespmem:s17], [sflag:$0x9], $0x2800, $0x38;
	[tilespmem:$0xB880] =	vst v63  }
0x45: {  	_ =	swait.ge [sflag:s6], $0x2800  }
0x46: {  	[sflag:s6] =	ssyncset.done $0x0  }
0x47: {  	[sflag:s6] =	ssyncadd.s32 $0xFFFFD800  }
0x48: {  	[tilespmem:s7], [sflag:$0x4] =	stream.indirect.gather [hbm4b:s3+s14], $0x80, s24, s14, $0xb8;
	[tilespmem:$0xB880] =	vst v63  }
0x49: {  	_ =	swait.ge [sflag:s18], $0x2800  }
0x4a: {  	[sflag:s18] =	ssyncset.done $0x0  }
0x4b: {  	s1 =	rddreg [dreg:$0xc];
	[sflag:s18] =	ssyncadd.s32 $0xFFFFD800  }
0x4c: {  	[hbm4b:s1+s2] =	stream.linear.scatter [tilespmem:s16], [sflag:$0xA], $0x2800, $0x38;
	[tilespmem:$0xB880] =	vst v63  }
0x4d: {  	_ =	swait.ge [sflag:s13], $0x2800  }
0x4e: {  	[sflag:s13] =	ssyncset.done $0x0  }
0x4f: {  	[sflag:s13] =	ssyncadd.s32 $0xFFFFD800  }
0x50: {  	[tilespmem:s17], [sflag:$0x5] =	stream.indirect.gather [hbm4b:s3+s14], $0x80, s23, s14, $0xb8;
	[tilespmem:$0xB880] =	vst v63  }
0x51: {  	_ =	swait.ge [sflag:s12], $0x2800  }
0x52: {  	[sflag:s12] =	ssyncset.done $0x0  }
0x53: {  	s20 =	rddreg [dreg:$0xd];
	[sflag:s12] =	ssyncadd.s32 $0xFFFFD800  }
0x54: {  	[hbm4b:s20+s2] =	stream.linear.scatter [tilespmem:s8], [sflag:$0x7], $0x2800, $0x38;
	[tilespmem:$0xB880] =	vst v63  }
0x55: {  	_ =	swait.ge [sflag:s15], $0x2800  }
0x56: {  	[sflag:s15] =	ssyncset.done $0x0  }
0x57: {  	[sflag:s15] =	ssyncadd.s32 $0xFFFFD800  }
0x58: {  	[tilespmem:s16], [sflag:$0x6] =	stream.indirect.gather [hbm4b:s3+s14], $0x80, s22, s14, $0xb8;
	[tilespmem:$0xB880] =	vst v63  }
0x59: {  	_ =	swait.ge [sflag:s11], $0x2800  }
0x5a: {  	[sflag:s11] =	ssyncset.done $0x0  }
0x5b: {  	s1 =	rddreg [dreg:$0xe];
	[sflag:s11] =	ssyncadd.s32 $0xFFFFD800  }
0x5c: {  	[hbm4b:s1+s2] =	stream.linear.scatter [tilespmem:s7], [sflag:$0x8], $0x2800, $0x38;
	[tilespmem:$0xB880] =	vst v63  }
0x5d: {  	_ =	swait.ge [sflag:s5], $0x2800  }
0x5e: {  	[sflag:s5] =	ssyncset.done $0x0  }
0x5f: {  	s20 =	simm.s32 $0x400;
	[sflag:s5] =	ssyncadd.s32 $0xFFFFD800  }
0x60: {  	[tilespmem:s8], [sflag:$0x3] =	stream.indirect.gather [hbm4b:s3+s14], $0x80, s20, s14, $0xb8;
	[tilespmem:$0xB880] =	vst v63  }
0x61: {  	_ =	swait.ge [sflag:s19], $0x2800  }
0x62: {  	[sflag:s19] =	ssyncset.done $0x0  }
0x63: {  	s1 =	rddreg [dreg:$0xf];
	[sflag:s19] =	ssyncadd.s32 $0xFFFFD800  }
0x64: {  	[hbm4b:s1+s2] =	stream.linear.scatter [tilespmem:s17], [sflag:$0x9], $0x2800, $0x38;
	[tilespmem:$0xB880] =	vst v63  }
0x65: {  	_ =	swait.ge [sflag:s6], $0x2800  }
0x66: {  	[sflag:s6] =	ssyncset.done $0x0  }
0x67: {  	s20 =	simm.s32 $0x480;
	[sflag:s6] =	ssyncadd.s32 $0xFFFFD800  }
0x68: {  	[tilespmem:s7], [sflag:$0x4] =	stream.indirect.gather [hbm4b:s3+s14], $0x80, s20, s14, $0xb8;
	[tilespmem:$0xB880] =	vst v63  }
0x69: {  	_ =	swait.ge [sflag:s18], $0x2800  }
0x6a: {  	[sflag:s18] =	ssyncset.done $0x0  }
0x6b: {  	s1 =	rddreg [dreg:$0x10];
	[sflag:s18] =	ssyncadd.s32 $0xFFFFD800  }
0x6c: {  	[hbm4b:s1+s2] =	stream.linear.scatter [tilespmem:s16], [sflag:$0xA], $0x2800, $0x38;
	[tilespmem:$0xB880] =	vst v63  }
0x6d: {  	_ =	swait.ge [sflag:s12], $0x2800  }
0x6e: {  	[sflag:s12] =	ssyncset.done $0x0  }
0x6f: {  	s20 =	rddreg [dreg:$0x11];
	[sflag:s12] =	ssyncadd.s32 $0xFFFFD800  }
0x70: {  	[hbm4b:s20+s2] =	stream.linear.scatter [tilespmem:s8], [sflag:$0x7], $0x2800, $0x38;
	[tilespmem:$0xB880] =	vst v63  }
0x71: {  	_ =	swait.ge [sflag:s11], $0x2800  }
0x72: {  	[sflag:s11] =	ssyncset.done $0x0  }
0x73: {  	s1 =	rddreg [dreg:$0x12];
	[sflag:s11] =	ssyncadd.s32 $0xFFFFD800  }
0x74: {  	[hbm4b:s1+s2] =	stream.linear.scatter [tilespmem:s7], [sflag:$0x8], $0x2800, $0x38;
	[tilespmem:$0xB880] =	vst v63  }
0x75: {  	_ =	swait.ge [sflag:s13], $0x2800  }
0x76: {  	[sflag:s13] =	ssyncset.done $0x0  }
0x77: {  	[sflag:s13] =	ssyncadd.s32 $0xFFFFD800  }
0x78: {  	_ =	swait.ge [sflag:s15], $0x2800  }
0x79: {  	[sflag:s15] =	ssyncset.done $0x0  }
0x7a: {  	[sflag:s15] =	ssyncadd.s32 $0xFFFFD800  }
0x7b: {  	_ =	swait.ge [sflag:s5], $0x2800  }
0x7c: {  	[sflag:s5] =	ssyncset.done $0x0  }
0x7d: {  	[sflag:s5] =	ssyncadd.s32 $0xFFFFD800  }
0x7e: {  	_ =	swait.ge [sflag:s6], $0x2800  }
0x7f: {  	[sflag:s6] =	ssyncset.done $0x0  }
0x80: {  	p1 =	sne.s32 s21, $0x1;
	[sflag:s6] =	ssyncadd.s32 $0xFFFFD800  }
.Ltmp1:
0x81: {  	_ =	swait.ge [sflag:s10], $0x1000;
	(pc) =	sbr.rel @!p1 .LBB2_2-.Ltmp1, $4  }
0x82: {  	[sflag:s10] =	ssyncset.done $0x0  }
0x83: {  	s20 =	rddreg [dreg:$0x13];
	[sflag:s10] =	ssyncadd.s32 $0xFFFFF000  }
0x84: {  	[hbm4b:s20+s2] =	stream.linear.scatter [tilespmem:s4], [sflag:$0x2], $0x1000, $0x38;
	[tilespmem:$0xB880] =	vst v63  }
0x85: {  	p0 =	por $0x1, $0x1;
	s0 =	sadd.s32 $0xFFFFFFFF, s21;
	_ =	swait.ge [sflag:s9], $0x1000  }
.LBB2_3:
0x86: {  	[sflag:s9] =	ssyncset.done $0x0  }
0x87: {  	s1 =	rddreg [dreg:$0x7];
	[sflag:s9] =	ssyncadd.s32 $0xFFFFF000  }
0x88: {  	[tilespmem:s29], [sflag:$0xB] =	stream.linear.gather [hbm4b:s1+s2], $0x20, $0x38;
	[tilespmem:$0xB880] =	vst v63  }
0x89: {  	_ =	swait.ge [sflag:s26], $0x20  }
0x8a: {  	s1 =	rddreg [dreg:$0x6];
	[sflag:s26] =	ssyncset.done $0x0  }
0x8b: {  	s20 =	rddreg [dreg:$0x14];
	[sflag:s26] =	ssyncadd.s32 $0xFFFFFFE0  }
0x8c: {  	[tilespmem:s4], [sflag:$0x1] =	stream.indirect.gather [hbm4b:s1+s20], $0x80, s29, s20, $0xb8;
	[tilespmem:$0xB880] =	vst v63  }
0x8d: {  	s21 =	rddreg [dreg:$0x8]  }
0x8e: {  	[tilespmem:s2], [sflag:$0xB] =	stream.linear.gather [hbm4b:s21+s2], $0x500, $0x38;
	[tilespmem:$0xB880] =	vst v63  }
0x8f: {  	_ =	swait.ge [sflag:s26], $0x500  }
0x90: {  	[sflag:s26] =	ssyncset.done $0x0  }
0x91: {  	[sflag:s26] =	ssyncadd.s32 $0xFFFFFB00  }
0x92: {  	[tilespmem:s8], [sflag:$0x3] =	stream.indirect.gather [hbm4b:s3+s14], $0x80, s2, s14, $0xb8;
	[tilespmem:$0xB880] =	vst v63  }
0x93: {  	_ = 	snop  }
0x94: {  	[tilespmem:s7], [sflag:$0x4] =	stream.indirect.gather [hbm4b:s3+s14], $0x80, s30, s14, $0xb8;
	[tilespmem:$0xB880] =	vst v63  }
0x95: {  	_ = 	snop  }
0x96: {  	[tilespmem:s17], [sflag:$0x5] =	stream.indirect.gather [hbm4b:s3+s14], $0x80, s31, s14, $0xb8;
	[tilespmem:$0xB880] =	vst v63  }
0x97: {  	_ =	swait.ge [sflag:s12], $0x2800  }
0x98: {  	[sflag:s12] =	ssyncset.done $0x0  }
0x99: {  	s21 =	rddreg [dreg:$0x9];
	[sflag:s12] =	ssyncadd.s32 $0xFFFFD800  }
0x9a: {  	[hbm4b:s21+s2] =	stream.linear.scatter [tilespmem:s8], [sflag:$0x7], $0x2800, $0x38;
	[tilespmem:$0xB880] =	vst v63  }
0x9b: {  	_ = 	snop  }
0x9c: {  	[tilespmem:s16], [sflag:$0x6] =	stream.indirect.gather [hbm4b:s3+s14], $0x80, s28, s14, $0xb8;
	[tilespmem:$0xB880] =	vst v63  }
0x9d: {  	_ =	swait.ge [sflag:s11], $0x2800  }
0x9e: {  	[sflag:s11] =	ssyncset.done $0x0  }
0x9f: {  	s21 =	rddreg [dreg:$0xa];
	[sflag:s11] =	ssyncadd.s32 $0xFFFFD800  }
0xa0: {  	[hbm4b:s21+s2] =	stream.linear.scatter [tilespmem:s7], [sflag:$0x8], $0x2800, $0x38;
	[tilespmem:$0xB880] =	vst v63  }
0xa1: {  	_ =	swait.ge [sflag:s5], $0x2800  }
0xa2: {  	[sflag:s5] =	ssyncset.done $0x0  }
0xa3: {  	[sflag:s5] =	ssyncadd.s32 $0xFFFFD800  }
0xa4: {  	[tilespmem:s8], [sflag:$0x3] =	stream.indirect.gather [hbm4b:s3+s14], $0x80, s25, s14, $0xb8;
	[tilespmem:$0xB880] =	vst v63  }
0xa5: {  	_ =	swait.ge [sflag:s19], $0x2800  }
0xa6: {  	[sflag:s19] =	ssyncset.done $0x0  }
0xa7: {  	s21 =	rddreg [dreg:$0xb];
	[sflag:s19] =	ssyncadd.s32 $0xFFFFD800  }
0xa8: {  	[hbm4b:s21+s2] =	stream.linear.scatter [tilespmem:s17], [sflag:$0x9], $0x2800, $0x38;
	[tilespmem:$0xB880] =	vst v63  }
0xa9: {  	_ =	swait.ge [sflag:s6], $0x2800  }
0xaa: {  	[sflag:s6] =	ssyncset.done $0x0  }
0xab: {  	[sflag:s6] =	ssyncadd.s32 $0xFFFFD800  }
0xac: {  	[tilespmem:s7], [sflag:$0x4] =	stream.indirect.gather [hbm4b:s3+s14], $0x80, s24, s14, $0xb8;
	[tilespmem:$0xB880] =	vst v63  }
0xad: {  	_ =	swait.ge [sflag:s18], $0x2800  }
0xae: {  	[sflag:s18] =	ssyncset.done $0x0  }
0xaf: {  	s21 =	rddreg [dreg:$0xc];
	[sflag:s18] =	ssyncadd.s32 $0xFFFFD800  }
0xb0: {  	[hbm4b:s21+s2] =	stream.linear.scatter [tilespmem:s16], [sflag:$0xA], $0x2800, $0x38;
	[tilespmem:$0xB880] =	vst v63  }
0xb1: {  	_ =	swait.ge [sflag:s13], $0x2800  }
0xb2: {  	[sflag:s13] =	ssyncset.done $0x0  }
0xb3: {  	[sflag:s13] =	ssyncadd.s32 $0xFFFFD800  }
0xb4: {  	[tilespmem:s17], [sflag:$0x5] =	stream.indirect.gather [hbm4b:s3+s14], $0x80, s23, s14, $0xb8;
	[tilespmem:$0xB880] =	vst v63  }
0xb5: {  	_ =	swait.ge [sflag:s12], $0x2800  }
0xb6: {  	[sflag:s12] =	ssyncset.done $0x0  }
0xb7: {  	s21 =	rddreg [dreg:$0xd];
	[sflag:s12] =	ssyncadd.s32 $0xFFFFD800  }
0xb8: {  	[hbm4b:s21+s2] =	stream.linear.scatter [tilespmem:s8], [sflag:$0x7], $0x2800, $0x38;
	[tilespmem:$0xB880] =	vst v63  }
0xb9: {  	_ =	swait.ge [sflag:s15], $0x2800  }
0xba: {  	[sflag:s15] =	ssyncset.done $0x0  }
0xbb: {  	[sflag:s15] =	ssyncadd.s32 $0xFFFFD800  }
0xbc: {  	[tilespmem:s16], [sflag:$0x6] =	stream.indirect.gather [hbm4b:s3+s14], $0x80, s22, s14, $0xb8;
	[tilespmem:$0xB880] =	vst v63  }
0xbd: {  	_ =	swait.ge [sflag:s11], $0x2800  }
0xbe: {  	[sflag:s11] =	ssyncset.done $0x0  }
0xbf: {  	s21 =	rddreg [dreg:$0xe];
	[sflag:s11] =	ssyncadd.s32 $0xFFFFD800  }
0xc0: {  	[hbm4b:s21+s2] =	stream.linear.scatter [tilespmem:s7], [sflag:$0x8], $0x2800, $0x38;
	[tilespmem:$0xB880] =	vst v63  }
0xc1: {  	_ =	swait.ge [sflag:s5], $0x2800  }
0xc2: {  	[sflag:s5] =	ssyncset.done $0x0  }
0xc3: {  	s21 =	simm.s32 $0x400;
	[sflag:s5] =	ssyncadd.s32 $0xFFFFD800  }
0xc4: {  	[tilespmem:s8], [sflag:$0x3] =	stream.indirect.gather [hbm4b:s3+s14], $0x80, s21, s14, $0xb8;
	[tilespmem:$0xB880] =	vst v63  }
0xc5: {  	_ =	swait.ge [sflag:s19], $0x2800  }
0xc6: {  	[sflag:s19] =	ssyncset.done $0x0  }
0xc7: {  	s21 =	rddreg [dreg:$0xf];
	[sflag:s19] =	ssyncadd.s32 $0xFFFFD800  }
0xc8: {  	[hbm4b:s21+s2] =	stream.linear.scatter [tilespmem:s17], [sflag:$0x9], $0x2800, $0x38;
	[tilespmem:$0xB880] =	vst v63  }
0xc9: {  	_ =	swait.ge [sflag:s6], $0x2800  }
0xca: {  	[sflag:s6] =	ssyncset.done $0x0  }
0xcb: {  	s20 =	simm.s32 $0x480;
	[sflag:s6] =	ssyncadd.s32 $0xFFFFD800  }
0xcc: {  	[tilespmem:s7], [sflag:$0x4] =	stream.indirect.gather [hbm4b:s3+s14], $0x80, s20, s14, $0xb8;
	[tilespmem:$0xB880] =	vst v63  }
0xcd: {  	_ =	swait.ge [sflag:s18], $0x2800  }
0xce: {  	[sflag:s18] =	ssyncset.done $0x0  }
0xcf: {  	s20 =	rddreg [dreg:$0x10];
	[sflag:s18] =	ssyncadd.s32 $0xFFFFD800  }
0xd0: {  	[hbm4b:s20+s2] =	stream.linear.scatter [tilespmem:s16], [sflag:$0xA], $0x2800, $0x38;
	[tilespmem:$0xB880] =	vst v63  }
0xd1: {  	_ =	swait.ge [sflag:s12], $0x2800  }
0xd2: {  	[sflag:s12] =	ssyncset.done $0x0  }
0xd3: {  	s21 =	rddreg [dreg:$0x11];
	[sflag:s12] =	ssyncadd.s32 $0xFFFFD800  }
0xd4: {  	[hbm4b:s21+s2] =	stream.linear.scatter [tilespmem:s8], [sflag:$0x7], $0x2800, $0x38;
	[tilespmem:$0xB880] =	vst v63  }
0xd5: {  	_ =	swait.ge [sflag:s11], $0x2800  }
0xd6: {  	[sflag:s11] =	ssyncset.done $0x0  }
0xd7: {  	s20 =	rddreg [dreg:$0x12];
	[sflag:s11] =	ssyncadd.s32 $0xFFFFD800  }
0xd8: {  	[hbm4b:s20+s2] =	stream.linear.scatter [tilespmem:s7], [sflag:$0x8], $0x2800, $0x38;
	[tilespmem:$0xB880] =	vst v63  }
0xd9: {  	_ =	swait.ge [sflag:s13], $0x2800  }
0xda: {  	[sflag:s13] =	ssyncset.done $0x0  }
0xdb: {  	[sflag:s13] =	ssyncadd.s32 $0xFFFFD800  }
0xdc: {  	_ =	swait.ge [sflag:s15], $0x2800  }
0xdd: {  	[sflag:s15] =	ssyncset.done $0x0  }
0xde: {  	[sflag:s15] =	ssyncadd.s32 $0xFFFFD800  }
0xdf: {  	_ =	swait.ge [sflag:s5], $0x2800  }
0xe0: {  	[sflag:s5] =	ssyncset.done $0x0  }
0xe1: {  	[sflag:s5] =	ssyncadd.s32 $0xFFFFD800  }
0xe2: {  	_ =	swait.ge [sflag:s6], $0x2800  }
0xe3: {  	[sflag:s6] =	ssyncset.done $0x0  }
0xe4: {  	p1 =	sne.s32 s0, $0x1;
	[sflag:s6] =	ssyncadd.s32 $0xFFFFD800  }
.Ltmp2:
0xe5: {  	_ =	swait.ge [sflag:s10], $0x1000;
	(pc) =	sbr.rel @p1 .LBB2_3-.Ltmp2, $4  }
0xe6: {  	[sflag:s10] =	ssyncset.done $0x0  }
0xe7: {  	s21 =	rddreg [dreg:$0x13];
	[sflag:s10] =	ssyncadd.s32 $0xFFFFF000  }
0xe8: {  	[hbm4b:s21+s2] =	stream.linear.scatter [tilespmem:s4], [sflag:$0x2], $0x1000, $0x38;
	[tilespmem:$0xB880] =	vst v63  }
0xe9: {  	s0 =	sadd.s32 $0xFFFFFFFF, s0;
	_ =	swait.ge [sflag:s9], $0x1000  }
0xea: {  	s21 =	rddreg [dreg:$0x5]  }
.LBB2_5:
0xeb: {  	[sflag:s9] =	ssyncset.done @p0 $0x0  }
0xec: {  	s0 =	rddreg [dreg:$0x7];
	[sflag:s9] =	ssyncadd.s32 @p0 $0xFFFFF000  }
0xed: {  	[tilespmem:s29], [sflag:$0xB] =	stream.linear.gather [hbm4b:s0+s2], $0x20, $0x38;
	[tilespmem:$0xB880] =	vst v63  }
0xee: {  	_ =	swait.ge [sflag:s26], $0x20  }
0xef: {  	s0 =	rddreg [dreg:$0x6];
	[sflag:s26] =	ssyncset.done $0x0  }
0xf0: {  	s1 =	rddreg [dreg:$0x14];
	[sflag:s26] =	ssyncadd.s32 $0xFFFFFFE0  }
0xf1: {  	[tilespmem:s4], [sflag:$0x1] =	stream.indirect.gather [hbm4b:s0+s1], $0x80, s29, s1, $0xb8;
	[tilespmem:$0xB880] =	vst v63  }
0xf2: {  	s20 =	rddreg [dreg:$0x8]  }
0xf3: {  	[tilespmem:s2], [sflag:$0xB] =	stream.linear.gather [hbm4b:s20+s2], $0x500, $0x38;
	[tilespmem:$0xB880] =	vst v63  }
0xf4: {  	_ =	swait.ge [sflag:s26], $0x500  }
0xf5: {  	[sflag:s26] =	ssyncset.done $0x0  }
0xf6: {  	[sflag:s26] =	ssyncadd.s32 $0xFFFFFB00  }
0xf7: {  	[tilespmem:s8], [sflag:$0x3] =	stream.indirect.gather [hbm4b:s3+s14], $0x80, s2, s14, $0xb8;
	[tilespmem:$0xB880] =	vst v63  }
0xf8: {  	_ = 	snop  }
0xf9: {  	[tilespmem:s7], [sflag:$0x4] =	stream.indirect.gather [hbm4b:s3+s14], $0x80, s30, s14, $0xb8;
	[tilespmem:$0xB880] =	vst v63  }
0xfa: {  	_ = 	snop  }
0xfb: {  	[tilespmem:s17], [sflag:$0x5] =	stream.indirect.gather [hbm4b:s3+s14], $0x80, s31, s14, $0xb8;
	[tilespmem:$0xB880] =	vst v63  }
0xfc: {  	_ =	swait.ge [sflag:s12], $0x2800  }
0xfd: {  	[sflag:s12] =	ssyncset.done $0x0  }
0xfe: {  	s29 =	rddreg [dreg:$0x9];
	[sflag:s12] =	ssyncadd.s32 $0xFFFFD800  }
0xff: {  	[hbm4b:s29+s2] =	stream.linear.scatter [tilespmem:s8], [sflag:$0x7], $0x2800, $0x38;
	[tilespmem:$0xB880] =	vst v63  }
0x100: {  	_ = 	snop  }
0x101: {  	[tilespmem:s16], [sflag:$0x6] =	stream.indirect.gather [hbm4b:s3+s14], $0x80, s28, s14, $0xb8;
	[tilespmem:$0xB880] =	vst v63  }
0x102: {  	_ =	swait.ge [sflag:s11], $0x2800  }
0x103: {  	[sflag:s11] =	ssyncset.done $0x0  }
0x104: {  	s30 =	rddreg [dreg:$0xa];
	[sflag:s11] =	ssyncadd.s32 $0xFFFFD800  }
0x105: {  	[hbm4b:s30+s2] =	stream.linear.scatter [tilespmem:s7], [sflag:$0x8], $0x2800, $0x38;
	[tilespmem:$0xB880] =	vst v63  }
0x106: {  	_ =	swait.ge [sflag:s5], $0x2800  }
0x107: {  	[sflag:s5] =	ssyncset.done $0x0  }
0x108: {  	[sflag:s5] =	ssyncadd.s32 $0xFFFFD800  }
0x109: {  	[tilespmem:s8], [sflag:$0x3] =	stream.indirect.gather [hbm4b:s3+s14], $0x80, s25, s14, $0xb8;
	[tilespmem:$0xB880] =	vst v63  }
0x10a: {  	_ =	swait.ge [sflag:s19], $0x2800  }
0x10b: {  	[sflag:s19] =	ssyncset.done $0x0  }
0x10c: {  	s31 =	rddreg [dreg:$0xb];
	[sflag:s19] =	ssyncadd.s32 $0xFFFFD800  }
0x10d: {  	[hbm4b:s31+s2] =	stream.linear.scatter [tilespmem:s17], [sflag:$0x9], $0x2800, $0x38;
	[tilespmem:$0xB880] =	vst v63  }
0x10e: {  	_ =	swait.ge [sflag:s6], $0x2800  }
0x10f: {  	[sflag:s6] =	ssyncset.done $0x0  }
0x110: {  	[sflag:s6] =	ssyncadd.s32 $0xFFFFD800  }
0x111: {  	[tilespmem:s7], [sflag:$0x4] =	stream.indirect.gather [hbm4b:s3+s14], $0x80, s24, s14, $0xb8;
	[tilespmem:$0xB880] =	vst v63  }
0x112: {  	_ =	swait.ge [sflag:s18], $0x2800  }
0x113: {  	[sflag:s18] =	ssyncset.done $0x0  }
0x114: {  	s1 =	rddreg [dreg:$0xc];
	[sflag:s18] =	ssyncadd.s32 $0xFFFFD800  }
0x115: {  	[hbm4b:s1+s2] =	stream.linear.scatter [tilespmem:s16], [sflag:$0xA], $0x2800, $0x38;
	[tilespmem:$0xB880] =	vst v63  }
0x116: {  	_ =	swait.ge [sflag:s13], $0x2800  }
0x117: {  	[sflag:s13] =	ssyncset.done $0x0  }
0x118: {  	[sflag:s13] =	ssyncadd.s32 $0xFFFFD800  }
0x119: {  	[tilespmem:s17], [sflag:$0x5] =	stream.indirect.gather [hbm4b:s3+s14], $0x80, s23, s14, $0xb8;
	[tilespmem:$0xB880] =	vst v63  }
0x11a: {  	_ =	swait.ge [sflag:s12], $0x2800  }
0x11b: {  	[sflag:s12] =	ssyncset.done $0x0  }
0x11c: {  	s20 =	rddreg [dreg:$0xd];
	[sflag:s12] =	ssyncadd.s32 $0xFFFFD800  }
0x11d: {  	[hbm4b:s20+s2] =	stream.linear.scatter [tilespmem:s8], [sflag:$0x7], $0x2800, $0x38;
	[tilespmem:$0xB880] =	vst v63  }
0x11e: {  	_ =	swait.ge [sflag:s15], $0x2800  }
0x11f: {  	[sflag:s15] =	ssyncset.done $0x0  }
0x120: {  	[sflag:s15] =	ssyncadd.s32 $0xFFFFD800  }
0x121: {  	[tilespmem:s16], [sflag:$0x6] =	stream.indirect.gather [hbm4b:s3+s14], $0x80, s22, s14, $0xb8;
	[tilespmem:$0xB880] =	vst v63  }
0x122: {  	_ =	swait.ge [sflag:s11], $0x2800  }
0x123: {  	[sflag:s11] =	ssyncset.done $0x0  }
0x124: {  	s22 =	rddreg [dreg:$0xe];
	[sflag:s11] =	ssyncadd.s32 $0xFFFFD800  }
0x125: {  	[hbm4b:s22+s2] =	stream.linear.scatter [tilespmem:s7], [sflag:$0x8], $0x2800, $0x38;
	[tilespmem:$0xB880] =	vst v63  }
0x126: {  	_ =	swait.ge [sflag:s5], $0x2800  }
0x127: {  	[sflag:s5] =	ssyncset.done $0x0  }
0x128: {  	s23 =	simm.s32 $0x400;
	[sflag:s5] =	ssyncadd.s32 $0xFFFFD800  }
0x129: {  	[tilespmem:s8], [sflag:$0x3] =	stream.indirect.gather [hbm4b:s3+s14], $0x80, s23, s14, $0xb8;
	[tilespmem:$0xB880] =	vst v63  }
0x12a: {  	_ =	swait.ge [sflag:s19], $0x2800  }
0x12b: {  	[sflag:s19] =	ssyncset.done $0x0  }
0x12c: {  	s24 =	rddreg [dreg:$0xf];
	[sflag:s19] =	ssyncadd.s32 $0xFFFFD800  }
0x12d: {  	[hbm4b:s24+s2] =	stream.linear.scatter [tilespmem:s17], [sflag:$0x9], $0x2800, $0x38;
	[tilespmem:$0xB880] =	vst v63  }
0x12e: {  	_ =	swait.ge [sflag:s6], $0x2800  }
0x12f: {  	[sflag:s6] =	ssyncset.done $0x0  }
0x130: {  	s25 =	simm.s32 $0x480;
	[sflag:s6] =	ssyncadd.s32 $0xFFFFD800  }
0x131: {  	[tilespmem:s7], [sflag:$0x4] =	stream.indirect.gather [hbm4b:s3+s14], $0x80, s25, s14, $0xb8;
	[tilespmem:$0xB880] =	vst v63  }
0x132: {  	_ =	swait.ge [sflag:s18], $0x2800  }
0x133: {  	[sflag:s18] =	ssyncset.done $0x0  }
0x134: {  	s26 =	rddreg [dreg:$0x10];
	[sflag:s18] =	ssyncadd.s32 $0xFFFFD800  }
0x135: {  	[hbm4b:s26+s2] =	stream.linear.scatter [tilespmem:s16], [sflag:$0xA], $0x2800, $0x38;
	[tilespmem:$0xB880] =	vst v63  }
0x136: {  	_ =	swait.ge [sflag:s12], $0x2800  }
0x137: {  	[sflag:s12] =	ssyncset.done $0x0  }
0x138: {  	s28 =	rddreg [dreg:$0x11];
	[sflag:s12] =	ssyncadd.s32 $0xFFFFD800  }
0x139: {  	[hbm4b:s28+s2] =	stream.linear.scatter [tilespmem:s8], [sflag:$0x7], $0x2800, $0x38;
	[tilespmem:$0xB880] =	vst v63  }
0x13a: {  	_ =	swait.ge [sflag:s11], $0x2800  }
0x13b: {  	[sflag:s11] =	ssyncset.done $0x0  }
0x13c: {  	s29 =	rddreg [dreg:$0x12];
	[sflag:s11] =	ssyncadd.s32 $0xFFFFD800  }
0x13d: {  	[hbm4b:s29+s2] =	stream.linear.scatter [tilespmem:s7], [sflag:$0x8], $0x2800, $0x38;
	[tilespmem:$0xB880] =	vst v63  }
0x13e: {  	_ =	swait.ge [sflag:s13], $0x2800  }
0x13f: {  	[sflag:s13] =	ssyncset.done $0x0  }
0x140: {  	[sflag:s13] =	ssyncadd.s32 $0xFFFFD800  }
0x141: {  	_ =	swait.ge [sflag:s15], $0x2800  }
0x142: {  	[sflag:s15] =	ssyncset.done $0x0  }
0x143: {  	[sflag:s15] =	ssyncadd.s32 $0xFFFFD800  }
0x144: {  	_ =	swait.ge [sflag:s5], $0x2800  }
0x145: {  	[sflag:s5] =	ssyncset.done $0x0  }
0x146: {  	[sflag:s5] =	ssyncadd.s32 $0xFFFFD800  }
0x147: {  	_ =	swait.ge [sflag:s6], $0x2800  }
0x148: {  	[sflag:s6] =	ssyncset.done $0x0  }
0x149: {  	[sflag:s6] =	ssyncadd.s32 $0xFFFFD800  }
0x14a: {  	_ =	swait.ge [sflag:s10], $0x1000  }
0x14b: {  	[sflag:s10] =	ssyncset.done $0x0  }
0x14c: {  	s30 =	rddreg [dreg:$0x13];
	[sflag:s10] =	ssyncadd.s32 $0xFFFFF000  }
0x14d: {  	[hbm4b:s30+s2] =	stream.linear.scatter [tilespmem:s4], [sflag:$0x2], $0x1000, $0x38;
	[tilespmem:$0xB880] =	vst v63  }
0x14e: {  	_ =	swait.ge [sflag:s9], $0x1000  }
0x14f: {  	[sflag:s9] =	ssyncset.done $0x0  }
0x150: {  	[sflag:s9] =	ssyncadd.s32 $0xFFFFF000  }
0x151: {  	_ =	sfence.sel $0x180000  }
0x152: {  	s31 =	stileid.u32;
	[bflag:$0x0] =	sbarrier.arrive $0xFFFF  }
0x153: {  	p0 =	sne.s32 s31, $0x0;
	_ =	strace $0x90000047  }
0x154: {  	s0 =	sadd.s32 @!p0 $0x100000, s21;
	[bflag:$0x2] =	sbarrier.arrive $0xFFFF  }
0x155: {  	[sflag:s0] =	ssyncadd.tile.s32 @!p0 $0x1;
	_ =	shalt  }
.LBB2_2:
.Ltmp3:
0x156: {  	(pc) =	sbr.rel .LBB2_5-.Ltmp3, $2  }
0x157: {  	_ =	sdelay $0x2  }
0x158: {  	s21 =	rddreg [dreg:$0x5]  }
.Lfunc_end2:
_tile_overlayer_lowered:
.L_overlay_start_2:
0x159: {  	(tag) =	ssettag $0x2  }
0x15a: {  	s0 =	rddreg [dreg:$0x0];
	s2 =	stileid.u32  }
0x15b: {  	s1 =	rddreg [dreg:$0x1];
	p0 =	sne.s32 s2, $0x0  }
0x15c: {  	s3 =	rddreg [dreg:$0x2];
	[bflag:$0x3] =	sbarrier.arrive $0xFFFF;
	s2 =	simm.s32 @!p0 $0x1C0B  }
0x15d: {  	[timem:s3], [sflag:s2] =	dma.local @!p0 [hbm:s0], s1  }
0x15e: {  	s0 =	simm.s32 @!p0 $0xB  }
0x15f: {  	_ =	swait.ge @!p0 [sflag:s0], s1  }
0x160: {  	s1 =	ssub.s32 @!p0 $0x0, s1;
	[sflag:s0] =	ssyncset.done @!p0 $0x0  }
0x161: {  	[sflag:s0] =	ssyncadd.s32 @!p0 s1  }
0x162: {  	[bflag:$0x3] =	sbarrier.arrive $0xFFFF  }
0x163: {  	_ =	shalt  }

// kernel: kernel.9.cloned.1.call-start
scs
__scs_entry_jumppad:
0x0: {  	(pc) =	sbr.rel $0x88, $3  }
0x1: {  	(tag) =	ssettag $0x0;
	lr =	simm.s32 $0x1  }
0x2: {  	[smem:$0x3F97] =	sst lr;
	_ =	strace $0xD0000000  }
0x3: {  	_ = 	snop  }
0x4: {  	_ = 	snop  }
0x5: {  	_ = 	snop  }
0x6: {  	_ = 	snop  }
0x7: {  	_ = 	snop  }
__scs_overlays_trampoline_lowered:
0x8: {  	[smem:$0x3FA6] =	sst s0  }
0x9: {  	[smem:$0x3FA7] =	sst s1  }
0xa: {  	[smem:$0x3FA8] =	sst s2  }
0xb: {  	[smem:$0x3FA9] =	sst s3  }
0xc: {  	[smem:$0x3FAA] =	sst s4  }
0xd: {  	[smem:$0x3FAB] =	sst s5  }
0xe: {  	[smem:$0x3FAC] =	sst s6  }
0xf: {  	[smem:$0x3FAD] =	sst s7  }
0x10: {  	[smem:$0x3FAE] =	sst s8  }
0x11: {  	[smem:$0x3FAF] =	sst s9;
	s0 =	simm.s32 @!p0 $0x0  }
0x12: {  	s1 =	sld [smem:$0x3F95];
	s0 =	simm.s32 @p0 $0x1  }
0x13: {  	[smem:$0x3FB0] =	sst s0;
	s0 =	simm.s32 @!p1 $0x0  }
0x14: {  	s2 =	sld [smem:$0x3F94];
	s0 =	simm.s32 @p1 $0x1  }
0x15: {  	[smem:$0x3FB1] =	sst s0;
	s0 =	simm.s32 @!p2 $0x0  }
0x16: {  	s3 =	sld [smem:$0x3FDB];
	s0 =	simm.s32 @p2 $0x1  }
0x17: {  	s4 =	simm.s32 $0x1BF5;
	[smem:$0x3FB3] =	sst s0  }
0x18: {  	s0 =	sld [smem:$0x3F96];
	_ =	swait.ge [sflag:s4], $0x0  }
0x19: {  	s7 =	sld [smem:$0x3F97]  }
0x1a: {  	s8 =	sadd.s32 $0xFFFFE003, lr  }
0x1b: {  	s9 =	sadd.s32 $0xFFFFFEF7, lr;
	s5 =	simm.s32 $0xFFFFFFFF;
	p2 =	slt.u32 s8, $0xFFFFF086  }
0x1c: {  	p1 =	slt.u32 s9, $0xF7A;
	s5 =	simm.s32 @!p2 $0x0  }
0x1d: {  	s5 =	simm.s32 @p1 $0x1;
	p0 =	seq.s32 s7, s2  }
0x1e: {  	s7 =	smul.u32 @!p0 $0xF7A, s2;
	p2 =	seq.s32 @!p0 s5, $0x0  }
0x1f: {  	s9 =	smul.u32 $0xF7A, s1;
	s8 =	simm.s32 @!p0 $0x1BF5;
	p2 =	por !p2, p0  }
0x20: {  	[sflag:s8] =	ssyncset.s32 @!p0 $0xFFFFF086;
	s6 =	sadd.s32 @!p0 s3, s7;
	s7 =	simm.s32 @!p0 $0x108  }
0x21: {  	s3 =	sadd.s32 s3, s9;
	s6 =	sadd.s32 @!p0 $0x88, s6;
	s7 =	simm.s32 @p2 $0x1082  }
0x22: {  	[simem:s7], [sflag:s8] =	dma.local @!p0 [hbm:s6], $0xF7A  }
0x23: {  	s9 =	sor.u32 $0xD0000000, s2;
	s6 =	simm.s32 $0x108;
	_ =	swait.ge @!p0 [sflag:s8], $0x0  }
0x24: {  	s3 =	sadd.s32 $0x88, s3;
	s6 =	simm.s32 @!p1 $0x1082;
	[sflag:s4] =	ssyncset.s32 $0xFFFFF086  }
0x25: {  	[simem:s6], [sflag:s4] =	dma.local [hbm:s3], $0xF7A  }
0x26: {  	[smem:$0x3F97] =	sst s1;
	(tag) =	ssettag s2;
	_ =	strace s9  }
0x27: {  	s1 =	sld [smem:$0x3FA7]  }
0x28: {  	s2 =	sld [smem:$0x3FA8]  }
0x29: {  	s4 =	sld [smem:$0x3FAA]  }
0x2a: {  	p0 =	seq.s32 s5, $0x0;
	s5 =	sld [smem:$0x3FAB]  }
0x2b: {  	s6 =	sld [smem:$0x3FAC]  }
0x2c: {  	s7 =	sld [smem:$0x3FAD]  }
0x2d: {  	s3 =	simm.s32 $0x108;
	s8 =	sld [smem:$0x3FAE]  }
0x2e: {  	s3 =	simm.s32 @!p0 $0x1082;
	s9 =	sld [smem:$0x3FAF]  }
0x2f: {  	lr =	sadd.s32 s0, s3;
	s0 =	sld [smem:$0x3FA6]  }
0x30: {  	s3 =	sld [smem:$0x3FA9]  }
0x31: {  	[smem:$0x3FB2] =	sst s10  }
0x32: {  	s10 =	sld [smem:$0x3FB0];
	_ =	sdelay $0x3  }
0x33: {  	p0 =	seq.s32 s10, $0x1;
	s10 =	sld [smem:$0x3FB2];
	_ =	sdelay $0x3  }
0x34: {  	[smem:$0x3FB2] =	sst s10  }
0x35: {  	s10 =	sld [smem:$0x3FB1];
	_ =	sdelay $0x3  }
0x36: {  	p1 =	seq.s32 s10, $0x1;
	s10 =	sld [smem:$0x3FB2];
	_ =	sdelay $0x3  }
0x37: {  	[smem:$0x3FB2] =	sst s10  }
0x38: {  	s10 =	sld [smem:$0x3FB3]  }
0x39: {  	_ = 	snop;
	(pc) =	sbr.ind lr, $3  }
0x3a: {  	_ = 	snop  }
0x3b: {  	_ = 	snop  }
0x3c: {  	p2 =	seq.s32 s10, $0x1;
	s10 =	sld [smem:$0x3FB2]  }
0x3d: {  	_ =	shalt  }
0x3e: {  	_ =	shalt  }
0x3f: {  	_ =	shalt  }
0x40: {  	_ =	shalt  }
0x41: {  	_ =	shalt  }
0x42: {  	_ =	shalt  }
0x43: {  	_ =	shalt  }
0x44: {  	_ =	shalt  }
0x45: {  	_ =	shalt  }
0x46: {  	_ =	shalt  }
0x47: {  	_ =	shalt  }
0x48: {  	_ =	shalt  }
0x49: {  	_ =	shalt  }
0x4a: {  	_ =	shalt  }
0x4b: {  	_ =	shalt  }
0x4c: {  	_ =	shalt  }
0x4d: {  	_ =	shalt  }
0x4e: {  	_ =	shalt  }
0x4f: {  	_ =	shalt  }
0x50: {  	_ =	shalt  }
0x51: {  	_ =	shalt  }
0x52: {  	_ =	shalt  }
0x53: {  	_ =	shalt  }
0x54: {  	_ =	shalt  }
0x55: {  	_ =	shalt  }
0x56: {  	_ =	shalt  }
0x57: {  	_ =	shalt  }
0x58: {  	_ =	shalt  }
0x59: {  	_ =	shalt  }
0x5a: {  	_ =	shalt  }
0x5b: {  	_ =	shalt  }
0x5c: {  	_ =	shalt  }
0x5d: {  	_ =	shalt  }
0x5e: {  	_ =	shalt  }
0x5f: {  	_ =	shalt  }
0x60: {  	_ =	shalt  }
0x61: {  	_ =	shalt  }
0x62: {  	_ =	shalt  }
0x63: {  	_ =	shalt  }
0x64: {  	_ =	shalt  }
0x65: {  	_ =	shalt  }
0x66: {  	_ =	shalt  }
0x67: {  	_ =	shalt  }
0x68: {  	_ =	shalt  }
0x69: {  	_ =	shalt  }
0x6a: {  	_ =	shalt  }
0x6b: {  	_ =	shalt  }
0x6c: {  	_ =	shalt  }
0x6d: {  	_ =	shalt  }
0x6e: {  	_ =	shalt  }
0x6f: {  	_ =	shalt  }
0x70: {  	_ =	shalt  }
0x71: {  	_ =	shalt  }
0x72: {  	_ =	shalt  }
0x73: {  	_ =	shalt  }
0x74: {  	_ =	shalt  }
0x75: {  	_ =	shalt  }
0x76: {  	_ =	shalt  }
0x77: {  	_ =	shalt  }
0x78: {  	_ =	shalt  }
0x79: {  	_ =	shalt  }
0x7a: {  	_ =	shalt  }
0x7b: {  	_ =	shalt  }
0x7c: {  	_ =	shalt  }
0x7d: {  	_ =	shalt  }
0x7e: {  	_ =	shalt  }
0x7f: {  	_ =	shalt  }
0x80: {  	_ =	shalt  }
0x81: {  	_ =	shalt  }
0x82: {  	_ =	shalt  }
0x83: {  	_ =	shalt  }
0x84: {  	_ =	shalt  }
0x85: {  	_ =	shalt  }
0x86: {  	_ =	shalt  }
0x87: {  	_ =	shalt  }
.Lfunc_end0:
.L_simem_size_0:
called_computation.1_lowered:
.L_overlay_start_0:
0x88: {  	s2 =	sld [smem:$0x3FD9]  }
0x89: {  	s3 =	sld [smem:$0x3FFE];
	_ =	sdelay $0x1  }
0x8a: {  	s1 =	srdreg.scid  }
0x8b: {  	s0 =	sand.u32 $0x1, s1  }
0x8c: {  	s15 =	sshll.u32 s0, $0xA;
	s2 =	sadd.s32 s3, s2  }
0x8d: {  	s2 =	sadd.s32 s2, s15  }
0x8e: {  	[smem:$0x3FBE] =	sst s2  }
0x8f: {  	_ = 	snop  }
0x90: {  	s16 =	sld [smem:$0x3FD0];
	_ =	sdelay $0x2  }
0x91: {  	s6 =	simm.s32 $0xB;
	s4 =	simm.s32 $0x10;
	s2 =	sld [smem:$0x3FC5]  }
0x92: {  	[smem:s4], [sflag:s6] =	dma.local [hbm:s16], $0x1  }
0x93: {  	_ =	swait.eq [sflag:s6], $0x1  }
0x94: {  	s5 =	sld [smem:$0x11];
	[sflag:s6] =	ssyncset.done $0x0  }
0x95: {  	s17 =	sld [smem:$0x13];
	[sflag:s6] =	ssyncadd.s32 $0xFFFFFFFF  }
0x96: {  	s18 =	sld [smem:$0x14];
	(tm) =	ssettm $0x1  }
0x97: {  	s19 =	sld [smem:$0x3FFB];
	_ =	sdelay $0x3  }
0x98: {  	_ =	strace s19  }
0x99: {  	s3 =	sld [smem:$0x3FFC];
	_ =	sdelay $0x3  }
0x9a: {  	_ =	strace s3  }
0x9b: {  	s3 =	sld [smem:$0x3FFD];
	_ =	sdelay $0x3  }
0x9c: {  	_ =	strace s3  }
0x9d: {  	_ =	strace $0x8FFFFFFF  }
0x9e: {  	s20 =	sld [smem:$0x3FDB];
	_ =	sdelay $0x1  }
0x9f: {  	s7 =	simm.s32 $_scs_section_size  }
0xa0: {  	s8 =	simm.s32 $_size__tile_overlayer_lowered;
	s9 =	simm.s32 $_tile_overlayer_lowered  }
0xa1: {  	s10 =	simm.s32 $0x1BFF;
	s21 =	sshll.u32 s9, $0x1;
	s7 =	sadd.s32 s7, s20  }
0xa2: {  	s22 =	simm.s32 $0x0;
	s8 =	sshll.u32 s8, $0x1;
	s9 =	sadd.s32 s21, s7  }
0xa3: {  	[timem:s22], [sflag:s10] =	dma.local [hbm:s9], s8  }
0xa4: {  	_ =	swait.ge [sflag:s10], s8  }
0xa5: {  	s8 =	ssub.s32 $0x0, s8;
	[sflag:s10] =	ssyncset.done $0x0  }
0xa6: {  	[sflag:s10] =	ssyncadd.s32 s8;
	_ =	sdelay $0x1  }
0xa7: {  	s23 =	simm.s32 $0x1B8B  }
0xa8: {  	_ =	swait.ge [sflag:s23], $0x1  }
0xa9: {  	[sflag:s23] =	ssyncset.done $0x0  }
0xaa: {  	[sflag:s23] =	ssyncadd.s32 $0xFFFFFFFF  }
0xab: {  	s8 =	sld [smem:$0x0]  }
0xac: {  	s9 =	sand.u32 $0xFFFFFFFE, s1  }
0xad: {  	p0 =	sne.s32 s1, s9  }
0xae: {  	s9 =	sshll.u32 @p0 s9, $0xE  }
0xaf: {  	s9 =	sadd.s32 @p0 $0x11B8D, s9;
	s10 =	sshll.u32 @p0 s8, $0x11  }
0xb0: {  	s9 =	sor.u32 @p0 s10, s9  }
0xb1: {  	[sflag:s9] =	ssyncadd.remote.s32 @p0 $0x1;
	_ =	sdelay $0x1  }
0xb2: {  	s9 =	simm.s32 @p0 $0x1B8D  }
0xb3: {  	_ =	swait.eq @p0 [sflag:s9], $0x1  }
0xb4: {  	[sflag:s9] =	ssyncadd.s32 @p0 $0xFFFFFFFF  }
0xb5: {  	s10 =	sshll.u32 @!p0 s1, $0xE  }
0xb6: {  	s10 =	sor.u32 @!p0 $0x4000, s10;
	s9 =	simm.s32 @!p0 $0x1B8D  }
0xb7: {  	s8 =	sshll.u32 @!p0 s8, $0x11;
	s10 =	sadd.s32 @!p0 $0x11B8D, s10;
	_ =	swait.eq @!p0 [sflag:s9], $0x1  }
0xb8: {  	s8 =	sor.u32 @!p0 s8, s10;
	[sflag:s9] =	ssyncadd.s32 @!p0 $0xFFFFFFFF  }
0xb9: {  	s25 =	simm.s32 $0x1B8E;
	s24 =	sld [smem:$0x3FFE];
	[sflag:s8] =	ssyncadd.remote.s32 @!p0 $0x1  }
0xba: {  	s26 =	simm.s32 $execute0_lowered;
	[smem:$0x3FD2] =	sst s25  }
0xbb: {  	s9 =	sshll.u32 s26, $0x1;
	_ =	strace $0x80000049;
	[dreg:$0x1] =	wrdreg $0xFFFFFFFF  }
0xbc: {  	s28 =	simm.s32 $_size_execute0_lowered;
	s7 =	sadd.s32 s7, s9;
	[dreg:$0x0] =	wrdreg $0x0  }
0xbd: {  	s9 =	sshll.u32 s28, $0x1;
	[dreg:$0x2] =	wrdreg s7  }
0xbe: {  	[dreg:$0x3] =	wrdreg s9  }
0xbf: {  	[dreg:$0x4] =	wrdreg $0xC0  }
0xc0: {  	_ =	task [dreg:s22], $0x5FFFF  }
0xc1: {  	[dreg:$0x1] =	wrdreg $0xFFFFFFFF  }
0xc2: {  	[dreg:$0x0] =	wrdreg $0x60  }
0xc3: {  	[dreg:$0x2] =	wrdreg s24  }
0xc4: {  	[dreg:$0x3] =	wrdreg s5  }
0xc5: {  	[dreg:$0x4] =	wrdreg s2  }
0xc6: {  	[dreg:$0x5] =	wrdreg s17  }
0xc7: {  	[dreg:$0x6] =	wrdreg s18  }
0xc8: {  	[dreg:$0x7] =	wrdreg $0xA  }
0xc9: {  	_ =	task.clear_ibuf [dreg:s22], $0x8FFFF;
	_ =	strace $0x90000049  }
0xca: {  	s29 =	simm.s32 $0xA;
	_ =	strace $0x8000004B  }
0xcb: {  	_ =	swait.ge [sflag:s29], $0x1  }
0xcc: {  	[sflag:s29] =	ssyncadd.s32 $0xFFFFFFFF  }
0xcd: {  	_ =	strace $0x9000004B  }
0xce: {  	_ =	sfence  }
0xcf: {  	s30 =	sld [smem:$0x0];
	_ =	sdelay $0x2  }
0xd0: {  	s31 =	sshll.u32 s1, $0xD;
	s1 =	sshrl.u32 s1, $0x2  }
0xd1: {  	s4 =	sand.u32 $0x4000, s31;
	s1 =	sadd.s32 s1, s30  }
0xd2: {  	s0 =	sor.u32 s4, s0;
	s1 =	sshll.u32 s1, $0x11  }
0xd3: {  	s0 =	sor.u32 s1, s0  }
0xd4: {  	s0 =	sadd.s32 $0x8F2B, s0  }
0xd5: {  	[sflag:s0] =	ssyncadd.remote.s32 $0x1  }
0xd6: {  	_ =	sfence.sel $0xFFFF  }
0xd7: {  	[dreg:$0x0] =	wrdreg $0xFFFFFFFF;
	(pc) =	sbr.abs _section_cstart, $3  }
0xd8: {  	[dreg:$0x1] =	wrdreg $0xFFFFFFFF  }
0xd9: {  	_ =	task.clear_ibuf [dreg:s22], $0x2FFFF;
	_ =	strace $0x9FFFFFFF  }
0xda: {  	(tm) =	ssettm $0x7FFFFFFF  }
0xdb: {  	_ =	shalt  }
tec
execute0_lowered:
.L_overlay_start_1:
0x0: {  	(tag) =	ssettag $0x1  }
0x1: {  	s0 =	rddreg [dreg:$0x0]  }
0x2: {  	s1 =	rddreg [dreg:$0x1]  }
0x3: {  	s3 =	rddreg [dreg:$0x2]  }
0x4: {  	s4 =	rddreg [dreg:$0x3];
	s2 =	srdreg.scid  }
0x5: {  	s7 =	stileid.u32;
	s5 =	rddreg [dreg:$0x4]  }
0x6: {  	s31 =	simm.s32 $0x100;
	s30 =	simm.s32 $0x180;
	s29 =	simm.s32 $0x200  }
0x7: {  	s28 =	simm.s32 $0x280;
	s6 =	sand.u32 $0x1, s2;
	s7 =	sshll.u32 s7, $0x1  }
0x8: {  	p0 =	por $0x0, $0x0;
	s2 =	simm.s32 $0x0;
	s7 =	sor.u32 s6, s7  }
0x9: {  	[smem:$0x7FF] =	sst s2;
	s6 =	ssub.s32 $0x2, s6;
	s9 =	smul.u32 $0x19000, s7  }
0xa: {  	s8 =	sshll.u32 s7, $0x8;
	_ =	strace $0x8000004A;
	s10 =	smul.u32 $0x3200, s7  }
0xb: {  	s14 =	sshll.u32 s7, $0x2;
	s18 =	sshll.u32 s7, $0x9;
	s19 =	sshrl.u32 s6, $0x1  }
0xc: {  	s7 =	simm.s32 $0x2;
	s8 =	sadd.s32 s8, s0;
	s0 =	sadd.s32 $0xA400, s0  }
0xd: {  	s1 =	sadd.s32 s14, s1;
	s20 =	sadd.s32 s4, s18;
	s21 =	ssub.s32 s6, s19  }
0xe: {  	s22 =	sadd.s32 s5, s18;
	s6 =	simm.s32 $0x9;
	s18 =	simm.s32 $0x50  }
0xf: {  	s14 =	simm.s32 $0x900;
	s19 =	simm.s32 $0x8100;
	s4 =	simm.s32 $0x5  }
0x10: {  	s5 =	simm.s32 $0x6;
	s8 =	sadd.s32 $0x4400, s8;
	[dreg:$0x13] =	wrdreg s20  }
0x11: {  	s9 =	sshrl.u32 s9, $0x3;
	s24 =	sadd.s32 s0, s10;
	[dreg:$0x14] =	wrdreg s22  }
0x12: {  	s16 =	sadd.s32 $0x80, s1;
	s17 =	sadd.s32 $0x100, s1;
	[dreg:$0x6] =	wrdreg s8  }
0x13: {  	s23 =	smax.u32 s21, $0x1;
	s20 =	simm.s32 $0x5900;
	[dreg:$0x7] =	wrdreg s24  }
0x14: {  	s22 =	simm.s32 $0x3;
	s0 =	sadd.s32 s0, s9;
	[dreg:$0x11] =	wrdreg s16  }
0x15: {  	s21 =	simm.s32 $0x4;
	[dreg:$0x12] =	wrdreg s17;
	s25 =	sadd.s32 $0x500, s0  }
0x16: {  	s8 =	simm.s32 $0x1;
	s26 =	sadd.s32 $0xA00, s0;
	[dreg:$0x8] =	wrdreg s25  }
0x17: {  	s17 =	simm.s32 $0x7;
	s9 =	sadd.s32 $0xF00, s0;
	[dreg:$0x9] =	wrdreg s26  }
0x18: {  	s16 =	simm.s32 $0x8;
	s10 =	sadd.s32 $0x1400, s0;
	[dreg:$0xa] =	wrdreg s9  }
0x19: {  	s24 =	simm.s32 $0x400;
	s11 =	sadd.s32 $0x1900, s0;
	[dreg:$0xb] =	wrdreg s10  }
0x1a: {  	p1 =	sne.s32 s23, $0x1;
	s12 =	sadd.s32 $0x1E00, s0;
	[dreg:$0xc] =	wrdreg s11  }
0x1b: {  	s1 =	sadd.s32 $0xFFFFFFFF, s23;
	s13 =	sadd.s32 $0x2300, s0;
	[dreg:$0xd] =	wrdreg s12  }
0x1c: {  	s23 =	simm.s32 $0x480;
	s15 =	sadd.s32 $0x2800, s0;
	[dreg:$0xe] =	wrdreg s13  }
.Ltmp0:
0x1d: {  	s0 =	sadd.s32 $0x2D00, s0;
	[dreg:$0xf] =	wrdreg s15;
	(pc) =	sbr.rel @!p1 .LBB2_3-.Ltmp0, $4  }
0x1e: {  	[dreg:$0x10] =	wrdreg s0;
	s26 =	simm.s32 $0x80;
	s12 =	simm.s32 $0x3100  }
0x1f: {  	s25 =	simm.s32 $0x380;
	s15 =	simm.s32 $0x800;
	s11 =	simm.s32 $0x20  }
0x20: {  	s10 =	simm.s32 $0xA900;
	s13 =	simm.s32 $0x880;
	s0 =	rddreg [dreg:$0x6]  }
0x21: {  	s9 =	simm.s32 $0xB900;
	[dreg:$0x15] =	wrdreg s26;
	s26 =	simm.s32 $0x300  }
0x22: {  	[tilespmem:s2], [sflag:$0x9] =	stream.linear.gather [hbm4b:s0+s2], $0x500, $0x38;
	[tilespmem:$0xC900] =	vst v63  }
0x23: {  	_ =	swait.ge [sflag:s6], $0x500  }
0x24: {  	[sflag:s6] =	ssyncset.done $0x0  }
0x25: {  	[sflag:s6] =	ssyncadd.s32 $0xFFFFFB00  }
0x26: {  	[tilespmem:s14], [sflag:$0x1] =	stream.indirect.gather [hbm4b:s3+s18], $0x80, s2, s18, $0xb8;
	[tilespmem:$0xC900] =	vst v63  }
0x27: {  	s0 =	rddreg [dreg:$0x15]  }
0x28: {  	[tilespmem:s12], [sflag:$0x2] =	stream.indirect.gather [hbm4b:s3+s18], $0x80, s0, s18, $0xb8;
	[tilespmem:$0xC900] =	vst v63  }
0x29: {  	_ = 	snop  }
0x2a: {  	[tilespmem:s20], [sflag:$0x3] =	stream.indirect.gather [hbm4b:s3+s18], $0x80, s31, s18, $0xb8;
	[tilespmem:$0xC900] =	vst v63  }
0x2b: {  	_ =	swait.ge [sflag:s8], $0x2800  }
0x2c: {  	[sflag:s8] =	ssyncset.done $0x0  }
0x2d: {  	s0 =	rddreg [dreg:$0x7];
	[sflag:s8] =	ssyncadd.s32 $0xFFFFD800  }
0x2e: {  	[hbm4b:s0+s2] =	stream.linear.scatter [tilespmem:s14], [sflag:$0x5], $0x2800, $0x38;
	[tilespmem:$0xC900] =	vst v63  }
0x2f: {  	_ = 	snop  }
0x30: {  	[tilespmem:s19], [sflag:$0x4] =	stream.indirect.gather [hbm4b:s3+s18], $0x80, s30, s18, $0xb8;
	[tilespmem:$0xC900] =	vst v63  }
0x31: {  	_ =	swait.ge [sflag:s7], $0x2800  }
0x32: {  	[sflag:s7] =	ssyncset.done $0x0  }
0x33: {  	s0 =	rddreg [dreg:$0x8];
	[sflag:s7] =	ssyncadd.s32 $0xFFFFD800  }
0x34: {  	[hbm4b:s0+s2] =	stream.linear.scatter [tilespmem:s12], [sflag:$0x6], $0x2800, $0x38;
	[tilespmem:$0xC900] =	vst v63  }
0x35: {  	_ =	swait.ge [sflag:s4], $0x2800  }
0x36: {  	[sflag:s4] =	ssyncset.done $0x0  }
0x37: {  	[sflag:s4] =	ssyncadd.s32 $0xFFFFD800  }
0x38: {  	[tilespmem:s14], [sflag:$0x1] =	stream.indirect.gather [hbm4b:s3+s18], $0x80, s29, s18, $0xb8;
	[tilespmem:$0xC900] =	vst v63  }
0x39: {  	_ =	swait.ge [sflag:s22], $0x2800  }
0x3a: {  	[sflag:s22] =	ssyncset.done $0x0  }
0x3b: {  	s0 =	rddreg [dreg:$0x9];
	[sflag:s22] =	ssyncadd.s32 $0xFFFFD800  }
0x3c: {  	[hbm4b:s0+s2] =	stream.linear.scatter [tilespmem:s20], [sflag:$0x7], $0x2800, $0x38;
	[tilespmem:$0xC900] =	vst v63  }
0x3d: {  	_ =	swait.ge [sflag:s5], $0x2800  }
0x3e: {  	[sflag:s5] =	ssyncset.done $0x0  }
0x3f: {  	[sflag:s5] =	ssyncadd.s32 $0xFFFFD800  }
0x40: {  	[tilespmem:s12], [sflag:$0x2] =	stream.indirect.gather [hbm4b:s3+s18], $0x80, s28, s18, $0xb8;
	[tilespmem:$0xC900] =	vst v63  }
0x41: {  	_ =	swait.ge [sflag:s21], $0x2800  }
0x42: {  	[sflag:s21] =	ssyncset.done $0x0  }
0x43: {  	s0 =	rddreg [dreg:$0xa];
	[sflag:s21] =	ssyncadd.s32 $0xFFFFD800  }
0x44: {  	[hbm4b:s0+s2] =	stream.linear.scatter [tilespmem:s19], [sflag:$0x8], $0x2800, $0x38;
	[tilespmem:$0xC900] =	vst v63  }
0x45: {  	_ =	swait.ge [sflag:s17], $0x2800  }
0x46: {  	[sflag:s17] =	ssyncset.done $0x0  }
0x47: {  	[sflag:s17] =	ssyncadd.s32 $0xFFFFD800  }
0x48: {  	[tilespmem:s20], [sflag:$0x3] =	stream.indirect.gather [hbm4b:s3+s18], $0x80, s26, s18, $0xb8;
	[tilespmem:$0xC900] =	vst v63  }
0x49: {  	_ =	swait.ge [sflag:s8], $0x2800  }
0x4a: {  	[sflag:s8] =	ssyncset.done $0x0  }
0x4b: {  	s0 =	rddreg [dreg:$0xb];
	[sflag:s8] =	ssyncadd.s32 $0xFFFFD800  }
0x4c: {  	[hbm4b:s0+s2] =	stream.linear.scatter [tilespmem:s14], [sflag:$0x5], $0x2800, $0x38;
	[tilespmem:$0xC900] =	vst v63  }
0x4d: {  	_ =	swait.ge [sflag:s16], $0x2800  }
0x4e: {  	[sflag:s16] =	ssyncset.done $0x0  }
0x4f: {  	[sflag:s16] =	ssyncadd.s32 $0xFFFFD800  }
0x50: {  	[tilespmem:s19], [sflag:$0x4] =	stream.indirect.gather [hbm4b:s3+s18], $0x80, s25, s18, $0xb8;
	[tilespmem:$0xC900] =	vst v63  }
0x51: {  	_ =	swait.ge [sflag:s7], $0x2800  }
0x52: {  	[sflag:s7] =	ssyncset.done $0x0  }
0x53: {  	s0 =	rddreg [dreg:$0xc];
	[sflag:s7] =	ssyncadd.s32 $0xFFFFD800  }
0x54: {  	[hbm4b:s0+s2] =	stream.linear.scatter [tilespmem:s12], [sflag:$0x6], $0x2800, $0x38;
	[tilespmem:$0xC900] =	vst v63  }
0x55: {  	_ =	swait.ge [sflag:s4], $0x2800  }
0x56: {  	[sflag:s4] =	ssyncset.done $0x0  }
0x57: {  	[sflag:s4] =	ssyncadd.s32 $0xFFFFD800  }
0x58: {  	[tilespmem:s14], [sflag:$0x1] =	stream.indirect.gather [hbm4b:s3+s18], $0x80, s24, s18, $0xb8;
	[tilespmem:$0xC900] =	vst v63  }
0x59: {  	_ =	swait.ge [sflag:s22], $0x2800  }
0x5a: {  	[sflag:s22] =	ssyncset.done $0x0  }
0x5b: {  	s0 =	rddreg [dreg:$0xd];
	[sflag:s22] =	ssyncadd.s32 $0xFFFFD800  }
0x5c: {  	[hbm4b:s0+s2] =	stream.linear.scatter [tilespmem:s20], [sflag:$0x7], $0x2800, $0x38;
	[tilespmem:$0xC900] =	vst v63  }
0x5d: {  	_ =	swait.ge [sflag:s5], $0x2800  }
0x5e: {  	[sflag:s5] =	ssyncset.done $0x0  }
0x5f: {  	[sflag:s5] =	ssyncadd.s32 $0xFFFFD800  }
0x60: {  	[tilespmem:s12], [sflag:$0x2] =	stream.indirect.gather [hbm4b:s3+s18], $0x80, s23, s18, $0xb8;
	[tilespmem:$0xC900] =	vst v63  }
0x61: {  	_ =	swait.ge [sflag:s21], $0x2800  }
0x62: {  	[sflag:s21] =	ssyncset.done $0x0  }
0x63: {  	s0 =	rddreg [dreg:$0xe];
	[sflag:s21] =	ssyncadd.s32 $0xFFFFD800  }
0x64: {  	[hbm4b:s0+s2] =	stream.linear.scatter [tilespmem:s19], [sflag:$0x8], $0x2800, $0x38;
	[tilespmem:$0xC900] =	vst v63  }
0x65: {  	_ =	swait.ge [sflag:s8], $0x2800  }
0x66: {  	[sflag:s8] =	ssyncset.done $0x0  }
0x67: {  	s0 =	rddreg [dreg:$0xf];
	[sflag:s8] =	ssyncadd.s32 $0xFFFFD800  }
0x68: {  	[hbm4b:s0+s2] =	stream.linear.scatter [tilespmem:s14], [sflag:$0x5], $0x2800, $0x38;
	[tilespmem:$0xC900] =	vst v63  }
0x69: {  	_ =	swait.ge [sflag:s7], $0x2800  }
0x6a: {  	[sflag:s7] =	ssyncset.done $0x0  }
0x6b: {  	s0 =	rddreg [dreg:$0x10];
	[sflag:s7] =	ssyncadd.s32 $0xFFFFD800  }
0x6c: {  	[hbm4b:s0+s2] =	stream.linear.scatter [tilespmem:s12], [sflag:$0x6], $0x2800, $0x38;
	[tilespmem:$0xC900] =	vst v63  }
0x6d: {  	_ =	swait.ge [sflag:s17], $0x2800  }
0x6e: {  	[sflag:s17] =	ssyncset.done $0x0  }
0x6f: {  	[sflag:s17] =	ssyncadd.s32 $0xFFFFD800  }
0x70: {  	_ =	swait.ge [sflag:s16], $0x2800  }
0x71: {  	[sflag:s16] =	ssyncset.done $0x0  }
0x72: {  	[sflag:s16] =	ssyncadd.s32 $0xFFFFD800  }
0x73: {  	_ =	swait.ge [sflag:s4], $0x2800  }
0x74: {  	[sflag:s4] =	ssyncset.done $0x0  }
0x75: {  	[sflag:s4] =	ssyncadd.s32 $0xFFFFD800  }
0x76: {  	_ =	swait.ge [sflag:s5], $0x2800  }
0x77: {  	[sflag:s5] =	ssyncset.done $0x0  }
0x78: {  	s0 =	rddreg [dreg:$0x11];
	[sflag:s5] =	ssyncadd.s32 $0xFFFFD800  }
0x79: {  	[tilespmem:s15], [sflag:$0x9] =	stream.linear.gather [hbm4b:s0+s2], $0x20, $0x38;
	[tilespmem:$0xC900] =	vst v63  }
0x7a: {  	_ =	swait.ge [sflag:s6], $0x20  }
0x7b: {  	[sflag:s6] =	ssyncset.done $0x0  }
0x7c: {  	[sflag:s6] =	ssyncadd.s32 $0xFFFFFFE0  }
0x7d: {  	[tilespmem:s10], [sflag:$0x1] =	stream.indirect.gather [hbm4b:s3+s11], $0x80, s15, s11, $0xb8;
	[tilespmem:$0xC900] =	vst v63  }
0x7e: {  	s0 =	rddreg [dreg:$0x12]  }
0x7f: {  	[tilespmem:s13], [sflag:$0x9] =	stream.linear.gather [hbm4b:s0+s2], $0x20, $0x38;
	[tilespmem:$0xC900] =	vst v63  }
0x80: {  	_ =	swait.ge [sflag:s6], $0x20  }
0x81: {  	[sflag:s6] =	ssyncset.done $0x0  }
0x82: {  	[sflag:s6] =	ssyncadd.s32 $0xFFFFFFE0  }
0x83: {  	[tilespmem:s9], [sflag:$0x2] =	stream.indirect.gather [hbm4b:s3+s11], $0x80, s13, s11, $0xb8;
	[tilespmem:$0xC900] =	vst v63  }
0x84: {  	_ =	swait.ge [sflag:s8], $0x1000  }
0x85: {  	[sflag:s8] =	ssyncset.done $0x0  }
0x86: {  	s0 =	rddreg [dreg:$0x13];
	[sflag:s8] =	ssyncadd.s32 $0xFFFFF000  }
0x87: {  	[hbm4b:s0+s2] =	stream.linear.scatter [tilespmem:s10], [sflag:$0x5], $0x1000, $0x38;
	[tilespmem:$0xC900] =	vst v63  }
0x88: {  	_ =	swait.ge [sflag:s7], $0x1000  }
0x89: {  	[sflag:s7] =	ssyncset.done $0x0  }
0x8a: {  	p1 =	sne.s32 s1, $0x1;
	s0 =	rddreg [dreg:$0x14];
	[sflag:s7] =	ssyncadd.s32 $0xFFFFF000  }
0x8b: {  	[hbm4b:s0+s2] =	stream.linear.scatter [tilespmem:s9], [sflag:$0x6], $0x1000, $0x38;
	[tilespmem:$0xC900] =	vst v63  }
.Ltmp1:
0x8c: {  	_ =	swait.ge [sflag:s4], $0x1000;
	(pc) =	sbr.rel @!p1 .LBB2_3-.Ltmp1, $4  }
0x8d: {  	[sflag:s4] =	ssyncset.done $0x0  }
0x8e: {  	[sflag:s4] =	ssyncadd.s32 $0xFFFFF000  }
0x8f: {  	s1 =	sadd.s32 $0xFFFFFFFF, s1;
	_ =	swait.ge [sflag:s5], $0x1000  }
0x90: {  	p0 =	por $0x1, $0x1;
	s0 =	rddreg [dreg:$0x6];
	[sflag:s5] =	ssyncset.done $0x0  }
.LBB2_2:
0x91: {  	[sflag:s5] =	ssyncadd.s32 $0xFFFFF000  }
0x92: {  	[tilespmem:s2], [sflag:$0x9] =	stream.linear.gather [hbm4b:s0+s2], $0x500, $0x38;
	[tilespmem:$0xC900] =	vst v63  }
0x93: {  	_ =	swait.ge [sflag:s6], $0x500  }
0x94: {  	[sflag:s6] =	ssyncset.done $0x0  }
0x95: {  	[sflag:s6] =	ssyncadd.s32 $0xFFFFFB00  }
0x96: {  	[tilespmem:s14], [sflag:$0x1] =	stream.indirect.gather [hbm4b:s3+s18], $0x80, s2, s18, $0xb8;
	[tilespmem:$0xC900] =	vst v63  }
0x97: {  	s0 =	rddreg [dreg:$0x15]  }
0x98: {  	[tilespmem:s12], [sflag:$0x2] =	stream.indirect.gather [hbm4b:s3+s18], $0x80, s0, s18, $0xb8;
	[tilespmem:$0xC900] =	vst v63  }
0x99: {  	_ = 	snop  }
0x9a: {  	[tilespmem:s20], [sflag:$0x3] =	stream.indirect.gather [hbm4b:s3+s18], $0x80, s31, s18, $0xb8;
	[tilespmem:$0xC900] =	vst v63  }
0x9b: {  	_ =	swait.ge [sflag:s8], $0x2800  }
0x9c: {  	[sflag:s8] =	ssyncset.done $0x0  }
0x9d: {  	s0 =	rddreg [dreg:$0x7];
	[sflag:s8] =	ssyncadd.s32 $0xFFFFD800  }
0x9e: {  	[hbm4b:s0+s2] =	stream.linear.scatter [tilespmem:s14], [sflag:$0x5], $0x2800, $0x38;
	[tilespmem:$0xC900] =	vst v63  }
0x9f: {  	_ = 	snop  }
0xa0: {  	[tilespmem:s19], [sflag:$0x4] =	stream.indirect.gather [hbm4b:s3+s18], $0x80, s30, s18, $0xb8;
	[tilespmem:$0xC900] =	vst v63  }
0xa1: {  	_ =	swait.ge [sflag:s7], $0x2800  }
0xa2: {  	[sflag:s7] =	ssyncset.done $0x0  }
0xa3: {  	s0 =	rddreg [dreg:$0x8];
	[sflag:s7] =	ssyncadd.s32 $0xFFFFD800  }
0xa4: {  	[hbm4b:s0+s2] =	stream.linear.scatter [tilespmem:s12], [sflag:$0x6], $0x2800, $0x38;
	[tilespmem:$0xC900] =	vst v63  }
0xa5: {  	_ =	swait.ge [sflag:s4], $0x2800  }
0xa6: {  	[sflag:s4] =	ssyncset.done $0x0  }
0xa7: {  	[sflag:s4] =	ssyncadd.s32 $0xFFFFD800  }
0xa8: {  	[tilespmem:s14], [sflag:$0x1] =	stream.indirect.gather [hbm4b:s3+s18], $0x80, s29, s18, $0xb8;
	[tilespmem:$0xC900] =	vst v63  }
0xa9: {  	_ =	swait.ge [sflag:s22], $0x2800  }
0xaa: {  	[sflag:s22] =	ssyncset.done $0x0  }
0xab: {  	s0 =	rddreg [dreg:$0x9];
	[sflag:s22] =	ssyncadd.s32 $0xFFFFD800  }
0xac: {  	[hbm4b:s0+s2] =	stream.linear.scatter [tilespmem:s20], [sflag:$0x7], $0x2800, $0x38;
	[tilespmem:$0xC900] =	vst v63  }
0xad: {  	_ =	swait.ge [sflag:s5], $0x2800  }
0xae: {  	[sflag:s5] =	ssyncset.done $0x0  }
0xaf: {  	[sflag:s5] =	ssyncadd.s32 $0xFFFFD800  }
0xb0: {  	[tilespmem:s12], [sflag:$0x2] =	stream.indirect.gather [hbm4b:s3+s18], $0x80, s28, s18, $0xb8;
	[tilespmem:$0xC900] =	vst v63  }
0xb1: {  	_ =	swait.ge [sflag:s21], $0x2800  }
0xb2: {  	[sflag:s21] =	ssyncset.done $0x0  }
0xb3: {  	s0 =	rddreg [dreg:$0xa];
	[sflag:s21] =	ssyncadd.s32 $0xFFFFD800  }
0xb4: {  	[hbm4b:s0+s2] =	stream.linear.scatter [tilespmem:s19], [sflag:$0x8], $0x2800, $0x38;
	[tilespmem:$0xC900] =	vst v63  }
0xb5: {  	_ =	swait.ge [sflag:s17], $0x2800  }
0xb6: {  	[sflag:s17] =	ssyncset.done $0x0  }
0xb7: {  	[sflag:s17] =	ssyncadd.s32 $0xFFFFD800  }
0xb8: {  	[tilespmem:s20], [sflag:$0x3] =	stream.indirect.gather [hbm4b:s3+s18], $0x80, s26, s18, $0xb8;
	[tilespmem:$0xC900] =	vst v63  }
0xb9: {  	_ =	swait.ge [sflag:s8], $0x2800  }
0xba: {  	[sflag:s8] =	ssyncset.done $0x0  }
0xbb: {  	s0 =	rddreg [dreg:$0xb];
	[sflag:s8] =	ssyncadd.s32 $0xFFFFD800  }
0xbc: {  	[hbm4b:s0+s2] =	stream.linear.scatter [tilespmem:s14], [sflag:$0x5], $0x2800, $0x38;
	[tilespmem:$0xC900] =	vst v63  }
0xbd: {  	_ =	swait.ge [sflag:s16], $0x2800  }
0xbe: {  	[sflag:s16] =	ssyncset.done $0x0  }
0xbf: {  	[sflag:s16] =	ssyncadd.s32 $0xFFFFD800  }
0xc0: {  	[tilespmem:s19], [sflag:$0x4] =	stream.indirect.gather [hbm4b:s3+s18], $0x80, s25, s18, $0xb8;
	[tilespmem:$0xC900] =	vst v63  }
0xc1: {  	_ =	swait.ge [sflag:s7], $0x2800  }
0xc2: {  	[sflag:s7] =	ssyncset.done $0x0  }
0xc3: {  	s0 =	rddreg [dreg:$0xc];
	[sflag:s7] =	ssyncadd.s32 $0xFFFFD800  }
0xc4: {  	[hbm4b:s0+s2] =	stream.linear.scatter [tilespmem:s12], [sflag:$0x6], $0x2800, $0x38;
	[tilespmem:$0xC900] =	vst v63  }
0xc5: {  	_ =	swait.ge [sflag:s4], $0x2800  }
0xc6: {  	[sflag:s4] =	ssyncset.done $0x0  }
0xc7: {  	[sflag:s4] =	ssyncadd.s32 $0xFFFFD800  }
0xc8: {  	[tilespmem:s14], [sflag:$0x1] =	stream.indirect.gather [hbm4b:s3+s18], $0x80, s24, s18, $0xb8;
	[tilespmem:$0xC900] =	vst v63  }
0xc9: {  	_ =	swait.ge [sflag:s22], $0x2800  }
0xca: {  	[sflag:s22] =	ssyncset.done $0x0  }
0xcb: {  	s0 =	rddreg [dreg:$0xd];
	[sflag:s22] =	ssyncadd.s32 $0xFFFFD800  }
0xcc: {  	[hbm4b:s0+s2] =	stream.linear.scatter [tilespmem:s20], [sflag:$0x7], $0x2800, $0x38;
	[tilespmem:$0xC900] =	vst v63  }
0xcd: {  	_ =	swait.ge [sflag:s5], $0x2800  }
0xce: {  	[sflag:s5] =	ssyncset.done $0x0  }
0xcf: {  	[sflag:s5] =	ssyncadd.s32 $0xFFFFD800  }
0xd0: {  	[tilespmem:s12], [sflag:$0x2] =	stream.indirect.gather [hbm4b:s3+s18], $0x80, s23, s18, $0xb8;
	[tilespmem:$0xC900] =	vst v63  }
0xd1: {  	_ =	swait.ge [sflag:s21], $0x2800  }
0xd2: {  	[sflag:s21] =	ssyncset.done $0x0  }
0xd3: {  	s0 =	rddreg [dreg:$0xe];
	[sflag:s21] =	ssyncadd.s32 $0xFFFFD800  }
0xd4: {  	[hbm4b:s0+s2] =	stream.linear.scatter [tilespmem:s19], [sflag:$0x8], $0x2800, $0x38;
	[tilespmem:$0xC900] =	vst v63  }
0xd5: {  	_ =	swait.ge [sflag:s8], $0x2800  }
0xd6: {  	[sflag:s8] =	ssyncset.done $0x0  }
0xd7: {  	s0 =	rddreg [dreg:$0xf];
	[sflag:s8] =	ssyncadd.s32 $0xFFFFD800  }
0xd8: {  	[hbm4b:s0+s2] =	stream.linear.scatter [tilespmem:s14], [sflag:$0x5], $0x2800, $0x38;
	[tilespmem:$0xC900] =	vst v63  }
0xd9: {  	_ =	swait.ge [sflag:s7], $0x2800  }
0xda: {  	[sflag:s7] =	ssyncset.done $0x0  }
0xdb: {  	s0 =	rddreg [dreg:$0x10];
	[sflag:s7] =	ssyncadd.s32 $0xFFFFD800  }
0xdc: {  	[hbm4b:s0+s2] =	stream.linear.scatter [tilespmem:s12], [sflag:$0x6], $0x2800, $0x38;
	[tilespmem:$0xC900] =	vst v63  }
0xdd: {  	_ =	swait.ge [sflag:s17], $0x2800  }
0xde: {  	[sflag:s17] =	ssyncset.done $0x0  }
0xdf: {  	[sflag:s17] =	ssyncadd.s32 $0xFFFFD800  }
0xe0: {  	_ =	swait.ge [sflag:s16], $0x2800  }
0xe1: {  	[sflag:s16] =	ssyncset.done $0x0  }
0xe2: {  	[sflag:s16] =	ssyncadd.s32 $0xFFFFD800  }
0xe3: {  	_ =	swait.ge [sflag:s4], $0x2800  }
0xe4: {  	[sflag:s4] =	ssyncset.done $0x0  }
0xe5: {  	[sflag:s4] =	ssyncadd.s32 $0xFFFFD800  }
0xe6: {  	_ =	swait.ge [sflag:s5], $0x2800  }
0xe7: {  	[sflag:s5] =	ssyncset.done $0x0  }
0xe8: {  	s0 =	rddreg [dreg:$0x11];
	[sflag:s5] =	ssyncadd.s32 $0xFFFFD800  }
0xe9: {  	[tilespmem:s15], [sflag:$0x9] =	stream.linear.gather [hbm4b:s0+s2], $0x20, $0x38;
	[tilespmem:$0xC900] =	vst v63  }
0xea: {  	_ =	swait.ge [sflag:s6], $0x20  }
0xeb: {  	[sflag:s6] =	ssyncset.done $0x0  }
0xec: {  	[sflag:s6] =	ssyncadd.s32 $0xFFFFFFE0  }
0xed: {  	[tilespmem:s10], [sflag:$0x1] =	stream.indirect.gather [hbm4b:s3+s11], $0x80, s15, s11, $0xb8;
	[tilespmem:$0xC900] =	vst v63  }
0xee: {  	s0 =	rddreg [dreg:$0x12]  }
0xef: {  	[tilespmem:s13], [sflag:$0x9] =	stream.linear.gather [hbm4b:s0+s2], $0x20, $0x38;
	[tilespmem:$0xC900] =	vst v63  }
0xf0: {  	_ =	swait.ge [sflag:s6], $0x20  }
0xf1: {  	[sflag:s6] =	ssyncset.done $0x0  }
0xf2: {  	[sflag:s6] =	ssyncadd.s32 $0xFFFFFFE0  }
0xf3: {  	[tilespmem:s9], [sflag:$0x2] =	stream.indirect.gather [hbm4b:s3+s11], $0x80, s13, s11, $0xb8;
	[tilespmem:$0xC900] =	vst v63  }
0xf4: {  	_ =	swait.ge [sflag:s8], $0x1000  }
0xf5: {  	[sflag:s8] =	ssyncset.done $0x0  }
0xf6: {  	s0 =	rddreg [dreg:$0x13];
	[sflag:s8] =	ssyncadd.s32 $0xFFFFF000  }
0xf7: {  	[hbm4b:s0+s2] =	stream.linear.scatter [tilespmem:s10], [sflag:$0x5], $0x1000, $0x38;
	[tilespmem:$0xC900] =	vst v63  }
0xf8: {  	_ =	swait.ge [sflag:s7], $0x1000  }
0xf9: {  	[sflag:s7] =	ssyncset.done $0x0  }
0xfa: {  	p1 =	sne.s32 s1, $0x1;
	s0 =	rddreg [dreg:$0x14];
	[sflag:s7] =	ssyncadd.s32 $0xFFFFF000  }
0xfb: {  	[hbm4b:s0+s2] =	stream.linear.scatter [tilespmem:s9], [sflag:$0x6], $0x1000, $0x38;
	[tilespmem:$0xC900] =	vst v63  }
.Ltmp2:
0xfc: {  	_ =	swait.ge [sflag:s4], $0x1000;
	(pc) =	sbr.rel @p1 .LBB2_2-.Ltmp2, $4  }
0xfd: {  	[sflag:s4] =	ssyncset.done $0x0  }
0xfe: {  	[sflag:s4] =	ssyncadd.s32 $0xFFFFF000  }
0xff: {  	_ =	swait.ge [sflag:s5], $0x1000  }
0x100: {  	s1 =	sadd.s32 $0xFFFFFFFF, s1;
	s0 =	rddreg [dreg:$0x6];
	[sflag:s5] =	ssyncset.done $0x0  }
.LBB2_3:
0x101: {  	[sflag:s5] =	ssyncadd.s32 @p0 $0xFFFFF000  }
0x102: {  	[tilespmem:s2], [sflag:$0x9] =	stream.linear.gather [hbm4b:s0+s2], $0x500, $0x38;
	[tilespmem:$0xC900] =	vst v63  }
0x103: {  	_ =	swait.ge [sflag:s6], $0x500  }
0x104: {  	[sflag:s6] =	ssyncset.done $0x0  }
0x105: {  	[sflag:s6] =	ssyncadd.s32 $0xFFFFFB00  }
0x106: {  	[tilespmem:s14], [sflag:$0x1] =	stream.indirect.gather [hbm4b:s3+s18], $0x80, s2, s18, $0xb8;
	[tilespmem:$0xC900] =	vst v63  }
0x107: {  	s1 =	rddreg [dreg:$0x15]  }
0x108: {  	[tilespmem:s12], [sflag:$0x2] =	stream.indirect.gather [hbm4b:s3+s18], $0x80, s1, s18, $0xb8;
	[tilespmem:$0xC900] =	vst v63  }
0x109: {  	_ = 	snop  }
0x10a: {  	[tilespmem:s20], [sflag:$0x3] =	stream.indirect.gather [hbm4b:s3+s18], $0x80, s31, s18, $0xb8;
	[tilespmem:$0xC900] =	vst v63  }
0x10b: {  	_ =	swait.ge [sflag:s8], $0x2800  }
0x10c: {  	[sflag:s8] =	ssyncset.done $0x0  }
0x10d: {  	s1 =	rddreg [dreg:$0x7];
	[sflag:s8] =	ssyncadd.s32 $0xFFFFD800  }
0x10e: {  	[hbm4b:s1+s2] =	stream.linear.scatter [tilespmem:s14], [sflag:$0x5], $0x2800, $0x38;
	[tilespmem:$0xC900] =	vst v63  }
0x10f: {  	_ = 	snop  }
0x110: {  	[tilespmem:s19], [sflag:$0x4] =	stream.indirect.gather [hbm4b:s3+s18], $0x80, s30, s18, $0xb8;
	[tilespmem:$0xC900] =	vst v63  }
0x111: {  	_ =	swait.ge [sflag:s7], $0x2800  }
0x112: {  	[sflag:s7] =	ssyncset.done $0x0  }
0x113: {  	s31 =	rddreg [dreg:$0x8];
	[sflag:s7] =	ssyncadd.s32 $0xFFFFD800  }
0x114: {  	[hbm4b:s31+s2] =	stream.linear.scatter [tilespmem:s12], [sflag:$0x6], $0x2800, $0x38;
	[tilespmem:$0xC900] =	vst v63  }
0x115: {  	_ =	swait.ge [sflag:s4], $0x2800  }
0x116: {  	[sflag:s4] =	ssyncset.done $0x0  }
0x117: {  	[sflag:s4] =	ssyncadd.s32 $0xFFFFD800  }
0x118: {  	[tilespmem:s14], [sflag:$0x1] =	stream.indirect.gather [hbm4b:s3+s18], $0x80, s29, s18, $0xb8;
	[tilespmem:$0xC900] =	vst v63  }
0x119: {  	_ =	swait.ge [sflag:s22], $0x2800  }
0x11a: {  	[sflag:s22] =	ssyncset.done $0x0  }
0x11b: {  	s1 =	rddreg [dreg:$0x9];
	[sflag:s22] =	ssyncadd.s32 $0xFFFFD800  }
0x11c: {  	[hbm4b:s1+s2] =	stream.linear.scatter [tilespmem:s20], [sflag:$0x7], $0x2800, $0x38;
	[tilespmem:$0xC900] =	vst v63  }
0x11d: {  	_ =	swait.ge [sflag:s5], $0x2800  }
0x11e: {  	[sflag:s5] =	ssyncset.done $0x0  }
0x11f: {  	[sflag:s5] =	ssyncadd.s32 $0xFFFFD800  }
0x120: {  	[tilespmem:s12], [sflag:$0x2] =	stream.indirect.gather [hbm4b:s3+s18], $0x80, s28, s18, $0xb8;
	[tilespmem:$0xC900] =	vst v63  }
0x121: {  	_ =	swait.ge [sflag:s21], $0x2800  }
0x122: {  	[sflag:s21] =	ssyncset.done $0x0  }
0x123: {  	s29 =	rddreg [dreg:$0xa];
	[sflag:s21] =	ssyncadd.s32 $0xFFFFD800  }
0x124: {  	[hbm4b:s29+s2] =	stream.linear.scatter [tilespmem:s19], [sflag:$0x8], $0x2800, $0x38;
	[tilespmem:$0xC900] =	vst v63  }
0x125: {  	_ =	swait.ge [sflag:s17], $0x2800  }
0x126: {  	[sflag:s17] =	ssyncset.done $0x0  }
0x127: {  	[sflag:s17] =	ssyncadd.s32 $0xFFFFD800  }
0x128: {  	[tilespmem:s20], [sflag:$0x3] =	stream.indirect.gather [hbm4b:s3+s18], $0x80, s26, s18, $0xb8;
	[tilespmem:$0xC900] =	vst v63  }
0x129: {  	_ =	swait.ge [sflag:s8], $0x2800  }
0x12a: {  	[sflag:s8] =	ssyncset.done $0x0  }
0x12b: {  	s30 =	rddreg [dreg:$0xb];
	[sflag:s8] =	ssyncadd.s32 $0xFFFFD800  }
0x12c: {  	[hbm4b:s30+s2] =	stream.linear.scatter [tilespmem:s14], [sflag:$0x5], $0x2800, $0x38;
	[tilespmem:$0xC900] =	vst v63  }
0x12d: {  	_ =	swait.ge [sflag:s16], $0x2800  }
0x12e: {  	[sflag:s16] =	ssyncset.done $0x0  }
0x12f: {  	[sflag:s16] =	ssyncadd.s32 $0xFFFFD800  }
0x130: {  	[tilespmem:s19], [sflag:$0x4] =	stream.indirect.gather [hbm4b:s3+s18], $0x80, s25, s18, $0xb8;
	[tilespmem:$0xC900] =	vst v63  }
0x131: {  	_ =	swait.ge [sflag:s7], $0x2800  }
0x132: {  	[sflag:s7] =	ssyncset.done $0x0  }
0x133: {  	s31 =	rddreg [dreg:$0xc];
	[sflag:s7] =	ssyncadd.s32 $0xFFFFD800  }
0x134: {  	[hbm4b:s31+s2] =	stream.linear.scatter [tilespmem:s12], [sflag:$0x6], $0x2800, $0x38;
	[tilespmem:$0xC900] =	vst v63  }
0x135: {  	_ =	swait.ge [sflag:s4], $0x2800  }
0x136: {  	[sflag:s4] =	ssyncset.done $0x0  }
0x137: {  	[sflag:s4] =	ssyncadd.s32 $0xFFFFD800  }
0x138: {  	[tilespmem:s14], [sflag:$0x1] =	stream.indirect.gather [hbm4b:s3+s18], $0x80, s24, s18, $0xb8;
	[tilespmem:$0xC900] =	vst v63  }
0x139: {  	_ =	swait.ge [sflag:s22], $0x2800  }
0x13a: {  	[sflag:s22] =	ssyncset.done $0x0  }
0x13b: {  	s1 =	rddreg [dreg:$0xd];
	[sflag:s22] =	ssyncadd.s32 $0xFFFFD800  }
0x13c: {  	[hbm4b:s1+s2] =	stream.linear.scatter [tilespmem:s20], [sflag:$0x7], $0x2800, $0x38;
	[tilespmem:$0xC900] =	vst v63  }
0x13d: {  	_ =	swait.ge [sflag:s5], $0x2800  }
0x13e: {  	[sflag:s5] =	ssyncset.done $0x0  }
0x13f: {  	[sflag:s5] =	ssyncadd.s32 $0xFFFFD800  }
0x140: {  	[tilespmem:s12], [sflag:$0x2] =	stream.indirect.gather [hbm4b:s3+s18], $0x80, s23, s18, $0xb8;
	[tilespmem:$0xC900] =	vst v63  }
0x141: {  	_ =	swait.ge [sflag:s21], $0x2800  }
0x142: {  	[sflag:s21] =	ssyncset.done $0x0  }
0x143: {  	s23 =	rddreg [dreg:$0xe];
	[sflag:s21] =	ssyncadd.s32 $0xFFFFD800  }
0x144: {  	[hbm4b:s23+s2] =	stream.linear.scatter [tilespmem:s19], [sflag:$0x8], $0x2800, $0x38;
	[tilespmem:$0xC900] =	vst v63  }
0x145: {  	_ =	swait.ge [sflag:s8], $0x2800  }
0x146: {  	[sflag:s8] =	ssyncset.done $0x0  }
0x147: {  	s24 =	rddreg [dreg:$0xf];
	[sflag:s8] =	ssyncadd.s32 $0xFFFFD800  }
0x148: {  	[hbm4b:s24+s2] =	stream.linear.scatter [tilespmem:s14], [sflag:$0x5], $0x2800, $0x38;
	[tilespmem:$0xC900] =	vst v63  }
0x149: {  	_ =	swait.ge [sflag:s7], $0x2800  }
0x14a: {  	[sflag:s7] =	ssyncset.done $0x0  }
0x14b: {  	s25 =	rddreg [dreg:$0x10];
	[sflag:s7] =	ssyncadd.s32 $0xFFFFD800  }
0x14c: {  	[hbm4b:s25+s2] =	stream.linear.scatter [tilespmem:s12], [sflag:$0x6], $0x2800, $0x38;
	[tilespmem:$0xC900] =	vst v63  }
0x14d: {  	_ =	swait.ge [sflag:s17], $0x2800  }
0x14e: {  	[sflag:s17] =	ssyncset.done $0x0  }
0x14f: {  	[sflag:s17] =	ssyncadd.s32 $0xFFFFD800  }
0x150: {  	_ =	swait.ge [sflag:s16], $0x2800  }
0x151: {  	[sflag:s16] =	ssyncset.done $0x0  }
0x152: {  	[sflag:s16] =	ssyncadd.s32 $0xFFFFD800  }
0x153: {  	_ =	swait.ge [sflag:s4], $0x2800  }
0x154: {  	[sflag:s4] =	ssyncset.done $0x0  }
0x155: {  	[sflag:s4] =	ssyncadd.s32 $0xFFFFD800  }
0x156: {  	_ =	swait.ge [sflag:s5], $0x2800  }
0x157: {  	[sflag:s5] =	ssyncset.done $0x0  }
0x158: {  	s26 =	rddreg [dreg:$0x11];
	[sflag:s5] =	ssyncadd.s32 $0xFFFFD800  }
0x159: {  	[tilespmem:s15], [sflag:$0x9] =	stream.linear.gather [hbm4b:s26+s2], $0x20, $0x38;
	[tilespmem:$0xC900] =	vst v63  }
0x15a: {  	_ =	swait.ge [sflag:s6], $0x20  }
0x15b: {  	[sflag:s6] =	ssyncset.done $0x0  }
0x15c: {  	[sflag:s6] =	ssyncadd.s32 $0xFFFFFFE0  }
0x15d: {  	[tilespmem:s10], [sflag:$0x1] =	stream.indirect.gather [hbm4b:s3+s11], $0x80, s15, s11, $0xb8;
	[tilespmem:$0xC900] =	vst v63  }
0x15e: {  	s28 =	rddreg [dreg:$0x12]  }
0x15f: {  	[tilespmem:s13], [sflag:$0x9] =	stream.linear.gather [hbm4b:s28+s2], $0x20, $0x38;
	[tilespmem:$0xC900] =	vst v63  }
0x160: {  	_ =	swait.ge [sflag:s6], $0x20  }
0x161: {  	[sflag:s6] =	ssyncset.done $0x0  }
0x162: {  	[sflag:s6] =	ssyncadd.s32 $0xFFFFFFE0  }
0x163: {  	[tilespmem:s9], [sflag:$0x2] =	stream.indirect.gather [hbm4b:s3+s11], $0x80, s13, s11, $0xb8;
	[tilespmem:$0xC900] =	vst v63  }
0x164: {  	_ =	swait.ge [sflag:s8], $0x1000  }
0x165: {  	[sflag:s8] =	ssyncset.done $0x0  }
0x166: {  	s29 =	rddreg [dreg:$0x13];
	[sflag:s8] =	ssyncadd.s32 $0xFFFFF000  }
0x167: {  	[hbm4b:s29+s2] =	stream.linear.scatter [tilespmem:s10], [sflag:$0x5], $0x1000, $0x38;
	[tilespmem:$0xC900] =	vst v63  }
0x168: {  	_ =	swait.ge [sflag:s7], $0x1000  }
0x169: {  	[sflag:s7] =	ssyncset.done $0x0  }
0x16a: {  	s30 =	rddreg [dreg:$0x14];
	[sflag:s7] =	ssyncadd.s32 $0xFFFFF000  }
0x16b: {  	[hbm4b:s30+s2] =	stream.linear.scatter [tilespmem:s9], [sflag:$0x6], $0x1000, $0x38;
	[tilespmem:$0xC900] =	vst v63  }
0x16c: {  	_ =	swait.ge [sflag:s4], $0x1000  }
0x16d: {  	[sflag:s4] =	ssyncset.done $0x0  }
0x16e: {  	[sflag:s4] =	ssyncadd.s32 $0xFFFFF000  }
0x16f: {  	_ =	swait.ge [sflag:s5], $0x1000  }
0x170: {  	[sflag:s5] =	ssyncset.done $0x0  }
0x171: {  	[sflag:s5] =	ssyncadd.s32 $0xFFFFF000  }
0x172: {  	_ =	sfence.sel $0x180000  }
0x173: {  	[bflag:$0x0] =	sbarrier.arrive $0xFFFF  }
0x174: {  	_ =	strace $0x9000004A  }
0x175: {  	s31 =	stileid.u32;
	[bflag:$0x2] =	sbarrier.arrive $0xFFFF  }
0x176: {  	p0 =	sne.s32 s31, $0x0;
	s0 =	rddreg [dreg:$0x5]  }
0x177: {  	s0 =	sadd.s32 @!p0 $0x100000, s0  }
0x178: {  	[sflag:s0] =	ssyncadd.tile.s32 @!p0 $0x1;
	_ =	shalt  }
.Lfunc_end2:
_tile_overlayer_lowered:
.L_overlay_start_2:
0x179: {  	(tag) =	ssettag $0x2  }
0x17a: {  	s0 =	rddreg [dreg:$0x0];
	s2 =	stileid.u32  }
0x17b: {  	s1 =	rddreg [dreg:$0x1];
	p0 =	sne.s32 s2, $0x0  }
0x17c: {  	s3 =	rddreg [dreg:$0x2];
	[bflag:$0x3] =	sbarrier.arrive $0xFFFF;
	s2 =	simm.s32 @!p0 $0x1C09  }
0x17d: {  	[timem:s3], [sflag:s2] =	dma.local @!p0 [hbm:s0], s1  }
0x17e: {  	s0 =	simm.s32 @!p0 $0x9  }
0x17f: {  	_ =	swait.ge @!p0 [sflag:s0], s1  }
0x180: {  	s1 =	ssub.s32 @!p0 $0x0, s1;
	[sflag:s0] =	ssyncset.done @!p0 $0x0  }
0x181: {  	[sflag:s0] =	ssyncadd.s32 @!p0 s1  }
0x182: {  	[bflag:$0x3] =	sbarrier.arrive $0xFFFF  }
0x183: {  	_ =	shalt  }

</sc_bundles>
